<compile_context>
chip_gen: v7x
topology: tpu7x:2x2x1
jax: 0.10.2.dev20260603
libtpu: 0.0.44.dev20260713+nightly
codegen_flags: <defaults>
</compile_context>

<pallas_src>
import functools

import jax
import jax.numpy as jnp
from jax import lax
from jax.experimental import pallas as pl
from jax.experimental.pallas import tpu as pltpu
from jax.experimental.pallas import tpu_sc as plsc

N = 10000
E = 160000
D = 256
DH = 128
B = 512
EC = 128
NECHUNK = E // EC
PC = 80
NPCHUNK = N // PC
NSUB = 16
RB = 1000

_mesh = plsc.VectorSubcoreMesh(core_axis_name="c", subcore_axis_name="s")
_f32 = jnp.float32



def _dot3(a, b):
    return jax.lax.dot_general(a.astype(jnp.bfloat16), b.astype(jnp.bfloat16),
                               (((1,), (0,)), ((), ())),
                               preferred_element_type=jnp.float32)


def _layer_body(a0_ref, a1_ref, hp_ref, wn_ref, wr_ref, b_ref,
                h_ref, h0_ref, h1_ref):
    agg = jnp.concatenate([a0_ref[...], a1_ref[...]], axis=1)
    h = jnp.maximum(_dot3(agg, wn_ref[...]) + b_ref[...]
                    + _dot3(hp_ref[...], wr_ref[...]), 0.0)
    h_ref[...] = h
    h0_ref[...] = h[:, :DH]
    h1_ref[...] = h[:, DH:]


def _layer3_body(a0_ref, a1_ref, hp_ref, wn_ref, wr_ref, b_ref, h_ref):
    agg = jnp.concatenate([a0_ref[...], a1_ref[...]], axis=1)
    h_ref[...] = jnp.maximum(_dot3(agg, wn_ref[...]) + b_ref[...]
                             + _dot3(hp_ref[...], wr_ref[...]), 0.0)


def _split_body(x_ref, x0_ref, x1_ref):
    x0_ref[...] = x_ref[:, :DH]
    x1_ref[...] = x_ref[:, DH:]


def _row_spec(w):
    return pl.BlockSpec((RB, w), lambda i: (i, 0))


def _full_spec(a, b):
    return pl.BlockSpec((a, b), lambda i: (0, 0))


_layer = pl.pallas_call(
    _layer_body,
    grid=(N // RB,),
    in_specs=[_row_spec(DH), _row_spec(DH), _row_spec(D),
              _full_spec(D, D), _full_spec(D, D), _full_spec(1, D)],
    out_specs=[_row_spec(D), _row_spec(DH), _row_spec(DH)],
    out_shape=[jax.ShapeDtypeStruct((N, D), _f32),
               jax.ShapeDtypeStruct((N, DH), _f32),
               jax.ShapeDtypeStruct((N, DH), _f32)],
)

_layer3 = pl.pallas_call(
    _layer3_body,
    grid=(N // RB,),
    in_specs=[_row_spec(DH), _row_spec(DH), _row_spec(D),
              _full_spec(D, D), _full_spec(D, D), _full_spec(1, D)],
    out_specs=_row_spec(D),
    out_shape=jax.ShapeDtypeStruct((N, D), _f32),
)

_split = pl.pallas_call(
    _split_body,
    grid=(N // RB,),
    in_specs=[_row_spec(D)],
    out_specs=[_row_spec(DH), _row_spec(DH)],
    out_shape=[jax.ShapeDtypeStruct((N, DH), _f32),
               jax.ShapeDtypeStruct((N, DH), _f32)],
)


def _head_body(p0s, p1s, cs, rs, p0t, p1t, ct, rt, wlin, blin, wc, bc, lab,
               logits_ref, loss_ref):
    def emb(p0, p1, cnt, root):
        cm = jnp.maximum(cnt[...], 1.0)
        z = jnp.concatenate([p0[...] / cm, p1[...] / cm, root[...]], axis=1)
        return _dot3(z, wlin[...]) + blin[...]

    u = emb(p0s, p1s, cs, rs)
    v = emb(p0t, p1t, ct, rt)
    feats = jnp.concatenate([u, v, jnp.abs(u - v)], axis=1)
    logits = _dot3(feats, wc[...]) + bc[...]
    logits_ref[...] = logits
    mx = jnp.max(logits, axis=1, keepdims=True)
    lse = mx + jnp.log(jnp.sum(jnp.exp(logits - mx), axis=1, keepdims=True))
    logp = logits - lse
    sel = jnp.where(lab[...] == 0, logp[:, :1], logp[:, 1:2])
    loss_ref[...] = jnp.full((1, 1), -1.0 / B, jnp.float32) * jnp.sum(sel)


_head = pl.pallas_call(
    _head_body,
    in_specs=[pl.BlockSpec(memory_space=pltpu.VMEM)] * 13,
    out_specs=[pl.BlockSpec(memory_space=pltpu.VMEM)] * 2,
    out_shape=[jax.ShapeDtypeStruct((B, 2), _f32),
               jax.ShapeDtypeStruct((1, 1), _f32)],
)



_ROWS_PER_SUB = N // NSUB
CPS = 80
NCH2 = CPS * NSUB
EPAD = NCH2 * EC
NACC = N + 8
NGRP = NCH2 // 4


@functools.partial(
    pl.kernel, mesh=_mesh,
    out_type=(jax.ShapeDtypeStruct((N, DH), _f32),
              jax.ShapeDtypeStruct((N, DH), _f32)),
    scratch_types=[
        pltpu.VMEM((EC,), jnp.int32),
        pltpu.VMEM((EC,), jnp.int32),
        pltpu.VMEM((EC, DH), _f32),
        pltpu.VMEM_SHARED((NACC, DH), _f32),
        pltpu.SemaphoreType.DMA,
    ])
def _scatter(m0_hbm, m1_hbm, src_hbm, dst_hbm, zero_hbm, a0_hbm, a1_hbm,
             idx_s, idx_d, rows, acc, gsem):
    c = lax.axis_index("c")
    s = lax.axis_index("s")

    @pl.loop(s, NPCHUNK, step=NSUB)
    def _(k):
        pltpu.sync_copy(zero_hbm.at[pl.ds(k * PC, PC)],
                        acc.at[pl.ds(k * PC, PC)])

    plsc.subcore_barrier()

    def edge_loop(m_hbm):
        @pl.loop(s, NECHUNK, step=NSUB)
        def _(k):
            base = k * EC
            pltpu.sync_copy(src_hbm.at[pl.ds(base, EC)], idx_s)
            pltpu.sync_copy(dst_hbm.at[pl.ds(base, EC)], idx_d)
            pltpu.sync_copy(rows, acc.at[idx_d], add=True)

    @pl.when(c == 0)
    def _():
        edge_loop(m0_hbm)

    @pl.when(c == 1)
    def _():
        edge_loop(m1_hbm)

    plsc.subcore_barrier()

    @pl.when(c == 0)
    def _():
        @pl.loop(s, NPCHUNK, step=NSUB)
        def _(k):
            pltpu.sync_copy(acc.at[pl.ds(k * PC, PC)],
                            a0_hbm.at[pl.ds(k * PC, PC)])

    @pl.when(c == 1)
    def _():
        @pl.loop(s, NPCHUNK, step=NSUB)
        def _(k):
            pltpu.sync_copy(acc.at[pl.ds(k * PC, PC)],
                            a1_hbm.at[pl.ds(k * PC, PC)])


_BROWS_PER_SUB = B // NSUB


@functools.partial(
    pl.kernel, mesh=_mesh,
    out_type=(jax.ShapeDtypeStruct((B, DH), _f32),
              jax.ShapeDtypeStruct((B, DH), _f32),
              jax.ShapeDtypeStruct((B, DH), _f32),
              jax.ShapeDtypeStruct((B, D), _f32)),
    scratch_types=[
        pltpu.VMEM((PC,), jnp.int32),
        pltpu.VMEM((PC, DH), _f32),
        pltpu.VMEM((PC, DH), _f32),
        pltpu.VMEM((16,), jnp.int32),
        pltpu.VMEM((16, D), _f32),
        pltpu.VMEM_SHARED((B, DH), _f32),
        pltpu.VMEM_SHARED((B, DH), _f32),
        pltpu.SemaphoreType.DMA,
    ])
def _pool(h_hbm, batch_hbm, root_hbm, ones_hbm, zero_hbm,
          p0_hbm, p1_hbm, cnt_hbm, remb_hbm,
          idx_v, rows_v, ones_v, ridx_v, rrows_v, acc, cacc, sem):
    c = lax.axis_index("c")
    s = lax.axis_index("s")
    b0 = s * _BROWS_PER_SUB
    pltpu.sync_copy(zero_hbm.at[pl.ds(b0, _BROWS_PER_SUB)],
                    acc.at[pl.ds(b0, _BROWS_PER_SUB)])
    pltpu.sync_copy(zero_hbm.at[pl.ds(b0, _BROWS_PER_SUB)],
                    cacc.at[pl.ds(b0, _BROWS_PER_SUB)])
    pltpu.sync_copy(ones_hbm, ones_v)
    plsc.subcore_barrier()

    w = s * 2 + c
    pltpu.sync_copy(root_hbm.at[pl.ds(w * 16, 16)], ridx_v)
    pltpu.async_copy(h_hbm.at[ridx_v], rrows_v, sem).wait()
    pltpu.sync_copy(rrows_v, remb_hbm.at[pl.ds(w * 16, 16)])

    def pool_loop(col):
        @pl.loop(s, NPCHUNK, step=NSUB)
        def _(k):
            base = k * PC
            pltpu.sync_copy(batch_hbm.at[pl.ds(base, PC)], idx_v)
            pltpu.sync_copy(h_hbm.at[pl.ds(base, PC), pl.ds(col, DH)], rows_v)
            pltpu.sync_copy(rows_v, acc.at[idx_v], add=True)
            pltpu.sync_copy(ones_v, cacc.at[idx_v], add=True)

    @pl.when(c == 0)
    def _():
        pool_loop(0)

    @pl.when(c == 1)
    def _():
        pool_loop(DH)

    plsc.subcore_barrier()

    @pl.when(c == 0)
    def _():
        pltpu.sync_copy(acc.at[pl.ds(b0, _BROWS_PER_SUB)],
                        p0_hbm.at[pl.ds(b0, _BROWS_PER_SUB)])
        pltpu.sync_copy(cacc.at[pl.ds(b0, _BROWS_PER_SUB)],
                        cnt_hbm.at[pl.ds(b0, _BROWS_PER_SUB)])

    @pl.when(c == 1)
    def _():
        pltpu.sync_copy(acc.at[pl.ds(b0, _BROWS_PER_SUB)],
                        p1_hbm.at[pl.ds(b0, _BROWS_PER_SUB)])



def kernel(x_s, edge_index_s, batch_s, root_n_id_s, x_t, edge_index_t,
           batch_t, root_n_id_t, labels, Wr1, Wn1, b1, Wr2, Wn2, b2,
           Wr3, Wn3, b3, Wlin, blin, Wc, bc):
    zeros = jnp.zeros((N, DH), _f32)
    ones = jnp.ones((PC, DH), _f32)
    b1r = b1.reshape(1, D)
    b2r = b2.reshape(1, D)
    b3r = b3.reshape(1, D)

    def gnn(x, ei, batch, root):
        src, dst = ei[0], ei[1]
        x0, x1 = _split(x)
        a0, a1 = _scatter(x0, x1, src, dst, zeros)
        h, h0, h1 = _layer(a0, a1, x, Wn1, Wr1, b1r)
        a0, a1 = _scatter(h0, h1, src, dst, zeros)
        h, h0, h1 = _layer(a0, a1, h, Wn2, Wr2, b2r)
        a0, a1 = _scatter(h0, h1, src, dst, zeros)
        h3 = _layer3(a0, a1, h, Wn3, Wr3, b3r)
        return _pool(h3, batch, root, ones, zeros)

    p0s, p1s, cs, rs = gnn(x_s, edge_index_s, batch_s, root_n_id_s)
    p0t, p1t, ct, rt = gnn(x_t, edge_index_t, batch_t, root_n_id_t)

    logits, loss11 = _head(p0s, p1s, cs, rs, p0t, p1t, ct, rt,
                           Wlin, blin.reshape(1, D), Wc, bc.reshape(1, 2),
                           labels.reshape(B, 1))
    return (loss11[0, 0], logits)

# --- scband reference (transcript-rebuilt; emitter-appended) ---
"""Pipeline reference for scband-cre-gnn-49031346651401 (READ-ONLY COPY).

The authoritative reference and input builder live on the scoring server;
editing this copy changes nothing except your own understanding.
"""

import jax, jax.numpy as jnp
import numpy as np

N_NODES = 10000
N_EDGES = 160000
D = 256
B = 512


def setup_inputs(seed: int = 0) -> dict:
    key = jax.random.key(seed)
    ks = jax.random.split(key, 32)
    s = 1.0 / np.sqrt(D)
    inp = {}
    inp['x_s'] = jax.random.normal(ks[0], (N_NODES, D), dtype=jnp.float32)
    inp['edge_index_s'] = jax.random.randint(ks[1], (2, N_EDGES), 0, N_NODES, dtype=jnp.int32)
    inp['batch_s'] = jnp.sort(jax.random.randint(ks[2], (N_NODES,), 0, B, dtype=jnp.int32))
    inp['root_n_id_s'] = jax.random.randint(ks[3], (B,), 0, N_NODES, dtype=jnp.int32)
    inp['x_t'] = jax.random.normal(ks[4], (N_NODES, D), dtype=jnp.float32)
    inp['edge_index_t'] = jax.random.randint(ks[5], (2, N_EDGES), 0, N_NODES, dtype=jnp.int32)
    inp['batch_t'] = jnp.sort(jax.random.randint(ks[6], (N_NODES,), 0, B, dtype=jnp.int32))
    inp['root_n_id_t'] = jax.random.randint(ks[7], (B,), 0, N_NODES, dtype=jnp.int32)
    inp['labels'] = jax.random.randint(ks[8], (B,), 0, 2, dtype=jnp.int32)
    # shared ShaDow GNN params: 3 GraphConv layers (lin_rel with bias on aggregated nbrs + lin_root no bias)
    for i in range(3):
        inp[f'Wr{i+1}'] = jax.random.normal(ks[9 + 3 * i], (D, D), dtype=jnp.float32) * s
        inp[f'Wn{i+1}'] = jax.random.normal(ks[10 + 3 * i], (D, D), dtype=jnp.float32) * s
        inp[f'b{i+1}'] = jnp.zeros((D,), dtype=jnp.float32)
    inp['Wlin'] = jax.random.normal(ks[20], (2 * D, D), dtype=jnp.float32) * (1.0 / np.sqrt(2 * D))
    inp['blin'] = jnp.zeros((D,), dtype=jnp.float32)
    # SoftmaxLoss classifier over [u, v, |u-v|] -> 2 logits
    inp['Wc'] = jax.random.normal(ks[21], (3 * D, 2), dtype=jnp.float32) * (1.0 / np.sqrt(3 * D))
    inp['bc'] = jnp.zeros((2,), dtype=jnp.float32)
    return inp


def _graph_conv(h, src, dst, Wr, Wn, b, n):
    agg = jax.ops.segment_sum(h[src], dst, num_segments=n)
    return agg @ Wn + b + h @ Wr


def _gnn(x, edge_index, batch, root, convs, Wlin, blin):
    n = x.shape[0]
    src, dst = edge_index[0], edge_index[1]
    h = x
    for (Wr, Wn, b) in convs:
        h = jax.nn.relu(_graph_conv(h, src, dst, Wr, Wn, b, n))
    root_emb = h[root]
    ssum = jax.ops.segment_sum(h, batch, num_segments=B)
    cnt = jax.ops.segment_sum(jnp.ones((n, 1), h.dtype), batch, num_segments=B)
    mean = ssum / jnp.maximum(cnt, 1.0)
    z = jnp.concatenate([mean, root_emb], axis=-1)
    return z @ Wlin + blin


def reference(x_s, edge_index_s, batch_s, root_n_id_s, x_t, edge_index_t, batch_t, root_n_id_t, labels, Wr1, Wn1, b1, Wr2, Wn2, b2, Wr3, Wn3, b3, Wlin, blin, Wc, bc):
    convs = [(Wr1, Wn1, b1), (Wr2, Wn2, b2), (Wr3, Wn3, b3)]
    u = _gnn(x_s, edge_index_s, batch_s, root_n_id_s, convs, Wlin, blin)
    v = _gnn(x_t, edge_index_t, batch_t, root_n_id_t, convs, Wlin, blin)
    feats = jnp.concatenate([u, v, jnp.abs(u - v)], axis=-1)
    logits = feats @ Wc + bc
    logp = jax.nn.log_softmax(logits, axis=-1)
    nll = -jnp.take_along_axis(logp, labels[:, None].astype(jnp.int32), axis=1)
    loss = jnp.mean(nll)
    return (loss, logits)

if __name__ == "__main__":
    import jax
    _d = setup_inputs()
    print(jax.jit(kernel)(*tuple(_d.values())))

</pallas_src>

<mosaic_0001>
#map = affine_map<(d0, d1) -> (0, 0)>
#map1 = affine_map<(d0, d1) -> (0)>
module attributes {stable_mosaic.version = 14 : i64} {
  func.func @_scatter(%arg0: i32, %arg1: i32, %arg2: memref<10000x128xf32, #tpu.memory_space<hbm>>, %arg3: memref<10000x128xf32, #tpu.memory_space<hbm>>, %arg4: memref<160000xi32, #tpu.memory_space<hbm>>, %arg5: memref<160000xi32, #tpu.memory_space<hbm>>, %arg6: memref<10000x128xf32, #tpu.memory_space<hbm>>, %arg7: memref<10000x128xf32, #tpu.memory_space<hbm>>, %arg8: memref<10000x128xf32, #tpu.memory_space<hbm>>, %arg9: memref<128xi32, #tpu.memory_space<vmem>>, %arg10: memref<128xi32, #tpu.memory_space<vmem>>, %arg11: memref<128x128xf32, #tpu.memory_space<vmem>>, %arg12: memref<10008x128xf32, #tpu.memory_space<vmem_shared>>, %arg13: memref<!tpu.dma_semaphore, #tpu.memory_space<semaphore_mem>>) attributes {dimension_semantics = [#tpu.dimension_semantics<core_parallel>, #tpu.dimension_semantics<subcore_parallel>], iteration_bounds = array<i64: 2, 16>, scalar_prefetch = 0 : i64, scratch_operands = 5 : i64, tpu.core_type = #tpu.core_type<sc_vector_subcore>, window_params = [{transform_indices = #map}, {transform_indices = #map}, {transform_indices = #map1}, {transform_indices = #map1}, {transform_indices = #map}, {transform_indices = #map}, {transform_indices = #map}]} {
    %sub3A = arith.constant 125 : i32
    %sub3A_0 = arith.subi %sub3A, %arg1 : i32
    %sub3A_1 = arith.constant 16 : i32
    %sub3A_2 = arith.constant 1 : i32
    %sub3A_3 = arith.subi %sub3A_1, %sub3A_2 : i32
    %add3A = arith.addi %sub3A_0, %sub3A_3 : i32
    %div3A = arith.constant 16 : i32
    %div3A_4 = arith.divsi %add3A, %div3A : i32
    %while3A = arith.constant 16 : i32
    %while3A_5 = arith.constant 0 : i32
    %while3A_6 = arith.subi %div3A_4, %while3A_5 : i32
    %while3A_7 = arith.addi %while3A_5, %while3A_6 : i32
    %while3A_8 = arith.constant 1 : i32
    %while3A_9 = arith.divsi %while3A_6, %while3A_8 : i32
    %while3A_10 = arith.muli %while3A_9, %while3A_8 : i32
    %while3A_11 = arith.addi %while3A_5, %while3A_10 : i32
    %while3A_12 = arith.constant 1 : i32
    scf.for %while3A_32 = %while3A_5 to %while3A_11 step %while3A_12  : i32 {
      %mul3A = arith.muli %while3A_32, %while3A : i32
      %add3A_33 = arith.addi %arg1, %mul3A : i32
      %mul3A_34 = arith.constant 80 : i32
      %mul3A_35 = arith.muli %add3A_33, %mul3A_34 : i32
      %mul3A_36 = arith.constant 80 : i32
      %mul3A_37 = arith.muli %add3A_33, %mul3A_36 : i32
      "tpu.region"() ({
        %run_scoped3A = tpu.sem_alloc : memref<!tpu.dma_semaphore, #tpu.memory_space<semaphore_mem>>
        %dma_start3A = arith.constant 0 : i32
        %dma_start3A_38 = tpu.memref_slice %arg12[%mul3A_37, %dma_start3A] : memref<10008x128xf32, #tpu.memory_space<vmem_shared>> -> memref<80x128xf32, #tpu.memory_space<vmem_shared>>
        %dma_start3A_39 = arith.constant 0 : i32
        %dma_start3A_40 = tpu.memref_slice %arg6[%mul3A_35, %dma_start3A_39] : memref<10000x128xf32, #tpu.memory_space<hbm>> -> memref<80x128xf32, #tpu.memory_space<hbm>>
        tpu.enqueue_dma source(%dma_start3A_40 : memref<80x128xf32, #tpu.memory_space<hbm>>) target(%dma_start3A_38 : memref<80x128xf32, #tpu.memory_space<vmem_shared>>) target_semaphore(%run_scoped3A : memref<!tpu.dma_semaphore, #tpu.memory_space<semaphore_mem>>)
        %dma_wait3A = arith.constant 0 : i32
        %dma_wait3A_41 = tpu.memref_slice %arg12[%mul3A_37, %dma_wait3A] : memref<10008x128xf32, #tpu.memory_space<vmem_shared>> -> memref<80x128xf32, #tpu.memory_space<vmem_shared>>
        %dma_wait3A_42 = arith.constant 0 : i32
        %dma_wait3A_43 = tpu.memref_slice %arg6[%mul3A_35, %dma_wait3A_42] : memref<10000x128xf32, #tpu.memory_space<hbm>> -> memref<80x128xf32, #tpu.memory_space<hbm>>
        tpu.wait_dma2 semaphore(%run_scoped3A : memref<!tpu.dma_semaphore, #tpu.memory_space<semaphore_mem>>) src(%dma_wait3A_43 : memref<80x128xf32, #tpu.memory_space<hbm>>) dst(%dma_wait3A_41 : memref<80x128xf32, #tpu.memory_space<vmem_shared>>)
        tpu.yield
      }) : () -> ()
    }
    %while3A_13 = arith.constant 1 : i32
    scf.for %while3A_32 = %while3A_11 to %while3A_7 step %while3A_13  : i32 {
      %mul3A = arith.muli %while3A_32, %while3A : i32
      %add3A_33 = arith.addi %arg1, %mul3A : i32
      %mul3A_34 = arith.constant 80 : i32
      %mul3A_35 = arith.muli %add3A_33, %mul3A_34 : i32
      %mul3A_36 = arith.constant 80 : i32
      %mul3A_37 = arith.muli %add3A_33, %mul3A_36 : i32
      "tpu.region"() ({
        %run_scoped3A = tpu.sem_alloc : memref<!tpu.dma_semaphore, #tpu.memory_space<semaphore_mem>>
        %dma_start3A = arith.constant 0 : i32
        %dma_start3A_38 = tpu.memref_slice %arg12[%mul3A_37, %dma_start3A] : memref<10008x128xf32, #tpu.memory_space<vmem_shared>> -> memref<80x128xf32, #tpu.memory_space<vmem_shared>>
        %dma_start3A_39 = arith.constant 0 : i32
        %dma_start3A_40 = tpu.memref_slice %arg6[%mul3A_35, %dma_start3A_39] : memref<10000x128xf32, #tpu.memory_space<hbm>> -> memref<80x128xf32, #tpu.memory_space<hbm>>
        tpu.enqueue_dma source(%dma_start3A_40 : memref<80x128xf32, #tpu.memory_space<hbm>>) target(%dma_start3A_38 : memref<80x128xf32, #tpu.memory_space<vmem_shared>>) target_semaphore(%run_scoped3A : memref<!tpu.dma_semaphore, #tpu.memory_space<semaphore_mem>>)
        %dma_wait3A = arith.constant 0 : i32
        %dma_wait3A_41 = tpu.memref_slice %arg12[%mul3A_37, %dma_wait3A] : memref<10008x128xf32, #tpu.memory_space<vmem_shared>> -> memref<80x128xf32, #tpu.memory_space<vmem_shared>>
        %dma_wait3A_42 = arith.constant 0 : i32
        %dma_wait3A_43 = tpu.memref_slice %arg6[%mul3A_35, %dma_wait3A_42] : memref<10000x128xf32, #tpu.memory_space<hbm>> -> memref<80x128xf32, #tpu.memory_space<hbm>>
        tpu.wait_dma2 semaphore(%run_scoped3A : memref<!tpu.dma_semaphore, #tpu.memory_space<semaphore_mem>>) src(%dma_wait3A_43 : memref<80x128xf32, #tpu.memory_space<hbm>>) dst(%dma_wait3A_41 : memref<80x128xf32, #tpu.memory_space<vmem_shared>>)
        tpu.yield
      }) : () -> ()
    }
    %barrier3A = arith.constant 0 : index
    tpu.barrier barrier_id(%barrier3A)
    %eq3A = arith.constant 0 : i32
    %eq3A_14 = arith.cmpi eq, %arg0, %eq3A : i32
    %convert_element_type3A = arith.extui %eq3A_14 : i1 to i32
    %cond3A = arith.constant 0 : i32
    %cond3A_15 = arith.cmpi ne, %convert_element_type3A, %cond3A : i32
    scf.if %cond3A_15 {
      %sub3A_32 = arith.constant 1250 : i32
      %sub3A_33 = arith.subi %sub3A_32, %arg1 : i32
      %sub3A_34 = arith.constant 16 : i32
      %sub3A_35 = arith.constant 1 : i32
      %sub3A_36 = arith.subi %sub3A_34, %sub3A_35 : i32
      %add3A_37 = arith.addi %sub3A_33, %sub3A_36 : i32
      %div3A_38 = arith.constant 16 : i32
      %div3A_39 = arith.divsi %add3A_37, %div3A_38 : i32
      %while3A_40 = arith.constant 16 : i32
      %while3A_41 = arith.constant 0 : i32
      %while3A_42 = arith.subi %div3A_39, %while3A_41 : i32
      %while3A_43 = arith.addi %while3A_41, %while3A_42 : i32
      %while3A_44 = arith.constant 1 : i32
      %while3A_45 = arith.divsi %while3A_42, %while3A_44 : i32
      %while3A_46 = arith.muli %while3A_45, %while3A_44 : i32
      %while3A_47 = arith.addi %while3A_41, %while3A_46 : i32
      %while3A_48 = arith.constant 1 : i32
      scf.for %while3A_50 = %while3A_41 to %while3A_47 step %while3A_48  : i32 {
        %mul3A = arith.muli %while3A_50, %while3A_40 : i32
        %add3A_51 = arith.addi %arg1, %mul3A : i32
        %mul3A_52 = arith.constant 128 : i32
        %mul3A_53 = arith.muli %add3A_51, %mul3A_52 : i32
        "tpu.region"() ({
          %run_scoped3A = tpu.sem_alloc : memref<!tpu.dma_semaphore, #tpu.memory_space<semaphore_mem>>
          %dma_start3A = tpu.memref_slice %arg4[%mul3A_53] : memref<160000xi32, #tpu.memory_space<hbm>> -> memref<128xi32, #tpu.memory_space<hbm>>
          %dma_start3A_54 = tpu.memref_slice %arg4[%mul3A_53] : memref<160000xi32, #tpu.memory_space<hbm>> -> memref<128xi32, #tpu.memory_space<hbm>>
          tpu.enqueue_dma source(%dma_start3A_54 : memref<128xi32, #tpu.memory_space<hbm>>) target(%arg9 : memref<128xi32, #tpu.memory_space<vmem>>) target_semaphore(%run_scoped3A : memref<!tpu.dma_semaphore, #tpu.memory_space<semaphore_mem>>)
          %dma_wait3A = tpu.memref_slice %arg4[%mul3A_53] : memref<160000xi32, #tpu.memory_space<hbm>> -> memref<128xi32, #tpu.memory_space<hbm>>
          %dma_wait3A_55 = tpu.memref_slice %arg4[%mul3A_53] : memref<160000xi32, #tpu.memory_space<hbm>> -> memref<128xi32, #tpu.memory_space<hbm>>
          tpu.wait_dma2 semaphore(%run_scoped3A : memref<!tpu.dma_semaphore, #tpu.memory_space<semaphore_mem>>) src(%dma_wait3A_55 : memref<128xi32, #tpu.memory_space<hbm>>) dst(%arg9 : memref<128xi32, #tpu.memory_space<vmem>>)
          tpu.yield
        }) : () -> ()
        "tpu.region"() ({
          %run_scoped3A = tpu.sem_alloc : memref<!tpu.dma_semaphore, #tpu.memory_space<semaphore_mem>>
          %dma_start3A = tpu.memref_slice %arg5[%mul3A_53] : memref<160000xi32, #tpu.memory_space<hbm>> -> memref<128xi32, #tpu.memory_space<hbm>>
          %dma_start3A_54 = tpu.memref_slice %arg5[%mul3A_53] : memref<160000xi32, #tpu.memory_space<hbm>> -> memref<128xi32, #tpu.memory_space<hbm>>
          tpu.enqueue_dma source(%dma_start3A_54 : memref<128xi32, #tpu.memory_space<hbm>>) target(%arg10 : memref<128xi32, #tpu.memory_space<vmem>>) target_semaphore(%run_scoped3A : memref<!tpu.dma_semaphore, #tpu.memory_space<semaphore_mem>>)
          %dma_wait3A = tpu.memref_slice %arg5[%mul3A_53] : memref<160000xi32, #tpu.memory_space<hbm>> -> memref<128xi32, #tpu.memory_space<hbm>>
          %dma_wait3A_55 = tpu.memref_slice %arg5[%mul3A_53] : memref<160000xi32, #tpu.memory_space<hbm>> -> memref<128xi32, #tpu.memory_space<hbm>>
          tpu.wait_dma2 semaphore(%run_scoped3A : memref<!tpu.dma_semaphore, #tpu.memory_space<semaphore_mem>>) src(%dma_wait3A_55 : memref<128xi32, #tpu.memory_space<hbm>>) dst(%arg10 : memref<128xi32, #tpu.memory_space<vmem>>)
          tpu.yield
        }) : () -> ()
        "tpu.region"() ({
          %run_scoped3A = tpu.sem_alloc : memref<!tpu.dma_semaphore, #tpu.memory_space<semaphore_mem>>
          %dma_start3A = arith.constant 0 : i32
          %dma_start3A_54 = arith.constant 0 : i32
          %dma_start3A_55 = tpu.memref_slice %arg12[%dma_start3A, %dma_start3A_54] : memref<10008x128xf32, #tpu.memory_space<vmem_shared>> -> memref<10008x128xf32, #tpu.memory_space<vmem_shared>>
          tpu.enqueue_indirect_dma source(%arg11 : memref<128x128xf32, #tpu.memory_space<vmem>>) target(%dma_start3A_55 : memref<10008x128xf32, #tpu.memory_space<vmem_shared>>) offsets(%arg10 : memref<128xi32, #tpu.memory_space<vmem>>) semaphore(%run_scoped3A : memref<!tpu.dma_semaphore, #tpu.memory_space<semaphore_mem>>) {add = true}
          %dma_wait3A = arith.constant 0 : i32
          %dma_wait3A_56 = arith.constant 0 : i32
          %dma_wait3A_57 = tpu.memref_slice %arg12[%dma_wait3A, %dma_wait3A_56] : memref<10008x128xf32, #tpu.memory_space<vmem_shared>> -> memref<10008x128xf32, #tpu.memory_space<vmem_shared>>
          tpu.wait_indirect_dma semaphore(%run_scoped3A : memref<!tpu.dma_semaphore, #tpu.memory_space<semaphore_mem>>) src(%arg11 : memref<128x128xf32, #tpu.memory_space<vmem>>) dst(%dma_wait3A_57 : memref<10008x128xf32, #tpu.memory_space<vmem_shared>>)
          tpu.yield
        }) : () -> ()
      }
      %while3A_49 = arith.constant 1 : i32
      scf.for %while3A_50 = %while3A_47 to %while3A_43 step %while3A_49  : i32 {
        %mul3A = arith.muli %while3A_50, %while3A_40 : i32
        %add3A_51 = arith.addi %arg1, %mul3A : i32
        %mul3A_52 = arith.constant 128 : i32
        %mul3A_53 = arith.muli %add3A_51, %mul3A_52 : i32
        "tpu.region"() ({
          %run_scoped3A = tpu.sem_alloc : memref<!tpu.dma_semaphore, #tpu.memory_space<semaphore_mem>>
          %dma_start3A = tpu.memref_slice %arg4[%mul3A_53] : memref<160000xi32, #tpu.memory_space<hbm>> -> memref<128xi32, #tpu.memory_space<hbm>>
          %dma_start3A_54 = tpu.memref_slice %arg4[%mul3A_53] : memref<160000xi32, #tpu.memory_space<hbm>> -> memref<128xi32, #tpu.memory_space<hbm>>
          tpu.enqueue_dma source(%dma_start3A_54 : memref<128xi32, #tpu.memory_space<hbm>>) target(%arg9 : memref<128xi32, #tpu.memory_space<vmem>>) target_semaphore(%run_scoped3A : memref<!tpu.dma_semaphore, #tpu.memory_space<semaphore_mem>>)
          %dma_wait3A = tpu.memref_slice %arg4[%mul3A_53] : memref<160000xi32, #tpu.memory_space<hbm>> -> memref<128xi32, #tpu.memory_space<hbm>>
          %dma_wait3A_55 = tpu.memref_slice %arg4[%mul3A_53] : memref<160000xi32, #tpu.memory_space<hbm>> -> memref<128xi32, #tpu.memory_space<hbm>>
          tpu.wait_dma2 semaphore(%run_scoped3A : memref<!tpu.dma_semaphore, #tpu.memory_space<semaphore_mem>>) src(%dma_wait3A_55 : memref<128xi32, #tpu.memory_space<hbm>>) dst(%arg9 : memref<128xi32, #tpu.memory_space<vmem>>)
          tpu.yield
        }) : () -> ()
        "tpu.region"() ({
          %run_scoped3A = tpu.sem_alloc : memref<!tpu.dma_semaphore, #tpu.memory_space<semaphore_mem>>
          %dma_start3A = tpu.memref_slice %arg5[%mul3A_53] : memref<160000xi32, #tpu.memory_space<hbm>> -> memref<128xi32, #tpu.memory_space<hbm>>
          %dma_start3A_54 = tpu.memref_slice %arg5[%mul3A_53] : memref<160000xi32, #tpu.memory_space<hbm>> -> memref<128xi32, #tpu.memory_space<hbm>>
          tpu.enqueue_dma source(%dma_start3A_54 : memref<128xi32, #tpu.memory_space<hbm>>) target(%arg10 : memref<128xi32, #tpu.memory_space<vmem>>) target_semaphore(%run_scoped3A : memref<!tpu.dma_semaphore, #tpu.memory_space<semaphore_mem>>)
          %dma_wait3A = tpu.memref_slice %arg5[%mul3A_53] : memref<160000xi32, #tpu.memory_space<hbm>> -> memref<128xi32, #tpu.memory_space<hbm>>
          %dma_wait3A_55 = tpu.memref_slice %arg5[%mul3A_53] : memref<160000xi32, #tpu.memory_space<hbm>> -> memref<128xi32, #tpu.memory_space<hbm>>
          tpu.wait_dma2 semaphore(%run_scoped3A : memref<!tpu.dma_semaphore, #tpu.memory_space<semaphore_mem>>) src(%dma_wait3A_55 : memref<128xi32, #tpu.memory_space<hbm>>) dst(%arg10 : memref<128xi32, #tpu.memory_space<vmem>>)
          tpu.yield
        }) : () -> ()
        "tpu.region"() ({
          %run_scoped3A = tpu.sem_alloc : memref<!tpu.dma_semaphore, #tpu.memory_space<semaphore_mem>>
          %dma_start3A = arith.constant 0 : i32
          %dma_start3A_54 = arith.constant 0 : i32
          %dma_start3A_55 = tpu.memref_slice %arg12[%dma_start3A, %dma_start3A_54] : memref<10008x128xf32, #tpu.memory_space<vmem_shared>> -> memref<10008x128xf32, #tpu.memory_space<vmem_shared>>
          tpu.enqueue_indirect_dma source(%arg11 : memref<128x128xf32, #tpu.memory_space<vmem>>) target(%dma_start3A_55 : memref<10008x128xf32, #tpu.memory_space<vmem_shared>>) offsets(%arg10 : memref<128xi32, #tpu.memory_space<vmem>>) semaphore(%run_scoped3A : memref<!tpu.dma_semaphore, #tpu.memory_space<semaphore_mem>>) {add = true}
          %dma_wait3A = arith.constant 0 : i32
          %dma_wait3A_56 = arith.constant 0 : i32
          %dma_wait3A_57 = tpu.memref_slice %arg12[%dma_wait3A, %dma_wait3A_56] : memref<10008x128xf32, #tpu.memory_space<vmem_shared>> -> memref<10008x128xf32, #tpu.memory_space<vmem_shared>>
          tpu.wait_indirect_dma semaphore(%run_scoped3A : memref<!tpu.dma_semaphore, #tpu.memory_space<semaphore_mem>>) src(%arg11 : memref<128x128xf32, #tpu.memory_space<vmem>>) dst(%dma_wait3A_57 : memref<10008x128xf32, #tpu.memory_space<vmem_shared>>)
          tpu.yield
        }) : () -> ()
      }
    } else {
    }
    %eq3A_16 = arith.constant 1 : i32
    %eq3A_17 = arith.cmpi eq, %arg0, %eq3A_16 : i32
    %convert_element_type3A_18 = arith.extui %eq3A_17 : i1 to i32
    %cond3A_19 = arith.constant 0 : i32
    %cond3A_20 = arith.cmpi ne, %convert_element_type3A_18, %cond3A_19 : i32
    scf.if %cond3A_20 {
      %sub3A_32 = arith.constant 1250 : i32
      %sub3A_33 = arith.subi %sub3A_32, %arg1 : i32
      %sub3A_34 = arith.constant 16 : i32
      %sub3A_35 = arith.constant 1 : i32
      %sub3A_36 = arith.subi %sub3A_34, %sub3A_35 : i32
      %add3A_37 = arith.addi %sub3A_33, %sub3A_36 : i32
      %div3A_38 = arith.constant 16 : i32
      %div3A_39 = arith.divsi %add3A_37, %div3A_38 : i32
      %while3A_40 = arith.constant 16 : i32
      %while3A_41 = arith.constant 0 : i32
      %while3A_42 = arith.subi %div3A_39, %while3A_41 : i32
      %while3A_43 = arith.addi %while3A_41, %while3A_42 : i32
      %while3A_44 = arith.constant 1 : i32
      %while3A_45 = arith.divsi %while3A_42, %while3A_44 : i32
      %while3A_46 = arith.muli %while3A_45, %while3A_44 : i32
      %while3A_47 = arith.addi %while3A_41, %while3A_46 : i32
      %while3A_48 = arith.constant 1 : i32
      scf.for %while3A_50 = %while3A_41 to %while3A_47 step %while3A_48  : i32 {
        %mul3A = arith.muli %while3A_50, %while3A_40 : i32
        %add3A_51 = arith.addi %arg1, %mul3A : i32
        %mul3A_52 = arith.constant 128 : i32
        %mul3A_53 = arith.muli %add3A_51, %mul3A_52 : i32
        "tpu.region"() ({
          %run_scoped3A = tpu.sem_alloc : memref<!tpu.dma_semaphore, #tpu.memory_space<semaphore_mem>>
          %dma_start3A = tpu.memref_slice %arg4[%mul3A_53] : memref<160000xi32, #tpu.memory_space<hbm>> -> memref<128xi32, #tpu.memory_space<hbm>>
          %dma_start3A_54 = tpu.memref_slice %arg4[%mul3A_53] : memref<160000xi32, #tpu.memory_space<hbm>> -> memref<128xi32, #tpu.memory_space<hbm>>
          tpu.enqueue_dma source(%dma_start3A_54 : memref<128xi32, #tpu.memory_space<hbm>>) target(%arg9 : memref<128xi32, #tpu.memory_space<vmem>>) target_semaphore(%run_scoped3A : memref<!tpu.dma_semaphore, #tpu.memory_space<semaphore_mem>>)
          %dma_wait3A = tpu.memref_slice %arg4[%mul3A_53] : memref<160000xi32, #tpu.memory_space<hbm>> -> memref<128xi32, #tpu.memory_space<hbm>>
          %dma_wait3A_55 = tpu.memref_slice %arg4[%mul3A_53] : memref<160000xi32, #tpu.memory_space<hbm>> -> memref<128xi32, #tpu.memory_space<hbm>>
          tpu.wait_dma2 semaphore(%run_scoped3A : memref<!tpu.dma_semaphore, #tpu.memory_space<semaphore_mem>>) src(%dma_wait3A_55 : memref<128xi32, #tpu.memory_space<hbm>>) dst(%arg9 : memref<128xi32, #tpu.memory_space<vmem>>)
          tpu.yield
        }) : () -> ()
        "tpu.region"() ({
          %run_scoped3A = tpu.sem_alloc : memref<!tpu.dma_semaphore, #tpu.memory_space<semaphore_mem>>
          %dma_start3A = tpu.memref_slice %arg5[%mul3A_53] : memref<160000xi32, #tpu.memory_space<hbm>> -> memref<128xi32, #tpu.memory_space<hbm>>
          %dma_start3A_54 = tpu.memref_slice %arg5[%mul3A_53] : memref<160000xi32, #tpu.memory_space<hbm>> -> memref<128xi32, #tpu.memory_space<hbm>>
          tpu.enqueue_dma source(%dma_start3A_54 : memref<128xi32, #tpu.memory_space<hbm>>) target(%arg10 : memref<128xi32, #tpu.memory_space<vmem>>) target_semaphore(%run_scoped3A : memref<!tpu.dma_semaphore, #tpu.memory_space<semaphore_mem>>)
          %dma_wait3A = tpu.memref_slice %arg5[%mul3A_53] : memref<160000xi32, #tpu.memory_space<hbm>> -> memref<128xi32, #tpu.memory_space<hbm>>
          %dma_wait3A_55 = tpu.memref_slice %arg5[%mul3A_53] : memref<160000xi32, #tpu.memory_space<hbm>> -> memref<128xi32, #tpu.memory_space<hbm>>
          tpu.wait_dma2 semaphore(%run_scoped3A : memref<!tpu.dma_semaphore, #tpu.memory_space<semaphore_mem>>) src(%dma_wait3A_55 : memref<128xi32, #tpu.memory_space<hbm>>) dst(%arg10 : memref<128xi32, #tpu.memory_space<vmem>>)
          tpu.yield
        }) : () -> ()
        "tpu.region"() ({
          %run_scoped3A = tpu.sem_alloc : memref<!tpu.dma_semaphore, #tpu.memory_space<semaphore_mem>>
          %dma_start3A = arith.constant 0 : i32
          %dma_start3A_54 = arith.constant 0 : i32
          %dma_start3A_55 = tpu.memref_slice %arg12[%dma_start3A, %dma_start3A_54] : memref<10008x128xf32, #tpu.memory_space<vmem_shared>> -> memref<10008x128xf32, #tpu.memory_space<vmem_shared>>
          tpu.enqueue_indirect_dma source(%arg11 : memref<128x128xf32, #tpu.memory_space<vmem>>) target(%dma_start3A_55 : memref<10008x128xf32, #tpu.memory_space<vmem_shared>>) offsets(%arg10 : memref<128xi32, #tpu.memory_space<vmem>>) semaphore(%run_scoped3A : memref<!tpu.dma_semaphore, #tpu.memory_space<semaphore_mem>>) {add = true}
          %dma_wait3A = arith.constant 0 : i32
          %dma_wait3A_56 = arith.constant 0 : i32
          %dma_wait3A_57 = tpu.memref_slice %arg12[%dma_wait3A, %dma_wait3A_56] : memref<10008x128xf32, #tpu.memory_space<vmem_shared>> -> memref<10008x128xf32, #tpu.memory_space<vmem_shared>>
          tpu.wait_indirect_dma semaphore(%run_scoped3A : memref<!tpu.dma_semaphore, #tpu.memory_space<semaphore_mem>>) src(%arg11 : memref<128x128xf32, #tpu.memory_space<vmem>>) dst(%dma_wait3A_57 : memref<10008x128xf32, #tpu.memory_space<vmem_shared>>)
          tpu.yield
        }) : () -> ()
      }
      %while3A_49 = arith.constant 1 : i32
      scf.for %while3A_50 = %while3A_47 to %while3A_43 step %while3A_49  : i32 {
        %mul3A = arith.muli %while3A_50, %while3A_40 : i32
        %add3A_51 = arith.addi %arg1, %mul3A : i32
        %mul3A_52 = arith.constant 128 : i32
        %mul3A_53 = arith.muli %add3A_51, %mul3A_52 : i32
        "tpu.region"() ({
          %run_scoped3A = tpu.sem_alloc : memref<!tpu.dma_semaphore, #tpu.memory_space<semaphore_mem>>
          %dma_start3A = tpu.memref_slice %arg4[%mul3A_53] : memref<160000xi32, #tpu.memory_space<hbm>> -> memref<128xi32, #tpu.memory_space<hbm>>
          %dma_start3A_54 = tpu.memref_slice %arg4[%mul3A_53] : memref<160000xi32, #tpu.memory_space<hbm>> -> memref<128xi32, #tpu.memory_space<hbm>>
          tpu.enqueue_dma source(%dma_start3A_54 : memref<128xi32, #tpu.memory_space<hbm>>) target(%arg9 : memref<128xi32, #tpu.memory_space<vmem>>) target_semaphore(%run_scoped3A : memref<!tpu.dma_semaphore, #tpu.memory_space<semaphore_mem>>)
          %dma_wait3A = tpu.memref_slice %arg4[%mul3A_53] : memref<160000xi32, #tpu.memory_space<hbm>> -> memref<128xi32, #tpu.memory_space<hbm>>
          %dma_wait3A_55 = tpu.memref_slice %arg4[%mul3A_53] : memref<160000xi32, #tpu.memory_space<hbm>> -> memref<128xi32, #tpu.memory_space<hbm>>
          tpu.wait_dma2 semaphore(%run_scoped3A : memref<!tpu.dma_semaphore, #tpu.memory_space<semaphore_mem>>) src(%dma_wait3A_55 : memref<128xi32, #tpu.memory_space<hbm>>) dst(%arg9 : memref<128xi32, #tpu.memory_space<vmem>>)
          tpu.yield
        }) : () -> ()
        "tpu.region"() ({
          %run_scoped3A = tpu.sem_alloc : memref<!tpu.dma_semaphore, #tpu.memory_space<semaphore_mem>>
          %dma_start3A = tpu.memref_slice %arg5[%mul3A_53] : memref<160000xi32, #tpu.memory_space<hbm>> -> memref<128xi32, #tpu.memory_space<hbm>>
          %dma_start3A_54 = tpu.memref_slice %arg5[%mul3A_53] : memref<160000xi32, #tpu.memory_space<hbm>> -> memref<128xi32, #tpu.memory_space<hbm>>
          tpu.enqueue_dma source(%dma_start3A_54 : memref<128xi32, #tpu.memory_space<hbm>>) target(%arg10 : memref<128xi32, #tpu.memory_space<vmem>>) target_semaphore(%run_scoped3A : memref<!tpu.dma_semaphore, #tpu.memory_space<semaphore_mem>>)
          %dma_wait3A = tpu.memref_slice %arg5[%mul3A_53] : memref<160000xi32, #tpu.memory_space<hbm>> -> memref<128xi32, #tpu.memory_space<hbm>>
          %dma_wait3A_55 = tpu.memref_slice %arg5[%mul3A_53] : memref<160000xi32, #tpu.memory_space<hbm>> -> memref<128xi32, #tpu.memory_space<hbm>>
          tpu.wait_dma2 semaphore(%run_scoped3A : memref<!tpu.dma_semaphore, #tpu.memory_space<semaphore_mem>>) src(%dma_wait3A_55 : memref<128xi32, #tpu.memory_space<hbm>>) dst(%arg10 : memref<128xi32, #tpu.memory_space<vmem>>)
          tpu.yield
        }) : () -> ()
        "tpu.region"() ({
          %run_scoped3A = tpu.sem_alloc : memref<!tpu.dma_semaphore, #tpu.memory_space<semaphore_mem>>
          %dma_start3A = arith.constant 0 : i32
          %dma_start3A_54 = arith.constant 0 : i32
          %dma_start3A_55 = tpu.memref_slice %arg12[%dma_start3A, %dma_start3A_54] : memref<10008x128xf32, #tpu.memory_space<vmem_shared>> -> memref<10008x128xf32, #tpu.memory_space<vmem_shared>>
          tpu.enqueue_indirect_dma source(%arg11 : memref<128x128xf32, #tpu.memory_space<vmem>>) target(%dma_start3A_55 : memref<10008x128xf32, #tpu.memory_space<vmem_shared>>) offsets(%arg10 : memref<128xi32, #tpu.memory_space<vmem>>) semaphore(%run_scoped3A : memref<!tpu.dma_semaphore, #tpu.memory_space<semaphore_mem>>) {add = true}
          %dma_wait3A = arith.constant 0 : i32
          %dma_wait3A_56 = arith.constant 0 : i32
          %dma_wait3A_57 = tpu.memref_slice %arg12[%dma_wait3A, %dma_wait3A_56] : memref<10008x128xf32, #tpu.memory_space<vmem_shared>> -> memref<10008x128xf32, #tpu.memory_space<vmem_shared>>
          tpu.wait_indirect_dma semaphore(%run_scoped3A : memref<!tpu.dma_semaphore, #tpu.memory_space<semaphore_mem>>) src(%arg11 : memref<128x128xf32, #tpu.memory_space<vmem>>) dst(%dma_wait3A_57 : memref<10008x128xf32, #tpu.memory_space<vmem_shared>>)
          tpu.yield
        }) : () -> ()
      }
    } else {
    }
    %barrier3A_21 = arith.constant 0 : index
    tpu.barrier barrier_id(%barrier3A_21)
    %eq3A_22 = arith.constant 0 : i32
    %eq3A_23 = arith.cmpi eq, %arg0, %eq3A_22 : i32
    %convert_element_type3A_24 = arith.extui %eq3A_23 : i1 to i32
    %cond3A_25 = arith.constant 0 : i32
    %cond3A_26 = arith.cmpi ne, %convert_element_type3A_24, %cond3A_25 : i32
    scf.if %cond3A_26 {
      %sub3A_32 = arith.constant 125 : i32
      %sub3A_33 = arith.subi %sub3A_32, %arg1 : i32
      %sub3A_34 = arith.constant 16 : i32
      %sub3A_35 = arith.constant 1 : i32
      %sub3A_36 = arith.subi %sub3A_34, %sub3A_35 : i32
      %add3A_37 = arith.addi %sub3A_33, %sub3A_36 : i32
      %div3A_38 = arith.constant 16 : i32
      %div3A_39 = arith.divsi %add3A_37, %div3A_38 : i32
      %while3A_40 = arith.constant 16 : i32
      %while3A_41 = arith.constant 0 : i32
      %while3A_42 = arith.subi %div3A_39, %while3A_41 : i32
      %while3A_43 = arith.addi %while3A_41, %while3A_42 : i32
      %while3A_44 = arith.constant 1 : i32
      %while3A_45 = arith.divsi %while3A_42, %while3A_44 : i32
      %while3A_46 = arith.muli %while3A_45, %while3A_44 : i32
      %while3A_47 = arith.addi %while3A_41, %while3A_46 : i32
      %while3A_48 = arith.constant 1 : i32
      scf.for %while3A_50 = %while3A_41 to %while3A_47 step %while3A_48  : i32 {
        %mul3A = arith.muli %while3A_50, %while3A_40 : i32
        %add3A_51 = arith.addi %arg1, %mul3A : i32
        %mul3A_52 = arith.constant 80 : i32
        %mul3A_53 = arith.muli %add3A_51, %mul3A_52 : i32
        %mul3A_54 = arith.constant 80 : i32
        %mul3A_55 = arith.muli %add3A_51, %mul3A_54 : i32
        "tpu.region"() ({
          %run_scoped3A = tpu.sem_alloc : memref<!tpu.dma_semaphore, #tpu.memory_space<semaphore_mem>>
          %dma_start3A = arith.constant 0 : i32
          %dma_start3A_56 = tpu.memref_slice %arg7[%mul3A_55, %dma_start3A] : memref<10000x128xf32, #tpu.memory_space<hbm>> -> memref<80x128xf32, #tpu.memory_space<hbm>>
          %dma_start3A_57 = arith.constant 0 : i32
          %dma_start3A_58 = tpu.memref_slice %arg12[%mul3A_53, %dma_start3A_57] : memref<10008x128xf32, #tpu.memory_space<vmem_shared>> -> memref<80x128xf32, #tpu.memory_space<vmem_shared>>
          tpu.enqueue_dma source(%dma_start3A_58 : memref<80x128xf32, #tpu.memory_space<vmem_shared>>) target(%dma_start3A_56 : memref<80x128xf32, #tpu.memory_space<hbm>>) target_semaphore(%run_scoped3A : memref<!tpu.dma_semaphore, #tpu.memory_space<semaphore_mem>>)
          %dma_wait3A = arith.constant 0 : i32
          %dma_wait3A_59 = tpu.memref_slice %arg7[%mul3A_55, %dma_wait3A] : memref<10000x128xf32, #tpu.memory_space<hbm>> -> memref<80x128xf32, #tpu.memory_space<hbm>>
          %dma_wait3A_60 = arith.constant 0 : i32
          %dma_wait3A_61 = tpu.memref_slice %arg12[%mul3A_53, %dma_wait3A_60] : memref<10008x128xf32, #tpu.memory_space<vmem_shared>> -> memref<80x128xf32, #tpu.memory_space<vmem_shared>>
          tpu.wait_dma2 semaphore(%run_scoped3A : memref<!tpu.dma_semaphore, #tpu.memory_space<semaphore_mem>>) src(%dma_wait3A_61 : memref<80x128xf32, #tpu.memory_space<vmem_shared>>) dst(%dma_wait3A_59 : memref<80x128xf32, #tpu.memory_space<hbm>>)
          tpu.yield
        }) : () -> ()
      }
      %while3A_49 = arith.constant 1 : i32
      scf.for %while3A_50 = %while3A_47 to %while3A_43 step %while3A_49  : i32 {
        %mul3A = arith.muli %while3A_50, %while3A_40 : i32
        %add3A_51 = arith.addi %arg1, %mul3A : i32
        %mul3A_52 = arith.constant 80 : i32
        %mul3A_53 = arith.muli %add3A_51, %mul3A_52 : i32
        %mul3A_54 = arith.constant 80 : i32
        %mul3A_55 = arith.muli %add3A_51, %mul3A_54 : i32
        "tpu.region"() ({
          %run_scoped3A = tpu.sem_alloc : memref<!tpu.dma_semaphore, #tpu.memory_space<semaphore_mem>>
          %dma_start3A = arith.constant 0 : i32
          %dma_start3A_56 = tpu.memref_slice %arg7[%mul3A_55, %dma_start3A] : memref<10000x128xf32, #tpu.memory_space<hbm>> -> memref<80x128xf32, #tpu.memory_space<hbm>>
          %dma_start3A_57 = arith.constant 0 : i32
          %dma_start3A_58 = tpu.memref_slice %arg12[%mul3A_53, %dma_start3A_57] : memref<10008x128xf32, #tpu.memory_space<vmem_shared>> -> memref<80x128xf32, #tpu.memory_space<vmem_shared>>
          tpu.enqueue_dma source(%dma_start3A_58 : memref<80x128xf32, #tpu.memory_space<vmem_shared>>) target(%dma_start3A_56 : memref<80x128xf32, #tpu.memory_space<hbm>>) target_semaphore(%run_scoped3A : memref<!tpu.dma_semaphore, #tpu.memory_space<semaphore_mem>>)
          %dma_wait3A = arith.constant 0 : i32
          %dma_wait3A_59 = tpu.memref_slice %arg7[%mul3A_55, %dma_wait3A] : memref<10000x128xf32, #tpu.memory_space<hbm>> -> memref<80x128xf32, #tpu.memory_space<hbm>>
          %dma_wait3A_60 = arith.constant 0 : i32
          %dma_wait3A_61 = tpu.memref_slice %arg12[%mul3A_53, %dma_wait3A_60] : memref<10008x128xf32, #tpu.memory_space<vmem_shared>> -> memref<80x128xf32, #tpu.memory_space<vmem_shared>>
          tpu.wait_dma2 semaphore(%run_scoped3A : memref<!tpu.dma_semaphore, #tpu.memory_space<semaphore_mem>>) src(%dma_wait3A_61 : memref<80x128xf32, #tpu.memory_space<vmem_shared>>) dst(%dma_wait3A_59 : memref<80x128xf32, #tpu.memory_space<hbm>>)
          tpu.yield
        }) : () -> ()
      }
    } else {
    }
    %eq3A_27 = arith.constant 1 : i32
    %eq3A_28 = arith.cmpi eq, %arg0, %eq3A_27 : i32
    %convert_element_type3A_29 = arith.extui %eq3A_28 : i1 to i32
    %cond3A_30 = arith.constant 0 : i32
    %cond3A_31 = arith.cmpi ne, %convert_element_type3A_29, %cond3A_30 : i32
    scf.if %cond3A_31 {
      %sub3A_32 = arith.constant 125 : i32
      %sub3A_33 = arith.subi %sub3A_32, %arg1 : i32
      %sub3A_34 = arith.constant 16 : i32
      %sub3A_35 = arith.constant 1 : i32
      %sub3A_36 = arith.subi %sub3A_34, %sub3A_35 : i32
      %add3A_37 = arith.addi %sub3A_33, %sub3A_36 : i32
      %div3A_38 = arith.constant 16 : i32
      %div3A_39 = arith.divsi %add3A_37, %div3A_38 : i32
      %while3A_40 = arith.constant 16 : i32
      %while3A_41 = arith.constant 0 : i32
      %while3A_42 = arith.subi %div3A_39, %while3A_41 : i32
      %while3A_43 = arith.addi %while3A_41, %while3A_42 : i32
      %while3A_44 = arith.constant 1 : i32
      %while3A_45 = arith.divsi %while3A_42, %while3A_44 : i32
      %while3A_46 = arith.muli %while3A_45, %while3A_44 : i32
      %while3A_47 = arith.addi %while3A_41, %while3A_46 : i32
      %while3A_48 = arith.constant 1 : i32
      scf.for %while3A_50 = %while3A_41 to %while3A_47 step %while3A_48  : i32 {
        %mul3A = arith.muli %while3A_50, %while3A_40 : i32
        %add3A_51 = arith.addi %arg1, %mul3A : i32
        %mul3A_52 = arith.constant 80 : i32
        %mul3A_53 = arith.muli %add3A_51, %mul3A_52 : i32
        %mul3A_54 = arith.constant 80 : i32
        %mul3A_55 = arith.muli %add3A_51, %mul3A_54 : i32
        "tpu.region"() ({
          %run_scoped3A = tpu.sem_alloc : memref<!tpu.dma_semaphore, #tpu.memory_space<semaphore_mem>>
          %dma_start3A = arith.constant 0 : i32
          %dma_start3A_56 = tpu.memref_slice %arg8[%mul3A_55, %dma_start3A] : memref<10000x128xf32, #tpu.memory_space<hbm>> -> memref<80x128xf32, #tpu.memory_space<hbm>>
          %dma_start3A_57 = arith.constant 0 : i32
          %dma_start3A_58 = tpu.memref_slice %arg12[%mul3A_53, %dma_start3A_57] : memref<10008x128xf32, #tpu.memory_space<vmem_shared>> -> memref<80x128xf32, #tpu.memory_space<vmem_shared>>
          tpu.enqueue_dma source(%dma_start3A_58 : memref<80x128xf32, #tpu.memory_space<vmem_shared>>) target(%dma_start3A_56 : memref<80x128xf32, #tpu.memory_space<hbm>>) target_semaphore(%run_scoped3A : memref<!tpu.dma_semaphore, #tpu.memory_space<semaphore_mem>>)
          %dma_wait3A = arith.constant 0 : i32
          %dma_wait3A_59 = tpu.memref_slice %arg8[%mul3A_55, %dma_wait3A] : memref<10000x128xf32, #tpu.memory_space<hbm>> -> memref<80x128xf32, #tpu.memory_space<hbm>>
          %dma_wait3A_60 = arith.constant 0 : i32
          %dma_wait3A_61 = tpu.memref_slice %arg12[%mul3A_53, %dma_wait3A_60] : memref<10008x128xf32, #tpu.memory_space<vmem_shared>> -> memref<80x128xf32, #tpu.memory_space<vmem_shared>>
          tpu.wait_dma2 semaphore(%run_scoped3A : memref<!tpu.dma_semaphore, #tpu.memory_space<semaphore_mem>>) src(%dma_wait3A_61 : memref<80x128xf32, #tpu.memory_space<vmem_shared>>) dst(%dma_wait3A_59 : memref<80x128xf32, #tpu.memory_space<hbm>>)
          tpu.yield
        }) : () -> ()
      }
      %while3A_49 = arith.constant 1 : i32
      scf.for %while3A_50 = %while3A_47 to %while3A_43 step %while3A_49  : i32 {
        %mul3A = arith.muli %while3A_50, %while3A_40 : i32
        %add3A_51 = arith.addi %arg1, %mul3A : i32
        %mul3A_52 = arith.constant 80 : i32
        %mul3A_53 = arith.muli %add3A_51, %mul3A_52 : i32
        %mul3A_54 = arith.constant 80 : i32
        %mul3A_55 = arith.muli %add3A_51, %mul3A_54 : i32
        "tpu.region"() ({
          %run_scoped3A = tpu.sem_alloc : memref<!tpu.dma_semaphore, #tpu.memory_space<semaphore_mem>>
          %dma_start3A = arith.constant 0 : i32
          %dma_start3A_56 = tpu.memref_slice %arg8[%mul3A_55, %dma_start3A] : memref<10000x128xf32, #tpu.memory_space<hbm>> -> memref<80x128xf32, #tpu.memory_space<hbm>>
          %dma_start3A_57 = arith.constant 0 : i32
          %dma_start3A_58 = tpu.memref_slice %arg12[%mul3A_53, %dma_start3A_57] : memref<10008x128xf32, #tpu.memory_space<vmem_shared>> -> memref<80x128xf32, #tpu.memory_space<vmem_shared>>
          tpu.enqueue_dma source(%dma_start3A_58 : memref<80x128xf32, #tpu.memory_space<vmem_shared>>) target(%dma_start3A_56 : memref<80x128xf32, #tpu.memory_space<hbm>>) target_semaphore(%run_scoped3A : memref<!tpu.dma_semaphore, #tpu.memory_space<semaphore_mem>>)
          %dma_wait3A = arith.constant 0 : i32
          %dma_wait3A_59 = tpu.memref_slice %arg8[%mul3A_55, %dma_wait3A] : memref<10000x128xf32, #tpu.memory_space<hbm>> -> memref<80x128xf32, #tpu.memory_space<hbm>>
          %dma_wait3A_60 = arith.constant 0 : i32
          %dma_wait3A_61 = tpu.memref_slice %arg12[%mul3A_53, %dma_wait3A_60] : memref<10008x128xf32, #tpu.memory_space<vmem_shared>> -> memref<80x128xf32, #tpu.memory_space<vmem_shared>>
          tpu.wait_dma2 semaphore(%run_scoped3A : memref<!tpu.dma_semaphore, #tpu.memory_space<semaphore_mem>>) src(%dma_wait3A_61 : memref<80x128xf32, #tpu.memory_space<vmem_shared>>) dst(%dma_wait3A_59 : memref<80x128xf32, #tpu.memory_space<hbm>>)
          tpu.yield
        }) : () -> ()
      }
    } else {
    }
    return
  }
}

#map = affine_map<(d0, d1) -> (0, 0)>
#map1 = affine_map<(d0, d1) -> (0)>
module attributes {stable_mosaic.version = 14 : i64} {
  func.func @_scatter(%arg0: i32, %arg1: i32, %arg2: memref<10000x128xf32, #tpu.memory_space<hbm>>, %arg3: memref<10000x128xf32, #tpu.memory_space<hbm>>, %arg4: memref<160000xi32, #tpu.memory_space<hbm>>, %arg5: memref<160000xi32, #tpu.memory_space<hbm>>, %arg6: memref<10000x128xf32, #tpu.memory_space<hbm>>, %arg7: memref<10000x128xf32, #tpu.memory_space<hbm>>, %arg8: memref<10000x128xf32, #tpu.memory_space<hbm>>, %arg9: memref<128xi32, #tpu.memory_space<vmem>>, %arg10: memref<128xi32, #tpu.memory_space<vmem>>, %arg11: memref<128x128xf32, #tpu.memory_space<vmem>>, %arg12: memref<10008x128xf32, #tpu.memory_space<vmem_shared>>, %arg13: memref<!tpu.dma_semaphore, #tpu.memory_space<semaphore_mem>>) attributes {dimension_semantics = [#tpu.dimension_semantics<core_parallel>, #tpu.dimension_semantics<subcore_parallel>], iteration_bounds = array<i64: 2, 16>, scalar_prefetch = 0 : i64, scratch_operands = 5 : i64, tpu.core_type = #tpu.core_type<sc_vector_subcore>, window_params = [{transform_indices = #map}, {transform_indices = #map}, {transform_indices = #map1}, {transform_indices = #map1}, {transform_indices = #map}, {transform_indices = #map}, {transform_indices = #map}]} {
    %sub3A = arith.constant 125 : i32
    %sub3A_0 = arith.subi %sub3A, %arg1 : i32
    %sub3A_1 = arith.constant 16 : i32
    %sub3A_2 = arith.constant 1 : i32
    %sub3A_3 = arith.subi %sub3A_1, %sub3A_2 : i32
    %add3A = arith.addi %sub3A_0, %sub3A_3 : i32
    %div3A = arith.constant 16 : i32
    %div3A_4 = arith.divsi %add3A, %div3A : i32
    %while3A = arith.constant 16 : i32
    %while3A_5 = arith.constant 0 : i32
    %while3A_6 = arith.subi %div3A_4, %while3A_5 : i32
    %while3A_7 = arith.addi %while3A_5, %while3A_6 : i32
    %while3A_8 = arith.constant 1 : i32
    %while3A_9 = arith.divsi %while3A_6, %while3A_8 : i32
    %while3A_10 = arith.muli %while3A_9, %while3A_8 : i32
    %while3A_11 = arith.addi %while3A_5, %while3A_10 : i32
    %while3A_12 = arith.constant 1 : i32
    scf.for %while3A_32 = %while3A_5 to %while3A_11 step %while3A_12  : i32 {
      %mul3A = arith.muli %while3A_32, %while3A : i32
      %add3A_33 = arith.addi %arg1, %mul3A : i32
      %mul3A_34 = arith.constant 80 : i32
      %mul3A_35 = arith.muli %add3A_33, %mul3A_34 : i32
      %mul3A_36 = arith.constant 80 : i32
      %mul3A_37 = arith.muli %add3A_33, %mul3A_36 : i32
      "tpu.region"() ({
        %run_scoped3A = tpu.sem_alloc : memref<!tpu.dma_semaphore, #tpu.memory_space<semaphore_mem>>
        %dma_start3A = arith.constant 0 : i32
        %dma_start3A_38 = tpu.memref_slice %arg12[%mul3A_37, %dma_start3A] : memref<10008x128xf32, #tpu.memory_space<vmem_shared>> -> memref<80x128xf32, #tpu.memory_space<vmem_shared>>
        %dma_start3A_39 = arith.constant 0 : i32
        %dma_start3A_40 = tpu.memref_slice %arg6[%mul3A_35, %dma_start3A_39] : memref<10000x128xf32, #tpu.memory_space<hbm>> -> memref<80x128xf32, #tpu.memory_space<hbm>>
        tpu.enqueue_dma source(%dma_start3A_40 : memref<80x128xf32, #tpu.memory_space<hbm>>) target(%dma_start3A_38 : memref<80x128xf32, #tpu.memory_space<vmem_shared>>) target_semaphore(%run_scoped3A : memref<!tpu.dma_semaphore, #tpu.memory_space<semaphore_mem>>)
        %dma_wait3A = arith.constant 0 : i32
        %dma_wait3A_41 = tpu.memref_slice %arg12[%mul3A_37, %dma_wait3A] : memref<10008x128xf32, #tpu.memory_space<vmem_shared>> -> memref<80x128xf32, #tpu.memory_space<vmem_shared>>
        %dma_wait3A_42 = arith.constant 0 : i32
        %dma_wait3A_43 = tpu.memref_slice %arg6[%mul3A_35, %dma_wait3A_42] : memref<10000x128xf32, #tpu.memory_space<hbm>> -> memref<80x128xf32, #tpu.memory_space<hbm>>
        tpu.wait_dma2 semaphore(%run_scoped3A : memref<!tpu.dma_semaphore, #tpu.memory_space<semaphore_mem>>) src(%dma_wait3A_43 : memref<80x128xf32, #tpu.memory_space<hbm>>) dst(%dma_wait3A_41 : memref<80x128xf32, #tpu.memory_space<vmem_shared>>)
        tpu.yield
      }) : () -> ()
    }
    %while3A_13 = arith.constant 1 : i32
    scf.for %while3A_32 = %while3A_11 to %while3A_7 step %while3A_13  : i32 {
      %mul3A = arith.muli %while3A_32, %while3A : i32
      %add3A_33 = arith.addi %arg1, %mul3A : i32
      %mul3A_34 = arith.constant 80 : i32
      %mul3A_35 = arith.muli %add3A_33, %mul3A_34 : i32
      %mul3A_36 = arith.constant 80 : i32
      %mul3A_37 = arith.muli %add3A_33, %mul3A_36 : i32
      "tpu.region"() ({
        %run_scoped3A = tpu.sem_alloc : memref<!tpu.dma_semaphore, #tpu.memory_space<semaphore_mem>>
        %dma_start3A = arith.constant 0 : i32
        %dma_start3A_38 = tpu.memref_slice %arg12[%mul3A_37, %dma_start3A] : memref<10008x128xf32, #tpu.memory_space<vmem_shared>> -> memref<80x128xf32, #tpu.memory_space<vmem_shared>>
        %dma_start3A_39 = arith.constant 0 : i32
        %dma_start3A_40 = tpu.memref_slice %arg6[%mul3A_35, %dma_start3A_39] : memref<10000x128xf32, #tpu.memory_space<hbm>> -> memref<80x128xf32, #tpu.memory_space<hbm>>
        tpu.enqueue_dma source(%dma_start3A_40 : memref<80x128xf32, #tpu.memory_space<hbm>>) target(%dma_start3A_38 : memref<80x128xf32, #tpu.memory_space<vmem_shared>>) target_semaphore(%run_scoped3A : memref<!tpu.dma_semaphore, #tpu.memory_space<semaphore_mem>>)
        %dma_wait3A = arith.constant 0 : i32
        %dma_wait3A_41 = tpu.memref_slice %arg12[%mul3A_37, %dma_wait3A] : memref<10008x128xf32, #tpu.memory_space<vmem_shared>> -> memref<80x128xf32, #tpu.memory_space<vmem_shared>>
        %dma_wait3A_42 = arith.constant 0 : i32
        %dma_wait3A_43 = tpu.memref_slice %arg6[%mul3A_35, %dma_wait3A_42] : memref<10000x128xf32, #tpu.memory_space<hbm>> -> memref<80x128xf32, #tpu.memory_space<hbm>>
        tpu.wait_dma2 semaphore(%run_scoped3A : memref<!tpu.dma_semaphore, #tpu.memory_space<semaphore_mem>>) src(%dma_wait3A_43 : memref<80x128xf32, #tpu.memory_space<hbm>>) dst(%dma_wait3A_41 : memref<80x128xf32, #tpu.memory_space<vmem_shared>>)
        tpu.yield
      }) : () -> ()
    }
    %barrier3A = arith.constant 0 : index
    tpu.barrier barrier_id(%barrier3A)
    %eq3A = arith.constant 0 : i32
    %eq3A_14 = arith.cmpi eq, %arg0, %eq3A : i32
    %convert_element_type3A = arith.extui %eq3A_14 : i1 to i32
    %cond3A = arith.constant 0 : i32
    %cond3A_15 = arith.cmpi ne, %convert_element_type3A, %cond3A : i32
    scf.if %cond3A_15 {
      %sub3A_32 = arith.constant 1250 : i32
      %sub3A_33 = arith.subi %sub3A_32, %arg1 : i32
      %sub3A_34 = arith.constant 16 : i32
      %sub3A_35 = arith.constant 1 : i32
      %sub3A_36 = arith.subi %sub3A_34, %sub3A_35 : i32
      %add3A_37 = arith.addi %sub3A_33, %sub3A_36 : i32
      %div3A_38 = arith.constant 16 : i32
      %div3A_39 = arith.divsi %add3A_37, %div3A_38 : i32
      %while3A_40 = arith.constant 16 : i32
      %while3A_41 = arith.constant 0 : i32
      %while3A_42 = arith.subi %div3A_39, %while3A_41 : i32
      %while3A_43 = arith.addi %while3A_41, %while3A_42 : i32
      %while3A_44 = arith.constant 1 : i32
      %while3A_45 = arith.divsi %while3A_42, %while3A_44 : i32
      %while3A_46 = arith.muli %while3A_45, %while3A_44 : i32
      %while3A_47 = arith.addi %while3A_41, %while3A_46 : i32
      %while3A_48 = arith.constant 1 : i32
      scf.for %while3A_50 = %while3A_41 to %while3A_47 step %while3A_48  : i32 {
        %mul3A = arith.muli %while3A_50, %while3A_40 : i32
        %add3A_51 = arith.addi %arg1, %mul3A : i32
        %mul3A_52 = arith.constant 128 : i32
        %mul3A_53 = arith.muli %add3A_51, %mul3A_52 : i32
        "tpu.region"() ({
          %run_scoped3A = tpu.sem_alloc : memref<!tpu.dma_semaphore, #tpu.memory_space<semaphore_mem>>
          %dma_start3A = tpu.memref_slice %arg4[%mul3A_53] : memref<160000xi32, #tpu.memory_space<hbm>> -> memref<128xi32, #tpu.memory_space<hbm>>
          %dma_start3A_54 = tpu.memref_slice %arg4[%mul3A_53] : memref<160000xi32, #tpu.memory_space<hbm>> -> memref<128xi32, #tpu.memory_space<hbm>>
          tpu.enqueue_dma source(%dma_start3A_54 : memref<128xi32, #tpu.memory_space<hbm>>) target(%arg9 : memref<128xi32, #tpu.memory_space<vmem>>) target_semaphore(%run_scoped3A : memref<!tpu.dma_semaphore, #tpu.memory_space<semaphore_mem>>)
          %dma_wait3A = tpu.memref_slice %arg4[%mul3A_53] : memref<160000xi32, #tpu.memory_space<hbm>> -> memref<128xi32, #tpu.memory_space<hbm>>
          %dma_wait3A_55 = tpu.memref_slice %arg4[%mul3A_53] : memref<160000xi32, #tpu.memory_space<hbm>> -> memref<128xi32, #tpu.memory_space<hbm>>
          tpu.wait_dma2 semaphore(%run_scoped3A : memref<!tpu.dma_semaphore, #tpu.memory_space<semaphore_mem>>) src(%dma_wait3A_55 : memref<128xi32, #tpu.memory_space<hbm>>) dst(%arg9 : memref<128xi32, #tpu.memory_space<vmem>>)
          tpu.yield
        }) : () -> ()
        "tpu.region"() ({
          %run_scoped3A = tpu.sem_alloc : memref<!tpu.dma_semaphore, #tpu.memory_space<semaphore_mem>>
          %dma_start3A = tpu.memref_slice %arg5[%mul3A_53] : memref<160000xi32, #tpu.memory_space<hbm>> -> memref<128xi32, #tpu.memory_space<hbm>>
          %dma_start3A_54 = tpu.memref_slice %arg5[%mul3A_53] : memref<160000xi32, #tpu.memory_space<hbm>> -> memref<128xi32, #tpu.memory_space<hbm>>
          tpu.enqueue_dma source(%dma_start3A_54 : memref<128xi32, #tpu.memory_space<hbm>>) target(%arg10 : memref<128xi32, #tpu.memory_space<vmem>>) target_semaphore(%run_scoped3A : memref<!tpu.dma_semaphore, #tpu.memory_space<semaphore_mem>>)
          %dma_wait3A = tpu.memref_slice %arg5[%mul3A_53] : memref<160000xi32, #tpu.memory_space<hbm>> -> memref<128xi32, #tpu.memory_space<hbm>>
          %dma_wait3A_55 = tpu.memref_slice %arg5[%mul3A_53] : memref<160000xi32, #tpu.memory_space<hbm>> -> memref<128xi32, #tpu.memory_space<hbm>>
          tpu.wait_dma2 semaphore(%run_scoped3A : memref<!tpu.dma_semaphore, #tpu.memory_space<semaphore_mem>>) src(%dma_wait3A_55 : memref<128xi32, #tpu.memory_space<hbm>>) dst(%arg10 : memref<128xi32, #tpu.memory_space<vmem>>)
          tpu.yield
        }) : () -> ()
        "tpu.region"() ({
          %run_scoped3A = tpu.sem_alloc : memref<!tpu.dma_semaphore, #tpu.memory_space<semaphore_mem>>
          %dma_start3A = arith.constant 0 : i32
          %dma_start3A_54 = arith.constant 0 : i32
          %dma_start3A_55 = tpu.memref_slice %arg12[%dma_start3A, %dma_start3A_54] : memref<10008x128xf32, #tpu.memory_space<vmem_shared>> -> memref<10008x128xf32, #tpu.memory_space<vmem_shared>>
          tpu.enqueue_indirect_dma source(%arg11 : memref<128x128xf32, #tpu.memory_space<vmem>>) target(%dma_start3A_55 : memref<10008x128xf32, #tpu.memory_space<vmem_shared>>) offsets(%arg10 : memref<128xi32, #tpu.memory_space<vmem>>) semaphore(%run_scoped3A : memref<!tpu.dma_semaphore, #tpu.memory_space<semaphore_mem>>) {add = true}
          %dma_wait3A = arith.constant 0 : i32
          %dma_wait3A_56 = arith.constant 0 : i32
          %dma_wait3A_57 = tpu.memref_slice %arg12[%dma_wait3A, %dma_wait3A_56] : memref<10008x128xf32, #tpu.memory_space<vmem_shared>> -> memref<10008x128xf32, #tpu.memory_space<vmem_shared>>
          tpu.wait_indirect_dma semaphore(%run_scoped3A : memref<!tpu.dma_semaphore, #tpu.memory_space<semaphore_mem>>) src(%arg11 : memref<128x128xf32, #tpu.memory_space<vmem>>) dst(%dma_wait3A_57 : memref<10008x128xf32, #tpu.memory_space<vmem_shared>>)
          tpu.yield
        }) : () -> ()
      }
      %while3A_49 = arith.constant 1 : i32
      scf.for %while3A_50 = %while3A_47 to %while3A_43 step %while3A_49  : i32 {
        %mul3A = arith.muli %while3A_50, %while3A_40 : i32
        %add3A_51 = arith.addi %arg1, %mul3A : i32
        %mul3A_52 = arith.constant 128 : i32
        %mul3A_53 = arith.muli %add3A_51, %mul3A_52 : i32
        "tpu.region"() ({
          %run_scoped3A = tpu.sem_alloc : memref<!tpu.dma_semaphore, #tpu.memory_space<semaphore_mem>>
          %dma_start3A = tpu.memref_slice %arg4[%mul3A_53] : memref<160000xi32, #tpu.memory_space<hbm>> -> memref<128xi32, #tpu.memory_space<hbm>>
          %dma_start3A_54 = tpu.memref_slice %arg4[%mul3A_53] : memref<160000xi32, #tpu.memory_space<hbm>> -> memref<128xi32, #tpu.memory_space<hbm>>
          tpu.enqueue_dma source(%dma_start3A_54 : memref<128xi32, #tpu.memory_space<hbm>>) target(%arg9 : memref<128xi32, #tpu.memory_space<vmem>>) target_semaphore(%run_scoped3A : memref<!tpu.dma_semaphore, #tpu.memory_space<semaphore_mem>>)
          %dma_wait3A = tpu.memref_slice %arg4[%mul3A_53] : memref<160000xi32, #tpu.memory_space<hbm>> -> memref<128xi32, #tpu.memory_space<hbm>>
          %dma_wait3A_55 = tpu.memref_slice %arg4[%mul3A_53] : memref<160000xi32, #tpu.memory_space<hbm>> -> memref<128xi32, #tpu.memory_space<hbm>>
          tpu.wait_dma2 semaphore(%run_scoped3A : memref<!tpu.dma_semaphore, #tpu.memory_space<semaphore_mem>>) src(%dma_wait3A_55 : memref<128xi32, #tpu.memory_space<hbm>>) dst(%arg9 : memref<128xi32, #tpu.memory_space<vmem>>)
          tpu.yield
        }) : () -> ()
        "tpu.region"() ({
          %run_scoped3A = tpu.sem_alloc : memref<!tpu.dma_semaphore, #tpu.memory_space<semaphore_mem>>
          %dma_start3A = tpu.memref_slice %arg5[%mul3A_53] : memref<160000xi32, #tpu.memory_space<hbm>> -> memref<128xi32, #tpu.memory_space<hbm>>
          %dma_start3A_54 = tpu.memref_slice %arg5[%mul3A_53] : memref<160000xi32, #tpu.memory_space<hbm>> -> memref<128xi32, #tpu.memory_space<hbm>>
          tpu.enqueue_dma source(%dma_start3A_54 : memref<128xi32, #tpu.memory_space<hbm>>) target(%arg10 : memref<128xi32, #tpu.memory_space<vmem>>) target_semaphore(%run_scoped3A : memref<!tpu.dma_semaphore, #tpu.memory_space<semaphore_mem>>)
          %dma_wait3A = tpu.memref_slice %arg5[%mul3A_53] : memref<160000xi32, #tpu.memory_space<hbm>> -> memref<128xi32, #tpu.memory_space<hbm>>
          %dma_wait3A_55 = tpu.memref_slice %arg5[%mul3A_53] : memref<160000xi32, #tpu.memory_space<hbm>> -> memref<128xi32, #tpu.memory_space<hbm>>
          tpu.wait_dma2 semaphore(%run_scoped3A : memref<!tpu.dma_semaphore, #tpu.memory_space<semaphore_mem>>) src(%dma_wait3A_55 : memref<128xi32, #tpu.memory_space<hbm>>) dst(%arg10 : memref<128xi32, #tpu.memory_space<vmem>>)
          tpu.yield
        }) : () -> ()
        "tpu.region"() ({
          %run_scoped3A = tpu.sem_alloc : memref<!tpu.dma_semaphore, #tpu.memory_space<semaphore_mem>>
          %dma_start3A = arith.constant 0 : i32
          %dma_start3A_54 = arith.constant 0 : i32
          %dma_start3A_55 = tpu.memref_slice %arg12[%dma_start3A, %dma_start3A_54] : memref<10008x128xf32, #tpu.memory_space<vmem_shared>> -> memref<10008x128xf32, #tpu.memory_space<vmem_shared>>
          tpu.enqueue_indirect_dma source(%arg11 : memref<128x128xf32, #tpu.memory_space<vmem>>) target(%dma_start3A_55 : memref<10008x128xf32, #tpu.memory_space<vmem_shared>>) offsets(%arg10 : memref<128xi32, #tpu.memory_space<vmem>>) semaphore(%run_scoped3A : memref<!tpu.dma_semaphore, #tpu.memory_space<semaphore_mem>>) {add = true}
          %dma_wait3A = arith.constant 0 : i32
          %dma_wait3A_56 = arith.constant 0 : i32
          %dma_wait3A_57 = tpu.memref_slice %arg12[%dma_wait3A, %dma_wait3A_56] : memref<10008x128xf32, #tpu.memory_space<vmem_shared>> -> memref<10008x128xf32, #tpu.memory_space<vmem_shared>>
          tpu.wait_indirect_dma semaphore(%run_scoped3A : memref<!tpu.dma_semaphore, #tpu.memory_space<semaphore_mem>>) src(%arg11 : memref<128x128xf32, #tpu.memory_space<vmem>>) dst(%dma_wait3A_57 : memref<10008x128xf32, #tpu.memory_space<vmem_shared>>)
          tpu.yield
        }) : () -> ()
      }
    } else {
    }
    %eq3A_16 = arith.constant 1 : i32
    %eq3A_17 = arith.cmpi eq, %arg0, %eq3A_16 : i32
    %convert_element_type3A_18 = arith.extui %eq3A_17 : i1 to i32
    %cond3A_19 = arith.constant 0 : i32
    %cond3A_20 = arith.cmpi ne, %convert_element_type3A_18, %cond3A_19 : i32
    scf.if %cond3A_20 {
      %sub3A_32 = arith.constant 1250 : i32
      %sub3A_33 = arith.subi %sub3A_32, %arg1 : i32
      %sub3A_34 = arith.constant 16 : i32
      %sub3A_35 = arith.constant 1 : i32
      %sub3A_36 = arith.subi %sub3A_34, %sub3A_35 : i32
      %add3A_37 = arith.addi %sub3A_33, %sub3A_36 : i32
      %div3A_38 = arith.constant 16 : i32
      %div3A_39 = arith.divsi %add3A_37, %div3A_38 : i32
      %while3A_40 = arith.constant 16 : i32
      %while3A_41 = arith.constant 0 : i32
      %while3A_42 = arith.subi %div3A_39, %while3A_41 : i32
      %while3A_43 = arith.addi %while3A_41, %while3A_42 : i32
      %while3A_44 = arith.constant 1 : i32
      %while3A_45 = arith.divsi %while3A_42, %while3A_44 : i32
      %while3A_46 = arith.muli %while3A_45, %while3A_44 : i32
      %while3A_47 = arith.addi %while3A_41, %while3A_46 : i32
      %while3A_48 = arith.constant 1 : i32
      scf.for %while3A_50 = %while3A_41 to %while3A_47 step %while3A_48  : i32 {
        %mul3A = arith.muli %while3A_50, %while3A_40 : i32
        %add3A_51 = arith.addi %arg1, %mul3A : i32
        %mul3A_52 = arith.constant 128 : i32
        %mul3A_53 = arith.muli %add3A_51, %mul3A_52 : i32
        "tpu.region"() ({
          %run_scoped3A = tpu.sem_alloc : memref<!tpu.dma_semaphore, #tpu.memory_space<semaphore_mem>>
          %dma_start3A = tpu.memref_slice %arg4[%mul3A_53] : memref<160000xi32, #tpu.memory_space<hbm>> -> memref<128xi32, #tpu.memory_space<hbm>>
          %dma_start3A_54 = tpu.memref_slice %arg4[%mul3A_53] : memref<160000xi32, #tpu.memory_space<hbm>> -> memref<128xi32, #tpu.memory_space<hbm>>
          tpu.enqueue_dma source(%dma_start3A_54 : memref<128xi32, #tpu.memory_space<hbm>>) target(%arg9 : memref<128xi32, #tpu.memory_space<vmem>>) target_semaphore(%run_scoped3A : memref<!tpu.dma_semaphore, #tpu.memory_space<semaphore_mem>>)
          %dma_wait3A = tpu.memref_slice %arg4[%mul3A_53] : memref<160000xi32, #tpu.memory_space<hbm>> -> memref<128xi32, #tpu.memory_space<hbm>>
          %dma_wait3A_55 = tpu.memref_slice %arg4[%mul3A_53] : memref<160000xi32, #tpu.memory_space<hbm>> -> memref<128xi32, #tpu.memory_space<hbm>>
          tpu.wait_dma2 semaphore(%run_scoped3A : memref<!tpu.dma_semaphore, #tpu.memory_space<semaphore_mem>>) src(%dma_wait3A_55 : memref<128xi32, #tpu.memory_space<hbm>>) dst(%arg9 : memref<128xi32, #tpu.memory_space<vmem>>)
          tpu.yield
        }) : () -> ()
        "tpu.region"() ({
          %run_scoped3A = tpu.sem_alloc : memref<!tpu.dma_semaphore, #tpu.memory_space<semaphore_mem>>
          %dma_start3A = tpu.memref_slice %arg5[%mul3A_53] : memref<160000xi32, #tpu.memory_space<hbm>> -> memref<128xi32, #tpu.memory_space<hbm>>
          %dma_start3A_54 = tpu.memref_slice %arg5[%mul3A_53] : memref<160000xi32, #tpu.memory_space<hbm>> -> memref<128xi32, #tpu.memory_space<hbm>>
          tpu.enqueue_dma source(%dma_start3A_54 : memref<128xi32, #tpu.memory_space<hbm>>) target(%arg10 : memref<128xi32, #tpu.memory_space<vmem>>) target_semaphore(%run_scoped3A : memref<!tpu.dma_semaphore, #tpu.memory_space<semaphore_mem>>)
          %dma_wait3A = tpu.memref_slice %arg5[%mul3A_53] : memref<160000xi32, #tpu.memory_space<hbm>> -> memref<128xi32, #tpu.memory_space<hbm>>
          %dma_wait3A_55 = tpu.memref_slice %arg5[%mul3A_53] : memref<160000xi32, #tpu.memory_space<hbm>> -> memref<128xi32, #tpu.memory_space<hbm>>
          tpu.wait_dma2 semaphore(%run_scoped3A : memref<!tpu.dma_semaphore, #tpu.memory_space<semaphore_mem>>) src(%dma_wait3A_55 : memref<128xi32, #tpu.memory_space<hbm>>) dst(%arg10 : memref<128xi32, #tpu.memory_space<vmem>>)
          tpu.yield
        }) : () -> ()
        "tpu.region"() ({
          %run_scoped3A = tpu.sem_alloc : memref<!tpu.dma_semaphore, #tpu.memory_space<semaphore_mem>>
          %dma_start3A = arith.constant 0 : i32
          %dma_start3A_54 = arith.constant 0 : i32
          %dma_start3A_55 = tpu.memref_slice %arg12[%dma_start3A, %dma_start3A_54] : memref<10008x128xf32, #tpu.memory_space<vmem_shared>> -> memref<10008x128xf32, #tpu.memory_space<vmem_shared>>
          tpu.enqueue_indirect_dma source(%arg11 : memref<128x128xf32, #tpu.memory_space<vmem>>) target(%dma_start3A_55 : memref<10008x128xf32, #tpu.memory_space<vmem_shared>>) offsets(%arg10 : memref<128xi32, #tpu.memory_space<vmem>>) semaphore(%run_scoped3A : memref<!tpu.dma_semaphore, #tpu.memory_space<semaphore_mem>>) {add = true}
          %dma_wait3A = arith.constant 0 : i32
          %dma_wait3A_56 = arith.constant 0 : i32
          %dma_wait3A_57 = tpu.memref_slice %arg12[%dma_wait3A, %dma_wait3A_56] : memref<10008x128xf32, #tpu.memory_space<vmem_shared>> -> memref<10008x128xf32, #tpu.memory_space<vmem_shared>>
          tpu.wait_indirect_dma semaphore(%run_scoped3A : memref<!tpu.dma_semaphore, #tpu.memory_space<semaphore_mem>>) src(%arg11 : memref<128x128xf32, #tpu.memory_space<vmem>>) dst(%dma_wait3A_57 : memref<10008x128xf32, #tpu.memory_space<vmem_shared>>)
          tpu.yield
        }) : () -> ()
      }
      %while3A_49 = arith.constant 1 : i32
      scf.for %while3A_50 = %while3A_47 to %while3A_43 step %while3A_49  : i32 {
        %mul3A = arith.muli %while3A_50, %while3A_40 : i32
        %add3A_51 = arith.addi %arg1, %mul3A : i32
        %mul3A_52 = arith.constant 128 : i32
        %mul3A_53 = arith.muli %add3A_51, %mul3A_52 : i32
        "tpu.region"() ({
          %run_scoped3A = tpu.sem_alloc : memref<!tpu.dma_semaphore, #tpu.memory_space<semaphore_mem>>
          %dma_start3A = tpu.memref_slice %arg4[%mul3A_53] : memref<160000xi32, #tpu.memory_space<hbm>> -> memref<128xi32, #tpu.memory_space<hbm>>
          %dma_start3A_54 = tpu.memref_slice %arg4[%mul3A_53] : memref<160000xi32, #tpu.memory_space<hbm>> -> memref<128xi32, #tpu.memory_space<hbm>>
          tpu.enqueue_dma source(%dma_start3A_54 : memref<128xi32, #tpu.memory_space<hbm>>) target(%arg9 : memref<128xi32, #tpu.memory_space<vmem>>) target_semaphore(%run_scoped3A : memref<!tpu.dma_semaphore, #tpu.memory_space<semaphore_mem>>)
          %dma_wait3A = tpu.memref_slice %arg4[%mul3A_53] : memref<160000xi32, #tpu.memory_space<hbm>> -> memref<128xi32, #tpu.memory_space<hbm>>
          %dma_wait3A_55 = tpu.memref_slice %arg4[%mul3A_53] : memref<160000xi32, #tpu.memory_space<hbm>> -> memref<128xi32, #tpu.memory_space<hbm>>
          tpu.wait_dma2 semaphore(%run_scoped3A : memref<!tpu.dma_semaphore, #tpu.memory_space<semaphore_mem>>) src(%dma_wait3A_55 : memref<128xi32, #tpu.memory_space<hbm>>) dst(%arg9 : memref<128xi32, #tpu.memory_space<vmem>>)
          tpu.yield
        }) : () -> ()
        "tpu.region"() ({
          %run_scoped3A = tpu.sem_alloc : memref<!tpu.dma_semaphore, #tpu.memory_space<semaphore_mem>>
          %dma_start3A = tpu.memref_slice %arg5[%mul3A_53] : memref<160000xi32, #tpu.memory_space<hbm>> -> memref<128xi32, #tpu.memory_space<hbm>>
          %dma_start3A_54 = tpu.memref_slice %arg5[%mul3A_53] : memref<160000xi32, #tpu.memory_space<hbm>> -> memref<128xi32, #tpu.memory_space<hbm>>
          tpu.enqueue_dma source(%dma_start3A_54 : memref<128xi32, #tpu.memory_space<hbm>>) target(%arg10 : memref<128xi32, #tpu.memory_space<vmem>>) target_semaphore(%run_scoped3A : memref<!tpu.dma_semaphore, #tpu.memory_space<semaphore_mem>>)
          %dma_wait3A = tpu.memref_slice %arg5[%mul3A_53] : memref<160000xi32, #tpu.memory_space<hbm>> -> memref<128xi32, #tpu.memory_space<hbm>>
          %dma_wait3A_55 = tpu.memref_slice %arg5[%mul3A_53] : memref<160000xi32, #tpu.memory_space<hbm>> -> memref<128xi32, #tpu.memory_space<hbm>>
          tpu.wait_dma2 semaphore(%run_scoped3A : memref<!tpu.dma_semaphore, #tpu.memory_space<semaphore_mem>>) src(%dma_wait3A_55 : memref<128xi32, #tpu.memory_space<hbm>>) dst(%arg10 : memref<128xi32, #tpu.memory_space<vmem>>)
          tpu.yield
        }) : () -> ()
        "tpu.region"() ({
          %run_scoped3A = tpu.sem_alloc : memref<!tpu.dma_semaphore, #tpu.memory_space<semaphore_mem>>
          %dma_start3A = arith.constant 0 : i32
          %dma_start3A_54 = arith.constant 0 : i32
          %dma_start3A_55 = tpu.memref_slice %arg12[%dma_start3A, %dma_start3A_54] : memref<10008x128xf32, #tpu.memory_space<vmem_shared>> -> memref<10008x128xf32, #tpu.memory_space<vmem_shared>>
          tpu.enqueue_indirect_dma source(%arg11 : memref<128x128xf32, #tpu.memory_space<vmem>>) target(%dma_start3A_55 : memref<10008x128xf32, #tpu.memory_space<vmem_shared>>) offsets(%arg10 : memref<128xi32, #tpu.memory_space<vmem>>) semaphore(%run_scoped3A : memref<!tpu.dma_semaphore, #tpu.memory_space<semaphore_mem>>) {add = true}
          %dma_wait3A = arith.constant 0 : i32
          %dma_wait3A_56 = arith.constant 0 : i32
          %dma_wait3A_57 = tpu.memref_slice %arg12[%dma_wait3A, %dma_wait3A_56] : memref<10008x128xf32, #tpu.memory_space<vmem_shared>> -> memref<10008x128xf32, #tpu.memory_space<vmem_shared>>
          tpu.wait_indirect_dma semaphore(%run_scoped3A : memref<!tpu.dma_semaphore, #tpu.memory_space<semaphore_mem>>) src(%arg11 : memref<128x128xf32, #tpu.memory_space<vmem>>) dst(%dma_wait3A_57 : memref<10008x128xf32, #tpu.memory_space<vmem_shared>>)
          tpu.yield
        }) : () -> ()
      }
    } else {
    }
    %barrier3A_21 = arith.constant 0 : index
    tpu.barrier barrier_id(%barrier3A_21)
    %eq3A_22 = arith.constant 0 : i32
    %eq3A_23 = arith.cmpi eq, %arg0, %eq3A_22 : i32
    %convert_element_type3A_24 = arith.extui %eq3A_23 : i1 to i32
    %cond3A_25 = arith.constant 0 : i32
    %cond3A_26 = arith.cmpi ne, %convert_element_type3A_24, %cond3A_25 : i32
    scf.if %cond3A_26 {
      %sub3A_32 = arith.constant 125 : i32
      %sub3A_33 = arith.subi %sub3A_32, %arg1 : i32
      %sub3A_34 = arith.constant 16 : i32
      %sub3A_35 = arith.constant 1 : i32
      %sub3A_36 = arith.subi %sub3A_34, %sub3A_35 : i32
      %add3A_37 = arith.addi %sub3A_33, %sub3A_36 : i32
      %div3A_38 = arith.constant 16 : i32
      %div3A_39 = arith.divsi %add3A_37, %div3A_38 : i32
      %while3A_40 = arith.constant 16 : i32
      %while3A_41 = arith.constant 0 : i32
      %while3A_42 = arith.subi %div3A_39, %while3A_41 : i32
      %while3A_43 = arith.addi %while3A_41, %while3A_42 : i32
      %while3A_44 = arith.constant 1 : i32
      %while3A_45 = arith.divsi %while3A_42, %while3A_44 : i32
      %while3A_46 = arith.muli %while3A_45, %while3A_44 : i32
      %while3A_47 = arith.addi %while3A_41, %while3A_46 : i32
      %while3A_48 = arith.constant 1 : i32
      scf.for %while3A_50 = %while3A_41 to %while3A_47 step %while3A_48  : i32 {
        %mul3A = arith.muli %while3A_50, %while3A_40 : i32
        %add3A_51 = arith.addi %arg1, %mul3A : i32
        %mul3A_52 = arith.constant 80 : i32
        %mul3A_53 = arith.muli %add3A_51, %mul3A_52 : i32
        %mul3A_54 = arith.constant 80 : i32
        %mul3A_55 = arith.muli %add3A_51, %mul3A_54 : i32
        "tpu.region"() ({
          %run_scoped3A = tpu.sem_alloc : memref<!tpu.dma_semaphore, #tpu.memory_space<semaphore_mem>>
          %dma_start3A = arith.constant 0 : i32
          %dma_start3A_56 = tpu.memref_slice %arg7[%mul3A_55, %dma_start3A] : memref<10000x128xf32, #tpu.memory_space<hbm>> -> memref<80x128xf32, #tpu.memory_space<hbm>>
          %dma_start3A_57 = arith.constant 0 : i32
          %dma_start3A_58 = tpu.memref_slice %arg12[%mul3A_53, %dma_start3A_57] : memref<10008x128xf32, #tpu.memory_space<vmem_shared>> -> memref<80x128xf32, #tpu.memory_space<vmem_shared>>
          tpu.enqueue_dma source(%dma_start3A_58 : memref<80x128xf32, #tpu.memory_space<vmem_shared>>) target(%dma_start3A_56 : memref<80x128xf32, #tpu.memory_space<hbm>>) target_semaphore(%run_scoped3A : memref<!tpu.dma_semaphore, #tpu.memory_space<semaphore_mem>>)
          %dma_wait3A = arith.constant 0 : i32
          %dma_wait3A_59 = tpu.memref_slice %arg7[%mul3A_55, %dma_wait3A] : memref<10000x128xf32, #tpu.memory_space<hbm>> -> memref<80x128xf32, #tpu.memory_space<hbm>>
          %dma_wait3A_60 = arith.constant 0 : i32
          %dma_wait3A_61 = tpu.memref_slice %arg12[%mul3A_53, %dma_wait3A_60] : memref<10008x128xf32, #tpu.memory_space<vmem_shared>> -> memref<80x128xf32, #tpu.memory_space<vmem_shared>>
          tpu.wait_dma2 semaphore(%run_scoped3A : memref<!tpu.dma_semaphore, #tpu.memory_space<semaphore_mem>>) src(%dma_wait3A_61 : memref<80x128xf32, #tpu.memory_space<vmem_shared>>) dst(%dma_wait3A_59 : memref<80x128xf32, #tpu.memory_space<hbm>>)
          tpu.yield
        }) : () -> ()
      }
      %while3A_49 = arith.constant 1 : i32
      scf.for %while3A_50 = %while3A_47 to %while3A_43 step %while3A_49  : i32 {
        %mul3A = arith.muli %while3A_50, %while3A_40 : i32
        %add3A_51 = arith.addi %arg1, %mul3A : i32
        %mul3A_52 = arith.constant 80 : i32
        %mul3A_53 = arith.muli %add3A_51, %mul3A_52 : i32
        %mul3A_54 = arith.constant 80 : i32
        %mul3A_55 = arith.muli %add3A_51, %mul3A_54 : i32
        "tpu.region"() ({
          %run_scoped3A = tpu.sem_alloc : memref<!tpu.dma_semaphore, #tpu.memory_space<semaphore_mem>>
          %dma_start3A = arith.constant 0 : i32
          %dma_start3A_56 = tpu.memref_slice %arg7[%mul3A_55, %dma_start3A] : memref<10000x128xf32, #tpu.memory_space<hbm>> -> memref<80x128xf32, #tpu.memory_space<hbm>>
          %dma_start3A_57 = arith.constant 0 : i32
          %dma_start3A_58 = tpu.memref_slice %arg12[%mul3A_53, %dma_start3A_57] : memref<10008x128xf32, #tpu.memory_space<vmem_shared>> -> memref<80x128xf32, #tpu.memory_space<vmem_shared>>
          tpu.enqueue_dma source(%dma_start3A_58 : memref<80x128xf32, #tpu.memory_space<vmem_shared>>) target(%dma_start3A_56 : memref<80x128xf32, #tpu.memory_space<hbm>>) target_semaphore(%run_scoped3A : memref<!tpu.dma_semaphore, #tpu.memory_space<semaphore_mem>>)
          %dma_wait3A = arith.constant 0 : i32
          %dma_wait3A_59 = tpu.memref_slice %arg7[%mul3A_55, %dma_wait3A] : memref<10000x128xf32, #tpu.memory_space<hbm>> -> memref<80x128xf32, #tpu.memory_space<hbm>>
          %dma_wait3A_60 = arith.constant 0 : i32
          %dma_wait3A_61 = tpu.memref_slice %arg12[%mul3A_53, %dma_wait3A_60] : memref<10008x128xf32, #tpu.memory_space<vmem_shared>> -> memref<80x128xf32, #tpu.memory_space<vmem_shared>>
          tpu.wait_dma2 semaphore(%run_scoped3A : memref<!tpu.dma_semaphore, #tpu.memory_space<semaphore_mem>>) src(%dma_wait3A_61 : memref<80x128xf32, #tpu.memory_space<vmem_shared>>) dst(%dma_wait3A_59 : memref<80x128xf32, #tpu.memory_space<hbm>>)
          tpu.yield
        }) : () -> ()
      }
    } else {
    }
    %eq3A_27 = arith.constant 1 : i32
    %eq3A_28 = arith.cmpi eq, %arg0, %eq3A_27 : i32
    %convert_element_type3A_29 = arith.extui %eq3A_28 : i1 to i32
    %cond3A_30 = arith.constant 0 : i32
    %cond3A_31 = arith.cmpi ne, %convert_element_type3A_29, %cond3A_30 : i32
    scf.if %cond3A_31 {
      %sub3A_32 = arith.constant 125 : i32
      %sub3A_33 = arith.subi %sub3A_32, %arg1 : i32
      %sub3A_34 = arith.constant 16 : i32
      %sub3A_35 = arith.constant 1 : i32
      %sub3A_36 = arith.subi %sub3A_34, %sub3A_35 : i32
      %add3A_37 = arith.addi %sub3A_33, %sub3A_36 : i32
      %div3A_38 = arith.constant 16 : i32
      %div3A_39 = arith.divsi %add3A_37, %div3A_38 : i32
      %while3A_40 = arith.constant 16 : i32
      %while3A_41 = arith.constant 0 : i32
      %while3A_42 = arith.subi %div3A_39, %while3A_41 : i32
      %while3A_43 = arith.addi %while3A_41, %while3A_42 : i32
      %while3A_44 = arith.constant 1 : i32
      %while3A_45 = arith.divsi %while3A_42, %while3A_44 : i32
      %while3A_46 = arith.muli %while3A_45, %while3A_44 : i32
      %while3A_47 = arith.addi %while3A_41, %while3A_46 : i32
      %while3A_48 = arith.constant 1 : i32
      scf.for %while3A_50 = %while3A_41 to %while3A_47 step %while3A_48  : i32 {
        %mul3A = arith.muli %while3A_50, %while3A_40 : i32
        %add3A_51 = arith.addi %arg1, %mul3A : i32
        %mul3A_52 = arith.constant 80 : i32
        %mul3A_53 = arith.muli %add3A_51, %mul3A_52 : i32
        %mul3A_54 = arith.constant 80 : i32
        %mul3A_55 = arith.muli %add3A_51, %mul3A_54 : i32
        "tpu.region"() ({
          %run_scoped3A = tpu.sem_alloc : memref<!tpu.dma_semaphore, #tpu.memory_space<semaphore_mem>>
          %dma_start3A = arith.constant 0 : i32
          %dma_start3A_56 = tpu.memref_slice %arg8[%mul3A_55, %dma_start3A] : memref<10000x128xf32, #tpu.memory_space<hbm>> -> memref<80x128xf32, #tpu.memory_space<hbm>>
          %dma_start3A_57 = arith.constant 0 : i32
          %dma_start3A_58 = tpu.memref_slice %arg12[%mul3A_53, %dma_start3A_57] : memref<10008x128xf32, #tpu.memory_space<vmem_shared>> -> memref<80x128xf32, #tpu.memory_space<vmem_shared>>
          tpu.enqueue_dma source(%dma_start3A_58 : memref<80x128xf32, #tpu.memory_space<vmem_shared>>) target(%dma_start3A_56 : memref<80x128xf32, #tpu.memory_space<hbm>>) target_semaphore(%run_scoped3A : memref<!tpu.dma_semaphore, #tpu.memory_space<semaphore_mem>>)
          %dma_wait3A = arith.constant 0 : i32
          %dma_wait3A_59 = tpu.memref_slice %arg8[%mul3A_55, %dma_wait3A] : memref<10000x128xf32, #tpu.memory_space<hbm>> -> memref<80x128xf32, #tpu.memory_space<hbm>>
          %dma_wait3A_60 = arith.constant 0 : i32
          %dma_wait3A_61 = tpu.memref_slice %arg12[%mul3A_53, %dma_wait3A_60] : memref<10008x128xf32, #tpu.memory_space<vmem_shared>> -> memref<80x128xf32, #tpu.memory_space<vmem_shared>>
          tpu.wait_dma2 semaphore(%run_scoped3A : memref<!tpu.dma_semaphore, #tpu.memory_space<semaphore_mem>>) src(%dma_wait3A_61 : memref<80x128xf32, #tpu.memory_space<vmem_shared>>) dst(%dma_wait3A_59 : memref<80x128xf32, #tpu.memory_space<hbm>>)
          tpu.yield
        }) : () -> ()
      }
      %while3A_49 = arith.constant 1 : i32
      scf.for %while3A_50 = %while3A_47 to %while3A_43 step %while3A_49  : i32 {
        %mul3A = arith.muli %while3A_50, %while3A_40 : i32
        %add3A_51 = arith.addi %arg1, %mul3A : i32
        %mul3A_52 = arith.constant 80 : i32
        %mul3A_53 = arith.muli %add3A_51, %mul3A_52 : i32
        %mul3A_54 = arith.constant 80 : i32
        %mul3A_55 = arith.muli %add3A_51, %mul3A_54 : i32
        "tpu.region"() ({
          %run_scoped3A = tpu.sem_alloc : memref<!tpu.dma_semaphore, #tpu.memory_space<semaphore_mem>>
          %dma_start3A = arith.constant 0 : i32
          %dma_start3A_56 = tpu.memref_slice %arg8[%mul3A_55, %dma_start3A] : memref<10000x128xf32, #tpu.memory_space<hbm>> -> memref<80x128xf32, #tpu.memory_space<hbm>>
          %dma_start3A_57 = arith.constant 0 : i32
          %dma_start3A_58 = tpu.memref_slice %arg12[%mul3A_53, %dma_start3A_57] : memref<10008x128xf32, #tpu.memory_space<vmem_shared>> -> memref<80x128xf32, #tpu.memory_space<vmem_shared>>
          tpu.enqueue_dma source(%dma_start3A_58 : memref<80x128xf32, #tpu.memory_space<vmem_shared>>) target(%dma_start3A_56 : memref<80x128xf32, #tpu.memory_space<hbm>>) target_semaphore(%run_scoped3A : memref<!tpu.dma_semaphore, #tpu.memory_space<semaphore_mem>>)
          %dma_wait3A = arith.constant 0 : i32
          %dma_wait3A_59 = tpu.memref_slice %arg8[%mul3A_55, %dma_wait3A] : memref<10000x128xf32, #tpu.memory_space<hbm>> -> memref<80x128xf32, #tpu.memory_space<hbm>>
          %dma_wait3A_60 = arith.constant 0 : i32
          %dma_wait3A_61 = tpu.memref_slice %arg12[%mul3A_53, %dma_wait3A_60] : memref<10008x128xf32, #tpu.memory_space<vmem_shared>> -> memref<80x128xf32, #tpu.memory_space<vmem_shared>>
          tpu.wait_dma2 semaphore(%run_scoped3A : memref<!tpu.dma_semaphore, #tpu.memory_space<semaphore_mem>>) src(%dma_wait3A_61 : memref<80x128xf32, #tpu.memory_space<vmem_shared>>) dst(%dma_wait3A_59 : memref<80x128xf32, #tpu.memory_space<hbm>>)
          tpu.yield
        }) : () -> ()
      }
    } else {
    }
    return
  }
}

#map = affine_map<(d0, d1) -> (0, 0)>
#map1 = affine_map<(d0, d1) -> (0)>
module attributes {stable_mosaic.version = 14 : i64} {
  func.func @_scatter(%arg0: i32, %arg1: i32, %arg2: memref<10000x128xf32, #tpu.memory_space<hbm>>, %arg3: memref<10000x128xf32, #tpu.memory_space<hbm>>, %arg4: memref<160000xi32, #tpu.memory_space<hbm>>, %arg5: memref<160000xi32, #tpu.memory_space<hbm>>, %arg6: memref<10000x128xf32, #tpu.memory_space<hbm>>, %arg7: memref<10000x128xf32, #tpu.memory_space<hbm>>, %arg8: memref<10000x128xf32, #tpu.memory_space<hbm>>, %arg9: memref<128xi32, #tpu.memory_space<vmem>>, %arg10: memref<128xi32, #tpu.memory_space<vmem>>, %arg11: memref<128x128xf32, #tpu.memory_space<vmem>>, %arg12: memref<10008x128xf32, #tpu.memory_space<vmem_shared>>, %arg13: memref<!tpu.dma_semaphore, #tpu.memory_space<semaphore_mem>>) attributes {dimension_semantics = [#tpu.dimension_semantics<core_parallel>, #tpu.dimension_semantics<subcore_parallel>], iteration_bounds = array<i64: 2, 16>, scalar_prefetch = 0 : i64, scratch_operands = 5 : i64, tpu.core_type = #tpu.core_type<sc_vector_subcore>, window_params = [{transform_indices = #map}, {transform_indices = #map}, {transform_indices = #map1}, {transform_indices = #map1}, {transform_indices = #map}, {transform_indices = #map}, {transform_indices = #map}]} {
    %sub3A = arith.constant 125 : i32
    %sub3A_0 = arith.subi %sub3A, %arg1 : i32
    %sub3A_1 = arith.constant 16 : i32
    %sub3A_2 = arith.constant 1 : i32
    %sub3A_3 = arith.subi %sub3A_1, %sub3A_2 : i32
    %add3A = arith.addi %sub3A_0, %sub3A_3 : i32
    %div3A = arith.constant 16 : i32
    %div3A_4 = arith.divsi %add3A, %div3A : i32
    %while3A = arith.constant 16 : i32
    %while3A_5 = arith.constant 0 : i32
    %while3A_6 = arith.subi %div3A_4, %while3A_5 : i32
    %while3A_7 = arith.addi %while3A_5, %while3A_6 : i32
    %while3A_8 = arith.constant 1 : i32
    %while3A_9 = arith.divsi %while3A_6, %while3A_8 : i32
    %while3A_10 = arith.muli %while3A_9, %while3A_8 : i32
    %while3A_11 = arith.addi %while3A_5, %while3A_10 : i32
    %while3A_12 = arith.constant 1 : i32
    scf.for %while3A_32 = %while3A_5 to %while3A_11 step %while3A_12  : i32 {
      %mul3A = arith.muli %while3A_32, %while3A : i32
      %add3A_33 = arith.addi %arg1, %mul3A : i32
      %mul3A_34 = arith.constant 80 : i32
      %mul3A_35 = arith.muli %add3A_33, %mul3A_34 : i32
      %mul3A_36 = arith.constant 80 : i32
      %mul3A_37 = arith.muli %add3A_33, %mul3A_36 : i32
      "tpu.region"() ({
        %run_scoped3A = tpu.sem_alloc : memref<!tpu.dma_semaphore, #tpu.memory_space<semaphore_mem>>
        %dma_start3A = arith.constant 0 : i32
        %dma_start3A_38 = tpu.memref_slice %arg12[%mul3A_37, %dma_start3A] : memref<10008x128xf32, #tpu.memory_space<vmem_shared>> -> memref<80x128xf32, #tpu.memory_space<vmem_shared>>
        %dma_start3A_39 = arith.constant 0 : i32
        %dma_start3A_40 = tpu.memref_slice %arg6[%mul3A_35, %dma_start3A_39] : memref<10000x128xf32, #tpu.memory_space<hbm>> -> memref<80x128xf32, #tpu.memory_space<hbm>>
        tpu.enqueue_dma source(%dma_start3A_40 : memref<80x128xf32, #tpu.memory_space<hbm>>) target(%dma_start3A_38 : memref<80x128xf32, #tpu.memory_space<vmem_shared>>) target_semaphore(%run_scoped3A : memref<!tpu.dma_semaphore, #tpu.memory_space<semaphore_mem>>)
        %dma_wait3A = arith.constant 0 : i32
        %dma_wait3A_41 = tpu.memref_slice %arg12[%mul3A_37, %dma_wait3A] : memref<10008x128xf32, #tpu.memory_space<vmem_shared>> -> memref<80x128xf32, #tpu.memory_space<vmem_shared>>
        %dma_wait3A_42 = arith.constant 0 : i32
        %dma_wait3A_43 = tpu.memref_slice %arg6[%mul3A_35, %dma_wait3A_42] : memref<10000x128xf32, #tpu.memory_space<hbm>> -> memref<80x128xf32, #tpu.memory_space<hbm>>
        tpu.wait_dma2 semaphore(%run_scoped3A : memref<!tpu.dma_semaphore, #tpu.memory_space<semaphore_mem>>) src(%dma_wait3A_43 : memref<80x128xf32, #tpu.memory_space<hbm>>) dst(%dma_wait3A_41 : memref<80x128xf32, #tpu.memory_space<vmem_shared>>)
        tpu.yield
      }) : () -> ()
    }
    %while3A_13 = arith.constant 1 : i32
    scf.for %while3A_32 = %while3A_11 to %while3A_7 step %while3A_13  : i32 {
      %mul3A = arith.muli %while3A_32, %while3A : i32
      %add3A_33 = arith.addi %arg1, %mul3A : i32
      %mul3A_34 = arith.constant 80 : i32
      %mul3A_35 = arith.muli %add3A_33, %mul3A_34 : i32
      %mul3A_36 = arith.constant 80 : i32
      %mul3A_37 = arith.muli %add3A_33, %mul3A_36 : i32
      "tpu.region"() ({
        %run_scoped3A = tpu.sem_alloc : memref<!tpu.dma_semaphore, #tpu.memory_space<semaphore_mem>>
        %dma_start3A = arith.constant 0 : i32
        %dma_start3A_38 = tpu.memref_slice %arg12[%mul3A_37, %dma_start3A] : memref<10008x128xf32, #tpu.memory_space<vmem_shared>> -> memref<80x128xf32, #tpu.memory_space<vmem_shared>>
        %dma_start3A_39 = arith.constant 0 : i32
        %dma_start3A_40 = tpu.memref_slice %arg6[%mul3A_35, %dma_start3A_39] : memref<10000x128xf32, #tpu.memory_space<hbm>> -> memref<80x128xf32, #tpu.memory_space<hbm>>
        tpu.enqueue_dma source(%dma_start3A_40 : memref<80x128xf32, #tpu.memory_space<hbm>>) target(%dma_start3A_38 : memref<80x128xf32, #tpu.memory_space<vmem_shared>>) target_semaphore(%run_scoped3A : memref<!tpu.dma_semaphore, #tpu.memory_space<semaphore_mem>>)
        %dma_wait3A = arith.constant 0 : i32
        %dma_wait3A_41 = tpu.memref_slice %arg12[%mul3A_37, %dma_wait3A] : memref<10008x128xf32, #tpu.memory_space<vmem_shared>> -> memref<80x128xf32, #tpu.memory_space<vmem_shared>>
        %dma_wait3A_42 = arith.constant 0 : i32
        %dma_wait3A_43 = tpu.memref_slice %arg6[%mul3A_35, %dma_wait3A_42] : memref<10000x128xf32, #tpu.memory_space<hbm>> -> memref<80x128xf32, #tpu.memory_space<hbm>>
        tpu.wait_dma2 semaphore(%run_scoped3A : memref<!tpu.dma_semaphore, #tpu.memory_space<semaphore_mem>>) src(%dma_wait3A_43 : memref<80x128xf32, #tpu.memory_space<hbm>>) dst(%dma_wait3A_41 : memref<80x128xf32, #tpu.memory_space<vmem_shared>>)
        tpu.yield
      }) : () -> ()
    }
    %barrier3A = arith.constant 0 : index
    tpu.barrier barrier_id(%barrier3A)
    %eq3A = arith.constant 0 : i32
    %eq3A_14 = arith.cmpi eq, %arg0, %eq3A : i32
    %convert_element_type3A = arith.extui %eq3A_14 : i1 to i32
    %cond3A = arith.constant 0 : i32
    %cond3A_15 = arith.cmpi ne, %convert_element_type3A, %cond3A : i32
    scf.if %cond3A_15 {
      %sub3A_32 = arith.constant 1250 : i32
      %sub3A_33 = arith.subi %sub3A_32, %arg1 : i32
      %sub3A_34 = arith.constant 16 : i32
      %sub3A_35 = arith.constant 1 : i32
      %sub3A_36 = arith.subi %sub3A_34, %sub3A_35 : i32
      %add3A_37 = arith.addi %sub3A_33, %sub3A_36 : i32
      %div3A_38 = arith.constant 16 : i32
      %div3A_39 = arith.divsi %add3A_37, %div3A_38 : i32
      %while3A_40 = arith.constant 16 : i32
      %while3A_41 = arith.constant 0 : i32
      %while3A_42 = arith.subi %div3A_39, %while3A_41 : i32
      %while3A_43 = arith.addi %while3A_41, %while3A_42 : i32
      %while3A_44 = arith.constant 1 : i32
      %while3A_45 = arith.divsi %while3A_42, %while3A_44 : i32
      %while3A_46 = arith.muli %while3A_45, %while3A_44 : i32
      %while3A_47 = arith.addi %while3A_41, %while3A_46 : i32
      %while3A_48 = arith.constant 1 : i32
      scf.for %while3A_50 = %while3A_41 to %while3A_47 step %while3A_48  : i32 {
        %mul3A = arith.muli %while3A_50, %while3A_40 : i32
        %add3A_51 = arith.addi %arg1, %mul3A : i32
        %mul3A_52 = arith.constant 128 : i32
        %mul3A_53 = arith.muli %add3A_51, %mul3A_52 : i32
        "tpu.region"() ({
          %run_scoped3A = tpu.sem_alloc : memref<!tpu.dma_semaphore, #tpu.memory_space<semaphore_mem>>
          %dma_start3A = tpu.memref_slice %arg4[%mul3A_53] : memref<160000xi32, #tpu.memory_space<hbm>> -> memref<128xi32, #tpu.memory_space<hbm>>
          %dma_start3A_54 = tpu.memref_slice %arg4[%mul3A_53] : memref<160000xi32, #tpu.memory_space<hbm>> -> memref<128xi32, #tpu.memory_space<hbm>>
          tpu.enqueue_dma source(%dma_start3A_54 : memref<128xi32, #tpu.memory_space<hbm>>) target(%arg9 : memref<128xi32, #tpu.memory_space<vmem>>) target_semaphore(%run_scoped3A : memref<!tpu.dma_semaphore, #tpu.memory_space<semaphore_mem>>)
          %dma_wait3A = tpu.memref_slice %arg4[%mul3A_53] : memref<160000xi32, #tpu.memory_space<hbm>> -> memref<128xi32, #tpu.memory_space<hbm>>
          %dma_wait3A_55 = tpu.memref_slice %arg4[%mul3A_53] : memref<160000xi32, #tpu.memory_space<hbm>> -> memref<128xi32, #tpu.memory_space<hbm>>
          tpu.wait_dma2 semaphore(%run_scoped3A : memref<!tpu.dma_semaphore, #tpu.memory_space<semaphore_mem>>) src(%dma_wait3A_55 : memref<128xi32, #tpu.memory_space<hbm>>) dst(%arg9 : memref<128xi32, #tpu.memory_space<vmem>>)
          tpu.yield
        }) : () -> ()
        "tpu.region"() ({
          %run_scoped3A = tpu.sem_alloc : memref<!tpu.dma_semaphore, #tpu.memory_space<semaphore_mem>>
          %dma_start3A = tpu.memref_slice %arg5[%mul3A_53] : memref<160000xi32, #tpu.memory_space<hbm>> -> memref<128xi32, #tpu.memory_space<hbm>>
          %dma_start3A_54 = tpu.memref_slice %arg5[%mul3A_53] : memref<160000xi32, #tpu.memory_space<hbm>> -> memref<128xi32, #tpu.memory_space<hbm>>
          tpu.enqueue_dma source(%dma_start3A_54 : memref<128xi32, #tpu.memory_space<hbm>>) target(%arg10 : memref<128xi32, #tpu.memory_space<vmem>>) target_semaphore(%run_scoped3A : memref<!tpu.dma_semaphore, #tpu.memory_space<semaphore_mem>>)
          %dma_wait3A = tpu.memref_slice %arg5[%mul3A_53] : memref<160000xi32, #tpu.memory_space<hbm>> -> memref<128xi32, #tpu.memory_space<hbm>>
          %dma_wait3A_55 = tpu.memref_slice %arg5[%mul3A_53] : memref<160000xi32, #tpu.memory_space<hbm>> -> memref<128xi32, #tpu.memory_space<hbm>>
          tpu.wait_dma2 semaphore(%run_scoped3A : memref<!tpu.dma_semaphore, #tpu.memory_space<semaphore_mem>>) src(%dma_wait3A_55 : memref<128xi32, #tpu.memory_space<hbm>>) dst(%arg10 : memref<128xi32, #tpu.memory_space<vmem>>)
          tpu.yield
        }) : () -> ()
        "tpu.region"() ({
          %run_scoped3A = tpu.sem_alloc : memref<!tpu.dma_semaphore, #tpu.memory_space<semaphore_mem>>
          %dma_start3A = arith.constant 0 : i32
          %dma_start3A_54 = arith.constant 0 : i32
          %dma_start3A_55 = tpu.memref_slice %arg12[%dma_start3A, %dma_start3A_54] : memref<10008x128xf32, #tpu.memory_space<vmem_shared>> -> memref<10008x128xf32, #tpu.memory_space<vmem_shared>>
          tpu.enqueue_indirect_dma source(%arg11 : memref<128x128xf32, #tpu.memory_space<vmem>>) target(%dma_start3A_55 : memref<10008x128xf32, #tpu.memory_space<vmem_shared>>) offsets(%arg10 : memref<128xi32, #tpu.memory_space<vmem>>) semaphore(%run_scoped3A : memref<!tpu.dma_semaphore, #tpu.memory_space<semaphore_mem>>) {add = true}
          %dma_wait3A = arith.constant 0 : i32
          %dma_wait3A_56 = arith.constant 0 : i32
          %dma_wait3A_57 = tpu.memref_slice %arg12[%dma_wait3A, %dma_wait3A_56] : memref<10008x128xf32, #tpu.memory_space<vmem_shared>> -> memref<10008x128xf32, #tpu.memory_space<vmem_shared>>
          tpu.wait_indirect_dma semaphore(%run_scoped3A : memref<!tpu.dma_semaphore, #tpu.memory_space<semaphore_mem>>) src(%arg11 : memref<128x128xf32, #tpu.memory_space<vmem>>) dst(%dma_wait3A_57 : memref<10008x128xf32, #tpu.memory_space<vmem_shared>>)
          tpu.yield
        }) : () -> ()
      }
      %while3A_49 = arith.constant 1 : i32
      scf.for %while3A_50 = %while3A_47 to %while3A_43 step %while3A_49  : i32 {
        %mul3A = arith.muli %while3A_50, %while3A_40 : i32
        %add3A_51 = arith.addi %arg1, %mul3A : i32
        %mul3A_52 = arith.constant 128 : i32
        %mul3A_53 = arith.muli %add3A_51, %mul3A_52 : i32
        "tpu.region"() ({
          %run_scoped3A = tpu.sem_alloc : memref<!tpu.dma_semaphore, #tpu.memory_space<semaphore_mem>>
          %dma_start3A = tpu.memref_slice %arg4[%mul3A_53] : memref<160000xi32, #tpu.memory_space<hbm>> -> memref<128xi32, #tpu.memory_space<hbm>>
          %dma_start3A_54 = tpu.memref_slice %arg4[%mul3A_53] : memref<160000xi32, #tpu.memory_space<hbm>> -> memref<128xi32, #tpu.memory_space<hbm>>
          tpu.enqueue_dma source(%dma_start3A_54 : memref<128xi32, #tpu.memory_space<hbm>>) target(%arg9 : memref<128xi32, #tpu.memory_space<vmem>>) target_semaphore(%run_scoped3A : memref<!tpu.dma_semaphore, #tpu.memory_space<semaphore_mem>>)
          %dma_wait3A = tpu.memref_slice %arg4[%mul3A_53] : memref<160000xi32, #tpu.memory_space<hbm>> -> memref<128xi32, #tpu.memory_space<hbm>>
          %dma_wait3A_55 = tpu.memref_slice %arg4[%mul3A_53] : memref<160000xi32, #tpu.memory_space<hbm>> -> memref<128xi32, #tpu.memory_space<hbm>>
          tpu.wait_dma2 semaphore(%run_scoped3A : memref<!tpu.dma_semaphore, #tpu.memory_space<semaphore_mem>>) src(%dma_wait3A_55 : memref<128xi32, #tpu.memory_space<hbm>>) dst(%arg9 : memref<128xi32, #tpu.memory_space<vmem>>)
          tpu.yield
        }) : () -> ()
        "tpu.region"() ({
          %run_scoped3A = tpu.sem_alloc : memref<!tpu.dma_semaphore, #tpu.memory_space<semaphore_mem>>
          %dma_start3A = tpu.memref_slice %arg5[%mul3A_53] : memref<160000xi32, #tpu.memory_space<hbm>> -> memref<128xi32, #tpu.memory_space<hbm>>
          %dma_start3A_54 = tpu.memref_slice %arg5[%mul3A_53] : memref<160000xi32, #tpu.memory_space<hbm>> -> memref<128xi32, #tpu.memory_space<hbm>>
          tpu.enqueue_dma source(%dma_start3A_54 : memref<128xi32, #tpu.memory_space<hbm>>) target(%arg10 : memref<128xi32, #tpu.memory_space<vmem>>) target_semaphore(%run_scoped3A : memref<!tpu.dma_semaphore, #tpu.memory_space<semaphore_mem>>)
          %dma_wait3A = tpu.memref_slice %arg5[%mul3A_53] : memref<160000xi32, #tpu.memory_space<hbm>> -> memref<128xi32, #tpu.memory_space<hbm>>
          %dma_wait3A_55 = tpu.memref_slice %arg5[%mul3A_53] : memref<160000xi32, #tpu.memory_space<hbm>> -> memref<128xi32, #tpu.memory_space<hbm>>
          tpu.wait_dma2 semaphore(%run_scoped3A : memref<!tpu.dma_semaphore, #tpu.memory_space<semaphore_mem>>) src(%dma_wait3A_55 : memref<128xi32, #tpu.memory_space<hbm>>) dst(%arg10 : memref<128xi32, #tpu.memory_space<vmem>>)
          tpu.yield
        }) : () -> ()
        "tpu.region"() ({
          %run_scoped3A = tpu.sem_alloc : memref<!tpu.dma_semaphore, #tpu.memory_space<semaphore_mem>>
          %dma_start3A = arith.constant 0 : i32
          %dma_start3A_54 = arith.constant 0 : i32
          %dma_start3A_55 = tpu.memref_slice %arg12[%dma_start3A, %dma_start3A_54] : memref<10008x128xf32, #tpu.memory_space<vmem_shared>> -> memref<10008x128xf32, #tpu.memory_space<vmem_shared>>
          tpu.enqueue_indirect_dma source(%arg11 : memref<128x128xf32, #tpu.memory_space<vmem>>) target(%dma_start3A_55 : memref<10008x128xf32, #tpu.memory_space<vmem_shared>>) offsets(%arg10 : memref<128xi32, #tpu.memory_space<vmem>>) semaphore(%run_scoped3A : memref<!tpu.dma_semaphore, #tpu.memory_space<semaphore_mem>>) {add = true}
          %dma_wait3A = arith.constant 0 : i32
          %dma_wait3A_56 = arith.constant 0 : i32
          %dma_wait3A_57 = tpu.memref_slice %arg12[%dma_wait3A, %dma_wait3A_56] : memref<10008x128xf32, #tpu.memory_space<vmem_shared>> -> memref<10008x128xf32, #tpu.memory_space<vmem_shared>>
          tpu.wait_indirect_dma semaphore(%run_scoped3A : memref<!tpu.dma_semaphore, #tpu.memory_space<semaphore_mem>>) src(%arg11 : memref<128x128xf32, #tpu.memory_space<vmem>>) dst(%dma_wait3A_57 : memref<10008x128xf32, #tpu.memory_space<vmem_shared>>)
          tpu.yield
        }) : () -> ()
      }
    } else {
    }
    %eq3A_16 = arith.constant 1 : i32
    %eq3A_17 = arith.cmpi eq, %arg0, %eq3A_16 : i32
    %convert_element_type3A_18 = arith.extui %eq3A_17 : i1 to i32
    %cond3A_19 = arith.constant 0 : i32
    %cond3A_20 = arith.cmpi ne, %convert_element_type3A_18, %cond3A_19 : i32
    scf.if %cond3A_20 {
      %sub3A_32 = arith.constant 1250 : i32
      %sub3A_33 = arith.subi %sub3A_32, %arg1 : i32
      %sub3A_34 = arith.constant 16 : i32
      %sub3A_35 = arith.constant 1 : i32
      %sub3A_36 = arith.subi %sub3A_34, %sub3A_35 : i32
      %add3A_37 = arith.addi %sub3A_33, %sub3A_36 : i32
      %div3A_38 = arith.constant 16 : i32
      %div3A_39 = arith.divsi %add3A_37, %div3A_38 : i32
      %while3A_40 = arith.constant 16 : i32
      %while3A_41 = arith.constant 0 : i32
      %while3A_42 = arith.subi %div3A_39, %while3A_41 : i32
      %while3A_43 = arith.addi %while3A_41, %while3A_42 : i32
      %while3A_44 = arith.constant 1 : i32
      %while3A_45 = arith.divsi %while3A_42, %while3A_44 : i32
      %while3A_46 = arith.muli %while3A_45, %while3A_44 : i32
      %while3A_47 = arith.addi %while3A_41, %while3A_46 : i32
      %while3A_48 = arith.constant 1 : i32
      scf.for %while3A_50 = %while3A_41 to %while3A_47 step %while3A_48  : i32 {
        %mul3A = arith.muli %while3A_50, %while3A_40 : i32
        %add3A_51 = arith.addi %arg1, %mul3A : i32
        %mul3A_52 = arith.constant 128 : i32
        %mul3A_53 = arith.muli %add3A_51, %mul3A_52 : i32
        "tpu.region"() ({
          %run_scoped3A = tpu.sem_alloc : memref<!tpu.dma_semaphore, #tpu.memory_space<semaphore_mem>>
          %dma_start3A = tpu.memref_slice %arg4[%mul3A_53] : memref<160000xi32, #tpu.memory_space<hbm>> -> memref<128xi32, #tpu.memory_space<hbm>>
          %dma_start3A_54 = tpu.memref_slice %arg4[%mul3A_53] : memref<160000xi32, #tpu.memory_space<hbm>> -> memref<128xi32, #tpu.memory_space<hbm>>
          tpu.enqueue_dma source(%dma_start3A_54 : memref<128xi32, #tpu.memory_space<hbm>>) target(%arg9 : memref<128xi32, #tpu.memory_space<vmem>>) target_semaphore(%run_scoped3A : memref<!tpu.dma_semaphore, #tpu.memory_space<semaphore_mem>>)
          %dma_wait3A = tpu.memref_slice %arg4[%mul3A_53] : memref<160000xi32, #tpu.memory_space<hbm>> -> memref<128xi32, #tpu.memory_space<hbm>>
          %dma_wait3A_55 = tpu.memref_slice %arg4[%mul3A_53] : memref<160000xi32, #tpu.memory_space<hbm>> -> memref<128xi32, #tpu.memory_space<hbm>>
          tpu.wait_dma2 semaphore(%run_scoped3A : memref<!tpu.dma_semaphore, #tpu.memory_space<semaphore_mem>>) src(%dma_wait3A_55 : memref<128xi32, #tpu.memory_space<hbm>>) dst(%arg9 : memref<128xi32, #tpu.memory_space<vmem>>)
          tpu.yield
        }) : () -> ()
        "tpu.region"() ({
          %run_scoped3A = tpu.sem_alloc : memref<!tpu.dma_semaphore, #tpu.memory_space<semaphore_mem>>
          %dma_start3A = tpu.memref_slice %arg5[%mul3A_53] : memref<160000xi32, #tpu.memory_space<hbm>> -> memref<128xi32, #tpu.memory_space<hbm>>
          %dma_start3A_54 = tpu.memref_slice %arg5[%mul3A_53] : memref<160000xi32, #tpu.memory_space<hbm>> -> memref<128xi32, #tpu.memory_space<hbm>>
          tpu.enqueue_dma source(%dma_start3A_54 : memref<128xi32, #tpu.memory_space<hbm>>) target(%arg10 : memref<128xi32, #tpu.memory_space<vmem>>) target_semaphore(%run_scoped3A : memref<!tpu.dma_semaphore, #tpu.memory_space<semaphore_mem>>)
          %dma_wait3A = tpu.memref_slice %arg5[%mul3A_53] : memref<160000xi32, #tpu.memory_space<hbm>> -> memref<128xi32, #tpu.memory_space<hbm>>
          %dma_wait3A_55 = tpu.memref_slice %arg5[%mul3A_53] : memref<160000xi32, #tpu.memory_space<hbm>> -> memref<128xi32, #tpu.memory_space<hbm>>
          tpu.wait_dma2 semaphore(%run_scoped3A : memref<!tpu.dma_semaphore, #tpu.memory_space<semaphore_mem>>) src(%dma_wait3A_55 : memref<128xi32, #tpu.memory_space<hbm>>) dst(%arg10 : memref<128xi32, #tpu.memory_space<vmem>>)
          tpu.yield
        }) : () -> ()
        "tpu.region"() ({
          %run_scoped3A = tpu.sem_alloc : memref<!tpu.dma_semaphore, #tpu.memory_space<semaphore_mem>>
          %dma_start3A = arith.constant 0 : i32
          %dma_start3A_54 = arith.constant 0 : i32
          %dma_start3A_55 = tpu.memref_slice %arg12[%dma_start3A, %dma_start3A_54] : memref<10008x128xf32, #tpu.memory_space<vmem_shared>> -> memref<10008x128xf32, #tpu.memory_space<vmem_shared>>
          tpu.enqueue_indirect_dma source(%arg11 : memref<128x128xf32, #tpu.memory_space<vmem>>) target(%dma_start3A_55 : memref<10008x128xf32, #tpu.memory_space<vmem_shared>>) offsets(%arg10 : memref<128xi32, #tpu.memory_space<vmem>>) semaphore(%run_scoped3A : memref<!tpu.dma_semaphore, #tpu.memory_space<semaphore_mem>>) {add = true}
          %dma_wait3A = arith.constant 0 : i32
          %dma_wait3A_56 = arith.constant 0 : i32
          %dma_wait3A_57 = tpu.memref_slice %arg12[%dma_wait3A, %dma_wait3A_56] : memref<10008x128xf32, #tpu.memory_space<vmem_shared>> -> memref<10008x128xf32, #tpu.memory_space<vmem_shared>>
          tpu.wait_indirect_dma semaphore(%run_scoped3A : memref<!tpu.dma_semaphore, #tpu.memory_space<semaphore_mem>>) src(%arg11 : memref<128x128xf32, #tpu.memory_space<vmem>>) dst(%dma_wait3A_57 : memref<10008x128xf32, #tpu.memory_space<vmem_shared>>)
          tpu.yield
        }) : () -> ()
      }
      %while3A_49 = arith.constant 1 : i32
      scf.for %while3A_50 = %while3A_47 to %while3A_43 step %while3A_49  : i32 {
        %mul3A = arith.muli %while3A_50, %while3A_40 : i32
        %add3A_51 = arith.addi %arg1, %mul3A : i32
        %mul3A_52 = arith.constant 128 : i32
        %mul3A_53 = arith.muli %add3A_51, %mul3A_52 : i32
        "tpu.region"() ({
          %run_scoped3A = tpu.sem_alloc : memref<!tpu.dma_semaphore, #tpu.memory_space<semaphore_mem>>
          %dma_start3A = tpu.memref_slice %arg4[%mul3A_53] : memref<160000xi32, #tpu.memory_space<hbm>> -> memref<128xi32, #tpu.memory_space<hbm>>
          %dma_start3A_54 = tpu.memref_slice %arg4[%mul3A_53] : memref<160000xi32, #tpu.memory_space<hbm>> -> memref<128xi32, #tpu.memory_space<hbm>>
          tpu.enqueue_dma source(%dma_start3A_54 : memref<128xi32, #tpu.memory_space<hbm>>) target(%arg9 : memref<128xi32, #tpu.memory_space<vmem>>) target_semaphore(%run_scoped3A : memref<!tpu.dma_semaphore, #tpu.memory_space<semaphore_mem>>)
          %dma_wait3A = tpu.memref_slice %arg4[%mul3A_53] : memref<160000xi32, #tpu.memory_space<hbm>> -> memref<128xi32, #tpu.memory_space<hbm>>
          %dma_wait3A_55 = tpu.memref_slice %arg4[%mul3A_53] : memref<160000xi32, #tpu.memory_space<hbm>> -> memref<128xi32, #tpu.memory_space<hbm>>
          tpu.wait_dma2 semaphore(%run_scoped3A : memref<!tpu.dma_semaphore, #tpu.memory_space<semaphore_mem>>) src(%dma_wait3A_55 : memref<128xi32, #tpu.memory_space<hbm>>) dst(%arg9 : memref<128xi32, #tpu.memory_space<vmem>>)
          tpu.yield
        }) : () -> ()
        "tpu.region"() ({
          %run_scoped3A = tpu.sem_alloc : memref<!tpu.dma_semaphore, #tpu.memory_space<semaphore_mem>>
          %dma_start3A = tpu.memref_slice %arg5[%mul3A_53] : memref<160000xi32, #tpu.memory_space<hbm>> -> memref<128xi32, #tpu.memory_space<hbm>>
          %dma_start3A_54 = tpu.memref_slice %arg5[%mul3A_53] : memref<160000xi32, #tpu.memory_space<hbm>> -> memref<128xi32, #tpu.memory_space<hbm>>
          tpu.enqueue_dma source(%dma_start3A_54 : memref<128xi32, #tpu.memory_space<hbm>>) target(%arg10 : memref<128xi32, #tpu.memory_space<vmem>>) target_semaphore(%run_scoped3A : memref<!tpu.dma_semaphore, #tpu.memory_space<semaphore_mem>>)
          %dma_wait3A = tpu.memref_slice %arg5[%mul3A_53] : memref<160000xi32, #tpu.memory_space<hbm>> -> memref<128xi32, #tpu.memory_space<hbm>>
          %dma_wait3A_55 = tpu.memref_slice %arg5[%mul3A_53] : memref<160000xi32, #tpu.memory_space<hbm>> -> memref<128xi32, #tpu.memory_space<hbm>>
          tpu.wait_dma2 semaphore(%run_scoped3A : memref<!tpu.dma_semaphore, #tpu.memory_space<semaphore_mem>>) src(%dma_wait3A_55 : memref<128xi32, #tpu.memory_space<hbm>>) dst(%arg10 : memref<128xi32, #tpu.memory_space<vmem>>)
          tpu.yield
        }) : () -> ()
        "tpu.region"() ({
          %run_scoped3A = tpu.sem_alloc : memref<!tpu.dma_semaphore, #tpu.memory_space<semaphore_mem>>
          %dma_start3A = arith.constant 0 : i32
          %dma_start3A_54 = arith.constant 0 : i32
          %dma_start3A_55 = tpu.memref_slice %arg12[%dma_start3A, %dma_start3A_54] : memref<10008x128xf32, #tpu.memory_space<vmem_shared>> -> memref<10008x128xf32, #tpu.memory_space<vmem_shared>>
          tpu.enqueue_indirect_dma source(%arg11 : memref<128x128xf32, #tpu.memory_space<vmem>>) target(%dma_start3A_55 : memref<10008x128xf32, #tpu.memory_space<vmem_shared>>) offsets(%arg10 : memref<128xi32, #tpu.memory_space<vmem>>) semaphore(%run_scoped3A : memref<!tpu.dma_semaphore, #tpu.memory_space<semaphore_mem>>) {add = true}
          %dma_wait3A = arith.constant 0 : i32
          %dma_wait3A_56 = arith.constant 0 : i32
          %dma_wait3A_57 = tpu.memref_slice %arg12[%dma_wait3A, %dma_wait3A_56] : memref<10008x128xf32, #tpu.memory_space<vmem_shared>> -> memref<10008x128xf32, #tpu.memory_space<vmem_shared>>
          tpu.wait_indirect_dma semaphore(%run_scoped3A : memref<!tpu.dma_semaphore, #tpu.memory_space<semaphore_mem>>) src(%arg11 : memref<128x128xf32, #tpu.memory_space<vmem>>) dst(%dma_wait3A_57 : memref<10008x128xf32, #tpu.memory_space<vmem_shared>>)
          tpu.yield
        }) : () -> ()
      }
    } else {
    }
    %barrier3A_21 = arith.constant 0 : index
    tpu.barrier barrier_id(%barrier3A_21)
    %eq3A_22 = arith.constant 0 : i32
    %eq3A_23 = arith.cmpi eq, %arg0, %eq3A_22 : i32
    %convert_element_type3A_24 = arith.extui %eq3A_23 : i1 to i32
    %cond3A_25 = arith.constant 0 : i32
    %cond3A_26 = arith.cmpi ne, %convert_element_type3A_24, %cond3A_25 : i32
    scf.if %cond3A_26 {
      %sub3A_32 = arith.constant 125 : i32
      %sub3A_33 = arith.subi %sub3A_32, %arg1 : i32
      %sub3A_34 = arith.constant 16 : i32
      %sub3A_35 = arith.constant 1 : i32
      %sub3A_36 = arith.subi %sub3A_34, %sub3A_35 : i32
      %add3A_37 = arith.addi %sub3A_33, %sub3A_36 : i32
      %div3A_38 = arith.constant 16 : i32
      %div3A_39 = arith.divsi %add3A_37, %div3A_38 : i32
      %while3A_40 = arith.constant 16 : i32
      %while3A_41 = arith.constant 0 : i32
      %while3A_42 = arith.subi %div3A_39, %while3A_41 : i32
      %while3A_43 = arith.addi %while3A_41, %while3A_42 : i32
      %while3A_44 = arith.constant 1 : i32
      %while3A_45 = arith.divsi %while3A_42, %while3A_44 : i32
      %while3A_46 = arith.muli %while3A_45, %while3A_44 : i32
      %while3A_47 = arith.addi %while3A_41, %while3A_46 : i32
      %while3A_48 = arith.constant 1 : i32
      scf.for %while3A_50 = %while3A_41 to %while3A_47 step %while3A_48  : i32 {
        %mul3A = arith.muli %while3A_50, %while3A_40 : i32
        %add3A_51 = arith.addi %arg1, %mul3A : i32
        %mul3A_52 = arith.constant 80 : i32
        %mul3A_53 = arith.muli %add3A_51, %mul3A_52 : i32
        %mul3A_54 = arith.constant 80 : i32
        %mul3A_55 = arith.muli %add3A_51, %mul3A_54 : i32
        "tpu.region"() ({
          %run_scoped3A = tpu.sem_alloc : memref<!tpu.dma_semaphore, #tpu.memory_space<semaphore_mem>>
          %dma_start3A = arith.constant 0 : i32
          %dma_start3A_56 = tpu.memref_slice %arg7[%mul3A_55, %dma_start3A] : memref<10000x128xf32, #tpu.memory_space<hbm>> -> memref<80x128xf32, #tpu.memory_space<hbm>>
          %dma_start3A_57 = arith.constant 0 : i32
          %dma_start3A_58 = tpu.memref_slice %arg12[%mul3A_53, %dma_start3A_57] : memref<10008x128xf32, #tpu.memory_space<vmem_shared>> -> memref<80x128xf32, #tpu.memory_space<vmem_shared>>
          tpu.enqueue_dma source(%dma_start3A_58 : memref<80x128xf32, #tpu.memory_space<vmem_shared>>) target(%dma_start3A_56 : memref<80x128xf32, #tpu.memory_space<hbm>>) target_semaphore(%run_scoped3A : memref<!tpu.dma_semaphore, #tpu.memory_space<semaphore_mem>>)
          %dma_wait3A = arith.constant 0 : i32
          %dma_wait3A_59 = tpu.memref_slice %arg7[%mul3A_55, %dma_wait3A] : memref<10000x128xf32, #tpu.memory_space<hbm>> -> memref<80x128xf32, #tpu.memory_space<hbm>>
          %dma_wait3A_60 = arith.constant 0 : i32
          %dma_wait3A_61 = tpu.memref_slice %arg12[%mul3A_53, %dma_wait3A_60] : memref<10008x128xf32, #tpu.memory_space<vmem_shared>> -> memref<80x128xf32, #tpu.memory_space<vmem_shared>>
          tpu.wait_dma2 semaphore(%run_scoped3A : memref<!tpu.dma_semaphore, #tpu.memory_space<semaphore_mem>>) src(%dma_wait3A_61 : memref<80x128xf32, #tpu.memory_space<vmem_shared>>) dst(%dma_wait3A_59 : memref<80x128xf32, #tpu.memory_space<hbm>>)
          tpu.yield
        }) : () -> ()
      }
      %while3A_49 = arith.constant 1 : i32
      scf.for %while3A_50 = %while3A_47 to %while3A_43 step %while3A_49  : i32 {
        %mul3A = arith.muli %while3A_50, %while3A_40 : i32
        %add3A_51 = arith.addi %arg1, %mul3A : i32
        %mul3A_52 = arith.constant 80 : i32
        %mul3A_53 = arith.muli %add3A_51, %mul3A_52 : i32
        %mul3A_54 = arith.constant 80 : i32
        %mul3A_55 = arith.muli %add3A_51, %mul3A_54 : i32
        "tpu.region"() ({
          %run_scoped3A = tpu.sem_alloc : memref<!tpu.dma_semaphore, #tpu.memory_space<semaphore_mem>>
          %dma_start3A = arith.constant 0 : i32
          %dma_start3A_56 = tpu.memref_slice %arg7[%mul3A_55, %dma_start3A] : memref<10000x128xf32, #tpu.memory_space<hbm>> -> memref<80x128xf32, #tpu.memory_space<hbm>>
          %dma_start3A_57 = arith.constant 0 : i32
          %dma_start3A_58 = tpu.memref_slice %arg12[%mul3A_53, %dma_start3A_57] : memref<10008x128xf32, #tpu.memory_space<vmem_shared>> -> memref<80x128xf32, #tpu.memory_space<vmem_shared>>
          tpu.enqueue_dma source(%dma_start3A_58 : memref<80x128xf32, #tpu.memory_space<vmem_shared>>) target(%dma_start3A_56 : memref<80x128xf32, #tpu.memory_space<hbm>>) target_semaphore(%run_scoped3A : memref<!tpu.dma_semaphore, #tpu.memory_space<semaphore_mem>>)
          %dma_wait3A = arith.constant 0 : i32
          %dma_wait3A_59 = tpu.memref_slice %arg7[%mul3A_55, %dma_wait3A] : memref<10000x128xf32, #tpu.memory_space<hbm>> -> memref<80x128xf32, #tpu.memory_space<hbm>>
          %dma_wait3A_60 = arith.constant 0 : i32
          %dma_wait3A_61 = tpu.memref_slice %arg12[%mul3A_53, %dma_wait3A_60] : memref<10008x128xf32, #tpu.memory_space<vmem_shared>> -> memref<80x128xf32, #tpu.memory_space<vmem_shared>>
          tpu.wait_dma2 semaphore(%run_scoped3A : memref<!tpu.dma_semaphore, #tpu.memory_space<semaphore_mem>>) src(%dma_wait3A_61 : memref<80x128xf32, #tpu.memory_space<vmem_shared>>) dst(%dma_wait3A_59 : memref<80x128xf32, #tpu.memory_space<hbm>>)
          tpu.yield
        }) : () -> ()
      }
    } else {
    }
    %eq3A_27 = arith.constant 1 : i32
    %eq3A_28 = arith.cmpi eq, %arg0, %eq3A_27 : i32
    %convert_element_type3A_29 = arith.extui %eq3A_28 : i1 to i32
    %cond3A_30 = arith.constant 0 : i32
    %cond3A_31 = arith.cmpi ne, %convert_element_type3A_29, %cond3A_30 : i32
    scf.if %cond3A_31 {
      %sub3A_32 = arith.constant 125 : i32
      %sub3A_33 = arith.subi %sub3A_32, %arg1 : i32
      %sub3A_34 = arith.constant 16 : i32
      %sub3A_35 = arith.constant 1 : i32
      %sub3A_36 = arith.subi %sub3A_34, %sub3A_35 : i32
      %add3A_37 = arith.addi %sub3A_33, %sub3A_36 : i32
      %div3A_38 = arith.constant 16 : i32
      %div3A_39 = arith.divsi %add3A_37, %div3A_38 : i32
      %while3A_40 = arith.constant 16 : i32
      %while3A_41 = arith.constant 0 : i32
      %while3A_42 = arith.subi %div3A_39, %while3A_41 : i32
      %while3A_43 = arith.addi %while3A_41, %while3A_42 : i32
      %while3A_44 = arith.constant 1 : i32
      %while3A_45 = arith.divsi %while3A_42, %while3A_44 : i32
      %while3A_46 = arith.muli %while3A_45, %while3A_44 : i32
      %while3A_47 = arith.addi %while3A_41, %while3A_46 : i32
      %while3A_48 = arith.constant 1 : i32
      scf.for %while3A_50 = %while3A_41 to %while3A_47 step %while3A_48  : i32 {
        %mul3A = arith.muli %while3A_50, %while3A_40 : i32
        %add3A_51 = arith.addi %arg1, %mul3A : i32
        %mul3A_52 = arith.constant 80 : i32
        %mul3A_53 = arith.muli %add3A_51, %mul3A_52 : i32
        %mul3A_54 = arith.constant 80 : i32
        %mul3A_55 = arith.muli %add3A_51, %mul3A_54 : i32
        "tpu.region"() ({
          %run_scoped3A = tpu.sem_alloc : memref<!tpu.dma_semaphore, #tpu.memory_space<semaphore_mem>>
          %dma_start3A = arith.constant 0 : i32
          %dma_start3A_56 = tpu.memref_slice %arg8[%mul3A_55, %dma_start3A] : memref<10000x128xf32, #tpu.memory_space<hbm>> -> memref<80x128xf32, #tpu.memory_space<hbm>>
          %dma_start3A_57 = arith.constant 0 : i32
          %dma_start3A_58 = tpu.memref_slice %arg12[%mul3A_53, %dma_start3A_57] : memref<10008x128xf32, #tpu.memory_space<vmem_shared>> -> memref<80x128xf32, #tpu.memory_space<vmem_shared>>
          tpu.enqueue_dma source(%dma_start3A_58 : memref<80x128xf32, #tpu.memory_space<vmem_shared>>) target(%dma_start3A_56 : memref<80x128xf32, #tpu.memory_space<hbm>>) target_semaphore(%run_scoped3A : memref<!tpu.dma_semaphore, #tpu.memory_space<semaphore_mem>>)
          %dma_wait3A = arith.constant 0 : i32
          %dma_wait3A_59 = tpu.memref_slice %arg8[%mul3A_55, %dma_wait3A] : memref<10000x128xf32, #tpu.memory_space<hbm>> -> memref<80x128xf32, #tpu.memory_space<hbm>>
          %dma_wait3A_60 = arith.constant 0 : i32
          %dma_wait3A_61 = tpu.memref_slice %arg12[%mul3A_53, %dma_wait3A_60] : memref<10008x128xf32, #tpu.memory_space<vmem_shared>> -> memref<80x128xf32, #tpu.memory_space<vmem_shared>>
          tpu.wait_dma2 semaphore(%run_scoped3A : memref<!tpu.dma_semaphore, #tpu.memory_space<semaphore_mem>>) src(%dma_wait3A_61 : memref<80x128xf32, #tpu.memory_space<vmem_shared>>) dst(%dma_wait3A_59 : memref<80x128xf32, #tpu.memory_space<hbm>>)
          tpu.yield
        }) : () -> ()
      }
      %while3A_49 = arith.constant 1 : i32
      scf.for %while3A_50 = %while3A_47 to %while3A_43 step %while3A_49  : i32 {
        %mul3A = arith.muli %while3A_50, %while3A_40 : i32
        %add3A_51 = arith.addi %arg1, %mul3A : i32
        %mul3A_52 = arith.constant 80 : i32
        %mul3A_53 = arith.muli %add3A_51, %mul3A_52 : i32
        %mul3A_54 = arith.constant 80 : i32
        %mul3A_55 = arith.muli %add3A_51, %mul3A_54 : i32
        "tpu.region"() ({
          %run_scoped3A = tpu.sem_alloc : memref<!tpu.dma_semaphore, #tpu.memory_space<semaphore_mem>>
          %dma_start3A = arith.constant 0 : i32
          %dma_start3A_56 = tpu.memref_slice %arg8[%mul3A_55, %dma_start3A] : memref<10000x128xf32, #tpu.memory_space<hbm>> -> memref<80x128xf32, #tpu.memory_space<hbm>>
          %dma_start3A_57 = arith.constant 0 : i32
          %dma_start3A_58 = tpu.memref_slice %arg12[%mul3A_53, %dma_start3A_57] : memref<10008x128xf32, #tpu.memory_space<vmem_shared>> -> memref<80x128xf32, #tpu.memory_space<vmem_shared>>
          tpu.enqueue_dma source(%dma_start3A_58 : memref<80x128xf32, #tpu.memory_space<vmem_shared>>) target(%dma_start3A_56 : memref<80x128xf32, #tpu.memory_space<hbm>>) target_semaphore(%run_scoped3A : memref<!tpu.dma_semaphore, #tpu.memory_space<semaphore_mem>>)
          %dma_wait3A = arith.constant 0 : i32
          %dma_wait3A_59 = tpu.memref_slice %arg8[%mul3A_55, %dma_wait3A] : memref<10000x128xf32, #tpu.memory_space<hbm>> -> memref<80x128xf32, #tpu.memory_space<hbm>>
          %dma_wait3A_60 = arith.constant 0 : i32
          %dma_wait3A_61 = tpu.memref_slice %arg12[%mul3A_53, %dma_wait3A_60] : memref<10008x128xf32, #tpu.memory_space<vmem_shared>> -> memref<80x128xf32, #tpu.memory_space<vmem_shared>>
          tpu.wait_dma2 semaphore(%run_scoped3A : memref<!tpu.dma_semaphore, #tpu.memory_space<semaphore_mem>>) src(%dma_wait3A_61 : memref<80x128xf32, #tpu.memory_space<vmem_shared>>) dst(%dma_wait3A_59 : memref<80x128xf32, #tpu.memory_space<hbm>>)
          tpu.yield
        }) : () -> ()
      }
    } else {
    }
    return
  }
}

#map = affine_map<(d0, d1) -> (0, 0)>
#map1 = affine_map<(d0, d1) -> (0)>
module attributes {stable_mosaic.version = 14 : i64} {
  func.func @_scatter(%arg0: i32, %arg1: i32, %arg2: memref<10000x128xf32, #tpu.memory_space<hbm>>, %arg3: memref<10000x128xf32, #tpu.memory_space<hbm>>, %arg4: memref<160000xi32, #tpu.memory_space<hbm>>, %arg5: memref<160000xi32, #tpu.memory_space<hbm>>, %arg6: memref<10000x128xf32, #tpu.memory_space<hbm>>, %arg7: memref<10000x128xf32, #tpu.memory_space<hbm>>, %arg8: memref<10000x128xf32, #tpu.memory_space<hbm>>, %arg9: memref<128xi32, #tpu.memory_space<vmem>>, %arg10: memref<128xi32, #tpu.memory_space<vmem>>, %arg11: memref<128x128xf32, #tpu.memory_space<vmem>>, %arg12: memref<10008x128xf32, #tpu.memory_space<vmem_shared>>, %arg13: memref<!tpu.dma_semaphore, #tpu.memory_space<semaphore_mem>>) attributes {dimension_semantics = [#tpu.dimension_semantics<core_parallel>, #tpu.dimension_semantics<subcore_parallel>], iteration_bounds = array<i64: 2, 16>, scalar_prefetch = 0 : i64, scratch_operands = 5 : i64, tpu.core_type = #tpu.core_type<sc_vector_subcore>, window_params = [{transform_indices = #map}, {transform_indices = #map}, {transform_indices = #map1}, {transform_indices = #map1}, {transform_indices = #map}, {transform_indices = #map}, {transform_indices = #map}]} {
    %sub3A = arith.constant 125 : i32
    %sub3A_0 = arith.subi %sub3A, %arg1 : i32
    %sub3A_1 = arith.constant 16 : i32
    %sub3A_2 = arith.constant 1 : i32
    %sub3A_3 = arith.subi %sub3A_1, %sub3A_2 : i32
    %add3A = arith.addi %sub3A_0, %sub3A_3 : i32
    %div3A = arith.constant 16 : i32
    %div3A_4 = arith.divsi %add3A, %div3A : i32
    %while3A = arith.constant 16 : i32
    %while3A_5 = arith.constant 0 : i32
    %while3A_6 = arith.subi %div3A_4, %while3A_5 : i32
    %while3A_7 = arith.addi %while3A_5, %while3A_6 : i32
    %while3A_8 = arith.constant 1 : i32
    %while3A_9 = arith.divsi %while3A_6, %while3A_8 : i32
    %while3A_10 = arith.muli %while3A_9, %while3A_8 : i32
    %while3A_11 = arith.addi %while3A_5, %while3A_10 : i32
    %while3A_12 = arith.constant 1 : i32
    scf.for %while3A_32 = %while3A_5 to %while3A_11 step %while3A_12  : i32 {
      %mul3A = arith.muli %while3A_32, %while3A : i32
      %add3A_33 = arith.addi %arg1, %mul3A : i32
      %mul3A_34 = arith.constant 80 : i32
      %mul3A_35 = arith.muli %add3A_33, %mul3A_34 : i32
      %mul3A_36 = arith.constant 80 : i32
      %mul3A_37 = arith.muli %add3A_33, %mul3A_36 : i32
      "tpu.region"() ({
        %run_scoped3A = tpu.sem_alloc : memref<!tpu.dma_semaphore, #tpu.memory_space<semaphore_mem>>
        %dma_start3A = arith.constant 0 : i32
        %dma_start3A_38 = tpu.memref_slice %arg12[%mul3A_37, %dma_start3A] : memref<10008x128xf32, #tpu.memory_space<vmem_shared>> -> memref<80x128xf32, #tpu.memory_space<vmem_shared>>
        %dma_start3A_39 = arith.constant 0 : i32
        %dma_start3A_40 = tpu.memref_slice %arg6[%mul3A_35, %dma_start3A_39] : memref<10000x128xf32, #tpu.memory_space<hbm>> -> memref<80x128xf32, #tpu.memory_space<hbm>>
        tpu.enqueue_dma source(%dma_start3A_40 : memref<80x128xf32, #tpu.memory_space<hbm>>) target(%dma_start3A_38 : memref<80x128xf32, #tpu.memory_space<vmem_shared>>) target_semaphore(%run_scoped3A : memref<!tpu.dma_semaphore, #tpu.memory_space<semaphore_mem>>)
        %dma_wait3A = arith.constant 0 : i32
        %dma_wait3A_41 = tpu.memref_slice %arg12[%mul3A_37, %dma_wait3A] : memref<10008x128xf32, #tpu.memory_space<vmem_shared>> -> memref<80x128xf32, #tpu.memory_space<vmem_shared>>
        %dma_wait3A_42 = arith.constant 0 : i32
        %dma_wait3A_43 = tpu.memref_slice %arg6[%mul3A_35, %dma_wait3A_42] : memref<10000x128xf32, #tpu.memory_space<hbm>> -> memref<80x128xf32, #tpu.memory_space<hbm>>
        tpu.wait_dma2 semaphore(%run_scoped3A : memref<!tpu.dma_semaphore, #tpu.memory_space<semaphore_mem>>) src(%dma_wait3A_43 : memref<80x128xf32, #tpu.memory_space<hbm>>) dst(%dma_wait3A_41 : memref<80x128xf32, #tpu.memory_space<vmem_shared>>)
        tpu.yield
      }) : () -> ()
    }
    %while3A_13 = arith.constant 1 : i32
    scf.for %while3A_32 = %while3A_11 to %while3A_7 step %while3A_13  : i32 {
      %mul3A = arith.muli %while3A_32, %while3A : i32
      %add3A_33 = arith.addi %arg1, %mul3A : i32
      %mul3A_34 = arith.constant 80 : i32
      %mul3A_35 = arith.muli %add3A_33, %mul3A_34 : i32
      %mul3A_36 = arith.constant 80 : i32
      %mul3A_37 = arith.muli %add3A_33, %mul3A_36 : i32
      "tpu.region"() ({
        %run_scoped3A = tpu.sem_alloc : memref<!tpu.dma_semaphore, #tpu.memory_space<semaphore_mem>>
        %dma_start3A = arith.constant 0 : i32
        %dma_start3A_38 = tpu.memref_slice %arg12[%mul3A_37, %dma_start3A] : memref<10008x128xf32, #tpu.memory_space<vmem_shared>> -> memref<80x128xf32, #tpu.memory_space<vmem_shared>>
        %dma_start3A_39 = arith.constant 0 : i32
        %dma_start3A_40 = tpu.memref_slice %arg6[%mul3A_35, %dma_start3A_39] : memref<10000x128xf32, #tpu.memory_space<hbm>> -> memref<80x128xf32, #tpu.memory_space<hbm>>
        tpu.enqueue_dma source(%dma_start3A_40 : memref<80x128xf32, #tpu.memory_space<hbm>>) target(%dma_start3A_38 : memref<80x128xf32, #tpu.memory_space<vmem_shared>>) target_semaphore(%run_scoped3A : memref<!tpu.dma_semaphore, #tpu.memory_space<semaphore_mem>>)
        %dma_wait3A = arith.constant 0 : i32
        %dma_wait3A_41 = tpu.memref_slice %arg12[%mul3A_37, %dma_wait3A] : memref<10008x128xf32, #tpu.memory_space<vmem_shared>> -> memref<80x128xf32, #tpu.memory_space<vmem_shared>>
        %dma_wait3A_42 = arith.constant 0 : i32
        %dma_wait3A_43 = tpu.memref_slice %arg6[%mul3A_35, %dma_wait3A_42] : memref<10000x128xf32, #tpu.memory_space<hbm>> -> memref<80x128xf32, #tpu.memory_space<hbm>>
        tpu.wait_dma2 semaphore(%run_scoped3A : memref<!tpu.dma_semaphore, #tpu.memory_space<semaphore_mem>>) src(%dma_wait3A_43 : memref<80x128xf32, #tpu.memory_space<hbm>>) dst(%dma_wait3A_41 : memref<80x128xf32, #tpu.memory_space<vmem_shared>>)
        tpu.yield
      }) : () -> ()
    }
    %barrier3A = arith.constant 0 : index
    tpu.barrier barrier_id(%barrier3A)
    %eq3A = arith.constant 0 : i32
    %eq3A_14 = arith.cmpi eq, %arg0, %eq3A : i32
    %convert_element_type3A = arith.extui %eq3A_14 : i1 to i32
    %cond3A = arith.constant 0 : i32
    %cond3A_15 = arith.cmpi ne, %convert_element_type3A, %cond3A : i32
    scf.if %cond3A_15 {
      %sub3A_32 = arith.constant 1250 : i32
      %sub3A_33 = arith.subi %sub3A_32, %arg1 : i32
      %sub3A_34 = arith.constant 16 : i32
      %sub3A_35 = arith.constant 1 : i32
      %sub3A_36 = arith.subi %sub3A_34, %sub3A_35 : i32
      %add3A_37 = arith.addi %sub3A_33, %sub3A_36 : i32
      %div3A_38 = arith.constant 16 : i32
      %div3A_39 = arith.divsi %add3A_37, %div3A_38 : i32
      %while3A_40 = arith.constant 16 : i32
      %while3A_41 = arith.constant 0 : i32
      %while3A_42 = arith.subi %div3A_39, %while3A_41 : i32
      %while3A_43 = arith.addi %while3A_41, %while3A_42 : i32
      %while3A_44 = arith.constant 1 : i32
      %while3A_45 = arith.divsi %while3A_42, %while3A_44 : i32
      %while3A_46 = arith.muli %while3A_45, %while3A_44 : i32
      %while3A_47 = arith.addi %while3A_41, %while3A_46 : i32
      %while3A_48 = arith.constant 1 : i32
      scf.for %while3A_50 = %while3A_41 to %while3A_47 step %while3A_48  : i32 {
        %mul3A = arith.muli %while3A_50, %while3A_40 : i32
        %add3A_51 = arith.addi %arg1, %mul3A : i32
        %mul3A_52 = arith.constant 128 : i32
        %mul3A_53 = arith.muli %add3A_51, %mul3A_52 : i32
        "tpu.region"() ({
          %run_scoped3A = tpu.sem_alloc : memref<!tpu.dma_semaphore, #tpu.memory_space<semaphore_mem>>
          %dma_start3A = tpu.memref_slice %arg4[%mul3A_53] : memref<160000xi32, #tpu.memory_space<hbm>> -> memref<128xi32, #tpu.memory_space<hbm>>
          %dma_start3A_54 = tpu.memref_slice %arg4[%mul3A_53] : memref<160000xi32, #tpu.memory_space<hbm>> -> memref<128xi32, #tpu.memory_space<hbm>>
          tpu.enqueue_dma source(%dma_start3A_54 : memref<128xi32, #tpu.memory_space<hbm>>) target(%arg9 : memref<128xi32, #tpu.memory_space<vmem>>) target_semaphore(%run_scoped3A : memref<!tpu.dma_semaphore, #tpu.memory_space<semaphore_mem>>)
          %dma_wait3A = tpu.memref_slice %arg4[%mul3A_53] : memref<160000xi32, #tpu.memory_space<hbm>> -> memref<128xi32, #tpu.memory_space<hbm>>
          %dma_wait3A_55 = tpu.memref_slice %arg4[%mul3A_53] : memref<160000xi32, #tpu.memory_space<hbm>> -> memref<128xi32, #tpu.memory_space<hbm>>
          tpu.wait_dma2 semaphore(%run_scoped3A : memref<!tpu.dma_semaphore, #tpu.memory_space<semaphore_mem>>) src(%dma_wait3A_55 : memref<128xi32, #tpu.memory_space<hbm>>) dst(%arg9 : memref<128xi32, #tpu.memory_space<vmem>>)
          tpu.yield
        }) : () -> ()
        "tpu.region"() ({
          %run_scoped3A = tpu.sem_alloc : memref<!tpu.dma_semaphore, #tpu.memory_space<semaphore_mem>>
          %dma_start3A = tpu.memref_slice %arg5[%mul3A_53] : memref<160000xi32, #tpu.memory_space<hbm>> -> memref<128xi32, #tpu.memory_space<hbm>>
          %dma_start3A_54 = tpu.memref_slice %arg5[%mul3A_53] : memref<160000xi32, #tpu.memory_space<hbm>> -> memref<128xi32, #tpu.memory_space<hbm>>
          tpu.enqueue_dma source(%dma_start3A_54 : memref<128xi32, #tpu.memory_space<hbm>>) target(%arg10 : memref<128xi32, #tpu.memory_space<vmem>>) target_semaphore(%run_scoped3A : memref<!tpu.dma_semaphore, #tpu.memory_space<semaphore_mem>>)
          %dma_wait3A = tpu.memref_slice %arg5[%mul3A_53] : memref<160000xi32, #tpu.memory_space<hbm>> -> memref<128xi32, #tpu.memory_space<hbm>>
          %dma_wait3A_55 = tpu.memref_slice %arg5[%mul3A_53] : memref<160000xi32, #tpu.memory_space<hbm>> -> memref<128xi32, #tpu.memory_space<hbm>>
          tpu.wait_dma2 semaphore(%run_scoped3A : memref<!tpu.dma_semaphore, #tpu.memory_space<semaphore_mem>>) src(%dma_wait3A_55 : memref<128xi32, #tpu.memory_space<hbm>>) dst(%arg10 : memref<128xi32, #tpu.memory_space<vmem>>)
          tpu.yield
        }) : () -> ()
        "tpu.region"() ({
          %run_scoped3A = tpu.sem_alloc : memref<!tpu.dma_semaphore, #tpu.memory_space<semaphore_mem>>
          %dma_start3A = arith.constant 0 : i32
          %dma_start3A_54 = arith.constant 0 : i32
          %dma_start3A_55 = tpu.memref_slice %arg12[%dma_start3A, %dma_start3A_54] : memref<10008x128xf32, #tpu.memory_space<vmem_shared>> -> memref<10008x128xf32, #tpu.memory_space<vmem_shared>>
          tpu.enqueue_indirect_dma source(%arg11 : memref<128x128xf32, #tpu.memory_space<vmem>>) target(%dma_start3A_55 : memref<10008x128xf32, #tpu.memory_space<vmem_shared>>) offsets(%arg10 : memref<128xi32, #tpu.memory_space<vmem>>) semaphore(%run_scoped3A : memref<!tpu.dma_semaphore, #tpu.memory_space<semaphore_mem>>) {add = true}
          %dma_wait3A = arith.constant 0 : i32
          %dma_wait3A_56 = arith.constant 0 : i32
          %dma_wait3A_57 = tpu.memref_slice %arg12[%dma_wait3A, %dma_wait3A_56] : memref<10008x128xf32, #tpu.memory_space<vmem_shared>> -> memref<10008x128xf32, #tpu.memory_space<vmem_shared>>
          tpu.wait_indirect_dma semaphore(%run_scoped3A : memref<!tpu.dma_semaphore, #tpu.memory_space<semaphore_mem>>) src(%arg11 : memref<128x128xf32, #tpu.memory_space<vmem>>) dst(%dma_wait3A_57 : memref<10008x128xf32, #tpu.memory_space<vmem_shared>>)
          tpu.yield
        }) : () -> ()
      }
      %while3A_49 = arith.constant 1 : i32
      scf.for %while3A_50 = %while3A_47 to %while3A_43 step %while3A_49  : i32 {
        %mul3A = arith.muli %while3A_50, %while3A_40 : i32
        %add3A_51 = arith.addi %arg1, %mul3A : i32
        %mul3A_52 = arith.constant 128 : i32
        %mul3A_53 = arith.muli %add3A_51, %mul3A_52 : i32
        "tpu.region"() ({
          %run_scoped3A = tpu.sem_alloc : memref<!tpu.dma_semaphore, #tpu.memory_space<semaphore_mem>>
          %dma_start3A = tpu.memref_slice %arg4[%mul3A_53] : memref<160000xi32, #tpu.memory_space<hbm>> -> memref<128xi32, #tpu.memory_space<hbm>>
          %dma_start3A_54 = tpu.memref_slice %arg4[%mul3A_53] : memref<160000xi32, #tpu.memory_space<hbm>> -> memref<128xi32, #tpu.memory_space<hbm>>
          tpu.enqueue_dma source(%dma_start3A_54 : memref<128xi32, #tpu.memory_space<hbm>>) target(%arg9 : memref<128xi32, #tpu.memory_space<vmem>>) target_semaphore(%run_scoped3A : memref<!tpu.dma_semaphore, #tpu.memory_space<semaphore_mem>>)
          %dma_wait3A = tpu.memref_slice %arg4[%mul3A_53] : memref<160000xi32, #tpu.memory_space<hbm>> -> memref<128xi32, #tpu.memory_space<hbm>>
          %dma_wait3A_55 = tpu.memref_slice %arg4[%mul3A_53] : memref<160000xi32, #tpu.memory_space<hbm>> -> memref<128xi32, #tpu.memory_space<hbm>>
          tpu.wait_dma2 semaphore(%run_scoped3A : memref<!tpu.dma_semaphore, #tpu.memory_space<semaphore_mem>>) src(%dma_wait3A_55 : memref<128xi32, #tpu.memory_space<hbm>>) dst(%arg9 : memref<128xi32, #tpu.memory_space<vmem>>)
          tpu.yield
        }) : () -> ()
        "tpu.region"() ({
          %run_scoped3A = tpu.sem_alloc : memref<!tpu.dma_semaphore, #tpu.memory_space<semaphore_mem>>
          %dma_start3A = tpu.memref_slice %arg5[%mul3A_53] : memref<160000xi32, #tpu.memory_space<hbm>> -> memref<128xi32, #tpu.memory_space<hbm>>
          %dma_start3A_54 = tpu.memref_slice %arg5[%mul3A_53] : memref<160000xi32, #tpu.memory_space<hbm>> -> memref<128xi32, #tpu.memory_space<hbm>>
          tpu.enqueue_dma source(%dma_start3A_54 : memref<128xi32, #tpu.memory_space<hbm>>) target(%arg10 : memref<128xi32, #tpu.memory_space<vmem>>) target_semaphore(%run_scoped3A : memref<!tpu.dma_semaphore, #tpu.memory_space<semaphore_mem>>)
          %dma_wait3A = tpu.memref_slice %arg5[%mul3A_53] : memref<160000xi32, #tpu.memory_space<hbm>> -> memref<128xi32, #tpu.memory_space<hbm>>
          %dma_wait3A_55 = tpu.memref_slice %arg5[%mul3A_53] : memref<160000xi32, #tpu.memory_space<hbm>> -> memref<128xi32, #tpu.memory_space<hbm>>
          tpu.wait_dma2 semaphore(%run_scoped3A : memref<!tpu.dma_semaphore, #tpu.memory_space<semaphore_mem>>) src(%dma_wait3A_55 : memref<128xi32, #tpu.memory_space<hbm>>) dst(%arg10 : memref<128xi32, #tpu.memory_space<vmem>>)
          tpu.yield
        }) : () -> ()
        "tpu.region"() ({
          %run_scoped3A = tpu.sem_alloc : memref<!tpu.dma_semaphore, #tpu.memory_space<semaphore_mem>>
          %dma_start3A = arith.constant 0 : i32
          %dma_start3A_54 = arith.constant 0 : i32
          %dma_start3A_55 = tpu.memref_slice %arg12[%dma_start3A, %dma_start3A_54] : memref<10008x128xf32, #tpu.memory_space<vmem_shared>> -> memref<10008x128xf32, #tpu.memory_space<vmem_shared>>
          tpu.enqueue_indirect_dma source(%arg11 : memref<128x128xf32, #tpu.memory_space<vmem>>) target(%dma_start3A_55 : memref<10008x128xf32, #tpu.memory_space<vmem_shared>>) offsets(%arg10 : memref<128xi32, #tpu.memory_space<vmem>>) semaphore(%run_scoped3A : memref<!tpu.dma_semaphore, #tpu.memory_space<semaphore_mem>>) {add = true}
          %dma_wait3A = arith.constant 0 : i32
          %dma_wait3A_56 = arith.constant 0 : i32
          %dma_wait3A_57 = tpu.memref_slice %arg12[%dma_wait3A, %dma_wait3A_56] : memref<10008x128xf32, #tpu.memory_space<vmem_shared>> -> memref<10008x128xf32, #tpu.memory_space<vmem_shared>>
          tpu.wait_indirect_dma semaphore(%run_scoped3A : memref<!tpu.dma_semaphore, #tpu.memory_space<semaphore_mem>>) src(%arg11 : memref<128x128xf32, #tpu.memory_space<vmem>>) dst(%dma_wait3A_57 : memref<10008x128xf32, #tpu.memory_space<vmem_shared>>)
          tpu.yield
        }) : () -> ()
      }
    } else {
    }
    %eq3A_16 = arith.constant 1 : i32
    %eq3A_17 = arith.cmpi eq, %arg0, %eq3A_16 : i32
    %convert_element_type3A_18 = arith.extui %eq3A_17 : i1 to i32
    %cond3A_19 = arith.constant 0 : i32
    %cond3A_20 = arith.cmpi ne, %convert_element_type3A_18, %cond3A_19 : i32
    scf.if %cond3A_20 {
      %sub3A_32 = arith.constant 1250 : i32
      %sub3A_33 = arith.subi %sub3A_32, %arg1 : i32
      %sub3A_34 = arith.constant 16 : i32
      %sub3A_35 = arith.constant 1 : i32
      %sub3A_36 = arith.subi %sub3A_34, %sub3A_35 : i32
      %add3A_37 = arith.addi %sub3A_33, %sub3A_36 : i32
      %div3A_38 = arith.constant 16 : i32
      %div3A_39 = arith.divsi %add3A_37, %div3A_38 : i32
      %while3A_40 = arith.constant 16 : i32
      %while3A_41 = arith.constant 0 : i32
      %while3A_42 = arith.subi %div3A_39, %while3A_41 : i32
      %while3A_43 = arith.addi %while3A_41, %while3A_42 : i32
      %while3A_44 = arith.constant 1 : i32
      %while3A_45 = arith.divsi %while3A_42, %while3A_44 : i32
      %while3A_46 = arith.muli %while3A_45, %while3A_44 : i32
      %while3A_47 = arith.addi %while3A_41, %while3A_46 : i32
      %while3A_48 = arith.constant 1 : i32
      scf.for %while3A_50 = %while3A_41 to %while3A_47 step %while3A_48  : i32 {
        %mul3A = arith.muli %while3A_50, %while3A_40 : i32
        %add3A_51 = arith.addi %arg1, %mul3A : i32
        %mul3A_52 = arith.constant 128 : i32
        %mul3A_53 = arith.muli %add3A_51, %mul3A_52 : i32
        "tpu.region"() ({
          %run_scoped3A = tpu.sem_alloc : memref<!tpu.dma_semaphore, #tpu.memory_space<semaphore_mem>>
          %dma_start3A = tpu.memref_slice %arg4[%mul3A_53] : memref<160000xi32, #tpu.memory_space<hbm>> -> memref<128xi32, #tpu.memory_space<hbm>>
          %dma_start3A_54 = tpu.memref_slice %arg4[%mul3A_53] : memref<160000xi32, #tpu.memory_space<hbm>> -> memref<128xi32, #tpu.memory_space<hbm>>
          tpu.enqueue_dma source(%dma_start3A_54 : memref<128xi32, #tpu.memory_space<hbm>>) target(%arg9 : memref<128xi32, #tpu.memory_space<vmem>>) target_semaphore(%run_scoped3A : memref<!tpu.dma_semaphore, #tpu.memory_space<semaphore_mem>>)
          %dma_wait3A = tpu.memref_slice %arg4[%mul3A_53] : memref<160000xi32, #tpu.memory_space<hbm>> -> memref<128xi32, #tpu.memory_space<hbm>>
          %dma_wait3A_55 = tpu.memref_slice %arg4[%mul3A_53] : memref<160000xi32, #tpu.memory_space<hbm>> -> memref<128xi32, #tpu.memory_space<hbm>>
          tpu.wait_dma2 semaphore(%run_scoped3A : memref<!tpu.dma_semaphore, #tpu.memory_space<semaphore_mem>>) src(%dma_wait3A_55 : memref<128xi32, #tpu.memory_space<hbm>>) dst(%arg9 : memref<128xi32, #tpu.memory_space<vmem>>)
          tpu.yield
        }) : () -> ()
        "tpu.region"() ({
          %run_scoped3A = tpu.sem_alloc : memref<!tpu.dma_semaphore, #tpu.memory_space<semaphore_mem>>
          %dma_start3A = tpu.memref_slice %arg5[%mul3A_53] : memref<160000xi32, #tpu.memory_space<hbm>> -> memref<128xi32, #tpu.memory_space<hbm>>
          %dma_start3A_54 = tpu.memref_slice %arg5[%mul3A_53] : memref<160000xi32, #tpu.memory_space<hbm>> -> memref<128xi32, #tpu.memory_space<hbm>>
          tpu.enqueue_dma source(%dma_start3A_54 : memref<128xi32, #tpu.memory_space<hbm>>) target(%arg10 : memref<128xi32, #tpu.memory_space<vmem>>) target_semaphore(%run_scoped3A : memref<!tpu.dma_semaphore, #tpu.memory_space<semaphore_mem>>)
          %dma_wait3A = tpu.memref_slice %arg5[%mul3A_53] : memref<160000xi32, #tpu.memory_space<hbm>> -> memref<128xi32, #tpu.memory_space<hbm>>
          %dma_wait3A_55 = tpu.memref_slice %arg5[%mul3A_53] : memref<160000xi32, #tpu.memory_space<hbm>> -> memref<128xi32, #tpu.memory_space<hbm>>
          tpu.wait_dma2 semaphore(%run_scoped3A : memref<!tpu.dma_semaphore, #tpu.memory_space<semaphore_mem>>) src(%dma_wait3A_55 : memref<128xi32, #tpu.memory_space<hbm>>) dst(%arg10 : memref<128xi32, #tpu.memory_space<vmem>>)
          tpu.yield
        }) : () -> ()
        "tpu.region"() ({
          %run_scoped3A = tpu.sem_alloc : memref<!tpu.dma_semaphore, #tpu.memory_space<semaphore_mem>>
          %dma_start3A = arith.constant 0 : i32
          %dma_start3A_54 = arith.constant 0 : i32
          %dma_start3A_55 = tpu.memref_slice %arg12[%dma_start3A, %dma_start3A_54] : memref<10008x128xf32, #tpu.memory_space<vmem_shared>> -> memref<10008x128xf32, #tpu.memory_space<vmem_shared>>
          tpu.enqueue_indirect_dma source(%arg11 : memref<128x128xf32, #tpu.memory_space<vmem>>) target(%dma_start3A_55 : memref<10008x128xf32, #tpu.memory_space<vmem_shared>>) offsets(%arg10 : memref<128xi32, #tpu.memory_space<vmem>>) semaphore(%run_scoped3A : memref<!tpu.dma_semaphore, #tpu.memory_space<semaphore_mem>>) {add = true}
          %dma_wait3A = arith.constant 0 : i32
          %dma_wait3A_56 = arith.constant 0 : i32
          %dma_wait3A_57 = tpu.memref_slice %arg12[%dma_wait3A, %dma_wait3A_56] : memref<10008x128xf32, #tpu.memory_space<vmem_shared>> -> memref<10008x128xf32, #tpu.memory_space<vmem_shared>>
          tpu.wait_indirect_dma semaphore(%run_scoped3A : memref<!tpu.dma_semaphore, #tpu.memory_space<semaphore_mem>>) src(%arg11 : memref<128x128xf32, #tpu.memory_space<vmem>>) dst(%dma_wait3A_57 : memref<10008x128xf32, #tpu.memory_space<vmem_shared>>)
          tpu.yield
        }) : () -> ()
      }
      %while3A_49 = arith.constant 1 : i32
      scf.for %while3A_50 = %while3A_47 to %while3A_43 step %while3A_49  : i32 {
        %mul3A = arith.muli %while3A_50, %while3A_40 : i32
        %add3A_51 = arith.addi %arg1, %mul3A : i32
        %mul3A_52 = arith.constant 128 : i32
        %mul3A_53 = arith.muli %add3A_51, %mul3A_52 : i32
        "tpu.region"() ({
          %run_scoped3A = tpu.sem_alloc : memref<!tpu.dma_semaphore, #tpu.memory_space<semaphore_mem>>
          %dma_start3A = tpu.memref_slice %arg4[%mul3A_53] : memref<160000xi32, #tpu.memory_space<hbm>> -> memref<128xi32, #tpu.memory_space<hbm>>
          %dma_start3A_54 = tpu.memref_slice %arg4[%mul3A_53] : memref<160000xi32, #tpu.memory_space<hbm>> -> memref<128xi32, #tpu.memory_space<hbm>>
          tpu.enqueue_dma source(%dma_start3A_54 : memref<128xi32, #tpu.memory_space<hbm>>) target(%arg9 : memref<128xi32, #tpu.memory_space<vmem>>) target_semaphore(%run_scoped3A : memref<!tpu.dma_semaphore, #tpu.memory_space<semaphore_mem>>)
          %dma_wait3A = tpu.memref_slice %arg4[%mul3A_53] : memref<160000xi32, #tpu.memory_space<hbm>> -> memref<128xi32, #tpu.memory_space<hbm>>
          %dma_wait3A_55 = tpu.memref_slice %arg4[%mul3A_53] : memref<160000xi32, #tpu.memory_space<hbm>> -> memref<128xi32, #tpu.memory_space<hbm>>
          tpu.wait_dma2 semaphore(%run_scoped3A : memref<!tpu.dma_semaphore, #tpu.memory_space<semaphore_mem>>) src(%dma_wait3A_55 : memref<128xi32, #tpu.memory_space<hbm>>) dst(%arg9 : memref<128xi32, #tpu.memory_space<vmem>>)
          tpu.yield
        }) : () -> ()
        "tpu.region"() ({
          %run_scoped3A = tpu.sem_alloc : memref<!tpu.dma_semaphore, #tpu.memory_space<semaphore_mem>>
          %dma_start3A = tpu.memref_slice %arg5[%mul3A_53] : memref<160000xi32, #tpu.memory_space<hbm>> -> memref<128xi32, #tpu.memory_space<hbm>>
          %dma_start3A_54 = tpu.memref_slice %arg5[%mul3A_53] : memref<160000xi32, #tpu.memory_space<hbm>> -> memref<128xi32, #tpu.memory_space<hbm>>
          tpu.enqueue_dma source(%dma_start3A_54 : memref<128xi32, #tpu.memory_space<hbm>>) target(%arg10 : memref<128xi32, #tpu.memory_space<vmem>>) target_semaphore(%run_scoped3A : memref<!tpu.dma_semaphore, #tpu.memory_space<semaphore_mem>>)
          %dma_wait3A = tpu.memref_slice %arg5[%mul3A_53] : memref<160000xi32, #tpu.memory_space<hbm>> -> memref<128xi32, #tpu.memory_space<hbm>>
          %dma_wait3A_55 = tpu.memref_slice %arg5[%mul3A_53] : memref<160000xi32, #tpu.memory_space<hbm>> -> memref<128xi32, #tpu.memory_space<hbm>>
          tpu.wait_dma2 semaphore(%run_scoped3A : memref<!tpu.dma_semaphore, #tpu.memory_space<semaphore_mem>>) src(%dma_wait3A_55 : memref<128xi32, #tpu.memory_space<hbm>>) dst(%arg10 : memref<128xi32, #tpu.memory_space<vmem>>)
          tpu.yield
        }) : () -> ()
        "tpu.region"() ({
          %run_scoped3A = tpu.sem_alloc : memref<!tpu.dma_semaphore, #tpu.memory_space<semaphore_mem>>
          %dma_start3A = arith.constant 0 : i32
          %dma_start3A_54 = arith.constant 0 : i32
          %dma_start3A_55 = tpu.memref_slice %arg12[%dma_start3A, %dma_start3A_54] : memref<10008x128xf32, #tpu.memory_space<vmem_shared>> -> memref<10008x128xf32, #tpu.memory_space<vmem_shared>>
          tpu.enqueue_indirect_dma source(%arg11 : memref<128x128xf32, #tpu.memory_space<vmem>>) target(%dma_start3A_55 : memref<10008x128xf32, #tpu.memory_space<vmem_shared>>) offsets(%arg10 : memref<128xi32, #tpu.memory_space<vmem>>) semaphore(%run_scoped3A : memref<!tpu.dma_semaphore, #tpu.memory_space<semaphore_mem>>) {add = true}
          %dma_wait3A = arith.constant 0 : i32
          %dma_wait3A_56 = arith.constant 0 : i32
          %dma_wait3A_57 = tpu.memref_slice %arg12[%dma_wait3A, %dma_wait3A_56] : memref<10008x128xf32, #tpu.memory_space<vmem_shared>> -> memref<10008x128xf32, #tpu.memory_space<vmem_shared>>
          tpu.wait_indirect_dma semaphore(%run_scoped3A : memref<!tpu.dma_semaphore, #tpu.memory_space<semaphore_mem>>) src(%arg11 : memref<128x128xf32, #tpu.memory_space<vmem>>) dst(%dma_wait3A_57 : memref<10008x128xf32, #tpu.memory_space<vmem_shared>>)
          tpu.yield
        }) : () -> ()
      }
    } else {
    }
    %barrier3A_21 = arith.constant 0 : index
    tpu.barrier barrier_id(%barrier3A_21)
    %eq3A_22 = arith.constant 0 : i32
    %eq3A_23 = arith.cmpi eq, %arg0, %eq3A_22 : i32
    %convert_element_type3A_24 = arith.extui %eq3A_23 : i1 to i32
    %cond3A_25 = arith.constant 0 : i32
    %cond3A_26 = arith.cmpi ne, %convert_element_type3A_24, %cond3A_25 : i32
    scf.if %cond3A_26 {
      %sub3A_32 = arith.constant 125 : i32
      %sub3A_33 = arith.subi %sub3A_32, %arg1 : i32
      %sub3A_34 = arith.constant 16 : i32
      %sub3A_35 = arith.constant 1 : i32
      %sub3A_36 = arith.subi %sub3A_34, %sub3A_35 : i32
      %add3A_37 = arith.addi %sub3A_33, %sub3A_36 : i32
      %div3A_38 = arith.constant 16 : i32
      %div3A_39 = arith.divsi %add3A_37, %div3A_38 : i32
      %while3A_40 = arith.constant 16 : i32
      %while3A_41 = arith.constant 0 : i32
      %while3A_42 = arith.subi %div3A_39, %while3A_41 : i32
      %while3A_43 = arith.addi %while3A_41, %while3A_42 : i32
      %while3A_44 = arith.constant 1 : i32
      %while3A_45 = arith.divsi %while3A_42, %while3A_44 : i32
      %while3A_46 = arith.muli %while3A_45, %while3A_44 : i32
      %while3A_47 = arith.addi %while3A_41, %while3A_46 : i32
      %while3A_48 = arith.constant 1 : i32
      scf.for %while3A_50 = %while3A_41 to %while3A_47 step %while3A_48  : i32 {
        %mul3A = arith.muli %while3A_50, %while3A_40 : i32
        %add3A_51 = arith.addi %arg1, %mul3A : i32
        %mul3A_52 = arith.constant 80 : i32
        %mul3A_53 = arith.muli %add3A_51, %mul3A_52 : i32
        %mul3A_54 = arith.constant 80 : i32
        %mul3A_55 = arith.muli %add3A_51, %mul3A_54 : i32
        "tpu.region"() ({
          %run_scoped3A = tpu.sem_alloc : memref<!tpu.dma_semaphore, #tpu.memory_space<semaphore_mem>>
          %dma_start3A = arith.constant 0 : i32
          %dma_start3A_56 = tpu.memref_slice %arg7[%mul3A_55, %dma_start3A] : memref<10000x128xf32, #tpu.memory_space<hbm>> -> memref<80x128xf32, #tpu.memory_space<hbm>>
          %dma_start3A_57 = arith.constant 0 : i32
          %dma_start3A_58 = tpu.memref_slice %arg12[%mul3A_53, %dma_start3A_57] : memref<10008x128xf32, #tpu.memory_space<vmem_shared>> -> memref<80x128xf32, #tpu.memory_space<vmem_shared>>
          tpu.enqueue_dma source(%dma_start3A_58 : memref<80x128xf32, #tpu.memory_space<vmem_shared>>) target(%dma_start3A_56 : memref<80x128xf32, #tpu.memory_space<hbm>>) target_semaphore(%run_scoped3A : memref<!tpu.dma_semaphore, #tpu.memory_space<semaphore_mem>>)
          %dma_wait3A = arith.constant 0 : i32
          %dma_wait3A_59 = tpu.memref_slice %arg7[%mul3A_55, %dma_wait3A] : memref<10000x128xf32, #tpu.memory_space<hbm>> -> memref<80x128xf32, #tpu.memory_space<hbm>>
          %dma_wait3A_60 = arith.constant 0 : i32
          %dma_wait3A_61 = tpu.memref_slice %arg12[%mul3A_53, %dma_wait3A_60] : memref<10008x128xf32, #tpu.memory_space<vmem_shared>> -> memref<80x128xf32, #tpu.memory_space<vmem_shared>>
          tpu.wait_dma2 semaphore(%run_scoped3A : memref<!tpu.dma_semaphore, #tpu.memory_space<semaphore_mem>>) src(%dma_wait3A_61 : memref<80x128xf32, #tpu.memory_space<vmem_shared>>) dst(%dma_wait3A_59 : memref<80x128xf32, #tpu.memory_space<hbm>>)
          tpu.yield
        }) : () -> ()
      }
      %while3A_49 = arith.constant 1 : i32
      scf.for %while3A_50 = %while3A_47 to %while3A_43 step %while3A_49  : i32 {
        %mul3A = arith.muli %while3A_50, %while3A_40 : i32
        %add3A_51 = arith.addi %arg1, %mul3A : i32
        %mul3A_52 = arith.constant 80 : i32
        %mul3A_53 = arith.muli %add3A_51, %mul3A_52 : i32
        %mul3A_54 = arith.constant 80 : i32
        %mul3A_55 = arith.muli %add3A_51, %mul3A_54 : i32
        "tpu.region"() ({
          %run_scoped3A = tpu.sem_alloc : memref<!tpu.dma_semaphore, #tpu.memory_space<semaphore_mem>>
          %dma_start3A = arith.constant 0 : i32
          %dma_start3A_56 = tpu.memref_slice %arg7[%mul3A_55, %dma_start3A] : memref<10000x128xf32, #tpu.memory_space<hbm>> -> memref<80x128xf32, #tpu.memory_space<hbm>>
          %dma_start3A_57 = arith.constant 0 : i32
          %dma_start3A_58 = tpu.memref_slice %arg12[%mul3A_53, %dma_start3A_57] : memref<10008x128xf32, #tpu.memory_space<vmem_shared>> -> memref<80x128xf32, #tpu.memory_space<vmem_shared>>
          tpu.enqueue_dma source(%dma_start3A_58 : memref<80x128xf32, #tpu.memory_space<vmem_shared>>) target(%dma_start3A_56 : memref<80x128xf32, #tpu.memory_space<hbm>>) target_semaphore(%run_scoped3A : memref<!tpu.dma_semaphore, #tpu.memory_space<semaphore_mem>>)
          %dma_wait3A = arith.constant 0 : i32
          %dma_wait3A_59 = tpu.memref_slice %arg7[%mul3A_55, %dma_wait3A] : memref<10000x128xf32, #tpu.memory_space<hbm>> -> memref<80x128xf32, #tpu.memory_space<hbm>>
          %dma_wait3A_60 = arith.constant 0 : i32
          %dma_wait3A_61 = tpu.memref_slice %arg12[%mul3A_53, %dma_wait3A_60] : memref<10008x128xf32, #tpu.memory_space<vmem_shared>> -> memref<80x128xf32, #tpu.memory_space<vmem_shared>>
          tpu.wait_dma2 semaphore(%run_scoped3A : memref<!tpu.dma_semaphore, #tpu.memory_space<semaphore_mem>>) src(%dma_wait3A_61 : memref<80x128xf32, #tpu.memory_space<vmem_shared>>) dst(%dma_wait3A_59 : memref<80x128xf32, #tpu.memory_space<hbm>>)
          tpu.yield
        }) : () -> ()
      }
    } else {
    }
    %eq3A_27 = arith.constant 1 : i32
    %eq3A_28 = arith.cmpi eq, %arg0, %eq3A_27 : i32
    %convert_element_type3A_29 = arith.extui %eq3A_28 : i1 to i32
    %cond3A_30 = arith.constant 0 : i32
    %cond3A_31 = arith.cmpi ne, %convert_element_type3A_29, %cond3A_30 : i32
    scf.if %cond3A_31 {
      %sub3A_32 = arith.constant 125 : i32
      %sub3A_33 = arith.subi %sub3A_32, %arg1 : i32
      %sub3A_34 = arith.constant 16 : i32
      %sub3A_35 = arith.constant 1 : i32
      %sub3A_36 = arith.subi %sub3A_34, %sub3A_35 : i32
      %add3A_37 = arith.addi %sub3A_33, %sub3A_36 : i32
      %div3A_38 = arith.constant 16 : i32
      %div3A_39 = arith.divsi %add3A_37, %div3A_38 : i32
      %while3A_40 = arith.constant 16 : i32
      %while3A_41 = arith.constant 0 : i32
      %while3A_42 = arith.subi %div3A_39, %while3A_41 : i32
      %while3A_43 = arith.addi %while3A_41, %while3A_42 : i32
      %while3A_44 = arith.constant 1 : i32
      %while3A_45 = arith.divsi %while3A_42, %while3A_44 : i32
      %while3A_46 = arith.muli %while3A_45, %while3A_44 : i32
      %while3A_47 = arith.addi %while3A_41, %while3A_46 : i32
      %while3A_48 = arith.constant 1 : i32
      scf.for %while3A_50 = %while3A_41 to %while3A_47 step %while3A_48  : i32 {
        %mul3A = arith.muli %while3A_50, %while3A_40 : i32
        %add3A_51 = arith.addi %arg1, %mul3A : i32
        %mul3A_52 = arith.constant 80 : i32
        %mul3A_53 = arith.muli %add3A_51, %mul3A_52 : i32
        %mul3A_54 = arith.constant 80 : i32
        %mul3A_55 = arith.muli %add3A_51, %mul3A_54 : i32
        "tpu.region"() ({
          %run_scoped3A = tpu.sem_alloc : memref<!tpu.dma_semaphore, #tpu.memory_space<semaphore_mem>>
          %dma_start3A = arith.constant 0 : i32
          %dma_start3A_56 = tpu.memref_slice %arg8[%mul3A_55, %dma_start3A] : memref<10000x128xf32, #tpu.memory_space<hbm>> -> memref<80x128xf32, #tpu.memory_space<hbm>>
          %dma_start3A_57 = arith.constant 0 : i32
          %dma_start3A_58 = tpu.memref_slice %arg12[%mul3A_53, %dma_start3A_57] : memref<10008x128xf32, #tpu.memory_space<vmem_shared>> -> memref<80x128xf32, #tpu.memory_space<vmem_shared>>
          tpu.enqueue_dma source(%dma_start3A_58 : memref<80x128xf32, #tpu.memory_space<vmem_shared>>) target(%dma_start3A_56 : memref<80x128xf32, #tpu.memory_space<hbm>>) target_semaphore(%run_scoped3A : memref<!tpu.dma_semaphore, #tpu.memory_space<semaphore_mem>>)
          %dma_wait3A = arith.constant 0 : i32
          %dma_wait3A_59 = tpu.memref_slice %arg8[%mul3A_55, %dma_wait3A] : memref<10000x128xf32, #tpu.memory_space<hbm>> -> memref<80x128xf32, #tpu.memory_space<hbm>>
          %dma_wait3A_60 = arith.constant 0 : i32
          %dma_wait3A_61 = tpu.memref_slice %arg12[%mul3A_53, %dma_wait3A_60] : memref<10008x128xf32, #tpu.memory_space<vmem_shared>> -> memref<80x128xf32, #tpu.memory_space<vmem_shared>>
          tpu.wait_dma2 semaphore(%run_scoped3A : memref<!tpu.dma_semaphore, #tpu.memory_space<semaphore_mem>>) src(%dma_wait3A_61 : memref<80x128xf32, #tpu.memory_space<vmem_shared>>) dst(%dma_wait3A_59 : memref<80x128xf32, #tpu.memory_space<hbm>>)
          tpu.yield
        }) : () -> ()
      }
      %while3A_49 = arith.constant 1 : i32
      scf.for %while3A_50 = %while3A_47 to %while3A_43 step %while3A_49  : i32 {
        %mul3A = arith.muli %while3A_50, %while3A_40 : i32
        %add3A_51 = arith.addi %arg1, %mul3A : i32
        %mul3A_52 = arith.constant 80 : i32
        %mul3A_53 = arith.muli %add3A_51, %mul3A_52 : i32
        %mul3A_54 = arith.constant 80 : i32
        %mul3A_55 = arith.muli %add3A_51, %mul3A_54 : i32
        "tpu.region"() ({
          %run_scoped3A = tpu.sem_alloc : memref<!tpu.dma_semaphore, #tpu.memory_space<semaphore_mem>>
          %dma_start3A = arith.constant 0 : i32
          %dma_start3A_56 = tpu.memref_slice %arg8[%mul3A_55, %dma_start3A] : memref<10000x128xf32, #tpu.memory_space<hbm>> -> memref<80x128xf32, #tpu.memory_space<hbm>>
          %dma_start3A_57 = arith.constant 0 : i32
          %dma_start3A_58 = tpu.memref_slice %arg12[%mul3A_53, %dma_start3A_57] : memref<10008x128xf32, #tpu.memory_space<vmem_shared>> -> memref<80x128xf32, #tpu.memory_space<vmem_shared>>
          tpu.enqueue_dma source(%dma_start3A_58 : memref<80x128xf32, #tpu.memory_space<vmem_shared>>) target(%dma_start3A_56 : memref<80x128xf32, #tpu.memory_space<hbm>>) target_semaphore(%run_scoped3A : memref<!tpu.dma_semaphore, #tpu.memory_space<semaphore_mem>>)
          %dma_wait3A = arith.constant 0 : i32
          %dma_wait3A_59 = tpu.memref_slice %arg8[%mul3A_55, %dma_wait3A] : memref<10000x128xf32, #tpu.memory_space<hbm>> -> memref<80x128xf32, #tpu.memory_space<hbm>>
          %dma_wait3A_60 = arith.constant 0 : i32
          %dma_wait3A_61 = tpu.memref_slice %arg12[%mul3A_53, %dma_wait3A_60] : memref<10008x128xf32, #tpu.memory_space<vmem_shared>> -> memref<80x128xf32, #tpu.memory_space<vmem_shared>>
          tpu.wait_dma2 semaphore(%run_scoped3A : memref<!tpu.dma_semaphore, #tpu.memory_space<semaphore_mem>>) src(%dma_wait3A_61 : memref<80x128xf32, #tpu.memory_space<vmem_shared>>) dst(%dma_wait3A_59 : memref<80x128xf32, #tpu.memory_space<hbm>>)
          tpu.yield
        }) : () -> ()
      }
    } else {
    }
    return
  }
}

#map = affine_map<(d0, d1) -> (0, 0)>
#map1 = affine_map<(d0, d1) -> (0)>
module attributes {stable_mosaic.version = 14 : i64} {
  func.func @_scatter(%arg0: i32, %arg1: i32, %arg2: memref<10000x128xf32, #tpu.memory_space<hbm>>, %arg3: memref<10000x128xf32, #tpu.memory_space<hbm>>, %arg4: memref<160000xi32, #tpu.memory_space<hbm>>, %arg5: memref<160000xi32, #tpu.memory_space<hbm>>, %arg6: memref<10000x128xf32, #tpu.memory_space<hbm>>, %arg7: memref<10000x128xf32, #tpu.memory_space<hbm>>, %arg8: memref<10000x128xf32, #tpu.memory_space<hbm>>, %arg9: memref<128xi32, #tpu.memory_space<vmem>>, %arg10: memref<128xi32, #tpu.memory_space<vmem>>, %arg11: memref<128x128xf32, #tpu.memory_space<vmem>>, %arg12: memref<10008x128xf32, #tpu.memory_space<vmem_shared>>, %arg13: memref<!tpu.dma_semaphore, #tpu.memory_space<semaphore_mem>>) attributes {dimension_semantics = [#tpu.dimension_semantics<core_parallel>, #tpu.dimension_semantics<subcore_parallel>], iteration_bounds = array<i64: 2, 16>, scalar_prefetch = 0 : i64, scratch_operands = 5 : i64, tpu.core_type = #tpu.core_type<sc_vector_subcore>, window_params = [{transform_indices = #map}, {transform_indices = #map}, {transform_indices = #map1}, {transform_indices = #map1}, {transform_indices = #map}, {transform_indices = #map}, {transform_indices = #map}]} {
    %sub3A = arith.constant 125 : i32
    %sub3A_0 = arith.subi %sub3A, %arg1 : i32
    %sub3A_1 = arith.constant 16 : i32
    %sub3A_2 = arith.constant 1 : i32
    %sub3A_3 = arith.subi %sub3A_1, %sub3A_2 : i32
    %add3A = arith.addi %sub3A_0, %sub3A_3 : i32
    %div3A = arith.constant 16 : i32
    %div3A_4 = arith.divsi %add3A, %div3A : i32
    %while3A = arith.constant 16 : i32
    %while3A_5 = arith.constant 0 : i32
    %while3A_6 = arith.subi %div3A_4, %while3A_5 : i32
    %while3A_7 = arith.addi %while3A_5, %while3A_6 : i32
    %while3A_8 = arith.constant 1 : i32
    %while3A_9 = arith.divsi %while3A_6, %while3A_8 : i32
    %while3A_10 = arith.muli %while3A_9, %while3A_8 : i32
    %while3A_11 = arith.addi %while3A_5, %while3A_10 : i32
    %while3A_12 = arith.constant 1 : i32
    scf.for %while3A_32 = %while3A_5 to %while3A_11 step %while3A_12  : i32 {
      %mul3A = arith.muli %while3A_32, %while3A : i32
      %add3A_33 = arith.addi %arg1, %mul3A : i32
      %mul3A_34 = arith.constant 80 : i32
      %mul3A_35 = arith.muli %add3A_33, %mul3A_34 : i32
      %mul3A_36 = arith.constant 80 : i32
      %mul3A_37 = arith.muli %add3A_33, %mul3A_36 : i32
      "tpu.region"() ({
        %run_scoped3A = tpu.sem_alloc : memref<!tpu.dma_semaphore, #tpu.memory_space<semaphore_mem>>
        %dma_start3A = arith.constant 0 : i32
        %dma_start3A_38 = tpu.memref_slice %arg12[%mul3A_37, %dma_start3A] : memref<10008x128xf32, #tpu.memory_space<vmem_shared>> -> memref<80x128xf32, #tpu.memory_space<vmem_shared>>
        %dma_start3A_39 = arith.constant 0 : i32
        %dma_start3A_40 = tpu.memref_slice %arg6[%mul3A_35, %dma_start3A_39] : memref<10000x128xf32, #tpu.memory_space<hbm>> -> memref<80x128xf32, #tpu.memory_space<hbm>>
        tpu.enqueue_dma source(%dma_start3A_40 : memref<80x128xf32, #tpu.memory_space<hbm>>) target(%dma_start3A_38 : memref<80x128xf32, #tpu.memory_space<vmem_shared>>) target_semaphore(%run_scoped3A : memref<!tpu.dma_semaphore, #tpu.memory_space<semaphore_mem>>)
        %dma_wait3A = arith.constant 0 : i32
        %dma_wait3A_41 = tpu.memref_slice %arg12[%mul3A_37, %dma_wait3A] : memref<10008x128xf32, #tpu.memory_space<vmem_shared>> -> memref<80x128xf32, #tpu.memory_space<vmem_shared>>
        %dma_wait3A_42 = arith.constant 0 : i32
        %dma_wait3A_43 = tpu.memref_slice %arg6[%mul3A_35, %dma_wait3A_42] : memref<10000x128xf32, #tpu.memory_space<hbm>> -> memref<80x128xf32, #tpu.memory_space<hbm>>
        tpu.wait_dma2 semaphore(%run_scoped3A : memref<!tpu.dma_semaphore, #tpu.memory_space<semaphore_mem>>) src(%dma_wait3A_43 : memref<80x128xf32, #tpu.memory_space<hbm>>) dst(%dma_wait3A_41 : memref<80x128xf32, #tpu.memory_space<vmem_shared>>)
        tpu.yield
      }) : () -> ()
    }
    %while3A_13 = arith.constant 1 : i32
    scf.for %while3A_32 = %while3A_11 to %while3A_7 step %while3A_13  : i32 {
      %mul3A = arith.muli %while3A_32, %while3A : i32
      %add3A_33 = arith.addi %arg1, %mul3A : i32
      %mul3A_34 = arith.constant 80 : i32
      %mul3A_35 = arith.muli %add3A_33, %mul3A_34 : i32
      %mul3A_36 = arith.constant 80 : i32
      %mul3A_37 = arith.muli %add3A_33, %mul3A_36 : i32
      "tpu.region"() ({
        %run_scoped3A = tpu.sem_alloc : memref<!tpu.dma_semaphore, #tpu.memory_space<semaphore_mem>>
        %dma_start3A = arith.constant 0 : i32
        %dma_start3A_38 = tpu.memref_slice %arg12[%mul3A_37, %dma_start3A] : memref<10008x128xf32, #tpu.memory_space<vmem_shared>> -> memref<80x128xf32, #tpu.memory_space<vmem_shared>>
        %dma_start3A_39 = arith.constant 0 : i32
        %dma_start3A_40 = tpu.memref_slice %arg6[%mul3A_35, %dma_start3A_39] : memref<10000x128xf32, #tpu.memory_space<hbm>> -> memref<80x128xf32, #tpu.memory_space<hbm>>
        tpu.enqueue_dma source(%dma_start3A_40 : memref<80x128xf32, #tpu.memory_space<hbm>>) target(%dma_start3A_38 : memref<80x128xf32, #tpu.memory_space<vmem_shared>>) target_semaphore(%run_scoped3A : memref<!tpu.dma_semaphore, #tpu.memory_space<semaphore_mem>>)
        %dma_wait3A = arith.constant 0 : i32
        %dma_wait3A_41 = tpu.memref_slice %arg12[%mul3A_37, %dma_wait3A] : memref<10008x128xf32, #tpu.memory_space<vmem_shared>> -> memref<80x128xf32, #tpu.memory_space<vmem_shared>>
        %dma_wait3A_42 = arith.constant 0 : i32
        %dma_wait3A_43 = tpu.memref_slice %arg6[%mul3A_35, %dma_wait3A_42] : memref<10000x128xf32, #tpu.memory_space<hbm>> -> memref<80x128xf32, #tpu.memory_space<hbm>>
        tpu.wait_dma2 semaphore(%run_scoped3A : memref<!tpu.dma_semaphore, #tpu.memory_space<semaphore_mem>>) src(%dma_wait3A_43 : memref<80x128xf32, #tpu.memory_space<hbm>>) dst(%dma_wait3A_41 : memref<80x128xf32, #tpu.memory_space<vmem_shared>>)
        tpu.yield
      }) : () -> ()
    }
    %barrier3A = arith.constant 0 : index
    tpu.barrier barrier_id(%barrier3A)
    %eq3A = arith.constant 0 : i32
    %eq3A_14 = arith.cmpi eq, %arg0, %eq3A : i32
    %convert_element_type3A = arith.extui %eq3A_14 : i1 to i32
    %cond3A = arith.constant 0 : i32
    %cond3A_15 = arith.cmpi ne, %convert_element_type3A, %cond3A : i32
    scf.if %cond3A_15 {
      %sub3A_32 = arith.constant 1250 : i32
      %sub3A_33 = arith.subi %sub3A_32, %arg1 : i32
      %sub3A_34 = arith.constant 16 : i32
      %sub3A_35 = arith.constant 1 : i32
      %sub3A_36 = arith.subi %sub3A_34, %sub3A_35 : i32
      %add3A_37 = arith.addi %sub3A_33, %sub3A_36 : i32
      %div3A_38 = arith.constant 16 : i32
      %div3A_39 = arith.divsi %add3A_37, %div3A_38 : i32
      %while3A_40 = arith.constant 16 : i32
      %while3A_41 = arith.constant 0 : i32
      %while3A_42 = arith.subi %div3A_39, %while3A_41 : i32
      %while3A_43 = arith.addi %while3A_41, %while3A_42 : i32
      %while3A_44 = arith.constant 1 : i32
      %while3A_45 = arith.divsi %while3A_42, %while3A_44 : i32
      %while3A_46 = arith.muli %while3A_45, %while3A_44 : i32
      %while3A_47 = arith.addi %while3A_41, %while3A_46 : i32
      %while3A_48 = arith.constant 1 : i32
      scf.for %while3A_50 = %while3A_41 to %while3A_47 step %while3A_48  : i32 {
        %mul3A = arith.muli %while3A_50, %while3A_40 : i32
        %add3A_51 = arith.addi %arg1, %mul3A : i32
        %mul3A_52 = arith.constant 128 : i32
        %mul3A_53 = arith.muli %add3A_51, %mul3A_52 : i32
        "tpu.region"() ({
          %run_scoped3A = tpu.sem_alloc : memref<!tpu.dma_semaphore, #tpu.memory_space<semaphore_mem>>
          %dma_start3A = tpu.memref_slice %arg4[%mul3A_53] : memref<160000xi32, #tpu.memory_space<hbm>> -> memref<128xi32, #tpu.memory_space<hbm>>
          %dma_start3A_54 = tpu.memref_slice %arg4[%mul3A_53] : memref<160000xi32, #tpu.memory_space<hbm>> -> memref<128xi32, #tpu.memory_space<hbm>>
          tpu.enqueue_dma source(%dma_start3A_54 : memref<128xi32, #tpu.memory_space<hbm>>) target(%arg9 : memref<128xi32, #tpu.memory_space<vmem>>) target_semaphore(%run_scoped3A : memref<!tpu.dma_semaphore, #tpu.memory_space<semaphore_mem>>)
          %dma_wait3A = tpu.memref_slice %arg4[%mul3A_53] : memref<160000xi32, #tpu.memory_space<hbm>> -> memref<128xi32, #tpu.memory_space<hbm>>
          %dma_wait3A_55 = tpu.memref_slice %arg4[%mul3A_53] : memref<160000xi32, #tpu.memory_space<hbm>> -> memref<128xi32, #tpu.memory_space<hbm>>
          tpu.wait_dma2 semaphore(%run_scoped3A : memref<!tpu.dma_semaphore, #tpu.memory_space<semaphore_mem>>) src(%dma_wait3A_55 : memref<128xi32, #tpu.memory_space<hbm>>) dst(%arg9 : memref<128xi32, #tpu.memory_space<vmem>>)
          tpu.yield
        }) : () -> ()
        "tpu.region"() ({
          %run_scoped3A = tpu.sem_alloc : memref<!tpu.dma_semaphore, #tpu.memory_space<semaphore_mem>>
          %dma_start3A = tpu.memref_slice %arg5[%mul3A_53] : memref<160000xi32, #tpu.memory_space<hbm>> -> memref<128xi32, #tpu.memory_space<hbm>>
          %dma_start3A_54 = tpu.memref_slice %arg5[%mul3A_53] : memref<160000xi32, #tpu.memory_space<hbm>> -> memref<128xi32, #tpu.memory_space<hbm>>
          tpu.enqueue_dma source(%dma_start3A_54 : memref<128xi32, #tpu.memory_space<hbm>>) target(%arg10 : memref<128xi32, #tpu.memory_space<vmem>>) target_semaphore(%run_scoped3A : memref<!tpu.dma_semaphore, #tpu.memory_space<semaphore_mem>>)
          %dma_wait3A = tpu.memref_slice %arg5[%mul3A_53] : memref<160000xi32, #tpu.memory_space<hbm>> -> memref<128xi32, #tpu.memory_space<hbm>>
          %dma_wait3A_55 = tpu.memref_slice %arg5[%mul3A_53] : memref<160000xi32, #tpu.memory_space<hbm>> -> memref<128xi32, #tpu.memory_space<hbm>>
          tpu.wait_dma2 semaphore(%run_scoped3A : memref<!tpu.dma_semaphore, #tpu.memory_space<semaphore_mem>>) src(%dma_wait3A_55 : memref<128xi32, #tpu.memory_space<hbm>>) dst(%arg10 : memref<128xi32, #tpu.memory_space<vmem>>)
          tpu.yield
        }) : () -> ()
        "tpu.region"() ({
          %run_scoped3A = tpu.sem_alloc : memref<!tpu.dma_semaphore, #tpu.memory_space<semaphore_mem>>
          %dma_start3A = arith.constant 0 : i32
          %dma_start3A_54 = arith.constant 0 : i32
          %dma_start3A_55 = tpu.memref_slice %arg12[%dma_start3A, %dma_start3A_54] : memref<10008x128xf32, #tpu.memory_space<vmem_shared>> -> memref<10008x128xf32, #tpu.memory_space<vmem_shared>>
          tpu.enqueue_indirect_dma source(%arg11 : memref<128x128xf32, #tpu.memory_space<vmem>>) target(%dma_start3A_55 : memref<10008x128xf32, #tpu.memory_space<vmem_shared>>) offsets(%arg10 : memref<128xi32, #tpu.memory_space<vmem>>) semaphore(%run_scoped3A : memref<!tpu.dma_semaphore, #tpu.memory_space<semaphore_mem>>) {add = true}
          %dma_wait3A = arith.constant 0 : i32
          %dma_wait3A_56 = arith.constant 0 : i32
          %dma_wait3A_57 = tpu.memref_slice %arg12[%dma_wait3A, %dma_wait3A_56] : memref<10008x128xf32, #tpu.memory_space<vmem_shared>> -> memref<10008x128xf32, #tpu.memory_space<vmem_shared>>
          tpu.wait_indirect_dma semaphore(%run_scoped3A : memref<!tpu.dma_semaphore, #tpu.memory_space<semaphore_mem>>) src(%arg11 : memref<128x128xf32, #tpu.memory_space<vmem>>) dst(%dma_wait3A_57 : memref<10008x128xf32, #tpu.memory_space<vmem_shared>>)
          tpu.yield
        }) : () -> ()
      }
      %while3A_49 = arith.constant 1 : i32
      scf.for %while3A_50 = %while3A_47 to %while3A_43 step %while3A_49  : i32 {
        %mul3A = arith.muli %while3A_50, %while3A_40 : i32
        %add3A_51 = arith.addi %arg1, %mul3A : i32
        %mul3A_52 = arith.constant 128 : i32
        %mul3A_53 = arith.muli %add3A_51, %mul3A_52 : i32
        "tpu.region"() ({
          %run_scoped3A = tpu.sem_alloc : memref<!tpu.dma_semaphore, #tpu.memory_space<semaphore_mem>>
          %dma_start3A = tpu.memref_slice %arg4[%mul3A_53] : memref<160000xi32, #tpu.memory_space<hbm>> -> memref<128xi32, #tpu.memory_space<hbm>>
          %dma_start3A_54 = tpu.memref_slice %arg4[%mul3A_53] : memref<160000xi32, #tpu.memory_space<hbm>> -> memref<128xi32, #tpu.memory_space<hbm>>
          tpu.enqueue_dma source(%dma_start3A_54 : memref<128xi32, #tpu.memory_space<hbm>>) target(%arg9 : memref<128xi32, #tpu.memory_space<vmem>>) target_semaphore(%run_scoped3A : memref<!tpu.dma_semaphore, #tpu.memory_space<semaphore_mem>>)
          %dma_wait3A = tpu.memref_slice %arg4[%mul3A_53] : memref<160000xi32, #tpu.memory_space<hbm>> -> memref<128xi32, #tpu.memory_space<hbm>>
          %dma_wait3A_55 = tpu.memref_slice %arg4[%mul3A_53] : memref<160000xi32, #tpu.memory_space<hbm>> -> memref<128xi32, #tpu.memory_space<hbm>>
          tpu.wait_dma2 semaphore(%run_scoped3A : memref<!tpu.dma_semaphore, #tpu.memory_space<semaphore_mem>>) src(%dma_wait3A_55 : memref<128xi32, #tpu.memory_space<hbm>>) dst(%arg9 : memref<128xi32, #tpu.memory_space<vmem>>)
          tpu.yield
        }) : () -> ()
        "tpu.region"() ({
          %run_scoped3A = tpu.sem_alloc : memref<!tpu.dma_semaphore, #tpu.memory_space<semaphore_mem>>
          %dma_start3A = tpu.memref_slice %arg5[%mul3A_53] : memref<160000xi32, #tpu.memory_space<hbm>> -> memref<128xi32, #tpu.memory_space<hbm>>
          %dma_start3A_54 = tpu.memref_slice %arg5[%mul3A_53] : memref<160000xi32, #tpu.memory_space<hbm>> -> memref<128xi32, #tpu.memory_space<hbm>>
          tpu.enqueue_dma source(%dma_start3A_54 : memref<128xi32, #tpu.memory_space<hbm>>) target(%arg10 : memref<128xi32, #tpu.memory_space<vmem>>) target_semaphore(%run_scoped3A : memref<!tpu.dma_semaphore, #tpu.memory_space<semaphore_mem>>)
          %dma_wait3A = tpu.memref_slice %arg5[%mul3A_53] : memref<160000xi32, #tpu.memory_space<hbm>> -> memref<128xi32, #tpu.memory_space<hbm>>
          %dma_wait3A_55 = tpu.memref_slice %arg5[%mul3A_53] : memref<160000xi32, #tpu.memory_space<hbm>> -> memref<128xi32, #tpu.memory_space<hbm>>
          tpu.wait_dma2 semaphore(%run_scoped3A : memref<!tpu.dma_semaphore, #tpu.memory_space<semaphore_mem>>) src(%dma_wait3A_55 : memref<128xi32, #tpu.memory_space<hbm>>) dst(%arg10 : memref<128xi32, #tpu.memory_space<vmem>>)
          tpu.yield
        }) : () -> ()
        "tpu.region"() ({
          %run_scoped3A = tpu.sem_alloc : memref<!tpu.dma_semaphore, #tpu.memory_space<semaphore_mem>>
          %dma_start3A = arith.constant 0 : i32
          %dma_start3A_54 = arith.constant 0 : i32
          %dma_start3A_55 = tpu.memref_slice %arg12[%dma_start3A, %dma_start3A_54] : memref<10008x128xf32, #tpu.memory_space<vmem_shared>> -> memref<10008x128xf32, #tpu.memory_space<vmem_shared>>
          tpu.enqueue_indirect_dma source(%arg11 : memref<128x128xf32, #tpu.memory_space<vmem>>) target(%dma_start3A_55 : memref<10008x128xf32, #tpu.memory_space<vmem_shared>>) offsets(%arg10 : memref<128xi32, #tpu.memory_space<vmem>>) semaphore(%run_scoped3A : memref<!tpu.dma_semaphore, #tpu.memory_space<semaphore_mem>>) {add = true}
          %dma_wait3A = arith.constant 0 : i32
          %dma_wait3A_56 = arith.constant 0 : i32
          %dma_wait3A_57 = tpu.memref_slice %arg12[%dma_wait3A, %dma_wait3A_56] : memref<10008x128xf32, #tpu.memory_space<vmem_shared>> -> memref<10008x128xf32, #tpu.memory_space<vmem_shared>>
          tpu.wait_indirect_dma semaphore(%run_scoped3A : memref<!tpu.dma_semaphore, #tpu.memory_space<semaphore_mem>>) src(%arg11 : memref<128x128xf32, #tpu.memory_space<vmem>>) dst(%dma_wait3A_57 : memref<10008x128xf32, #tpu.memory_space<vmem_shared>>)
          tpu.yield
        }) : () -> ()
      }
    } else {
    }
    %eq3A_16 = arith.constant 1 : i32
    %eq3A_17 = arith.cmpi eq, %arg0, %eq3A_16 : i32
    %convert_element_type3A_18 = arith.extui %eq3A_17 : i1 to i32
    %cond3A_19 = arith.constant 0 : i32
    %cond3A_20 = arith.cmpi ne, %convert_element_type3A_18, %cond3A_19 : i32
    scf.if %cond3A_20 {
      %sub3A_32 = arith.constant 1250 : i32
      %sub3A_33 = arith.subi %sub3A_32, %arg1 : i32
      %sub3A_34 = arith.constant 16 : i32
      %sub3A_35 = arith.constant 1 : i32
      %sub3A_36 = arith.subi %sub3A_34, %sub3A_35 : i32
      %add3A_37 = arith.addi %sub3A_33, %sub3A_36 : i32
      %div3A_38 = arith.constant 16 : i32
      %div3A_39 = arith.divsi %add3A_37, %div3A_38 : i32
      %while3A_40 = arith.constant 16 : i32
      %while3A_41 = arith.constant 0 : i32
      %while3A_42 = arith.subi %div3A_39, %while3A_41 : i32
      %while3A_43 = arith.addi %while3A_41, %while3A_42 : i32
      %while3A_44 = arith.constant 1 : i32
      %while3A_45 = arith.divsi %while3A_42, %while3A_44 : i32
      %while3A_46 = arith.muli %while3A_45, %while3A_44 : i32
      %while3A_47 = arith.addi %while3A_41, %while3A_46 : i32
      %while3A_48 = arith.constant 1 : i32
      scf.for %while3A_50 = %while3A_41 to %while3A_47 step %while3A_48  : i32 {
        %mul3A = arith.muli %while3A_50, %while3A_40 : i32
        %add3A_51 = arith.addi %arg1, %mul3A : i32
        %mul3A_52 = arith.constant 128 : i32
        %mul3A_53 = arith.muli %add3A_51, %mul3A_52 : i32
        "tpu.region"() ({
          %run_scoped3A = tpu.sem_alloc : memref<!tpu.dma_semaphore, #tpu.memory_space<semaphore_mem>>
          %dma_start3A = tpu.memref_slice %arg4[%mul3A_53] : memref<160000xi32, #tpu.memory_space<hbm>> -> memref<128xi32, #tpu.memory_space<hbm>>
          %dma_start3A_54 = tpu.memref_slice %arg4[%mul3A_53] : memref<160000xi32, #tpu.memory_space<hbm>> -> memref<128xi32, #tpu.memory_space<hbm>>
          tpu.enqueue_dma source(%dma_start3A_54 : memref<128xi32, #tpu.memory_space<hbm>>) target(%arg9 : memref<128xi32, #tpu.memory_space<vmem>>) target_semaphore(%run_scoped3A : memref<!tpu.dma_semaphore, #tpu.memory_space<semaphore_mem>>)
          %dma_wait3A = tpu.memref_slice %arg4[%mul3A_53] : memref<160000xi32, #tpu.memory_space<hbm>> -> memref<128xi32, #tpu.memory_space<hbm>>
          %dma_wait3A_55 = tpu.memref_slice %arg4[%mul3A_53] : memref<160000xi32, #tpu.memory_space<hbm>> -> memref<128xi32, #tpu.memory_space<hbm>>
          tpu.wait_dma2 semaphore(%run_scoped3A : memref<!tpu.dma_semaphore, #tpu.memory_space<semaphore_mem>>) src(%dma_wait3A_55 : memref<128xi32, #tpu.memory_space<hbm>>) dst(%arg9 : memref<128xi32, #tpu.memory_space<vmem>>)
          tpu.yield
        }) : () -> ()
        "tpu.region"() ({
          %run_scoped3A = tpu.sem_alloc : memref<!tpu.dma_semaphore, #tpu.memory_space<semaphore_mem>>
          %dma_start3A = tpu.memref_slice %arg5[%mul3A_53] : memref<160000xi32, #tpu.memory_space<hbm>> -> memref<128xi32, #tpu.memory_space<hbm>>
          %dma_start3A_54 = tpu.memref_slice %arg5[%mul3A_53] : memref<160000xi32, #tpu.memory_space<hbm>> -> memref<128xi32, #tpu.memory_space<hbm>>
          tpu.enqueue_dma source(%dma_start3A_54 : memref<128xi32, #tpu.memory_space<hbm>>) target(%arg10 : memref<128xi32, #tpu.memory_space<vmem>>) target_semaphore(%run_scoped3A : memref<!tpu.dma_semaphore, #tpu.memory_space<semaphore_mem>>)
          %dma_wait3A = tpu.memref_slice %arg5[%mul3A_53] : memref<160000xi32, #tpu.memory_space<hbm>> -> memref<128xi32, #tpu.memory_space<hbm>>
          %dma_wait3A_55 = tpu.memref_slice %arg5[%mul3A_53] : memref<160000xi32, #tpu.memory_space<hbm>> -> memref<128xi32, #tpu.memory_space<hbm>>
          tpu.wait_dma2 semaphore(%run_scoped3A : memref<!tpu.dma_semaphore, #tpu.memory_space<semaphore_mem>>) src(%dma_wait3A_55 : memref<128xi32, #tpu.memory_space<hbm>>) dst(%arg10 : memref<128xi32, #tpu.memory_space<vmem>>)
          tpu.yield
        }) : () -> ()
        "tpu.region"() ({
          %run_scoped3A = tpu.sem_alloc : memref<!tpu.dma_semaphore, #tpu.memory_space<semaphore_mem>>
          %dma_start3A = arith.constant 0 : i32
          %dma_start3A_54 = arith.constant 0 : i32
          %dma_start3A_55 = tpu.memref_slice %arg12[%dma_start3A, %dma_start3A_54] : memref<10008x128xf32, #tpu.memory_space<vmem_shared>> -> memref<10008x128xf32, #tpu.memory_space<vmem_shared>>
          tpu.enqueue_indirect_dma source(%arg11 : memref<128x128xf32, #tpu.memory_space<vmem>>) target(%dma_start3A_55 : memref<10008x128xf32, #tpu.memory_space<vmem_shared>>) offsets(%arg10 : memref<128xi32, #tpu.memory_space<vmem>>) semaphore(%run_scoped3A : memref<!tpu.dma_semaphore, #tpu.memory_space<semaphore_mem>>) {add = true}
          %dma_wait3A = arith.constant 0 : i32
          %dma_wait3A_56 = arith.constant 0 : i32
          %dma_wait3A_57 = tpu.memref_slice %arg12[%dma_wait3A, %dma_wait3A_56] : memref<10008x128xf32, #tpu.memory_space<vmem_shared>> -> memref<10008x128xf32, #tpu.memory_space<vmem_shared>>
          tpu.wait_indirect_dma semaphore(%run_scoped3A : memref<!tpu.dma_semaphore, #tpu.memory_space<semaphore_mem>>) src(%arg11 : memref<128x128xf32, #tpu.memory_space<vmem>>) dst(%dma_wait3A_57 : memref<10008x128xf32, #tpu.memory_space<vmem_shared>>)
          tpu.yield
        }) : () -> ()
      }
      %while3A_49 = arith.constant 1 : i32
      scf.for %while3A_50 = %while3A_47 to %while3A_43 step %while3A_49  : i32 {
        %mul3A = arith.muli %while3A_50, %while3A_40 : i32
        %add3A_51 = arith.addi %arg1, %mul3A : i32
        %mul3A_52 = arith.constant 128 : i32
        %mul3A_53 = arith.muli %add3A_51, %mul3A_52 : i32
        "tpu.region"() ({
          %run_scoped3A = tpu.sem_alloc : memref<!tpu.dma_semaphore, #tpu.memory_space<semaphore_mem>>
          %dma_start3A = tpu.memref_slice %arg4[%mul3A_53] : memref<160000xi32, #tpu.memory_space<hbm>> -> memref<128xi32, #tpu.memory_space<hbm>>
          %dma_start3A_54 = tpu.memref_slice %arg4[%mul3A_53] : memref<160000xi32, #tpu.memory_space<hbm>> -> memref<128xi32, #tpu.memory_space<hbm>>
          tpu.enqueue_dma source(%dma_start3A_54 : memref<128xi32, #tpu.memory_space<hbm>>) target(%arg9 : memref<128xi32, #tpu.memory_space<vmem>>) target_semaphore(%run_scoped3A : memref<!tpu.dma_semaphore, #tpu.memory_space<semaphore_mem>>)
          %dma_wait3A = tpu.memref_slice %arg4[%mul3A_53] : memref<160000xi32, #tpu.memory_space<hbm>> -> memref<128xi32, #tpu.memory_space<hbm>>
          %dma_wait3A_55 = tpu.memref_slice %arg4[%mul3A_53] : memref<160000xi32, #tpu.memory_space<hbm>> -> memref<128xi32, #tpu.memory_space<hbm>>
          tpu.wait_dma2 semaphore(%run_scoped3A : memref<!tpu.dma_semaphore, #tpu.memory_space<semaphore_mem>>) src(%dma_wait3A_55 : memref<128xi32, #tpu.memory_space<hbm>>) dst(%arg9 : memref<128xi32, #tpu.memory_space<vmem>>)
          tpu.yield
        }) : () -> ()
        "tpu.region"() ({
          %run_scoped3A = tpu.sem_alloc : memref<!tpu.dma_semaphore, #tpu.memory_space<semaphore_mem>>
          %dma_start3A = tpu.memref_slice %arg5[%mul3A_53] : memref<160000xi32, #tpu.memory_space<hbm>> -> memref<128xi32, #tpu.memory_space<hbm>>
          %dma_start3A_54 = tpu.memref_slice %arg5[%mul3A_53] : memref<160000xi32, #tpu.memory_space<hbm>> -> memref<128xi32, #tpu.memory_space<hbm>>
          tpu.enqueue_dma source(%dma_start3A_54 : memref<128xi32, #tpu.memory_space<hbm>>) target(%arg10 : memref<128xi32, #tpu.memory_space<vmem>>) target_semaphore(%run_scoped3A : memref<!tpu.dma_semaphore, #tpu.memory_space<semaphore_mem>>)
          %dma_wait3A = tpu.memref_slice %arg5[%mul3A_53] : memref<160000xi32, #tpu.memory_space<hbm>> -> memref<128xi32, #tpu.memory_space<hbm>>
          %dma_wait3A_55 = tpu.memref_slice %arg5[%mul3A_53] : memref<160000xi32, #tpu.memory_space<hbm>> -> memref<128xi32, #tpu.memory_space<hbm>>
          tpu.wait_dma2 semaphore(%run_scoped3A : memref<!tpu.dma_semaphore, #tpu.memory_space<semaphore_mem>>) src(%dma_wait3A_55 : memref<128xi32, #tpu.memory_space<hbm>>) dst(%arg10 : memref<128xi32, #tpu.memory_space<vmem>>)
          tpu.yield
        }) : () -> ()
        "tpu.region"() ({
          %run_scoped3A = tpu.sem_alloc : memref<!tpu.dma_semaphore, #tpu.memory_space<semaphore_mem>>
          %dma_start3A = arith.constant 0 : i32
          %dma_start3A_54 = arith.constant 0 : i32
          %dma_start3A_55 = tpu.memref_slice %arg12[%dma_start3A, %dma_start3A_54] : memref<10008x128xf32, #tpu.memory_space<vmem_shared>> -> memref<10008x128xf32, #tpu.memory_space<vmem_shared>>
          tpu.enqueue_indirect_dma source(%arg11 : memref<128x128xf32, #tpu.memory_space<vmem>>) target(%dma_start3A_55 : memref<10008x128xf32, #tpu.memory_space<vmem_shared>>) offsets(%arg10 : memref<128xi32, #tpu.memory_space<vmem>>) semaphore(%run_scoped3A : memref<!tpu.dma_semaphore, #tpu.memory_space<semaphore_mem>>) {add = true}
          %dma_wait3A = arith.constant 0 : i32
          %dma_wait3A_56 = arith.constant 0 : i32
          %dma_wait3A_57 = tpu.memref_slice %arg12[%dma_wait3A, %dma_wait3A_56] : memref<10008x128xf32, #tpu.memory_space<vmem_shared>> -> memref<10008x128xf32, #tpu.memory_space<vmem_shared>>
          tpu.wait_indirect_dma semaphore(%run_scoped3A : memref<!tpu.dma_semaphore, #tpu.memory_space<semaphore_mem>>) src(%arg11 : memref<128x128xf32, #tpu.memory_space<vmem>>) dst(%dma_wait3A_57 : memref<10008x128xf32, #tpu.memory_space<vmem_shared>>)
          tpu.yield
        }) : () -> ()
      }
    } else {
    }
    %barrier3A_21 = arith.constant 0 : index
    tpu.barrier barrier_id(%barrier3A_21)
    %eq3A_22 = arith.constant 0 : i32
    %eq3A_23 = arith.cmpi eq, %arg0, %eq3A_22 : i32
    %convert_element_type3A_24 = arith.extui %eq3A_23 : i1 to i32
    %cond3A_25 = arith.constant 0 : i32
    %cond3A_26 = arith.cmpi ne, %convert_element_type3A_24, %cond3A_25 : i32
    scf.if %cond3A_26 {
      %sub3A_32 = arith.constant 125 : i32
      %sub3A_33 = arith.subi %sub3A_32, %arg1 : i32
      %sub3A_34 = arith.constant 16 : i32
      %sub3A_35 = arith.constant 1 : i32
      %sub3A_36 = arith.subi %sub3A_34, %sub3A_35 : i32
      %add3A_37 = arith.addi %sub3A_33, %sub3A_36 : i32
      %div3A_38 = arith.constant 16 : i32
      %div3A_39 = arith.divsi %add3A_37, %div3A_38 : i32
      %while3A_40 = arith.constant 16 : i32
      %while3A_41 = arith.constant 0 : i32
      %while3A_42 = arith.subi %div3A_39, %while3A_41 : i32
      %while3A_43 = arith.addi %while3A_41, %while3A_42 : i32
      %while3A_44 = arith.constant 1 : i32
      %while3A_45 = arith.divsi %while3A_42, %while3A_44 : i32
      %while3A_46 = arith.muli %while3A_45, %while3A_44 : i32
      %while3A_47 = arith.addi %while3A_41, %while3A_46 : i32
      %while3A_48 = arith.constant 1 : i32
      scf.for %while3A_50 = %while3A_41 to %while3A_47 step %while3A_48  : i32 {
        %mul3A = arith.muli %while3A_50, %while3A_40 : i32
        %add3A_51 = arith.addi %arg1, %mul3A : i32
        %mul3A_52 = arith.constant 80 : i32
        %mul3A_53 = arith.muli %add3A_51, %mul3A_52 : i32
        %mul3A_54 = arith.constant 80 : i32
        %mul3A_55 = arith.muli %add3A_51, %mul3A_54 : i32
        "tpu.region"() ({
          %run_scoped3A = tpu.sem_alloc : memref<!tpu.dma_semaphore, #tpu.memory_space<semaphore_mem>>
          %dma_start3A = arith.constant 0 : i32
          %dma_start3A_56 = tpu.memref_slice %arg7[%mul3A_55, %dma_start3A] : memref<10000x128xf32, #tpu.memory_space<hbm>> -> memref<80x128xf32, #tpu.memory_space<hbm>>
          %dma_start3A_57 = arith.constant 0 : i32
          %dma_start3A_58 = tpu.memref_slice %arg12[%mul3A_53, %dma_start3A_57] : memref<10008x128xf32, #tpu.memory_space<vmem_shared>> -> memref<80x128xf32, #tpu.memory_space<vmem_shared>>
          tpu.enqueue_dma source(%dma_start3A_58 : memref<80x128xf32, #tpu.memory_space<vmem_shared>>) target(%dma_start3A_56 : memref<80x128xf32, #tpu.memory_space<hbm>>) target_semaphore(%run_scoped3A : memref<!tpu.dma_semaphore, #tpu.memory_space<semaphore_mem>>)
          %dma_wait3A = arith.constant 0 : i32
          %dma_wait3A_59 = tpu.memref_slice %arg7[%mul3A_55, %dma_wait3A] : memref<10000x128xf32, #tpu.memory_space<hbm>> -> memref<80x128xf32, #tpu.memory_space<hbm>>
          %dma_wait3A_60 = arith.constant 0 : i32
          %dma_wait3A_61 = tpu.memref_slice %arg12[%mul3A_53, %dma_wait3A_60] : memref<10008x128xf32, #tpu.memory_space<vmem_shared>> -> memref<80x128xf32, #tpu.memory_space<vmem_shared>>
          tpu.wait_dma2 semaphore(%run_scoped3A : memref<!tpu.dma_semaphore, #tpu.memory_space<semaphore_mem>>) src(%dma_wait3A_61 : memref<80x128xf32, #tpu.memory_space<vmem_shared>>) dst(%dma_wait3A_59 : memref<80x128xf32, #tpu.memory_space<hbm>>)
          tpu.yield
        }) : () -> ()
      }
      %while3A_49 = arith.constant 1 : i32
      scf.for %while3A_50 = %while3A_47 to %while3A_43 step %while3A_49  : i32 {
        %mul3A = arith.muli %while3A_50, %while3A_40 : i32
        %add3A_51 = arith.addi %arg1, %mul3A : i32
        %mul3A_52 = arith.constant 80 : i32
        %mul3A_53 = arith.muli %add3A_51, %mul3A_52 : i32
        %mul3A_54 = arith.constant 80 : i32
        %mul3A_55 = arith.muli %add3A_51, %mul3A_54 : i32
        "tpu.region"() ({
          %run_scoped3A = tpu.sem_alloc : memref<!tpu.dma_semaphore, #tpu.memory_space<semaphore_mem>>
          %dma_start3A = arith.constant 0 : i32
          %dma_start3A_56 = tpu.memref_slice %arg7[%mul3A_55, %dma_start3A] : memref<10000x128xf32, #tpu.memory_space<hbm>> -> memref<80x128xf32, #tpu.memory_space<hbm>>
          %dma_start3A_57 = arith.constant 0 : i32
          %dma_start3A_58 = tpu.memref_slice %arg12[%mul3A_53, %dma_start3A_57] : memref<10008x128xf32, #tpu.memory_space<vmem_shared>> -> memref<80x128xf32, #tpu.memory_space<vmem_shared>>
          tpu.enqueue_dma source(%dma_start3A_58 : memref<80x128xf32, #tpu.memory_space<vmem_shared>>) target(%dma_start3A_56 : memref<80x128xf32, #tpu.memory_space<hbm>>) target_semaphore(%run_scoped3A : memref<!tpu.dma_semaphore, #tpu.memory_space<semaphore_mem>>)
          %dma_wait3A = arith.constant 0 : i32
          %dma_wait3A_59 = tpu.memref_slice %arg7[%mul3A_55, %dma_wait3A] : memref<10000x128xf32, #tpu.memory_space<hbm>> -> memref<80x128xf32, #tpu.memory_space<hbm>>
          %dma_wait3A_60 = arith.constant 0 : i32
          %dma_wait3A_61 = tpu.memref_slice %arg12[%mul3A_53, %dma_wait3A_60] : memref<10008x128xf32, #tpu.memory_space<vmem_shared>> -> memref<80x128xf32, #tpu.memory_space<vmem_shared>>
          tpu.wait_dma2 semaphore(%run_scoped3A : memref<!tpu.dma_semaphore, #tpu.memory_space<semaphore_mem>>) src(%dma_wait3A_61 : memref<80x128xf32, #tpu.memory_space<vmem_shared>>) dst(%dma_wait3A_59 : memref<80x128xf32, #tpu.memory_space<hbm>>)
          tpu.yield
        }) : () -> ()
      }
    } else {
    }
    %eq3A_27 = arith.constant 1 : i32
    %eq3A_28 = arith.cmpi eq, %arg0, %eq3A_27 : i32
    %convert_element_type3A_29 = arith.extui %eq3A_28 : i1 to i32
    %cond3A_30 = arith.constant 0 : i32
    %cond3A_31 = arith.cmpi ne, %convert_element_type3A_29, %cond3A_30 : i32
    scf.if %cond3A_31 {
      %sub3A_32 = arith.constant 125 : i32
      %sub3A_33 = arith.subi %sub3A_32, %arg1 : i32
      %sub3A_34 = arith.constant 16 : i32
      %sub3A_35 = arith.constant 1 : i32
      %sub3A_36 = arith.subi %sub3A_34, %sub3A_35 : i32
      %add3A_37 = arith.addi %sub3A_33, %sub3A_36 : i32
      %div3A_38 = arith.constant 16 : i32
      %div3A_39 = arith.divsi %add3A_37, %div3A_38 : i32
      %while3A_40 = arith.constant 16 : i32
      %while3A_41 = arith.constant 0 : i32
      %while3A_42 = arith.subi %div3A_39, %while3A_41 : i32
      %while3A_43 = arith.addi %while3A_41, %while3A_42 : i32
      %while3A_44 = arith.constant 1 : i32
      %while3A_45 = arith.divsi %while3A_42, %while3A_44 : i32
      %while3A_46 = arith.muli %while3A_45, %while3A_44 : i32
      %while3A_47 = arith.addi %while3A_41, %while3A_46 : i32
      %while3A_48 = arith.constant 1 : i32
      scf.for %while3A_50 = %while3A_41 to %while3A_47 step %while3A_48  : i32 {
        %mul3A = arith.muli %while3A_50, %while3A_40 : i32
        %add3A_51 = arith.addi %arg1, %mul3A : i32
        %mul3A_52 = arith.constant 80 : i32
        %mul3A_53 = arith.muli %add3A_51, %mul3A_52 : i32
        %mul3A_54 = arith.constant 80 : i32
        %mul3A_55 = arith.muli %add3A_51, %mul3A_54 : i32
        "tpu.region"() ({
          %run_scoped3A = tpu.sem_alloc : memref<!tpu.dma_semaphore, #tpu.memory_space<semaphore_mem>>
          %dma_start3A = arith.constant 0 : i32
          %dma_start3A_56 = tpu.memref_slice %arg8[%mul3A_55, %dma_start3A] : memref<10000x128xf32, #tpu.memory_space<hbm>> -> memref<80x128xf32, #tpu.memory_space<hbm>>
          %dma_start3A_57 = arith.constant 0 : i32
          %dma_start3A_58 = tpu.memref_slice %arg12[%mul3A_53, %dma_start3A_57] : memref<10008x128xf32, #tpu.memory_space<vmem_shared>> -> memref<80x128xf32, #tpu.memory_space<vmem_shared>>
          tpu.enqueue_dma source(%dma_start3A_58 : memref<80x128xf32, #tpu.memory_space<vmem_shared>>) target(%dma_start3A_56 : memref<80x128xf32, #tpu.memory_space<hbm>>) target_semaphore(%run_scoped3A : memref<!tpu.dma_semaphore, #tpu.memory_space<semaphore_mem>>)
          %dma_wait3A = arith.constant 0 : i32
          %dma_wait3A_59 = tpu.memref_slice %arg8[%mul3A_55, %dma_wait3A] : memref<10000x128xf32, #tpu.memory_space<hbm>> -> memref<80x128xf32, #tpu.memory_space<hbm>>
          %dma_wait3A_60 = arith.constant 0 : i32
          %dma_wait3A_61 = tpu.memref_slice %arg12[%mul3A_53, %dma_wait3A_60] : memref<10008x128xf32, #tpu.memory_space<vmem_shared>> -> memref<80x128xf32, #tpu.memory_space<vmem_shared>>
          tpu.wait_dma2 semaphore(%run_scoped3A : memref<!tpu.dma_semaphore, #tpu.memory_space<semaphore_mem>>) src(%dma_wait3A_61 : memref<80x128xf32, #tpu.memory_space<vmem_shared>>) dst(%dma_wait3A_59 : memref<80x128xf32, #tpu.memory_space<hbm>>)
          tpu.yield
        }) : () -> ()
      }
      %while3A_49 = arith.constant 1 : i32
      scf.for %while3A_50 = %while3A_47 to %while3A_43 step %while3A_49  : i32 {
        %mul3A = arith.muli %while3A_50, %while3A_40 : i32
        %add3A_51 = arith.addi %arg1, %mul3A : i32
        %mul3A_52 = arith.constant 80 : i32
        %mul3A_53 = arith.muli %add3A_51, %mul3A_52 : i32
        %mul3A_54 = arith.constant 80 : i32
        %mul3A_55 = arith.muli %add3A_51, %mul3A_54 : i32
        "tpu.region"() ({
          %run_scoped3A = tpu.sem_alloc : memref<!tpu.dma_semaphore, #tpu.memory_space<semaphore_mem>>
          %dma_start3A = arith.constant 0 : i32
          %dma_start3A_56 = tpu.memref_slice %arg8[%mul3A_55, %dma_start3A] : memref<10000x128xf32, #tpu.memory_space<hbm>> -> memref<80x128xf32, #tpu.memory_space<hbm>>
          %dma_start3A_57 = arith.constant 0 : i32
          %dma_start3A_58 = tpu.memref_slice %arg12[%mul3A_53, %dma_start3A_57] : memref<10008x128xf32, #tpu.memory_space<vmem_shared>> -> memref<80x128xf32, #tpu.memory_space<vmem_shared>>
          tpu.enqueue_dma source(%dma_start3A_58 : memref<80x128xf32, #tpu.memory_space<vmem_shared>>) target(%dma_start3A_56 : memref<80x128xf32, #tpu.memory_space<hbm>>) target_semaphore(%run_scoped3A : memref<!tpu.dma_semaphore, #tpu.memory_space<semaphore_mem>>)
          %dma_wait3A = arith.constant 0 : i32
          %dma_wait3A_59 = tpu.memref_slice %arg8[%mul3A_55, %dma_wait3A] : memref<10000x128xf32, #tpu.memory_space<hbm>> -> memref<80x128xf32, #tpu.memory_space<hbm>>
          %dma_wait3A_60 = arith.constant 0 : i32
          %dma_wait3A_61 = tpu.memref_slice %arg12[%mul3A_53, %dma_wait3A_60] : memref<10008x128xf32, #tpu.memory_space<vmem_shared>> -> memref<80x128xf32, #tpu.memory_space<vmem_shared>>
          tpu.wait_dma2 semaphore(%run_scoped3A : memref<!tpu.dma_semaphore, #tpu.memory_space<semaphore_mem>>) src(%dma_wait3A_61 : memref<80x128xf32, #tpu.memory_space<vmem_shared>>) dst(%dma_wait3A_59 : memref<80x128xf32, #tpu.memory_space<hbm>>)
          tpu.yield
        }) : () -> ()
      }
    } else {
    }
    return
  }
}

#map = affine_map<(d0, d1) -> (0, 0)>
#map1 = affine_map<(d0, d1) -> (0)>
module attributes {stable_mosaic.version = 14 : i64} {
  func.func @_pool(%arg0: i32, %arg1: i32, %arg2: memref<10000x256xf32, #tpu.memory_space<hbm>>, %arg3: memref<10000xi32, #tpu.memory_space<hbm>>, %arg4: memref<512xi32, #tpu.memory_space<hbm>>, %arg5: memref<80x128xf32, #tpu.memory_space<hbm>>, %arg6: memref<10000x128xf32, #tpu.memory_space<hbm>>, %arg7: memref<512x128xf32, #tpu.memory_space<hbm>>, %arg8: memref<512x128xf32, #tpu.memory_space<hbm>>, %arg9: memref<512x128xf32, #tpu.memory_space<hbm>>, %arg10: memref<512x256xf32, #tpu.memory_space<hbm>>, %arg11: memref<80xi32, #tpu.memory_space<vmem>>, %arg12: memref<80x128xf32, #tpu.memory_space<vmem>>, %arg13: memref<80x128xf32, #tpu.memory_space<vmem>>, %arg14: memref<16xi32, #tpu.memory_space<vmem>>, %arg15: memref<16x256xf32, #tpu.memory_space<vmem>>, %arg16: memref<512x128xf32, #tpu.memory_space<vmem_shared>>, %arg17: memref<512x128xf32, #tpu.memory_space<vmem_shared>>, %arg18: memref<!tpu.dma_semaphore, #tpu.memory_space<semaphore_mem>>) attributes {dimension_semantics = [#tpu.dimension_semantics<core_parallel>, #tpu.dimension_semantics<subcore_parallel>], iteration_bounds = array<i64: 2, 16>, scalar_prefetch = 0 : i64, scratch_operands = 8 : i64, tpu.core_type = #tpu.core_type<sc_vector_subcore>, window_params = [{transform_indices = #map}, {transform_indices = #map1}, {transform_indices = #map1}, {transform_indices = #map}, {transform_indices = #map}, {transform_indices = #map}, {transform_indices = #map}, {transform_indices = #map}, {transform_indices = #map}]} {
    %mul3A = arith.constant 32 : i32
    %mul3A_0 = arith.muli %arg1, %mul3A : i32
    "tpu.region"() ({
      %run_scoped3A = tpu.sem_alloc : memref<!tpu.dma_semaphore, #tpu.memory_space<semaphore_mem>>
      %dma_start3A_29 = arith.constant 0 : i32
      %dma_start3A_30 = tpu.memref_slice %arg16[%mul3A_0, %dma_start3A_29] : memref<512x128xf32, #tpu.memory_space<vmem_shared>> -> memref<32x128xf32, #tpu.memory_space<vmem_shared>>
      %dma_start3A_31 = arith.constant 0 : i32
      %dma_start3A_32 = tpu.memref_slice %arg6[%mul3A_0, %dma_start3A_31] : memref<10000x128xf32, #tpu.memory_space<hbm>> -> memref<32x128xf32, #tpu.memory_space<hbm>>
      tpu.enqueue_dma source(%dma_start3A_32 : memref<32x128xf32, #tpu.memory_space<hbm>>) target(%dma_start3A_30 : memref<32x128xf32, #tpu.memory_space<vmem_shared>>) target_semaphore(%run_scoped3A : memref<!tpu.dma_semaphore, #tpu.memory_space<semaphore_mem>>)
      %dma_wait3A_33 = arith.constant 0 : i32
      %dma_wait3A_34 = tpu.memref_slice %arg16[%mul3A_0, %dma_wait3A_33] : memref<512x128xf32, #tpu.memory_space<vmem_shared>> -> memref<32x128xf32, #tpu.memory_space<vmem_shared>>
      %dma_wait3A_35 = arith.constant 0 : i32
      %dma_wait3A_36 = tpu.memref_slice %arg6[%mul3A_0, %dma_wait3A_35] : memref<10000x128xf32, #tpu.memory_space<hbm>> -> memref<32x128xf32, #tpu.memory_space<hbm>>
      tpu.wait_dma2 semaphore(%run_scoped3A : memref<!tpu.dma_semaphore, #tpu.memory_space<semaphore_mem>>) src(%dma_wait3A_36 : memref<32x128xf32, #tpu.memory_space<hbm>>) dst(%dma_wait3A_34 : memref<32x128xf32, #tpu.memory_space<vmem_shared>>)
      tpu.yield
    }) : () -> ()
    "tpu.region"() ({
      %run_scoped3A = tpu.sem_alloc : memref<!tpu.dma_semaphore, #tpu.memory_space<semaphore_mem>>
      %dma_start3A_29 = arith.constant 0 : i32
      %dma_start3A_30 = tpu.memref_slice %arg17[%mul3A_0, %dma_start3A_29] : memref<512x128xf32, #tpu.memory_space<vmem_shared>> -> memref<32x128xf32, #tpu.memory_space<vmem_shared>>
      %dma_start3A_31 = arith.constant 0 : i32
      %dma_start3A_32 = tpu.memref_slice %arg6[%mul3A_0, %dma_start3A_31] : memref<10000x128xf32, #tpu.memory_space<hbm>> -> memref<32x128xf32, #tpu.memory_space<hbm>>
      tpu.enqueue_dma source(%dma_start3A_32 : memref<32x128xf32, #tpu.memory_space<hbm>>) target(%dma_start3A_30 : memref<32x128xf32, #tpu.memory_space<vmem_shared>>) target_semaphore(%run_scoped3A : memref<!tpu.dma_semaphore, #tpu.memory_space<semaphore_mem>>)
      %dma_wait3A_33 = arith.constant 0 : i32
      %dma_wait3A_34 = tpu.memref_slice %arg17[%mul3A_0, %dma_wait3A_33] : memref<512x128xf32, #tpu.memory_space<vmem_shared>> -> memref<32x128xf32, #tpu.memory_space<vmem_shared>>
      %dma_wait3A_35 = arith.constant 0 : i32
      %dma_wait3A_36 = tpu.memref_slice %arg6[%mul3A_0, %dma_wait3A_35] : memref<10000x128xf32, #tpu.memory_space<hbm>> -> memref<32x128xf32, #tpu.memory_space<hbm>>
      tpu.wait_dma2 semaphore(%run_scoped3A : memref<!tpu.dma_semaphore, #tpu.memory_space<semaphore_mem>>) src(%dma_wait3A_36 : memref<32x128xf32, #tpu.memory_space<hbm>>) dst(%dma_wait3A_34 : memref<32x128xf32, #tpu.memory_space<vmem_shared>>)
      tpu.yield
    }) : () -> ()
    "tpu.region"() ({
      %run_scoped3A = tpu.sem_alloc : memref<!tpu.dma_semaphore, #tpu.memory_space<semaphore_mem>>
      tpu.enqueue_dma source(%arg5 : memref<80x128xf32, #tpu.memory_space<hbm>>) target(%arg13 : memref<80x128xf32, #tpu.memory_space<vmem>>) target_semaphore(%run_scoped3A : memref<!tpu.dma_semaphore, #tpu.memory_space<semaphore_mem>>)
      tpu.wait_dma2 semaphore(%run_scoped3A : memref<!tpu.dma_semaphore, #tpu.memory_space<semaphore_mem>>) src(%arg5 : memref<80x128xf32, #tpu.memory_space<hbm>>) dst(%arg13 : memref<80x128xf32, #tpu.memory_space<vmem>>)
      tpu.yield
    }) : () -> ()
    %barrier3A = arith.constant 0 : index
    tpu.barrier barrier_id(%barrier3A)
    %mul3A_1 = arith.constant 2 : i32
    %mul3A_2 = arith.muli %arg1, %mul3A_1 : i32
    %add3A = arith.addi %mul3A_2, %arg0 : i32
    %mul3A_3 = arith.constant 16 : i32
    %mul3A_4 = arith.muli %add3A, %mul3A_3 : i32
    "tpu.region"() ({
      %run_scoped3A = tpu.sem_alloc : memref<!tpu.dma_semaphore, #tpu.memory_space<semaphore_mem>>
      %dma_start3A_29 = tpu.memref_slice %arg4[%mul3A_4] : memref<512xi32, #tpu.memory_space<hbm>> -> memref<16xi32, #tpu.memory_space<hbm>>
      %dma_start3A_30 = tpu.memref_slice %arg4[%mul3A_4] : memref<512xi32, #tpu.memory_space<hbm>> -> memref<16xi32, #tpu.memory_space<hbm>>
      tpu.enqueue_dma source(%dma_start3A_30 : memref<16xi32, #tpu.memory_space<hbm>>) target(%arg14 : memref<16xi32, #tpu.memory_space<vmem>>) target_semaphore(%run_scoped3A : memref<!tpu.dma_semaphore, #tpu.memory_space<semaphore_mem>>)
      %dma_wait3A_31 = tpu.memref_slice %arg4[%mul3A_4] : memref<512xi32, #tpu.memory_space<hbm>> -> memref<16xi32, #tpu.memory_space<hbm>>
      %dma_wait3A_32 = tpu.memref_slice %arg4[%mul3A_4] : memref<512xi32, #tpu.memory_space<hbm>> -> memref<16xi32, #tpu.memory_space<hbm>>
      tpu.wait_dma2 semaphore(%run_scoped3A : memref<!tpu.dma_semaphore, #tpu.memory_space<semaphore_mem>>) src(%dma_wait3A_32 : memref<16xi32, #tpu.memory_space<hbm>>) dst(%arg14 : memref<16xi32, #tpu.memory_space<vmem>>)
      tpu.yield
    }) : () -> ()
    %dma_start3A = arith.constant 0 : i32
    %dma_start3A_5 = arith.constant 0 : i32
    %dma_start3A_6 = tpu.memref_slice %arg2[%dma_start3A, %dma_start3A_5] : memref<10000x256xf32, #tpu.memory_space<hbm>> -> memref<10000x256xf32, #tpu.memory_space<hbm>>
    tpu.enqueue_indirect_dma source(%dma_start3A_6 : memref<10000x256xf32, #tpu.memory_space<hbm>>) target(%arg15 : memref<16x256xf32, #tpu.memory_space<vmem>>) offsets(%arg14 : memref<16xi32, #tpu.memory_space<vmem>>) semaphore(%arg18 : memref<!tpu.dma_semaphore, #tpu.memory_space<semaphore_mem>>)
    %dma_wait3A = arith.constant 0 : i32
    %dma_wait3A_7 = arith.constant 0 : i32
    %dma_wait3A_8 = tpu.memref_slice %arg2[%dma_wait3A, %dma_wait3A_7] : memref<10000x256xf32, #tpu.memory_space<hbm>> -> memref<10000x256xf32, #tpu.memory_space<hbm>>
    tpu.wait_indirect_dma semaphore(%arg18 : memref<!tpu.dma_semaphore, #tpu.memory_space<semaphore_mem>>) src(%dma_wait3A_8 : memref<10000x256xf32, #tpu.memory_space<hbm>>) dst(%arg15 : memref<16x256xf32, #tpu.memory_space<vmem>>)
    %mul3A_9 = arith.constant 16 : i32
    %mul3A_10 = arith.muli %add3A, %mul3A_9 : i32
    "tpu.region"() ({
      %run_scoped3A = tpu.sem_alloc : memref<!tpu.dma_semaphore, #tpu.memory_space<semaphore_mem>>
      %dma_start3A_29 = arith.constant 0 : i32
      %dma_start3A_30 = tpu.memref_slice %arg10[%mul3A_10, %dma_start3A_29] : memref<512x256xf32, #tpu.memory_space<hbm>> -> memref<16x256xf32, #tpu.memory_space<hbm>>
      %dma_start3A_31 = arith.constant 0 : i32
      %dma_start3A_32 = tpu.memref_slice %arg10[%mul3A_10, %dma_start3A_31] : memref<512x256xf32, #tpu.memory_space<hbm>> -> memref<16x256xf32, #tpu.memory_space<hbm>>
      tpu.enqueue_dma source(%arg15 : memref<16x256xf32, #tpu.memory_space<vmem>>) target(%dma_start3A_32 : memref<16x256xf32, #tpu.memory_space<hbm>>) target_semaphore(%run_scoped3A : memref<!tpu.dma_semaphore, #tpu.memory_space<semaphore_mem>>)
      %dma_wait3A_33 = arith.constant 0 : i32
      %dma_wait3A_34 = tpu.memref_slice %arg10[%mul3A_10, %dma_wait3A_33] : memref<512x256xf32, #tpu.memory_space<hbm>> -> memref<16x256xf32, #tpu.memory_space<hbm>>
      %dma_wait3A_35 = arith.constant 0 : i32
      %dma_wait3A_36 = tpu.memref_slice %arg10[%mul3A_10, %dma_wait3A_35] : memref<512x256xf32, #tpu.memory_space<hbm>> -> memref<16x256xf32, #tpu.memory_space<hbm>>
      tpu.wait_dma2 semaphore(%run_scoped3A : memref<!tpu.dma_semaphore, #tpu.memory_space<semaphore_mem>>) src(%arg15 : memref<16x256xf32, #tpu.memory_space<vmem>>) dst(%dma_wait3A_36 : memref<16x256xf32, #tpu.memory_space<hbm>>)
      tpu.yield
    }) : () -> ()
    %eq3A = arith.constant 0 : i32
    %eq3A_11 = arith.cmpi eq, %arg0, %eq3A : i32
    %convert_element_type3A = arith.extui %eq3A_11 : i1 to i32
    %cond3A = arith.constant 0 : i32
    %cond3A_12 = arith.cmpi ne, %convert_element_type3A, %cond3A : i32
    scf.if %cond3A_12 {
      %sub3A = arith.constant 125 : i32
      %sub3A_29 = arith.subi %sub3A, %arg1 : i32
      %sub3A_30 = arith.constant 16 : i32
      %sub3A_31 = arith.constant 1 : i32
      %sub3A_32 = arith.subi %sub3A_30, %sub3A_31 : i32
      %add3A_33 = arith.addi %sub3A_29, %sub3A_32 : i32
      %div3A = arith.constant 16 : i32
      %div3A_34 = arith.divsi %add3A_33, %div3A : i32
      %while3A = arith.constant 16 : i32
      %while3A_35 = arith.constant 0 : i32
      %while3A_36 = arith.subi %div3A_34, %while3A_35 : i32
      %while3A_37 = arith.addi %while3A_35, %while3A_36 : i32
      %while3A_38 = arith.constant 1 : i32
      %while3A_39 = arith.divsi %while3A_36, %while3A_38 : i32
      %while3A_40 = arith.muli %while3A_39, %while3A_38 : i32
      %while3A_41 = arith.addi %while3A_35, %while3A_40 : i32
      %while3A_42 = arith.constant 1 : i32
      scf.for %while3A_44 = %while3A_35 to %while3A_41 step %while3A_42  : i32 {
        %mul3A_45 = arith.muli %while3A_44, %while3A : i32
        %add3A_46 = arith.addi %arg1, %mul3A_45 : i32
        %mul3A_47 = arith.constant 80 : i32
        %mul3A_48 = arith.muli %add3A_46, %mul3A_47 : i32
        "tpu.region"() ({
          %run_scoped3A = tpu.sem_alloc : memref<!tpu.dma_semaphore, #tpu.memory_space<semaphore_mem>>
          %dma_start3A_49 = tpu.memref_slice %arg3[%mul3A_48] : memref<10000xi32, #tpu.memory_space<hbm>> -> memref<80xi32, #tpu.memory_space<hbm>>
          %dma_start3A_50 = tpu.memref_slice %arg3[%mul3A_48] : memref<10000xi32, #tpu.memory_space<hbm>> -> memref<80xi32, #tpu.memory_space<hbm>>
          tpu.enqueue_dma source(%dma_start3A_50 : memref<80xi32, #tpu.memory_space<hbm>>) target(%arg11 : memref<80xi32, #tpu.memory_space<vmem>>) target_semaphore(%run_scoped3A : memref<!tpu.dma_semaphore, #tpu.memory_space<semaphore_mem>>)
          %dma_wait3A_51 = tpu.memref_slice %arg3[%mul3A_48] : memref<10000xi32, #tpu.memory_space<hbm>> -> memref<80xi32, #tpu.memory_space<hbm>>
          %dma_wait3A_52 = tpu.memref_slice %arg3[%mul3A_48] : memref<10000xi32, #tpu.memory_space<hbm>> -> memref<80xi32, #tpu.memory_space<hbm>>
          tpu.wait_dma2 semaphore(%run_scoped3A : memref<!tpu.dma_semaphore, #tpu.memory_space<semaphore_mem>>) src(%dma_wait3A_52 : memref<80xi32, #tpu.memory_space<hbm>>) dst(%arg11 : memref<80xi32, #tpu.memory_space<vmem>>)
          tpu.yield
        }) : () -> ()
        "tpu.region"() ({
          %run_scoped3A = tpu.sem_alloc : memref<!tpu.dma_semaphore, #tpu.memory_space<semaphore_mem>>
          %dma_start3A_49 = arith.constant 0 : i32
          %dma_start3A_50 = tpu.memref_slice %arg2[%mul3A_48, %dma_start3A_49] : memref<10000x256xf32, #tpu.memory_space<hbm>> -> memref<80x128xf32, #tpu.memory_space<hbm>>
          %dma_start3A_51 = arith.constant 0 : i32
          %dma_start3A_52 = tpu.memref_slice %arg2[%mul3A_48, %dma_start3A_51] : memref<10000x256xf32, #tpu.memory_space<hbm>> -> memref<80x128xf32, #tpu.memory_space<hbm>>
          tpu.enqueue_dma source(%dma_start3A_52 : memref<80x128xf32, #tpu.memory_space<hbm>>) target(%arg12 : memref<80x128xf32, #tpu.memory_space<vmem>>) target_semaphore(%run_scoped3A : memref<!tpu.dma_semaphore, #tpu.memory_space<semaphore_mem>>)
          %dma_wait3A_53 = arith.constant 0 : i32
          %dma_wait3A_54 = tpu.memref_slice %arg2[%mul3A_48, %dma_wait3A_53] : memref<10000x256xf32, #tpu.memory_space<hbm>> -> memref<80x128xf32, #tpu.memory_space<hbm>>
          %dma_wait3A_55 = arith.constant 0 : i32
          %dma_wait3A_56 = tpu.memref_slice %arg2[%mul3A_48, %dma_wait3A_55] : memref<10000x256xf32, #tpu.memory_space<hbm>> -> memref<80x128xf32, #tpu.memory_space<hbm>>
          tpu.wait_dma2 semaphore(%run_scoped3A : memref<!tpu.dma_semaphore, #tpu.memory_space<semaphore_mem>>) src(%dma_wait3A_56 : memref<80x128xf32, #tpu.memory_space<hbm>>) dst(%arg12 : memref<80x128xf32, #tpu.memory_space<vmem>>)
          tpu.yield
        }) : () -> ()
        "tpu.region"() ({
          %run_scoped3A = tpu.sem_alloc : memref<!tpu.dma_semaphore, #tpu.memory_space<semaphore_mem>>
          %dma_start3A_49 = arith.constant 0 : i32
          %dma_start3A_50 = arith.constant 0 : i32
          %dma_start3A_51 = tpu.memref_slice %arg16[%dma_start3A_49, %dma_start3A_50] : memref<512x128xf32, #tpu.memory_space<vmem_shared>> -> memref<512x128xf32, #tpu.memory_space<vmem_shared>>
          tpu.enqueue_indirect_dma source(%arg12 : memref<80x128xf32, #tpu.memory_space<vmem>>) target(%dma_start3A_51 : memref<512x128xf32, #tpu.memory_space<vmem_shared>>) offsets(%arg11 : memref<80xi32, #tpu.memory_space<vmem>>) semaphore(%run_scoped3A : memref<!tpu.dma_semaphore, #tpu.memory_space<semaphore_mem>>) {add = true}
          %dma_wait3A_52 = arith.constant 0 : i32
          %dma_wait3A_53 = arith.constant 0 : i32
          %dma_wait3A_54 = tpu.memref_slice %arg16[%dma_wait3A_52, %dma_wait3A_53] : memref<512x128xf32, #tpu.memory_space<vmem_shared>> -> memref<512x128xf32, #tpu.memory_space<vmem_shared>>
          tpu.wait_indirect_dma semaphore(%run_scoped3A : memref<!tpu.dma_semaphore, #tpu.memory_space<semaphore_mem>>) src(%arg12 : memref<80x128xf32, #tpu.memory_space<vmem>>) dst(%dma_wait3A_54 : memref<512x128xf32, #tpu.memory_space<vmem_shared>>)
          tpu.yield
        }) : () -> ()
        "tpu.region"() ({
          %run_scoped3A = tpu.sem_alloc : memref<!tpu.dma_semaphore, #tpu.memory_space<semaphore_mem>>
          %dma_start3A_49 = arith.constant 0 : i32
          %dma_start3A_50 = arith.constant 0 : i32
          %dma_start3A_51 = tpu.memref_slice %arg17[%dma_start3A_49, %dma_start3A_50] : memref<512x128xf32, #tpu.memory_space<vmem_shared>> -> memref<512x128xf32, #tpu.memory_space<vmem_shared>>
          tpu.enqueue_indirect_dma source(%arg13 : memref<80x128xf32, #tpu.memory_space<vmem>>) target(%dma_start3A_51 : memref<512x128xf32, #tpu.memory_space<vmem_shared>>) offsets(%arg11 : memref<80xi32, #tpu.memory_space<vmem>>) semaphore(%run_scoped3A : memref<!tpu.dma_semaphore, #tpu.memory_space<semaphore_mem>>) {add = true}
          %dma_wait3A_52 = arith.constant 0 : i32
          %dma_wait3A_53 = arith.constant 0 : i32
          %dma_wait3A_54 = tpu.memref_slice %arg17[%dma_wait3A_52, %dma_wait3A_53] : memref<512x128xf32, #tpu.memory_space<vmem_shared>> -> memref<512x128xf32, #tpu.memory_space<vmem_shared>>
          tpu.wait_indirect_dma semaphore(%run_scoped3A : memref<!tpu.dma_semaphore, #tpu.memory_space<semaphore_mem>>) src(%arg13 : memref<80x128xf32, #tpu.memory_space<vmem>>) dst(%dma_wait3A_54 : memref<512x128xf32, #tpu.memory_space<vmem_shared>>)
          tpu.yield
        }) : () -> ()
      }
      %while3A_43 = arith.constant 1 : i32
      scf.for %while3A_44 = %while3A_41 to %while3A_37 step %while3A_43  : i32 {
        %mul3A_45 = arith.muli %while3A_44, %while3A : i32
        %add3A_46 = arith.addi %arg1, %mul3A_45 : i32
        %mul3A_47 = arith.constant 80 : i32
        %mul3A_48 = arith.muli %add3A_46, %mul3A_47 : i32
        "tpu.region"() ({
          %run_scoped3A = tpu.sem_alloc : memref<!tpu.dma_semaphore, #tpu.memory_space<semaphore_mem>>
          %dma_start3A_49 = tpu.memref_slice %arg3[%mul3A_48] : memref<10000xi32, #tpu.memory_space<hbm>> -> memref<80xi32, #tpu.memory_space<hbm>>
          %dma_start3A_50 = tpu.memref_slice %arg3[%mul3A_48] : memref<10000xi32, #tpu.memory_space<hbm>> -> memref<80xi32, #tpu.memory_space<hbm>>
          tpu.enqueue_dma source(%dma_start3A_50 : memref<80xi32, #tpu.memory_space<hbm>>) target(%arg11 : memref<80xi32, #tpu.memory_space<vmem>>) target_semaphore(%run_scoped3A : memref<!tpu.dma_semaphore, #tpu.memory_space<semaphore_mem>>)
          %dma_wait3A_51 = tpu.memref_slice %arg3[%mul3A_48] : memref<10000xi32, #tpu.memory_space<hbm>> -> memref<80xi32, #tpu.memory_space<hbm>>
          %dma_wait3A_52 = tpu.memref_slice %arg3[%mul3A_48] : memref<10000xi32, #tpu.memory_space<hbm>> -> memref<80xi32, #tpu.memory_space<hbm>>
          tpu.wait_dma2 semaphore(%run_scoped3A : memref<!tpu.dma_semaphore, #tpu.memory_space<semaphore_mem>>) src(%dma_wait3A_52 : memref<80xi32, #tpu.memory_space<hbm>>) dst(%arg11 : memref<80xi32, #tpu.memory_space<vmem>>)
          tpu.yield
        }) : () -> ()
        "tpu.region"() ({
          %run_scoped3A = tpu.sem_alloc : memref<!tpu.dma_semaphore, #tpu.memory_space<semaphore_mem>>
          %dma_start3A_49 = arith.constant 0 : i32
          %dma_start3A_50 = tpu.memref_slice %arg2[%mul3A_48, %dma_start3A_49] : memref<10000x256xf32, #tpu.memory_space<hbm>> -> memref<80x128xf32, #tpu.memory_space<hbm>>
          %dma_start3A_51 = arith.constant 0 : i32
          %dma_start3A_52 = tpu.memref_slice %arg2[%mul3A_48, %dma_start3A_51] : memref<10000x256xf32, #tpu.memory_space<hbm>> -> memref<80x128xf32, #tpu.memory_space<hbm>>
          tpu.enqueue_dma source(%dma_start3A_52 : memref<80x128xf32, #tpu.memory_space<hbm>>) target(%arg12 : memref<80x128xf32, #tpu.memory_space<vmem>>) target_semaphore(%run_scoped3A : memref<!tpu.dma_semaphore, #tpu.memory_space<semaphore_mem>>)
          %dma_wait3A_53 = arith.constant 0 : i32
          %dma_wait3A_54 = tpu.memref_slice %arg2[%mul3A_48, %dma_wait3A_53] : memref<10000x256xf32, #tpu.memory_space<hbm>> -> memref<80x128xf32, #tpu.memory_space<hbm>>
          %dma_wait3A_55 = arith.constant 0 : i32
          %dma_wait3A_56 = tpu.memref_slice %arg2[%mul3A_48, %dma_wait3A_55] : memref<10000x256xf32, #tpu.memory_space<hbm>> -> memref<80x128xf32, #tpu.memory_space<hbm>>
          tpu.wait_dma2 semaphore(%run_scoped3A : memref<!tpu.dma_semaphore, #tpu.memory_space<semaphore_mem>>) src(%dma_wait3A_56 : memref<80x128xf32, #tpu.memory_space<hbm>>) dst(%arg12 : memref<80x128xf32, #tpu.memory_space<vmem>>)
          tpu.yield
        }) : () -> ()
        "tpu.region"() ({
          %run_scoped3A = tpu.sem_alloc : memref<!tpu.dma_semaphore, #tpu.memory_space<semaphore_mem>>
          %dma_start3A_49 = arith.constant 0 : i32
          %dma_start3A_50 = arith.constant 0 : i32
          %dma_start3A_51 = tpu.memref_slice %arg16[%dma_start3A_49, %dma_start3A_50] : memref<512x128xf32, #tpu.memory_space<vmem_shared>> -> memref<512x128xf32, #tpu.memory_space<vmem_shared>>
          tpu.enqueue_indirect_dma source(%arg12 : memref<80x128xf32, #tpu.memory_space<vmem>>) target(%dma_start3A_51 : memref<512x128xf32, #tpu.memory_space<vmem_shared>>) offsets(%arg11 : memref<80xi32, #tpu.memory_space<vmem>>) semaphore(%run_scoped3A : memref<!tpu.dma_semaphore, #tpu.memory_space<semaphore_mem>>) {add = true}
          %dma_wait3A_52 = arith.constant 0 : i32
          %dma_wait3A_53 = arith.constant 0 : i32
          %dma_wait3A_54 = tpu.memref_slice %arg16[%dma_wait3A_52, %dma_wait3A_53] : memref<512x128xf32, #tpu.memory_space<vmem_shared>> -> memref<512x128xf32, #tpu.memory_space<vmem_shared>>
          tpu.wait_indirect_dma semaphore(%run_scoped3A : memref<!tpu.dma_semaphore, #tpu.memory_space<semaphore_mem>>) src(%arg12 : memref<80x128xf32, #tpu.memory_space<vmem>>) dst(%dma_wait3A_54 : memref<512x128xf32, #tpu.memory_space<vmem_shared>>)
          tpu.yield
        }) : () -> ()
        "tpu.region"() ({
          %run_scoped3A = tpu.sem_alloc : memref<!tpu.dma_semaphore, #tpu.memory_space<semaphore_mem>>
          %dma_start3A_49 = arith.constant 0 : i32
          %dma_start3A_50 = arith.constant 0 : i32
          %dma_start3A_51 = tpu.memref_slice %arg17[%dma_start3A_49, %dma_start3A_50] : memref<512x128xf32, #tpu.memory_space<vmem_shared>> -> memref<512x128xf32, #tpu.memory_space<vmem_shared>>
          tpu.enqueue_indirect_dma source(%arg13 : memref<80x128xf32, #tpu.memory_space<vmem>>) target(%dma_start3A_51 : memref<512x128xf32, #tpu.memory_space<vmem_shared>>) offsets(%arg11 : memref<80xi32, #tpu.memory_space<vmem>>) semaphore(%run_scoped3A : memref<!tpu.dma_semaphore, #tpu.memory_space<semaphore_mem>>) {add = true}
          %dma_wait3A_52 = arith.constant 0 : i32
          %dma_wait3A_53 = arith.constant 0 : i32
          %dma_wait3A_54 = tpu.memref_slice %arg17[%dma_wait3A_52, %dma_wait3A_53] : memref<512x128xf32, #tpu.memory_space<vmem_shared>> -> memref<512x128xf32, #tpu.memory_space<vmem_shared>>
          tpu.wait_indirect_dma semaphore(%run_scoped3A : memref<!tpu.dma_semaphore, #tpu.memory_space<semaphore_mem>>) src(%arg13 : memref<80x128xf32, #tpu.memory_space<vmem>>) dst(%dma_wait3A_54 : memref<512x128xf32, #tpu.memory_space<vmem_shared>>)
          tpu.yield
        }) : () -> ()
      }
    } else {
    }
    %eq3A_13 = arith.constant 1 : i32
    %eq3A_14 = arith.cmpi eq, %arg0, %eq3A_13 : i32
    %convert_element_type3A_15 = arith.extui %eq3A_14 : i1 to i32
    %cond3A_16 = arith.constant 0 : i32
    %cond3A_17 = arith.cmpi ne, %convert_element_type3A_15, %cond3A_16 : i32
    scf.if %cond3A_17 {
      %sub3A = arith.constant 125 : i32
      %sub3A_29 = arith.subi %sub3A, %arg1 : i32
      %sub3A_30 = arith.constant 16 : i32
      %sub3A_31 = arith.constant 1 : i32
      %sub3A_32 = arith.subi %sub3A_30, %sub3A_31 : i32
      %add3A_33 = arith.addi %sub3A_29, %sub3A_32 : i32
      %div3A = arith.constant 16 : i32
      %div3A_34 = arith.divsi %add3A_33, %div3A : i32
      %while3A = arith.constant 16 : i32
      %while3A_35 = arith.constant 0 : i32
      %while3A_36 = arith.subi %div3A_34, %while3A_35 : i32
      %while3A_37 = arith.addi %while3A_35, %while3A_36 : i32
      %while3A_38 = arith.constant 1 : i32
      %while3A_39 = arith.divsi %while3A_36, %while3A_38 : i32
      %while3A_40 = arith.muli %while3A_39, %while3A_38 : i32
      %while3A_41 = arith.addi %while3A_35, %while3A_40 : i32
      %while3A_42 = arith.constant 1 : i32
      scf.for %while3A_44 = %while3A_35 to %while3A_41 step %while3A_42  : i32 {
        %mul3A_45 = arith.muli %while3A_44, %while3A : i32
        %add3A_46 = arith.addi %arg1, %mul3A_45 : i32
        %mul3A_47 = arith.constant 80 : i32
        %mul3A_48 = arith.muli %add3A_46, %mul3A_47 : i32
        "tpu.region"() ({
          %run_scoped3A = tpu.sem_alloc : memref<!tpu.dma_semaphore, #tpu.memory_space<semaphore_mem>>
          %dma_start3A_49 = tpu.memref_slice %arg3[%mul3A_48] : memref<10000xi32, #tpu.memory_space<hbm>> -> memref<80xi32, #tpu.memory_space<hbm>>
          %dma_start3A_50 = tpu.memref_slice %arg3[%mul3A_48] : memref<10000xi32, #tpu.memory_space<hbm>> -> memref<80xi32, #tpu.memory_space<hbm>>
          tpu.enqueue_dma source(%dma_start3A_50 : memref<80xi32, #tpu.memory_space<hbm>>) target(%arg11 : memref<80xi32, #tpu.memory_space<vmem>>) target_semaphore(%run_scoped3A : memref<!tpu.dma_semaphore, #tpu.memory_space<semaphore_mem>>)
          %dma_wait3A_51 = tpu.memref_slice %arg3[%mul3A_48] : memref<10000xi32, #tpu.memory_space<hbm>> -> memref<80xi32, #tpu.memory_space<hbm>>
          %dma_wait3A_52 = tpu.memref_slice %arg3[%mul3A_48] : memref<10000xi32, #tpu.memory_space<hbm>> -> memref<80xi32, #tpu.memory_space<hbm>>
          tpu.wait_dma2 semaphore(%run_scoped3A : memref<!tpu.dma_semaphore, #tpu.memory_space<semaphore_mem>>) src(%dma_wait3A_52 : memref<80xi32, #tpu.memory_space<hbm>>) dst(%arg11 : memref<80xi32, #tpu.memory_space<vmem>>)
          tpu.yield
        }) : () -> ()
        "tpu.region"() ({
          %run_scoped3A = tpu.sem_alloc : memref<!tpu.dma_semaphore, #tpu.memory_space<semaphore_mem>>
          %dma_start3A_49 = arith.constant 128 : i32
          %dma_start3A_50 = tpu.memref_slice %arg2[%mul3A_48, %dma_start3A_49] : memref<10000x256xf32, #tpu.memory_space<hbm>> -> memref<80x128xf32, #tpu.memory_space<hbm>>
          %dma_start3A_51 = arith.constant 128 : i32
          %dma_start3A_52 = tpu.memref_slice %arg2[%mul3A_48, %dma_start3A_51] : memref<10000x256xf32, #tpu.memory_space<hbm>> -> memref<80x128xf32, #tpu.memory_space<hbm>>
          tpu.enqueue_dma source(%dma_start3A_52 : memref<80x128xf32, #tpu.memory_space<hbm>>) target(%arg12 : memref<80x128xf32, #tpu.memory_space<vmem>>) target_semaphore(%run_scoped3A : memref<!tpu.dma_semaphore, #tpu.memory_space<semaphore_mem>>)
          %dma_wait3A_53 = arith.constant 128 : i32
          %dma_wait3A_54 = tpu.memref_slice %arg2[%mul3A_48, %dma_wait3A_53] : memref<10000x256xf32, #tpu.memory_space<hbm>> -> memref<80x128xf32, #tpu.memory_space<hbm>>
          %dma_wait3A_55 = arith.constant 128 : i32
          %dma_wait3A_56 = tpu.memref_slice %arg2[%mul3A_48, %dma_wait3A_55] : memref<10000x256xf32, #tpu.memory_space<hbm>> -> memref<80x128xf32, #tpu.memory_space<hbm>>
          tpu.wait_dma2 semaphore(%run_scoped3A : memref<!tpu.dma_semaphore, #tpu.memory_space<semaphore_mem>>) src(%dma_wait3A_56 : memref<80x128xf32, #tpu.memory_space<hbm>>) dst(%arg12 : memref<80x128xf32, #tpu.memory_space<vmem>>)
          tpu.yield
        }) : () -> ()
        "tpu.region"() ({
          %run_scoped3A = tpu.sem_alloc : memref<!tpu.dma_semaphore, #tpu.memory_space<semaphore_mem>>
          %dma_start3A_49 = arith.constant 0 : i32
          %dma_start3A_50 = arith.constant 0 : i32
          %dma_start3A_51 = tpu.memref_slice %arg16[%dma_start3A_49, %dma_start3A_50] : memref<512x128xf32, #tpu.memory_space<vmem_shared>> -> memref<512x128xf32, #tpu.memory_space<vmem_shared>>
          tpu.enqueue_indirect_dma source(%arg12 : memref<80x128xf32, #tpu.memory_space<vmem>>) target(%dma_start3A_51 : memref<512x128xf32, #tpu.memory_space<vmem_shared>>) offsets(%arg11 : memref<80xi32, #tpu.memory_space<vmem>>) semaphore(%run_scoped3A : memref<!tpu.dma_semaphore, #tpu.memory_space<semaphore_mem>>) {add = true}
          %dma_wait3A_52 = arith.constant 0 : i32
          %dma_wait3A_53 = arith.constant 0 : i32
          %dma_wait3A_54 = tpu.memref_slice %arg16[%dma_wait3A_52, %dma_wait3A_53] : memref<512x128xf32, #tpu.memory_space<vmem_shared>> -> memref<512x128xf32, #tpu.memory_space<vmem_shared>>
          tpu.wait_indirect_dma semaphore(%run_scoped3A : memref<!tpu.dma_semaphore, #tpu.memory_space<semaphore_mem>>) src(%arg12 : memref<80x128xf32, #tpu.memory_space<vmem>>) dst(%dma_wait3A_54 : memref<512x128xf32, #tpu.memory_space<vmem_shared>>)
          tpu.yield
        }) : () -> ()
        "tpu.region"() ({
          %run_scoped3A = tpu.sem_alloc : memref<!tpu.dma_semaphore, #tpu.memory_space<semaphore_mem>>
          %dma_start3A_49 = arith.constant 0 : i32
          %dma_start3A_50 = arith.constant 0 : i32
          %dma_start3A_51 = tpu.memref_slice %arg17[%dma_start3A_49, %dma_start3A_50] : memref<512x128xf32, #tpu.memory_space<vmem_shared>> -> memref<512x128xf32, #tpu.memory_space<vmem_shared>>
          tpu.enqueue_indirect_dma source(%arg13 : memref<80x128xf32, #tpu.memory_space<vmem>>) target(%dma_start3A_51 : memref<512x128xf32, #tpu.memory_space<vmem_shared>>) offsets(%arg11 : memref<80xi32, #tpu.memory_space<vmem>>) semaphore(%run_scoped3A : memref<!tpu.dma_semaphore, #tpu.memory_space<semaphore_mem>>) {add = true}
          %dma_wait3A_52 = arith.constant 0 : i32
          %dma_wait3A_53 = arith.constant 0 : i32
          %dma_wait3A_54 = tpu.memref_slice %arg17[%dma_wait3A_52, %dma_wait3A_53] : memref<512x128xf32, #tpu.memory_space<vmem_shared>> -> memref<512x128xf32, #tpu.memory_space<vmem_shared>>
          tpu.wait_indirect_dma semaphore(%run_scoped3A : memref<!tpu.dma_semaphore, #tpu.memory_space<semaphore_mem>>) src(%arg13 : memref<80x128xf32, #tpu.memory_space<vmem>>) dst(%dma_wait3A_54 : memref<512x128xf32, #tpu.memory_space<vmem_shared>>)
          tpu.yield
        }) : () -> ()
      }
      %while3A_43 = arith.constant 1 : i32
      scf.for %while3A_44 = %while3A_41 to %while3A_37 step %while3A_43  : i32 {
        %mul3A_45 = arith.muli %while3A_44, %while3A : i32
        %add3A_46 = arith.addi %arg1, %mul3A_45 : i32
        %mul3A_47 = arith.constant 80 : i32
        %mul3A_48 = arith.muli %add3A_46, %mul3A_47 : i32
        "tpu.region"() ({
          %run_scoped3A = tpu.sem_alloc : memref<!tpu.dma_semaphore, #tpu.memory_space<semaphore_mem>>
          %dma_start3A_49 = tpu.memref_slice %arg3[%mul3A_48] : memref<10000xi32, #tpu.memory_space<hbm>> -> memref<80xi32, #tpu.memory_space<hbm>>
          %dma_start3A_50 = tpu.memref_slice %arg3[%mul3A_48] : memref<10000xi32, #tpu.memory_space<hbm>> -> memref<80xi32, #tpu.memory_space<hbm>>
          tpu.enqueue_dma source(%dma_start3A_50 : memref<80xi32, #tpu.memory_space<hbm>>) target(%arg11 : memref<80xi32, #tpu.memory_space<vmem>>) target_semaphore(%run_scoped3A : memref<!tpu.dma_semaphore, #tpu.memory_space<semaphore_mem>>)
          %dma_wait3A_51 = tpu.memref_slice %arg3[%mul3A_48] : memref<10000xi32, #tpu.memory_space<hbm>> -> memref<80xi32, #tpu.memory_space<hbm>>
          %dma_wait3A_52 = tpu.memref_slice %arg3[%mul3A_48] : memref<10000xi32, #tpu.memory_space<hbm>> -> memref<80xi32, #tpu.memory_space<hbm>>
          tpu.wait_dma2 semaphore(%run_scoped3A : memref<!tpu.dma_semaphore, #tpu.memory_space<semaphore_mem>>) src(%dma_wait3A_52 : memref<80xi32, #tpu.memory_space<hbm>>) dst(%arg11 : memref<80xi32, #tpu.memory_space<vmem>>)
          tpu.yield
        }) : () -> ()
        "tpu.region"() ({
          %run_scoped3A = tpu.sem_alloc : memref<!tpu.dma_semaphore, #tpu.memory_space<semaphore_mem>>
          %dma_start3A_49 = arith.constant 128 : i32
          %dma_start3A_50 = tpu.memref_slice %arg2[%mul3A_48, %dma_start3A_49] : memref<10000x256xf32, #tpu.memory_space<hbm>> -> memref<80x128xf32, #tpu.memory_space<hbm>>
          %dma_start3A_51 = arith.constant 128 : i32
          %dma_start3A_52 = tpu.memref_slice %arg2[%mul3A_48, %dma_start3A_51] : memref<10000x256xf32, #tpu.memory_space<hbm>> -> memref<80x128xf32, #tpu.memory_space<hbm>>
          tpu.enqueue_dma source(%dma_start3A_52 : memref<80x128xf32, #tpu.memory_space<hbm>>) target(%arg12 : memref<80x128xf32, #tpu.memory_space<vmem>>) target_semaphore(%run_scoped3A : memref<!tpu.dma_semaphore, #tpu.memory_space<semaphore_mem>>)
          %dma_wait3A_53 = arith.constant 128 : i32
          %dma_wait3A_54 = tpu.memref_slice %arg2[%mul3A_48, %dma_wait3A_53] : memref<10000x256xf32, #tpu.memory_space<hbm>> -> memref<80x128xf32, #tpu.memory_space<hbm>>
          %dma_wait3A_55 = arith.constant 128 : i32
          %dma_wait3A_56 = tpu.memref_slice %arg2[%mul3A_48, %dma_wait3A_55] : memref<10000x256xf32, #tpu.memory_space<hbm>> -> memref<80x128xf32, #tpu.memory_space<hbm>>
          tpu.wait_dma2 semaphore(%run_scoped3A : memref<!tpu.dma_semaphore, #tpu.memory_space<semaphore_mem>>) src(%dma_wait3A_56 : memref<80x128xf32, #tpu.memory_space<hbm>>) dst(%arg12 : memref<80x128xf32, #tpu.memory_space<vmem>>)
          tpu.yield
        }) : () -> ()
        "tpu.region"() ({
          %run_scoped3A = tpu.sem_alloc : memref<!tpu.dma_semaphore, #tpu.memory_space<semaphore_mem>>
          %dma_start3A_49 = arith.constant 0 : i32
          %dma_start3A_50 = arith.constant 0 : i32
          %dma_start3A_51 = tpu.memref_slice %arg16[%dma_start3A_49, %dma_start3A_50] : memref<512x128xf32, #tpu.memory_space<vmem_shared>> -> memref<512x128xf32, #tpu.memory_space<vmem_shared>>
          tpu.enqueue_indirect_dma source(%arg12 : memref<80x128xf32, #tpu.memory_space<vmem>>) target(%dma_start3A_51 : memref<512x128xf32, #tpu.memory_space<vmem_shared>>) offsets(%arg11 : memref<80xi32, #tpu.memory_space<vmem>>) semaphore(%run_scoped3A : memref<!tpu.dma_semaphore, #tpu.memory_space<semaphore_mem>>) {add = true}
          %dma_wait3A_52 = arith.constant 0 : i32
          %dma_wait3A_53 = arith.constant 0 : i32
          %dma_wait3A_54 = tpu.memref_slice %arg16[%dma_wait3A_52, %dma_wait3A_53] : memref<512x128xf32, #tpu.memory_space<vmem_shared>> -> memref<512x128xf32, #tpu.memory_space<vmem_shared>>
          tpu.wait_indirect_dma semaphore(%run_scoped3A : memref<!tpu.dma_semaphore, #tpu.memory_space<semaphore_mem>>) src(%arg12 : memref<80x128xf32, #tpu.memory_space<vmem>>) dst(%dma_wait3A_54 : memref<512x128xf32, #tpu.memory_space<vmem_shared>>)
          tpu.yield
        }) : () -> ()
        "tpu.region"() ({
          %run_scoped3A = tpu.sem_alloc : memref<!tpu.dma_semaphore, #tpu.memory_space<semaphore_mem>>
          %dma_start3A_49 = arith.constant 0 : i32
          %dma_start3A_50 = arith.constant 0 : i32
          %dma_start3A_51 = tpu.memref_slice %arg17[%dma_start3A_49, %dma_start3A_50] : memref<512x128xf32, #tpu.memory_space<vmem_shared>> -> memref<512x128xf32, #tpu.memory_space<vmem_shared>>
          tpu.enqueue_indirect_dma source(%arg13 : memref<80x128xf32, #tpu.memory_space<vmem>>) target(%dma_start3A_51 : memref<512x128xf32, #tpu.memory_space<vmem_shared>>) offsets(%arg11 : memref<80xi32, #tpu.memory_space<vmem>>) semaphore(%run_scoped3A : memref<!tpu.dma_semaphore, #tpu.memory_space<semaphore_mem>>) {add = true}
          %dma_wait3A_52 = arith.constant 0 : i32
          %dma_wait3A_53 = arith.constant 0 : i32
          %dma_wait3A_54 = tpu.memref_slice %arg17[%dma_wait3A_52, %dma_wait3A_53] : memref<512x128xf32, #tpu.memory_space<vmem_shared>> -> memref<512x128xf32, #tpu.memory_space<vmem_shared>>
          tpu.wait_indirect_dma semaphore(%run_scoped3A : memref<!tpu.dma_semaphore, #tpu.memory_space<semaphore_mem>>) src(%arg13 : memref<80x128xf32, #tpu.memory_space<vmem>>) dst(%dma_wait3A_54 : memref<512x128xf32, #tpu.memory_space<vmem_shared>>)
          tpu.yield
        }) : () -> ()
      }
    } else {
    }
    %barrier3A_18 = arith.constant 0 : index
    tpu.barrier barrier_id(%barrier3A_18)
    %eq3A_19 = arith.constant 0 : i32
    %eq3A_20 = arith.cmpi eq, %arg0, %eq3A_19 : i32
    %convert_element_type3A_21 = arith.extui %eq3A_20 : i1 to i32
    %cond3A_22 = arith.constant 0 : i32
    %cond3A_23 = arith.cmpi ne, %convert_element_type3A_21, %cond3A_22 : i32
    scf.if %cond3A_23 {
      "tpu.region"() ({
        %run_scoped3A = tpu.sem_alloc : memref<!tpu.dma_semaphore, #tpu.memory_space<semaphore_mem>>
        %dma_start3A_29 = arith.constant 0 : i32
        %dma_start3A_30 = tpu.memref_slice %arg7[%mul3A_0, %dma_start3A_29] : memref<512x128xf32, #tpu.memory_space<hbm>> -> memref<32x128xf32, #tpu.memory_space<hbm>>
        %dma_start3A_31 = arith.constant 0 : i32
        %dma_start3A_32 = tpu.memref_slice %arg16[%mul3A_0, %dma_start3A_31] : memref<512x128xf32, #tpu.memory_space<vmem_shared>> -> memref<32x128xf32, #tpu.memory_space<vmem_shared>>
        tpu.enqueue_dma source(%dma_start3A_32 : memref<32x128xf32, #tpu.memory_space<vmem_shared>>) target(%dma_start3A_30 : memref<32x128xf32, #tpu.memory_space<hbm>>) target_semaphore(%run_scoped3A : memref<!tpu.dma_semaphore, #tpu.memory_space<semaphore_mem>>)
        %dma_wait3A_33 = arith.constant 0 : i32
        %dma_wait3A_34 = tpu.memref_slice %arg7[%mul3A_0, %dma_wait3A_33] : memref<512x128xf32, #tpu.memory_space<hbm>> -> memref<32x128xf32, #tpu.memory_space<hbm>>
        %dma_wait3A_35 = arith.constant 0 : i32
        %dma_wait3A_36 = tpu.memref_slice %arg16[%mul3A_0, %dma_wait3A_35] : memref<512x128xf32, #tpu.memory_space<vmem_shared>> -> memref<32x128xf32, #tpu.memory_space<vmem_shared>>
        tpu.wait_dma2 semaphore(%run_scoped3A : memref<!tpu.dma_semaphore, #tpu.memory_space<semaphore_mem>>) src(%dma_wait3A_36 : memref<32x128xf32, #tpu.memory_space<vmem_shared>>) dst(%dma_wait3A_34 : memref<32x128xf32, #tpu.memory_space<hbm>>)
        tpu.yield
      }) : () -> ()
      "tpu.region"() ({
        %run_scoped3A = tpu.sem_alloc : memref<!tpu.dma_semaphore, #tpu.memory_space<semaphore_mem>>
        %dma_start3A_29 = arith.constant 0 : i32
        %dma_start3A_30 = tpu.memref_slice %arg9[%mul3A_0, %dma_start3A_29] : memref<512x128xf32, #tpu.memory_space<hbm>> -> memref<32x128xf32, #tpu.memory_space<hbm>>
        %dma_start3A_31 = arith.constant 0 : i32
        %dma_start3A_32 = tpu.memref_slice %arg17[%mul3A_0, %dma_start3A_31] : memref<512x128xf32, #tpu.memory_space<vmem_shared>> -> memref<32x128xf32, #tpu.memory_space<vmem_shared>>
        tpu.enqueue_dma source(%dma_start3A_32 : memref<32x128xf32, #tpu.memory_space<vmem_shared>>) target(%dma_start3A_30 : memref<32x128xf32, #tpu.memory_space<hbm>>) target_semaphore(%run_scoped3A : memref<!tpu.dma_semaphore, #tpu.memory_space<semaphore_mem>>)
        %dma_wait3A_33 = arith.constant 0 : i32
        %dma_wait3A_34 = tpu.memref_slice %arg9[%mul3A_0, %dma_wait3A_33] : memref<512x128xf32, #tpu.memory_space<hbm>> -> memref<32x128xf32, #tpu.memory_space<hbm>>
        %dma_wait3A_35 = arith.constant 0 : i32
        %dma_wait3A_36 = tpu.memref_slice %arg17[%mul3A_0, %dma_wait3A_35] : memref<512x128xf32, #tpu.memory_space<vmem_shared>> -> memref<32x128xf32, #tpu.memory_space<vmem_shared>>
        tpu.wait_dma2 semaphore(%run_scoped3A : memref<!tpu.dma_semaphore, #tpu.memory_space<semaphore_mem>>) src(%dma_wait3A_36 : memref<32x128xf32, #tpu.memory_space<vmem_shared>>) dst(%dma_wait3A_34 : memref<32x128xf32, #tpu.memory_space<hbm>>)
        tpu.yield
      }) : () -> ()
    } else {
    }
    %eq3A_24 = arith.constant 1 : i32
    %eq3A_25 = arith.cmpi eq, %arg0, %eq3A_24 : i32
    %convert_element_type3A_26 = arith.extui %eq3A_25 : i1 to i32
    %cond3A_27 = arith.constant 0 : i32
    %cond3A_28 = arith.cmpi ne, %convert_element_type3A_26, %cond3A_27 : i32
    scf.if %cond3A_28 {
      "tpu.region"() ({
        %run_scoped3A = tpu.sem_alloc : memref<!tpu.dma_semaphore, #tpu.memory_space<semaphore_mem>>
        %dma_start3A_29 = arith.constant 0 : i32
        %dma_start3A_30 = tpu.memref_slice %arg8[%mul3A_0, %dma_start3A_29] : memref<512x128xf32, #tpu.memory_space<hbm>> -> memref<32x128xf32, #tpu.memory_space<hbm>>
        %dma_start3A_31 = arith.constant 0 : i32
        %dma_start3A_32 = tpu.memref_slice %arg16[%mul3A_0, %dma_start3A_31] : memref<512x128xf32, #tpu.memory_space<vmem_shared>> -> memref<32x128xf32, #tpu.memory_space<vmem_shared>>
        tpu.enqueue_dma source(%dma_start3A_32 : memref<32x128xf32, #tpu.memory_space<vmem_shared>>) target(%dma_start3A_30 : memref<32x128xf32, #tpu.memory_space<hbm>>) target_semaphore(%run_scoped3A : memref<!tpu.dma_semaphore, #tpu.memory_space<semaphore_mem>>)
        %dma_wait3A_33 = arith.constant 0 : i32
        %dma_wait3A_34 = tpu.memref_slice %arg8[%mul3A_0, %dma_wait3A_33] : memref<512x128xf32, #tpu.memory_space<hbm>> -> memref<32x128xf32, #tpu.memory_space<hbm>>
        %dma_wait3A_35 = arith.constant 0 : i32
        %dma_wait3A_36 = tpu.memref_slice %arg16[%mul3A_0, %dma_wait3A_35] : memref<512x128xf32, #tpu.memory_space<vmem_shared>> -> memref<32x128xf32, #tpu.memory_space<vmem_shared>>
        tpu.wait_dma2 semaphore(%run_scoped3A : memref<!tpu.dma_semaphore, #tpu.memory_space<semaphore_mem>>) src(%dma_wait3A_36 : memref<32x128xf32, #tpu.memory_space<vmem_shared>>) dst(%dma_wait3A_34 : memref<32x128xf32, #tpu.memory_space<hbm>>)
        tpu.yield
      }) : () -> ()
    } else {
    }
    return
  }
}

#map = affine_map<(d0, d1) -> (0, 0)>
#map1 = affine_map<(d0, d1) -> (0)>
module attributes {stable_mosaic.version = 14 : i64} {
  func.func @_pool(%arg0: i32, %arg1: i32, %arg2: memref<10000x256xf32, #tpu.memory_space<hbm>>, %arg3: memref<10000xi32, #tpu.memory_space<hbm>>, %arg4: memref<512xi32, #tpu.memory_space<hbm>>, %arg5: memref<80x128xf32, #tpu.memory_space<hbm>>, %arg6: memref<10000x128xf32, #tpu.memory_space<hbm>>, %arg7: memref<512x128xf32, #tpu.memory_space<hbm>>, %arg8: memref<512x128xf32, #tpu.memory_space<hbm>>, %arg9: memref<512x128xf32, #tpu.memory_space<hbm>>, %arg10: memref<512x256xf32, #tpu.memory_space<hbm>>, %arg11: memref<80xi32, #tpu.memory_space<vmem>>, %arg12: memref<80x128xf32, #tpu.memory_space<vmem>>, %arg13: memref<80x128xf32, #tpu.memory_space<vmem>>, %arg14: memref<16xi32, #tpu.memory_space<vmem>>, %arg15: memref<16x256xf32, #tpu.memory_space<vmem>>, %arg16: memref<512x128xf32, #tpu.memory_space<vmem_shared>>, %arg17: memref<512x128xf32, #tpu.memory_space<vmem_shared>>, %arg18: memref<!tpu.dma_semaphore, #tpu.memory_space<semaphore_mem>>) attributes {dimension_semantics = [#tpu.dimension_semantics<core_parallel>, #tpu.dimension_semantics<subcore_parallel>], iteration_bounds = array<i64: 2, 16>, scalar_prefetch = 0 : i64, scratch_operands = 8 : i64, tpu.core_type = #tpu.core_type<sc_vector_subcore>, window_params = [{transform_indices = #map}, {transform_indices = #map1}, {transform_indices = #map1}, {transform_indices = #map}, {transform_indices = #map}, {transform_indices = #map}, {transform_indices = #map}, {transform_indices = #map}, {transform_indices = #map}]} {
    %mul3A = arith.constant 32 : i32
    %mul3A_0 = arith.muli %arg1, %mul3A : i32
    "tpu.region"() ({
      %run_scoped3A = tpu.sem_alloc : memref<!tpu.dma_semaphore, #tpu.memory_space<semaphore_mem>>
      %dma_start3A_29 = arith.constant 0 : i32
      %dma_start3A_30 = tpu.memref_slice %arg16[%mul3A_0, %dma_start3A_29] : memref<512x128xf32, #tpu.memory_space<vmem_shared>> -> memref<32x128xf32, #tpu.memory_space<vmem_shared>>
      %dma_start3A_31 = arith.constant 0 : i32
      %dma_start3A_32 = tpu.memref_slice %arg6[%mul3A_0, %dma_start3A_31] : memref<10000x128xf32, #tpu.memory_space<hbm>> -> memref<32x128xf32, #tpu.memory_space<hbm>>
      tpu.enqueue_dma source(%dma_start3A_32 : memref<32x128xf32, #tpu.memory_space<hbm>>) target(%dma_start3A_30 : memref<32x128xf32, #tpu.memory_space<vmem_shared>>) target_semaphore(%run_scoped3A : memref<!tpu.dma_semaphore, #tpu.memory_space<semaphore_mem>>)
      %dma_wait3A_33 = arith.constant 0 : i32
      %dma_wait3A_34 = tpu.memref_slice %arg16[%mul3A_0, %dma_wait3A_33] : memref<512x128xf32, #tpu.memory_space<vmem_shared>> -> memref<32x128xf32, #tpu.memory_space<vmem_shared>>
      %dma_wait3A_35 = arith.constant 0 : i32
      %dma_wait3A_36 = tpu.memref_slice %arg6[%mul3A_0, %dma_wait3A_35] : memref<10000x128xf32, #tpu.memory_space<hbm>> -> memref<32x128xf32, #tpu.memory_space<hbm>>
      tpu.wait_dma2 semaphore(%run_scoped3A : memref<!tpu.dma_semaphore, #tpu.memory_space<semaphore_mem>>) src(%dma_wait3A_36 : memref<32x128xf32, #tpu.memory_space<hbm>>) dst(%dma_wait3A_34 : memref<32x128xf32, #tpu.memory_space<vmem_shared>>)
      tpu.yield
    }) : () -> ()
    "tpu.region"() ({
      %run_scoped3A = tpu.sem_alloc : memref<!tpu.dma_semaphore, #tpu.memory_space<semaphore_mem>>
      %dma_start3A_29 = arith.constant 0 : i32
      %dma_start3A_30 = tpu.memref_slice %arg17[%mul3A_0, %dma_start3A_29] : memref<512x128xf32, #tpu.memory_space<vmem_shared>> -> memref<32x128xf32, #tpu.memory_space<vmem_shared>>
      %dma_start3A_31 = arith.constant 0 : i32
      %dma_start3A_32 = tpu.memref_slice %arg6[%mul3A_0, %dma_start3A_31] : memref<10000x128xf32, #tpu.memory_space<hbm>> -> memref<32x128xf32, #tpu.memory_space<hbm>>
      tpu.enqueue_dma source(%dma_start3A_32 : memref<32x128xf32, #tpu.memory_space<hbm>>) target(%dma_start3A_30 : memref<32x128xf32, #tpu.memory_space<vmem_shared>>) target_semaphore(%run_scoped3A : memref<!tpu.dma_semaphore, #tpu.memory_space<semaphore_mem>>)
      %dma_wait3A_33 = arith.constant 0 : i32
      %dma_wait3A_34 = tpu.memref_slice %arg17[%mul3A_0, %dma_wait3A_33] : memref<512x128xf32, #tpu.memory_space<vmem_shared>> -> memref<32x128xf32, #tpu.memory_space<vmem_shared>>
      %dma_wait3A_35 = arith.constant 0 : i32
      %dma_wait3A_36 = tpu.memref_slice %arg6[%mul3A_0, %dma_wait3A_35] : memref<10000x128xf32, #tpu.memory_space<hbm>> -> memref<32x128xf32, #tpu.memory_space<hbm>>
      tpu.wait_dma2 semaphore(%run_scoped3A : memref<!tpu.dma_semaphore, #tpu.memory_space<semaphore_mem>>) src(%dma_wait3A_36 : memref<32x128xf32, #tpu.memory_space<hbm>>) dst(%dma_wait3A_34 : memref<32x128xf32, #tpu.memory_space<vmem_shared>>)
      tpu.yield
    }) : () -> ()
    "tpu.region"() ({
      %run_scoped3A = tpu.sem_alloc : memref<!tpu.dma_semaphore, #tpu.memory_space<semaphore_mem>>
      tpu.enqueue_dma source(%arg5 : memref<80x128xf32, #tpu.memory_space<hbm>>) target(%arg13 : memref<80x128xf32, #tpu.memory_space<vmem>>) target_semaphore(%run_scoped3A : memref<!tpu.dma_semaphore, #tpu.memory_space<semaphore_mem>>)
      tpu.wait_dma2 semaphore(%run_scoped3A : memref<!tpu.dma_semaphore, #tpu.memory_space<semaphore_mem>>) src(%arg5 : memref<80x128xf32, #tpu.memory_space<hbm>>) dst(%arg13 : memref<80x128xf32, #tpu.memory_space<vmem>>)
      tpu.yield
    }) : () -> ()
    %barrier3A = arith.constant 0 : index
    tpu.barrier barrier_id(%barrier3A)
    %mul3A_1 = arith.constant 2 : i32
    %mul3A_2 = arith.muli %arg1, %mul3A_1 : i32
    %add3A = arith.addi %mul3A_2, %arg0 : i32
    %mul3A_3 = arith.constant 16 : i32
    %mul3A_4 = arith.muli %add3A, %mul3A_3 : i32
    "tpu.region"() ({
      %run_scoped3A = tpu.sem_alloc : memref<!tpu.dma_semaphore, #tpu.memory_space<semaphore_mem>>
      %dma_start3A_29 = tpu.memref_slice %arg4[%mul3A_4] : memref<512xi32, #tpu.memory_space<hbm>> -> memref<16xi32, #tpu.memory_space<hbm>>
      %dma_start3A_30 = tpu.memref_slice %arg4[%mul3A_4] : memref<512xi32, #tpu.memory_space<hbm>> -> memref<16xi32, #tpu.memory_space<hbm>>
      tpu.enqueue_dma source(%dma_start3A_30 : memref<16xi32, #tpu.memory_space<hbm>>) target(%arg14 : memref<16xi32, #tpu.memory_space<vmem>>) target_semaphore(%run_scoped3A : memref<!tpu.dma_semaphore, #tpu.memory_space<semaphore_mem>>)
      %dma_wait3A_31 = tpu.memref_slice %arg4[%mul3A_4] : memref<512xi32, #tpu.memory_space<hbm>> -> memref<16xi32, #tpu.memory_space<hbm>>
      %dma_wait3A_32 = tpu.memref_slice %arg4[%mul3A_4] : memref<512xi32, #tpu.memory_space<hbm>> -> memref<16xi32, #tpu.memory_space<hbm>>
      tpu.wait_dma2 semaphore(%run_scoped3A : memref<!tpu.dma_semaphore, #tpu.memory_space<semaphore_mem>>) src(%dma_wait3A_32 : memref<16xi32, #tpu.memory_space<hbm>>) dst(%arg14 : memref<16xi32, #tpu.memory_space<vmem>>)
      tpu.yield
    }) : () -> ()
    %dma_start3A = arith.constant 0 : i32
    %dma_start3A_5 = arith.constant 0 : i32
    %dma_start3A_6 = tpu.memref_slice %arg2[%dma_start3A, %dma_start3A_5] : memref<10000x256xf32, #tpu.memory_space<hbm>> -> memref<10000x256xf32, #tpu.memory_space<hbm>>
    tpu.enqueue_indirect_dma source(%dma_start3A_6 : memref<10000x256xf32, #tpu.memory_space<hbm>>) target(%arg15 : memref<16x256xf32, #tpu.memory_space<vmem>>) offsets(%arg14 : memref<16xi32, #tpu.memory_space<vmem>>) semaphore(%arg18 : memref<!tpu.dma_semaphore, #tpu.memory_space<semaphore_mem>>)
    %dma_wait3A = arith.constant 0 : i32
    %dma_wait3A_7 = arith.constant 0 : i32
    %dma_wait3A_8 = tpu.memref_slice %arg2[%dma_wait3A, %dma_wait3A_7] : memref<10000x256xf32, #tpu.memory_space<hbm>> -> memref<10000x256xf32, #tpu.memory_space<hbm>>
    tpu.wait_indirect_dma semaphore(%arg18 : memref<!tpu.dma_semaphore, #tpu.memory_space<semaphore_mem>>) src(%dma_wait3A_8 : memref<10000x256xf32, #tpu.memory_space<hbm>>) dst(%arg15 : memref<16x256xf32, #tpu.memory_space<vmem>>)
    %mul3A_9 = arith.constant 16 : i32
    %mul3A_10 = arith.muli %add3A, %mul3A_9 : i32
    "tpu.region"() ({
      %run_scoped3A = tpu.sem_alloc : memref<!tpu.dma_semaphore, #tpu.memory_space<semaphore_mem>>
      %dma_start3A_29 = arith.constant 0 : i32
      %dma_start3A_30 = tpu.memref_slice %arg10[%mul3A_10, %dma_start3A_29] : memref<512x256xf32, #tpu.memory_space<hbm>> -> memref<16x256xf32, #tpu.memory_space<hbm>>
      %dma_start3A_31 = arith.constant 0 : i32
      %dma_start3A_32 = tpu.memref_slice %arg10[%mul3A_10, %dma_start3A_31] : memref<512x256xf32, #tpu.memory_space<hbm>> -> memref<16x256xf32, #tpu.memory_space<hbm>>
      tpu.enqueue_dma source(%arg15 : memref<16x256xf32, #tpu.memory_space<vmem>>) target(%dma_start3A_32 : memref<16x256xf32, #tpu.memory_space<hbm>>) target_semaphore(%run_scoped3A : memref<!tpu.dma_semaphore, #tpu.memory_space<semaphore_mem>>)
      %dma_wait3A_33 = arith.constant 0 : i32
      %dma_wait3A_34 = tpu.memref_slice %arg10[%mul3A_10, %dma_wait3A_33] : memref<512x256xf32, #tpu.memory_space<hbm>> -> memref<16x256xf32, #tpu.memory_space<hbm>>
      %dma_wait3A_35 = arith.constant 0 : i32
      %dma_wait3A_36 = tpu.memref_slice %arg10[%mul3A_10, %dma_wait3A_35] : memref<512x256xf32, #tpu.memory_space<hbm>> -> memref<16x256xf32, #tpu.memory_space<hbm>>
      tpu.wait_dma2 semaphore(%run_scoped3A : memref<!tpu.dma_semaphore, #tpu.memory_space<semaphore_mem>>) src(%arg15 : memref<16x256xf32, #tpu.memory_space<vmem>>) dst(%dma_wait3A_36 : memref<16x256xf32, #tpu.memory_space<hbm>>)
      tpu.yield
    }) : () -> ()
    %eq3A = arith.constant 0 : i32
    %eq3A_11 = arith.cmpi eq, %arg0, %eq3A : i32
    %convert_element_type3A = arith.extui %eq3A_11 : i1 to i32
    %cond3A = arith.constant 0 : i32
    %cond3A_12 = arith.cmpi ne, %convert_element_type3A, %cond3A : i32
    scf.if %cond3A_12 {
      %sub3A = arith.constant 125 : i32
      %sub3A_29 = arith.subi %sub3A, %arg1 : i32
      %sub3A_30 = arith.constant 16 : i32
      %sub3A_31 = arith.constant 1 : i32
      %sub3A_32 = arith.subi %sub3A_30, %sub3A_31 : i32
      %add3A_33 = arith.addi %sub3A_29, %sub3A_32 : i32
      %div3A = arith.constant 16 : i32
      %div3A_34 = arith.divsi %add3A_33, %div3A : i32
      %while3A = arith.constant 16 : i32
      %while3A_35 = arith.constant 0 : i32
      %while3A_36 = arith.subi %div3A_34, %while3A_35 : i32
      %while3A_37 = arith.addi %while3A_35, %while3A_36 : i32
      %while3A_38 = arith.constant 1 : i32
      %while3A_39 = arith.divsi %while3A_36, %while3A_38 : i32
      %while3A_40 = arith.muli %while3A_39, %while3A_38 : i32
      %while3A_41 = arith.addi %while3A_35, %while3A_40 : i32
      %while3A_42 = arith.constant 1 : i32
      scf.for %while3A_44 = %while3A_35 to %while3A_41 step %while3A_42  : i32 {
        %mul3A_45 = arith.muli %while3A_44, %while3A : i32
        %add3A_46 = arith.addi %arg1, %mul3A_45 : i32
        %mul3A_47 = arith.constant 80 : i32
        %mul3A_48 = arith.muli %add3A_46, %mul3A_47 : i32
        "tpu.region"() ({
          %run_scoped3A = tpu.sem_alloc : memref<!tpu.dma_semaphore, #tpu.memory_space<semaphore_mem>>
          %dma_start3A_49 = tpu.memref_slice %arg3[%mul3A_48] : memref<10000xi32, #tpu.memory_space<hbm>> -> memref<80xi32, #tpu.memory_space<hbm>>
          %dma_start3A_50 = tpu.memref_slice %arg3[%mul3A_48] : memref<10000xi32, #tpu.memory_space<hbm>> -> memref<80xi32, #tpu.memory_space<hbm>>
          tpu.enqueue_dma source(%dma_start3A_50 : memref<80xi32, #tpu.memory_space<hbm>>) target(%arg11 : memref<80xi32, #tpu.memory_space<vmem>>) target_semaphore(%run_scoped3A : memref<!tpu.dma_semaphore, #tpu.memory_space<semaphore_mem>>)
          %dma_wait3A_51 = tpu.memref_slice %arg3[%mul3A_48] : memref<10000xi32, #tpu.memory_space<hbm>> -> memref<80xi32, #tpu.memory_space<hbm>>
          %dma_wait3A_52 = tpu.memref_slice %arg3[%mul3A_48] : memref<10000xi32, #tpu.memory_space<hbm>> -> memref<80xi32, #tpu.memory_space<hbm>>
          tpu.wait_dma2 semaphore(%run_scoped3A : memref<!tpu.dma_semaphore, #tpu.memory_space<semaphore_mem>>) src(%dma_wait3A_52 : memref<80xi32, #tpu.memory_space<hbm>>) dst(%arg11 : memref<80xi32, #tpu.memory_space<vmem>>)
          tpu.yield
        }) : () -> ()
        "tpu.region"() ({
          %run_scoped3A = tpu.sem_alloc : memref<!tpu.dma_semaphore, #tpu.memory_space<semaphore_mem>>
          %dma_start3A_49 = arith.constant 0 : i32
          %dma_start3A_50 = tpu.memref_slice %arg2[%mul3A_48, %dma_start3A_49] : memref<10000x256xf32, #tpu.memory_space<hbm>> -> memref<80x128xf32, #tpu.memory_space<hbm>>
          %dma_start3A_51 = arith.constant 0 : i32
          %dma_start3A_52 = tpu.memref_slice %arg2[%mul3A_48, %dma_start3A_51] : memref<10000x256xf32, #tpu.memory_space<hbm>> -> memref<80x128xf32, #tpu.memory_space<hbm>>
          tpu.enqueue_dma source(%dma_start3A_52 : memref<80x128xf32, #tpu.memory_space<hbm>>) target(%arg12 : memref<80x128xf32, #tpu.memory_space<vmem>>) target_semaphore(%run_scoped3A : memref<!tpu.dma_semaphore, #tpu.memory_space<semaphore_mem>>)
          %dma_wait3A_53 = arith.constant 0 : i32
          %dma_wait3A_54 = tpu.memref_slice %arg2[%mul3A_48, %dma_wait3A_53] : memref<10000x256xf32, #tpu.memory_space<hbm>> -> memref<80x128xf32, #tpu.memory_space<hbm>>
          %dma_wait3A_55 = arith.constant 0 : i32
          %dma_wait3A_56 = tpu.memref_slice %arg2[%mul3A_48, %dma_wait3A_55] : memref<10000x256xf32, #tpu.memory_space<hbm>> -> memref<80x128xf32, #tpu.memory_space<hbm>>
          tpu.wait_dma2 semaphore(%run_scoped3A : memref<!tpu.dma_semaphore, #tpu.memory_space<semaphore_mem>>) src(%dma_wait3A_56 : memref<80x128xf32, #tpu.memory_space<hbm>>) dst(%arg12 : memref<80x128xf32, #tpu.memory_space<vmem>>)
          tpu.yield
        }) : () -> ()
        "tpu.region"() ({
          %run_scoped3A = tpu.sem_alloc : memref<!tpu.dma_semaphore, #tpu.memory_space<semaphore_mem>>
          %dma_start3A_49 = arith.constant 0 : i32
          %dma_start3A_50 = arith.constant 0 : i32
          %dma_start3A_51 = tpu.memref_slice %arg16[%dma_start3A_49, %dma_start3A_50] : memref<512x128xf32, #tpu.memory_space<vmem_shared>> -> memref<512x128xf32, #tpu.memory_space<vmem_shared>>
          tpu.enqueue_indirect_dma source(%arg12 : memref<80x128xf32, #tpu.memory_space<vmem>>) target(%dma_start3A_51 : memref<512x128xf32, #tpu.memory_space<vmem_shared>>) offsets(%arg11 : memref<80xi32, #tpu.memory_space<vmem>>) semaphore(%run_scoped3A : memref<!tpu.dma_semaphore, #tpu.memory_space<semaphore_mem>>) {add = true}
          %dma_wait3A_52 = arith.constant 0 : i32
          %dma_wait3A_53 = arith.constant 0 : i32
          %dma_wait3A_54 = tpu.memref_slice %arg16[%dma_wait3A_52, %dma_wait3A_53] : memref<512x128xf32, #tpu.memory_space<vmem_shared>> -> memref<512x128xf32, #tpu.memory_space<vmem_shared>>
          tpu.wait_indirect_dma semaphore(%run_scoped3A : memref<!tpu.dma_semaphore, #tpu.memory_space<semaphore_mem>>) src(%arg12 : memref<80x128xf32, #tpu.memory_space<vmem>>) dst(%dma_wait3A_54 : memref<512x128xf32, #tpu.memory_space<vmem_shared>>)
          tpu.yield
        }) : () -> ()
        "tpu.region"() ({
          %run_scoped3A = tpu.sem_alloc : memref<!tpu.dma_semaphore, #tpu.memory_space<semaphore_mem>>
          %dma_start3A_49 = arith.constant 0 : i32
          %dma_start3A_50 = arith.constant 0 : i32
          %dma_start3A_51 = tpu.memref_slice %arg17[%dma_start3A_49, %dma_start3A_50] : memref<512x128xf32, #tpu.memory_space<vmem_shared>> -> memref<512x128xf32, #tpu.memory_space<vmem_shared>>
          tpu.enqueue_indirect_dma source(%arg13 : memref<80x128xf32, #tpu.memory_space<vmem>>) target(%dma_start3A_51 : memref<512x128xf32, #tpu.memory_space<vmem_shared>>) offsets(%arg11 : memref<80xi32, #tpu.memory_space<vmem>>) semaphore(%run_scoped3A : memref<!tpu.dma_semaphore, #tpu.memory_space<semaphore_mem>>) {add = true}
          %dma_wait3A_52 = arith.constant 0 : i32
          %dma_wait3A_53 = arith.constant 0 : i32
          %dma_wait3A_54 = tpu.memref_slice %arg17[%dma_wait3A_52, %dma_wait3A_53] : memref<512x128xf32, #tpu.memory_space<vmem_shared>> -> memref<512x128xf32, #tpu.memory_space<vmem_shared>>
          tpu.wait_indirect_dma semaphore(%run_scoped3A : memref<!tpu.dma_semaphore, #tpu.memory_space<semaphore_mem>>) src(%arg13 : memref<80x128xf32, #tpu.memory_space<vmem>>) dst(%dma_wait3A_54 : memref<512x128xf32, #tpu.memory_space<vmem_shared>>)
          tpu.yield
        }) : () -> ()
      }
      %while3A_43 = arith.constant 1 : i32
      scf.for %while3A_44 = %while3A_41 to %while3A_37 step %while3A_43  : i32 {
        %mul3A_45 = arith.muli %while3A_44, %while3A : i32
        %add3A_46 = arith.addi %arg1, %mul3A_45 : i32
        %mul3A_47 = arith.constant 80 : i32
        %mul3A_48 = arith.muli %add3A_46, %mul3A_47 : i32
        "tpu.region"() ({
          %run_scoped3A = tpu.sem_alloc : memref<!tpu.dma_semaphore, #tpu.memory_space<semaphore_mem>>
          %dma_start3A_49 = tpu.memref_slice %arg3[%mul3A_48] : memref<10000xi32, #tpu.memory_space<hbm>> -> memref<80xi32, #tpu.memory_space<hbm>>
          %dma_start3A_50 = tpu.memref_slice %arg3[%mul3A_48] : memref<10000xi32, #tpu.memory_space<hbm>> -> memref<80xi32, #tpu.memory_space<hbm>>
          tpu.enqueue_dma source(%dma_start3A_50 : memref<80xi32, #tpu.memory_space<hbm>>) target(%arg11 : memref<80xi32, #tpu.memory_space<vmem>>) target_semaphore(%run_scoped3A : memref<!tpu.dma_semaphore, #tpu.memory_space<semaphore_mem>>)
          %dma_wait3A_51 = tpu.memref_slice %arg3[%mul3A_48] : memref<10000xi32, #tpu.memory_space<hbm>> -> memref<80xi32, #tpu.memory_space<hbm>>
          %dma_wait3A_52 = tpu.memref_slice %arg3[%mul3A_48] : memref<10000xi32, #tpu.memory_space<hbm>> -> memref<80xi32, #tpu.memory_space<hbm>>
          tpu.wait_dma2 semaphore(%run_scoped3A : memref<!tpu.dma_semaphore, #tpu.memory_space<semaphore_mem>>) src(%dma_wait3A_52 : memref<80xi32, #tpu.memory_space<hbm>>) dst(%arg11 : memref<80xi32, #tpu.memory_space<vmem>>)
          tpu.yield
        }) : () -> ()
        "tpu.region"() ({
          %run_scoped3A = tpu.sem_alloc : memref<!tpu.dma_semaphore, #tpu.memory_space<semaphore_mem>>
          %dma_start3A_49 = arith.constant 0 : i32
          %dma_start3A_50 = tpu.memref_slice %arg2[%mul3A_48, %dma_start3A_49] : memref<10000x256xf32, #tpu.memory_space<hbm>> -> memref<80x128xf32, #tpu.memory_space<hbm>>
          %dma_start3A_51 = arith.constant 0 : i32
          %dma_start3A_52 = tpu.memref_slice %arg2[%mul3A_48, %dma_start3A_51] : memref<10000x256xf32, #tpu.memory_space<hbm>> -> memref<80x128xf32, #tpu.memory_space<hbm>>
          tpu.enqueue_dma source(%dma_start3A_52 : memref<80x128xf32, #tpu.memory_space<hbm>>) target(%arg12 : memref<80x128xf32, #tpu.memory_space<vmem>>) target_semaphore(%run_scoped3A : memref<!tpu.dma_semaphore, #tpu.memory_space<semaphore_mem>>)
          %dma_wait3A_53 = arith.constant 0 : i32
          %dma_wait3A_54 = tpu.memref_slice %arg2[%mul3A_48, %dma_wait3A_53] : memref<10000x256xf32, #tpu.memory_space<hbm>> -> memref<80x128xf32, #tpu.memory_space<hbm>>
          %dma_wait3A_55 = arith.constant 0 : i32
          %dma_wait3A_56 = tpu.memref_slice %arg2[%mul3A_48, %dma_wait3A_55] : memref<10000x256xf32, #tpu.memory_space<hbm>> -> memref<80x128xf32, #tpu.memory_space<hbm>>
          tpu.wait_dma2 semaphore(%run_scoped3A : memref<!tpu.dma_semaphore, #tpu.memory_space<semaphore_mem>>) src(%dma_wait3A_56 : memref<80x128xf32, #tpu.memory_space<hbm>>) dst(%arg12 : memref<80x128xf32, #tpu.memory_space<vmem>>)
          tpu.yield
        }) : () -> ()
        "tpu.region"() ({
          %run_scoped3A = tpu.sem_alloc : memref<!tpu.dma_semaphore, #tpu.memory_space<semaphore_mem>>
          %dma_start3A_49 = arith.constant 0 : i32
          %dma_start3A_50 = arith.constant 0 : i32
          %dma_start3A_51 = tpu.memref_slice %arg16[%dma_start3A_49, %dma_start3A_50] : memref<512x128xf32, #tpu.memory_space<vmem_shared>> -> memref<512x128xf32, #tpu.memory_space<vmem_shared>>
          tpu.enqueue_indirect_dma source(%arg12 : memref<80x128xf32, #tpu.memory_space<vmem>>) target(%dma_start3A_51 : memref<512x128xf32, #tpu.memory_space<vmem_shared>>) offsets(%arg11 : memref<80xi32, #tpu.memory_space<vmem>>) semaphore(%run_scoped3A : memref<!tpu.dma_semaphore, #tpu.memory_space<semaphore_mem>>) {add = true}
          %dma_wait3A_52 = arith.constant 0 : i32
          %dma_wait3A_53 = arith.constant 0 : i32
          %dma_wait3A_54 = tpu.memref_slice %arg16[%dma_wait3A_52, %dma_wait3A_53] : memref<512x128xf32, #tpu.memory_space<vmem_shared>> -> memref<512x128xf32, #tpu.memory_space<vmem_shared>>
          tpu.wait_indirect_dma semaphore(%run_scoped3A : memref<!tpu.dma_semaphore, #tpu.memory_space<semaphore_mem>>) src(%arg12 : memref<80x128xf32, #tpu.memory_space<vmem>>) dst(%dma_wait3A_54 : memref<512x128xf32, #tpu.memory_space<vmem_shared>>)
          tpu.yield
        }) : () -> ()
        "tpu.region"() ({
          %run_scoped3A = tpu.sem_alloc : memref<!tpu.dma_semaphore, #tpu.memory_space<semaphore_mem>>
          %dma_start3A_49 = arith.constant 0 : i32
          %dma_start3A_50 = arith.constant 0 : i32
          %dma_start3A_51 = tpu.memref_slice %arg17[%dma_start3A_49, %dma_start3A_50] : memref<512x128xf32, #tpu.memory_space<vmem_shared>> -> memref<512x128xf32, #tpu.memory_space<vmem_shared>>
          tpu.enqueue_indirect_dma source(%arg13 : memref<80x128xf32, #tpu.memory_space<vmem>>) target(%dma_start3A_51 : memref<512x128xf32, #tpu.memory_space<vmem_shared>>) offsets(%arg11 : memref<80xi32, #tpu.memory_space<vmem>>) semaphore(%run_scoped3A : memref<!tpu.dma_semaphore, #tpu.memory_space<semaphore_mem>>) {add = true}
          %dma_wait3A_52 = arith.constant 0 : i32
          %dma_wait3A_53 = arith.constant 0 : i32
          %dma_wait3A_54 = tpu.memref_slice %arg17[%dma_wait3A_52, %dma_wait3A_53] : memref<512x128xf32, #tpu.memory_space<vmem_shared>> -> memref<512x128xf32, #tpu.memory_space<vmem_shared>>
          tpu.wait_indirect_dma semaphore(%run_scoped3A : memref<!tpu.dma_semaphore, #tpu.memory_space<semaphore_mem>>) src(%arg13 : memref<80x128xf32, #tpu.memory_space<vmem>>) dst(%dma_wait3A_54 : memref<512x128xf32, #tpu.memory_space<vmem_shared>>)
          tpu.yield
        }) : () -> ()
      }
    } else {
    }
    %eq3A_13 = arith.constant 1 : i32
    %eq3A_14 = arith.cmpi eq, %arg0, %eq3A_13 : i32
    %convert_element_type3A_15 = arith.extui %eq3A_14 : i1 to i32
    %cond3A_16 = arith.constant 0 : i32
    %cond3A_17 = arith.cmpi ne, %convert_element_type3A_15, %cond3A_16 : i32
    scf.if %cond3A_17 {
      %sub3A = arith.constant 125 : i32
      %sub3A_29 = arith.subi %sub3A, %arg1 : i32
      %sub3A_30 = arith.constant 16 : i32
      %sub3A_31 = arith.constant 1 : i32
      %sub3A_32 = arith.subi %sub3A_30, %sub3A_31 : i32
      %add3A_33 = arith.addi %sub3A_29, %sub3A_32 : i32
      %div3A = arith.constant 16 : i32
      %div3A_34 = arith.divsi %add3A_33, %div3A : i32
      %while3A = arith.constant 16 : i32
      %while3A_35 = arith.constant 0 : i32
      %while3A_36 = arith.subi %div3A_34, %while3A_35 : i32
      %while3A_37 = arith.addi %while3A_35, %while3A_36 : i32
      %while3A_38 = arith.constant 1 : i32
      %while3A_39 = arith.divsi %while3A_36, %while3A_38 : i32
      %while3A_40 = arith.muli %while3A_39, %while3A_38 : i32
      %while3A_41 = arith.addi %while3A_35, %while3A_40 : i32
      %while3A_42 = arith.constant 1 : i32
      scf.for %while3A_44 = %while3A_35 to %while3A_41 step %while3A_42  : i32 {
        %mul3A_45 = arith.muli %while3A_44, %while3A : i32
        %add3A_46 = arith.addi %arg1, %mul3A_45 : i32
        %mul3A_47 = arith.constant 80 : i32
        %mul3A_48 = arith.muli %add3A_46, %mul3A_47 : i32
        "tpu.region"() ({
          %run_scoped3A = tpu.sem_alloc : memref<!tpu.dma_semaphore, #tpu.memory_space<semaphore_mem>>
          %dma_start3A_49 = tpu.memref_slice %arg3[%mul3A_48] : memref<10000xi32, #tpu.memory_space<hbm>> -> memref<80xi32, #tpu.memory_space<hbm>>
          %dma_start3A_50 = tpu.memref_slice %arg3[%mul3A_48] : memref<10000xi32, #tpu.memory_space<hbm>> -> memref<80xi32, #tpu.memory_space<hbm>>
          tpu.enqueue_dma source(%dma_start3A_50 : memref<80xi32, #tpu.memory_space<hbm>>) target(%arg11 : memref<80xi32, #tpu.memory_space<vmem>>) target_semaphore(%run_scoped3A : memref<!tpu.dma_semaphore, #tpu.memory_space<semaphore_mem>>)
          %dma_wait3A_51 = tpu.memref_slice %arg3[%mul3A_48] : memref<10000xi32, #tpu.memory_space<hbm>> -> memref<80xi32, #tpu.memory_space<hbm>>
          %dma_wait3A_52 = tpu.memref_slice %arg3[%mul3A_48] : memref<10000xi32, #tpu.memory_space<hbm>> -> memref<80xi32, #tpu.memory_space<hbm>>
          tpu.wait_dma2 semaphore(%run_scoped3A : memref<!tpu.dma_semaphore, #tpu.memory_space<semaphore_mem>>) src(%dma_wait3A_52 : memref<80xi32, #tpu.memory_space<hbm>>) dst(%arg11 : memref<80xi32, #tpu.memory_space<vmem>>)
          tpu.yield
        }) : () -> ()
        "tpu.region"() ({
          %run_scoped3A = tpu.sem_alloc : memref<!tpu.dma_semaphore, #tpu.memory_space<semaphore_mem>>
          %dma_start3A_49 = arith.constant 128 : i32
          %dma_start3A_50 = tpu.memref_slice %arg2[%mul3A_48, %dma_start3A_49] : memref<10000x256xf32, #tpu.memory_space<hbm>> -> memref<80x128xf32, #tpu.memory_space<hbm>>
          %dma_start3A_51 = arith.constant 128 : i32
          %dma_start3A_52 = tpu.memref_slice %arg2[%mul3A_48, %dma_start3A_51] : memref<10000x256xf32, #tpu.memory_space<hbm>> -> memref<80x128xf32, #tpu.memory_space<hbm>>
          tpu.enqueue_dma source(%dma_start3A_52 : memref<80x128xf32, #tpu.memory_space<hbm>>) target(%arg12 : memref<80x128xf32, #tpu.memory_space<vmem>>) target_semaphore(%run_scoped3A : memref<!tpu.dma_semaphore, #tpu.memory_space<semaphore_mem>>)
          %dma_wait3A_53 = arith.constant 128 : i32
          %dma_wait3A_54 = tpu.memref_slice %arg2[%mul3A_48, %dma_wait3A_53] : memref<10000x256xf32, #tpu.memory_space<hbm>> -> memref<80x128xf32, #tpu.memory_space<hbm>>
          %dma_wait3A_55 = arith.constant 128 : i32
          %dma_wait3A_56 = tpu.memref_slice %arg2[%mul3A_48, %dma_wait3A_55] : memref<10000x256xf32, #tpu.memory_space<hbm>> -> memref<80x128xf32, #tpu.memory_space<hbm>>
          tpu.wait_dma2 semaphore(%run_scoped3A : memref<!tpu.dma_semaphore, #tpu.memory_space<semaphore_mem>>) src(%dma_wait3A_56 : memref<80x128xf32, #tpu.memory_space<hbm>>) dst(%arg12 : memref<80x128xf32, #tpu.memory_space<vmem>>)
          tpu.yield
        }) : () -> ()
        "tpu.region"() ({
          %run_scoped3A = tpu.sem_alloc : memref<!tpu.dma_semaphore, #tpu.memory_space<semaphore_mem>>
          %dma_start3A_49 = arith.constant 0 : i32
          %dma_start3A_50 = arith.constant 0 : i32
          %dma_start3A_51 = tpu.memref_slice %arg16[%dma_start3A_49, %dma_start3A_50] : memref<512x128xf32, #tpu.memory_space<vmem_shared>> -> memref<512x128xf32, #tpu.memory_space<vmem_shared>>
          tpu.enqueue_indirect_dma source(%arg12 : memref<80x128xf32, #tpu.memory_space<vmem>>) target(%dma_start3A_51 : memref<512x128xf32, #tpu.memory_space<vmem_shared>>) offsets(%arg11 : memref<80xi32, #tpu.memory_space<vmem>>) semaphore(%run_scoped3A : memref<!tpu.dma_semaphore, #tpu.memory_space<semaphore_mem>>) {add = true}
          %dma_wait3A_52 = arith.constant 0 : i32
          %dma_wait3A_53 = arith.constant 0 : i32
          %dma_wait3A_54 = tpu.memref_slice %arg16[%dma_wait3A_52, %dma_wait3A_53] : memref<512x128xf32, #tpu.memory_space<vmem_shared>> -> memref<512x128xf32, #tpu.memory_space<vmem_shared>>
          tpu.wait_indirect_dma semaphore(%run_scoped3A : memref<!tpu.dma_semaphore, #tpu.memory_space<semaphore_mem>>) src(%arg12 : memref<80x128xf32, #tpu.memory_space<vmem>>) dst(%dma_wait3A_54 : memref<512x128xf32, #tpu.memory_space<vmem_shared>>)
          tpu.yield
        }) : () -> ()
        "tpu.region"() ({
          %run_scoped3A = tpu.sem_alloc : memref<!tpu.dma_semaphore, #tpu.memory_space<semaphore_mem>>
          %dma_start3A_49 = arith.constant 0 : i32
          %dma_start3A_50 = arith.constant 0 : i32
          %dma_start3A_51 = tpu.memref_slice %arg17[%dma_start3A_49, %dma_start3A_50] : memref<512x128xf32, #tpu.memory_space<vmem_shared>> -> memref<512x128xf32, #tpu.memory_space<vmem_shared>>
          tpu.enqueue_indirect_dma source(%arg13 : memref<80x128xf32, #tpu.memory_space<vmem>>) target(%dma_start3A_51 : memref<512x128xf32, #tpu.memory_space<vmem_shared>>) offsets(%arg11 : memref<80xi32, #tpu.memory_space<vmem>>) semaphore(%run_scoped3A : memref<!tpu.dma_semaphore, #tpu.memory_space<semaphore_mem>>) {add = true}
          %dma_wait3A_52 = arith.constant 0 : i32
          %dma_wait3A_53 = arith.constant 0 : i32
          %dma_wait3A_54 = tpu.memref_slice %arg17[%dma_wait3A_52, %dma_wait3A_53] : memref<512x128xf32, #tpu.memory_space<vmem_shared>> -> memref<512x128xf32, #tpu.memory_space<vmem_shared>>
          tpu.wait_indirect_dma semaphore(%run_scoped3A : memref<!tpu.dma_semaphore, #tpu.memory_space<semaphore_mem>>) src(%arg13 : memref<80x128xf32, #tpu.memory_space<vmem>>) dst(%dma_wait3A_54 : memref<512x128xf32, #tpu.memory_space<vmem_shared>>)
          tpu.yield
        }) : () -> ()
      }
      %while3A_43 = arith.constant 1 : i32
      scf.for %while3A_44 = %while3A_41 to %while3A_37 step %while3A_43  : i32 {
        %mul3A_45 = arith.muli %while3A_44, %while3A : i32
        %add3A_46 = arith.addi %arg1, %mul3A_45 : i32
        %mul3A_47 = arith.constant 80 : i32
        %mul3A_48 = arith.muli %add3A_46, %mul3A_47 : i32
        "tpu.region"() ({
          %run_scoped3A = tpu.sem_alloc : memref<!tpu.dma_semaphore, #tpu.memory_space<semaphore_mem>>
          %dma_start3A_49 = tpu.memref_slice %arg3[%mul3A_48] : memref<10000xi32, #tpu.memory_space<hbm>> -> memref<80xi32, #tpu.memory_space<hbm>>
          %dma_start3A_50 = tpu.memref_slice %arg3[%mul3A_48] : memref<10000xi32, #tpu.memory_space<hbm>> -> memref<80xi32, #tpu.memory_space<hbm>>
          tpu.enqueue_dma source(%dma_start3A_50 : memref<80xi32, #tpu.memory_space<hbm>>) target(%arg11 : memref<80xi32, #tpu.memory_space<vmem>>) target_semaphore(%run_scoped3A : memref<!tpu.dma_semaphore, #tpu.memory_space<semaphore_mem>>)
          %dma_wait3A_51 = tpu.memref_slice %arg3[%mul3A_48] : memref<10000xi32, #tpu.memory_space<hbm>> -> memref<80xi32, #tpu.memory_space<hbm>>
          %dma_wait3A_52 = tpu.memref_slice %arg3[%mul3A_48] : memref<10000xi32, #tpu.memory_space<hbm>> -> memref<80xi32, #tpu.memory_space<hbm>>
          tpu.wait_dma2 semaphore(%run_scoped3A : memref<!tpu.dma_semaphore, #tpu.memory_space<semaphore_mem>>) src(%dma_wait3A_52 : memref<80xi32, #tpu.memory_space<hbm>>) dst(%arg11 : memref<80xi32, #tpu.memory_space<vmem>>)
          tpu.yield
        }) : () -> ()
        "tpu.region"() ({
          %run_scoped3A = tpu.sem_alloc : memref<!tpu.dma_semaphore, #tpu.memory_space<semaphore_mem>>
          %dma_start3A_49 = arith.constant 128 : i32
          %dma_start3A_50 = tpu.memref_slice %arg2[%mul3A_48, %dma_start3A_49] : memref<10000x256xf32, #tpu.memory_space<hbm>> -> memref<80x128xf32, #tpu.memory_space<hbm>>
          %dma_start3A_51 = arith.constant 128 : i32
          %dma_start3A_52 = tpu.memref_slice %arg2[%mul3A_48, %dma_start3A_51] : memref<10000x256xf32, #tpu.memory_space<hbm>> -> memref<80x128xf32, #tpu.memory_space<hbm>>
          tpu.enqueue_dma source(%dma_start3A_52 : memref<80x128xf32, #tpu.memory_space<hbm>>) target(%arg12 : memref<80x128xf32, #tpu.memory_space<vmem>>) target_semaphore(%run_scoped3A : memref<!tpu.dma_semaphore, #tpu.memory_space<semaphore_mem>>)
          %dma_wait3A_53 = arith.constant 128 : i32
          %dma_wait3A_54 = tpu.memref_slice %arg2[%mul3A_48, %dma_wait3A_53] : memref<10000x256xf32, #tpu.memory_space<hbm>> -> memref<80x128xf32, #tpu.memory_space<hbm>>
          %dma_wait3A_55 = arith.constant 128 : i32
          %dma_wait3A_56 = tpu.memref_slice %arg2[%mul3A_48, %dma_wait3A_55] : memref<10000x256xf32, #tpu.memory_space<hbm>> -> memref<80x128xf32, #tpu.memory_space<hbm>>
          tpu.wait_dma2 semaphore(%run_scoped3A : memref<!tpu.dma_semaphore, #tpu.memory_space<semaphore_mem>>) src(%dma_wait3A_56 : memref<80x128xf32, #tpu.memory_space<hbm>>) dst(%arg12 : memref<80x128xf32, #tpu.memory_space<vmem>>)
          tpu.yield
        }) : () -> ()
        "tpu.region"() ({
          %run_scoped3A = tpu.sem_alloc : memref<!tpu.dma_semaphore, #tpu.memory_space<semaphore_mem>>
          %dma_start3A_49 = arith.constant 0 : i32
          %dma_start3A_50 = arith.constant 0 : i32
          %dma_start3A_51 = tpu.memref_slice %arg16[%dma_start3A_49, %dma_start3A_50] : memref<512x128xf32, #tpu.memory_space<vmem_shared>> -> memref<512x128xf32, #tpu.memory_space<vmem_shared>>
          tpu.enqueue_indirect_dma source(%arg12 : memref<80x128xf32, #tpu.memory_space<vmem>>) target(%dma_start3A_51 : memref<512x128xf32, #tpu.memory_space<vmem_shared>>) offsets(%arg11 : memref<80xi32, #tpu.memory_space<vmem>>) semaphore(%run_scoped3A : memref<!tpu.dma_semaphore, #tpu.memory_space<semaphore_mem>>) {add = true}
          %dma_wait3A_52 = arith.constant 0 : i32
          %dma_wait3A_53 = arith.constant 0 : i32
          %dma_wait3A_54 = tpu.memref_slice %arg16[%dma_wait3A_52, %dma_wait3A_53] : memref<512x128xf32, #tpu.memory_space<vmem_shared>> -> memref<512x128xf32, #tpu.memory_space<vmem_shared>>
          tpu.wait_indirect_dma semaphore(%run_scoped3A : memref<!tpu.dma_semaphore, #tpu.memory_space<semaphore_mem>>) src(%arg12 : memref<80x128xf32, #tpu.memory_space<vmem>>) dst(%dma_wait3A_54 : memref<512x128xf32, #tpu.memory_space<vmem_shared>>)
          tpu.yield
        }) : () -> ()
        "tpu.region"() ({
          %run_scoped3A = tpu.sem_alloc : memref<!tpu.dma_semaphore, #tpu.memory_space<semaphore_mem>>
          %dma_start3A_49 = arith.constant 0 : i32
          %dma_start3A_50 = arith.constant 0 : i32
          %dma_start3A_51 = tpu.memref_slice %arg17[%dma_start3A_49, %dma_start3A_50] : memref<512x128xf32, #tpu.memory_space<vmem_shared>> -> memref<512x128xf32, #tpu.memory_space<vmem_shared>>
          tpu.enqueue_indirect_dma source(%arg13 : memref<80x128xf32, #tpu.memory_space<vmem>>) target(%dma_start3A_51 : memref<512x128xf32, #tpu.memory_space<vmem_shared>>) offsets(%arg11 : memref<80xi32, #tpu.memory_space<vmem>>) semaphore(%run_scoped3A : memref<!tpu.dma_semaphore, #tpu.memory_space<semaphore_mem>>) {add = true}
          %dma_wait3A_52 = arith.constant 0 : i32
          %dma_wait3A_53 = arith.constant 0 : i32
          %dma_wait3A_54 = tpu.memref_slice %arg17[%dma_wait3A_52, %dma_wait3A_53] : memref<512x128xf32, #tpu.memory_space<vmem_shared>> -> memref<512x128xf32, #tpu.memory_space<vmem_shared>>
          tpu.wait_indirect_dma semaphore(%run_scoped3A : memref<!tpu.dma_semaphore, #tpu.memory_space<semaphore_mem>>) src(%arg13 : memref<80x128xf32, #tpu.memory_space<vmem>>) dst(%dma_wait3A_54 : memref<512x128xf32, #tpu.memory_space<vmem_shared>>)
          tpu.yield
        }) : () -> ()
      }
    } else {
    }
    %barrier3A_18 = arith.constant 0 : index
    tpu.barrier barrier_id(%barrier3A_18)
    %eq3A_19 = arith.constant 0 : i32
    %eq3A_20 = arith.cmpi eq, %arg0, %eq3A_19 : i32
    %convert_element_type3A_21 = arith.extui %eq3A_20 : i1 to i32
    %cond3A_22 = arith.constant 0 : i32
    %cond3A_23 = arith.cmpi ne, %convert_element_type3A_21, %cond3A_22 : i32
    scf.if %cond3A_23 {
      "tpu.region"() ({
        %run_scoped3A = tpu.sem_alloc : memref<!tpu.dma_semaphore, #tpu.memory_space<semaphore_mem>>
        %dma_start3A_29 = arith.constant 0 : i32
        %dma_start3A_30 = tpu.memref_slice %arg7[%mul3A_0, %dma_start3A_29] : memref<512x128xf32, #tpu.memory_space<hbm>> -> memref<32x128xf32, #tpu.memory_space<hbm>>
        %dma_start3A_31 = arith.constant 0 : i32
        %dma_start3A_32 = tpu.memref_slice %arg16[%mul3A_0, %dma_start3A_31] : memref<512x128xf32, #tpu.memory_space<vmem_shared>> -> memref<32x128xf32, #tpu.memory_space<vmem_shared>>
        tpu.enqueue_dma source(%dma_start3A_32 : memref<32x128xf32, #tpu.memory_space<vmem_shared>>) target(%dma_start3A_30 : memref<32x128xf32, #tpu.memory_space<hbm>>) target_semaphore(%run_scoped3A : memref<!tpu.dma_semaphore, #tpu.memory_space<semaphore_mem>>)
        %dma_wait3A_33 = arith.constant 0 : i32
        %dma_wait3A_34 = tpu.memref_slice %arg7[%mul3A_0, %dma_wait3A_33] : memref<512x128xf32, #tpu.memory_space<hbm>> -> memref<32x128xf32, #tpu.memory_space<hbm>>
        %dma_wait3A_35 = arith.constant 0 : i32
        %dma_wait3A_36 = tpu.memref_slice %arg16[%mul3A_0, %dma_wait3A_35] : memref<512x128xf32, #tpu.memory_space<vmem_shared>> -> memref<32x128xf32, #tpu.memory_space<vmem_shared>>
        tpu.wait_dma2 semaphore(%run_scoped3A : memref<!tpu.dma_semaphore, #tpu.memory_space<semaphore_mem>>) src(%dma_wait3A_36 : memref<32x128xf32, #tpu.memory_space<vmem_shared>>) dst(%dma_wait3A_34 : memref<32x128xf32, #tpu.memory_space<hbm>>)
        tpu.yield
      }) : () -> ()
      "tpu.region"() ({
        %run_scoped3A = tpu.sem_alloc : memref<!tpu.dma_semaphore, #tpu.memory_space<semaphore_mem>>
        %dma_start3A_29 = arith.constant 0 : i32
        %dma_start3A_30 = tpu.memref_slice %arg9[%mul3A_0, %dma_start3A_29] : memref<512x128xf32, #tpu.memory_space<hbm>> -> memref<32x128xf32, #tpu.memory_space<hbm>>
        %dma_start3A_31 = arith.constant 0 : i32
        %dma_start3A_32 = tpu.memref_slice %arg17[%mul3A_0, %dma_start3A_31] : memref<512x128xf32, #tpu.memory_space<vmem_shared>> -> memref<32x128xf32, #tpu.memory_space<vmem_shared>>
        tpu.enqueue_dma source(%dma_start3A_32 : memref<32x128xf32, #tpu.memory_space<vmem_shared>>) target(%dma_start3A_30 : memref<32x128xf32, #tpu.memory_space<hbm>>) target_semaphore(%run_scoped3A : memref<!tpu.dma_semaphore, #tpu.memory_space<semaphore_mem>>)
        %dma_wait3A_33 = arith.constant 0 : i32
        %dma_wait3A_34 = tpu.memref_slice %arg9[%mul3A_0, %dma_wait3A_33] : memref<512x128xf32, #tpu.memory_space<hbm>> -> memref<32x128xf32, #tpu.memory_space<hbm>>
        %dma_wait3A_35 = arith.constant 0 : i32
        %dma_wait3A_36 = tpu.memref_slice %arg17[%mul3A_0, %dma_wait3A_35] : memref<512x128xf32, #tpu.memory_space<vmem_shared>> -> memref<32x128xf32, #tpu.memory_space<vmem_shared>>
        tpu.wait_dma2 semaphore(%run_scoped3A : memref<!tpu.dma_semaphore, #tpu.memory_space<semaphore_mem>>) src(%dma_wait3A_36 : memref<32x128xf32, #tpu.memory_space<vmem_shared>>) dst(%dma_wait3A_34 : memref<32x128xf32, #tpu.memory_space<hbm>>)
        tpu.yield
      }) : () -> ()
    } else {
    }
    %eq3A_24 = arith.constant 1 : i32
    %eq3A_25 = arith.cmpi eq, %arg0, %eq3A_24 : i32
    %convert_element_type3A_26 = arith.extui %eq3A_25 : i1 to i32
    %cond3A_27 = arith.constant 0 : i32
    %cond3A_28 = arith.cmpi ne, %convert_element_type3A_26, %cond3A_27 : i32
    scf.if %cond3A_28 {
      "tpu.region"() ({
        %run_scoped3A = tpu.sem_alloc : memref<!tpu.dma_semaphore, #tpu.memory_space<semaphore_mem>>
        %dma_start3A_29 = arith.constant 0 : i32
        %dma_start3A_30 = tpu.memref_slice %arg8[%mul3A_0, %dma_start3A_29] : memref<512x128xf32, #tpu.memory_space<hbm>> -> memref<32x128xf32, #tpu.memory_space<hbm>>
        %dma_start3A_31 = arith.constant 0 : i32
        %dma_start3A_32 = tpu.memref_slice %arg16[%mul3A_0, %dma_start3A_31] : memref<512x128xf32, #tpu.memory_space<vmem_shared>> -> memref<32x128xf32, #tpu.memory_space<vmem_shared>>
        tpu.enqueue_dma source(%dma_start3A_32 : memref<32x128xf32, #tpu.memory_space<vmem_shared>>) target(%dma_start3A_30 : memref<32x128xf32, #tpu.memory_space<hbm>>) target_semaphore(%run_scoped3A : memref<!tpu.dma_semaphore, #tpu.memory_space<semaphore_mem>>)
        %dma_wait3A_33 = arith.constant 0 : i32
        %dma_wait3A_34 = tpu.memref_slice %arg8[%mul3A_0, %dma_wait3A_33] : memref<512x128xf32, #tpu.memory_space<hbm>> -> memref<32x128xf32, #tpu.memory_space<hbm>>
        %dma_wait3A_35 = arith.constant 0 : i32
        %dma_wait3A_36 = tpu.memref_slice %arg16[%mul3A_0, %dma_wait3A_35] : memref<512x128xf32, #tpu.memory_space<vmem_shared>> -> memref<32x128xf32, #tpu.memory_space<vmem_shared>>
        tpu.wait_dma2 semaphore(%run_scoped3A : memref<!tpu.dma_semaphore, #tpu.memory_space<semaphore_mem>>) src(%dma_wait3A_36 : memref<32x128xf32, #tpu.memory_space<vmem_shared>>) dst(%dma_wait3A_34 : memref<32x128xf32, #tpu.memory_space<hbm>>)
        tpu.yield
      }) : () -> ()
    } else {
    }
    return
  }
}

#map = affine_map<(d0, d1) -> (0, 0)>
#map1 = affine_map<(d0, d1) -> (0)>
module attributes {stable_mosaic.version = 14 : i64} {
  func.func @_scatter(%arg0: i32, %arg1: i32, %arg2: memref<10000x128xf32, #tpu.memory_space<hbm>>, %arg3: memref<10000x128xf32, #tpu.memory_space<hbm>>, %arg4: memref<160000xi32, #tpu.memory_space<hbm>>, %arg5: memref<160000xi32, #tpu.memory_space<hbm>>, %arg6: memref<10000x128xf32, #tpu.memory_space<hbm>>, %arg7: memref<10000x128xf32, #tpu.memory_space<hbm>>, %arg8: memref<10000x128xf32, #tpu.memory_space<hbm>>, %arg9: memref<128xi32, #tpu.memory_space<vmem>>, %arg10: memref<128xi32, #tpu.memory_space<vmem>>, %arg11: memref<128x128xf32, #tpu.memory_space<vmem>>, %arg12: memref<10008x128xf32, #tpu.memory_space<vmem_shared>>, %arg13: memref<!tpu.dma_semaphore, #tpu.memory_space<semaphore_mem>>) attributes {dimension_semantics = [#tpu.dimension_semantics<core_parallel>, #tpu.dimension_semantics<subcore_parallel>], iteration_bounds = array<i64: 2, 16>, scalar_prefetch = 0 : i64, scratch_operands = 5 : i64, tpu.core_type = #tpu.core_type<sc_vector_subcore>, window_params = [{transform_indices = #map}, {transform_indices = #map}, {transform_indices = #map1}, {transform_indices = #map1}, {transform_indices = #map}, {transform_indices = #map}, {transform_indices = #map}]} {
    %sub3A = arith.constant 125 : i32
    %sub3A_0 = arith.subi %sub3A, %arg1 : i32
    %sub3A_1 = arith.constant 16 : i32
    %sub3A_2 = arith.constant 1 : i32
    %sub3A_3 = arith.subi %sub3A_1, %sub3A_2 : i32
    %add3A = arith.addi %sub3A_0, %sub3A_3 : i32
    %div3A = arith.constant 16 : i32
    %div3A_4 = arith.divsi %add3A, %div3A : i32
    %while3A = arith.constant 16 : i32
    %while3A_5 = arith.constant 0 : i32
    %while3A_6 = arith.subi %div3A_4, %while3A_5 : i32
    %while3A_7 = arith.addi %while3A_5, %while3A_6 : i32
    %while3A_8 = arith.constant 1 : i32
    %while3A_9 = arith.divsi %while3A_6, %while3A_8 : i32
    %while3A_10 = arith.muli %while3A_9, %while3A_8 : i32
    %while3A_11 = arith.addi %while3A_5, %while3A_10 : i32
    %while3A_12 = arith.constant 1 : i32
    scf.for %while3A_32 = %while3A_5 to %while3A_11 step %while3A_12  : i32 {
      %mul3A = arith.muli %while3A_32, %while3A : i32
      %add3A_33 = arith.addi %arg1, %mul3A : i32
      %mul3A_34 = arith.constant 80 : i32
      %mul3A_35 = arith.muli %add3A_33, %mul3A_34 : i32
      %mul3A_36 = arith.constant 80 : i32
      %mul3A_37 = arith.muli %add3A_33, %mul3A_36 : i32
      "tpu.region"() ({
        %run_scoped3A = tpu.sem_alloc : memref<!tpu.dma_semaphore, #tpu.memory_space<semaphore_mem>>
        %dma_start3A = arith.constant 0 : i32
        %dma_start3A_38 = tpu.memref_slice %arg12[%mul3A_37, %dma_start3A] : memref<10008x128xf32, #tpu.memory_space<vmem_shared>> -> memref<80x128xf32, #tpu.memory_space<vmem_shared>>
        %dma_start3A_39 = arith.constant 0 : i32
        %dma_start3A_40 = tpu.memref_slice %arg6[%mul3A_35, %dma_start3A_39] : memref<10000x128xf32, #tpu.memory_space<hbm>> -> memref<80x128xf32, #tpu.memory_space<hbm>>
        tpu.enqueue_dma source(%dma_start3A_40 : memref<80x128xf32, #tpu.memory_space<hbm>>) target(%dma_start3A_38 : memref<80x128xf32, #tpu.memory_space<vmem_shared>>) target_semaphore(%run_scoped3A : memref<!tpu.dma_semaphore, #tpu.memory_space<semaphore_mem>>)
        %dma_wait3A = arith.constant 0 : i32
        %dma_wait3A_41 = tpu.memref_slice %arg12[%mul3A_37, %dma_wait3A] : memref<10008x128xf32, #tpu.memory_space<vmem_shared>> -> memref<80x128xf32, #tpu.memory_space<vmem_shared>>
        %dma_wait3A_42 = arith.constant 0 : i32
        %dma_wait3A_43 = tpu.memref_slice %arg6[%mul3A_35, %dma_wait3A_42] : memref<10000x128xf32, #tpu.memory_space<hbm>> -> memref<80x128xf32, #tpu.memory_space<hbm>>
        tpu.wait_dma2 semaphore(%run_scoped3A : memref<!tpu.dma_semaphore, #tpu.memory_space<semaphore_mem>>) src(%dma_wait3A_43 : memref<80x128xf32, #tpu.memory_space<hbm>>) dst(%dma_wait3A_41 : memref<80x128xf32, #tpu.memory_space<vmem_shared>>)
        tpu.yield
      }) : () -> ()
    }
    %while3A_13 = arith.constant 1 : i32
    scf.for %while3A_32 = %while3A_11 to %while3A_7 step %while3A_13  : i32 {
      %mul3A = arith.muli %while3A_32, %while3A : i32
      %add3A_33 = arith.addi %arg1, %mul3A : i32
      %mul3A_34 = arith.constant 80 : i32
      %mul3A_35 = arith.muli %add3A_33, %mul3A_34 : i32
      %mul3A_36 = arith.constant 80 : i32
      %mul3A_37 = arith.muli %add3A_33, %mul3A_36 : i32
      "tpu.region"() ({
        %run_scoped3A = tpu.sem_alloc : memref<!tpu.dma_semaphore, #tpu.memory_space<semaphore_mem>>
        %dma_start3A = arith.constant 0 : i32
        %dma_start3A_38 = tpu.memref_slice %arg12[%mul3A_37, %dma_start3A] : memref<10008x128xf32, #tpu.memory_space<vmem_shared>> -> memref<80x128xf32, #tpu.memory_space<vmem_shared>>
        %dma_start3A_39 = arith.constant 0 : i32
        %dma_start3A_40 = tpu.memref_slice %arg6[%mul3A_35, %dma_start3A_39] : memref<10000x128xf32, #tpu.memory_space<hbm>> -> memref<80x128xf32, #tpu.memory_space<hbm>>
        tpu.enqueue_dma source(%dma_start3A_40 : memref<80x128xf32, #tpu.memory_space<hbm>>) target(%dma_start3A_38 : memref<80x128xf32, #tpu.memory_space<vmem_shared>>) target_semaphore(%run_scoped3A : memref<!tpu.dma_semaphore, #tpu.memory_space<semaphore_mem>>)
        %dma_wait3A = arith.constant 0 : i32
        %dma_wait3A_41 = tpu.memref_slice %arg12[%mul3A_37, %dma_wait3A] : memref<10008x128xf32, #tpu.memory_space<vmem_shared>> -> memref<80x128xf32, #tpu.memory_space<vmem_shared>>
        %dma_wait3A_42 = arith.constant 0 : i32
        %dma_wait3A_43 = tpu.memref_slice %arg6[%mul3A_35, %dma_wait3A_42] : memref<10000x128xf32, #tpu.memory_space<hbm>> -> memref<80x128xf32, #tpu.memory_space<hbm>>
        tpu.wait_dma2 semaphore(%run_scoped3A : memref<!tpu.dma_semaphore, #tpu.memory_space<semaphore_mem>>) src(%dma_wait3A_43 : memref<80x128xf32, #tpu.memory_space<hbm>>) dst(%dma_wait3A_41 : memref<80x128xf32, #tpu.memory_space<vmem_shared>>)
        tpu.yield
      }) : () -> ()
    }
    %barrier3A = arith.constant 0 : index
    tpu.barrier barrier_id(%barrier3A)
    %eq3A = arith.constant 0 : i32
    %eq3A_14 = arith.cmpi eq, %arg0, %eq3A : i32
    %convert_element_type3A = arith.extui %eq3A_14 : i1 to i32
    %cond3A = arith.constant 0 : i32
    %cond3A_15 = arith.cmpi ne, %convert_element_type3A, %cond3A : i32
    scf.if %cond3A_15 {
      %sub3A_32 = arith.constant 1250 : i32
      %sub3A_33 = arith.subi %sub3A_32, %arg1 : i32
      %sub3A_34 = arith.constant 16 : i32
      %sub3A_35 = arith.constant 1 : i32
      %sub3A_36 = arith.subi %sub3A_34, %sub3A_35 : i32
      %add3A_37 = arith.addi %sub3A_33, %sub3A_36 : i32
      %div3A_38 = arith.constant 16 : i32
      %div3A_39 = arith.divsi %add3A_37, %div3A_38 : i32
      %while3A_40 = arith.constant 16 : i32
      %while3A_41 = arith.constant 0 : i32
      %while3A_42 = arith.subi %div3A_39, %while3A_41 : i32
      %while3A_43 = arith.addi %while3A_41, %while3A_42 : i32
      %while3A_44 = arith.constant 1 : i32
      %while3A_45 = arith.divsi %while3A_42, %while3A_44 : i32
      %while3A_46 = arith.muli %while3A_45, %while3A_44 : i32
      %while3A_47 = arith.addi %while3A_41, %while3A_46 : i32
      %while3A_48 = arith.constant 1 : i32
      scf.for %while3A_50 = %while3A_41 to %while3A_47 step %while3A_48  : i32 {
        %mul3A = arith.muli %while3A_50, %while3A_40 : i32
        %add3A_51 = arith.addi %arg1, %mul3A : i32
        %mul3A_52 = arith.constant 128 : i32
        %mul3A_53 = arith.muli %add3A_51, %mul3A_52 : i32
        "tpu.region"() ({
          %run_scoped3A = tpu.sem_alloc : memref<!tpu.dma_semaphore, #tpu.memory_space<semaphore_mem>>
          %dma_start3A = tpu.memref_slice %arg4[%mul3A_53] : memref<160000xi32, #tpu.memory_space<hbm>> -> memref<128xi32, #tpu.memory_space<hbm>>
          %dma_start3A_54 = tpu.memref_slice %arg4[%mul3A_53] : memref<160000xi32, #tpu.memory_space<hbm>> -> memref<128xi32, #tpu.memory_space<hbm>>
          tpu.enqueue_dma source(%dma_start3A_54 : memref<128xi32, #tpu.memory_space<hbm>>) target(%arg9 : memref<128xi32, #tpu.memory_space<vmem>>) target_semaphore(%run_scoped3A : memref<!tpu.dma_semaphore, #tpu.memory_space<semaphore_mem>>)
          %dma_wait3A = tpu.memref_slice %arg4[%mul3A_53] : memref<160000xi32, #tpu.memory_space<hbm>> -> memref<128xi32, #tpu.memory_space<hbm>>
          %dma_wait3A_55 = tpu.memref_slice %arg4[%mul3A_53] : memref<160000xi32, #tpu.memory_space<hbm>> -> memref<128xi32, #tpu.memory_space<hbm>>
          tpu.wait_dma2 semaphore(%run_scoped3A : memref<!tpu.dma_semaphore, #tpu.memory_space<semaphore_mem>>) src(%dma_wait3A_55 : memref<128xi32, #tpu.memory_space<hbm>>) dst(%arg9 : memref<128xi32, #tpu.memory_space<vmem>>)
          tpu.yield
        }) : () -> ()
        "tpu.region"() ({
          %run_scoped3A = tpu.sem_alloc : memref<!tpu.dma_semaphore, #tpu.memory_space<semaphore_mem>>
          %dma_start3A = tpu.memref_slice %arg5[%mul3A_53] : memref<160000xi32, #tpu.memory_space<hbm>> -> memref<128xi32, #tpu.memory_space<hbm>>
          %dma_start3A_54 = tpu.memref_slice %arg5[%mul3A_53] : memref<160000xi32, #tpu.memory_space<hbm>> -> memref<128xi32, #tpu.memory_space<hbm>>
          tpu.enqueue_dma source(%dma_start3A_54 : memref<128xi32, #tpu.memory_space<hbm>>) target(%arg10 : memref<128xi32, #tpu.memory_space<vmem>>) target_semaphore(%run_scoped3A : memref<!tpu.dma_semaphore, #tpu.memory_space<semaphore_mem>>)
          %dma_wait3A = tpu.memref_slice %arg5[%mul3A_53] : memref<160000xi32, #tpu.memory_space<hbm>> -> memref<128xi32, #tpu.memory_space<hbm>>
          %dma_wait3A_55 = tpu.memref_slice %arg5[%mul3A_53] : memref<160000xi32, #tpu.memory_space<hbm>> -> memref<128xi32, #tpu.memory_space<hbm>>
          tpu.wait_dma2 semaphore(%run_scoped3A : memref<!tpu.dma_semaphore, #tpu.memory_space<semaphore_mem>>) src(%dma_wait3A_55 : memref<128xi32, #tpu.memory_space<hbm>>) dst(%arg10 : memref<128xi32, #tpu.memory_space<vmem>>)
          tpu.yield
        }) : () -> ()
        "tpu.region"() ({
          %run_scoped3A = tpu.sem_alloc : memref<!tpu.dma_semaphore, #tpu.memory_space<semaphore_mem>>
          %dma_start3A = arith.constant 0 : i32
          %dma_start3A_54 = arith.constant 0 : i32
          %dma_start3A_55 = tpu.memref_slice %arg12[%dma_start3A, %dma_start3A_54] : memref<10008x128xf32, #tpu.memory_space<vmem_shared>> -> memref<10008x128xf32, #tpu.memory_space<vmem_shared>>
          tpu.enqueue_indirect_dma source(%arg11 : memref<128x128xf32, #tpu.memory_space<vmem>>) target(%dma_start3A_55 : memref<10008x128xf32, #tpu.memory_space<vmem_shared>>) offsets(%arg10 : memref<128xi32, #tpu.memory_space<vmem>>) semaphore(%run_scoped3A : memref<!tpu.dma_semaphore, #tpu.memory_space<semaphore_mem>>) {add = true}
          %dma_wait3A = arith.constant 0 : i32
          %dma_wait3A_56 = arith.constant 0 : i32
          %dma_wait3A_57 = tpu.memref_slice %arg12[%dma_wait3A, %dma_wait3A_56] : memref<10008x128xf32, #tpu.memory_space<vmem_shared>> -> memref<10008x128xf32, #tpu.memory_space<vmem_shared>>
          tpu.wait_indirect_dma semaphore(%run_scoped3A : memref<!tpu.dma_semaphore, #tpu.memory_space<semaphore_mem>>) src(%arg11 : memref<128x128xf32, #tpu.memory_space<vmem>>) dst(%dma_wait3A_57 : memref<10008x128xf32, #tpu.memory_space<vmem_shared>>)
          tpu.yield
        }) : () -> ()
      }
      %while3A_49 = arith.constant 1 : i32
      scf.for %while3A_50 = %while3A_47 to %while3A_43 step %while3A_49  : i32 {
        %mul3A = arith.muli %while3A_50, %while3A_40 : i32
        %add3A_51 = arith.addi %arg1, %mul3A : i32
        %mul3A_52 = arith.constant 128 : i32
        %mul3A_53 = arith.muli %add3A_51, %mul3A_52 : i32
        "tpu.region"() ({
          %run_scoped3A = tpu.sem_alloc : memref<!tpu.dma_semaphore, #tpu.memory_space<semaphore_mem>>
          %dma_start3A = tpu.memref_slice %arg4[%mul3A_53] : memref<160000xi32, #tpu.memory_space<hbm>> -> memref<128xi32, #tpu.memory_space<hbm>>
          %dma_start3A_54 = tpu.memref_slice %arg4[%mul3A_53] : memref<160000xi32, #tpu.memory_space<hbm>> -> memref<128xi32, #tpu.memory_space<hbm>>
          tpu.enqueue_dma source(%dma_start3A_54 : memref<128xi32, #tpu.memory_space<hbm>>) target(%arg9 : memref<128xi32, #tpu.memory_space<vmem>>) target_semaphore(%run_scoped3A : memref<!tpu.dma_semaphore, #tpu.memory_space<semaphore_mem>>)
          %dma_wait3A = tpu.memref_slice %arg4[%mul3A_53] : memref<160000xi32, #tpu.memory_space<hbm>> -> memref<128xi32, #tpu.memory_space<hbm>>
          %dma_wait3A_55 = tpu.memref_slice %arg4[%mul3A_53] : memref<160000xi32, #tpu.memory_space<hbm>> -> memref<128xi32, #tpu.memory_space<hbm>>
          tpu.wait_dma2 semaphore(%run_scoped3A : memref<!tpu.dma_semaphore, #tpu.memory_space<semaphore_mem>>) src(%dma_wait3A_55 : memref<128xi32, #tpu.memory_space<hbm>>) dst(%arg9 : memref<128xi32, #tpu.memory_space<vmem>>)
          tpu.yield
        }) : () -> ()
        "tpu.region"() ({
          %run_scoped3A = tpu.sem_alloc : memref<!tpu.dma_semaphore, #tpu.memory_space<semaphore_mem>>
          %dma_start3A = tpu.memref_slice %arg5[%mul3A_53] : memref<160000xi32, #tpu.memory_space<hbm>> -> memref<128xi32, #tpu.memory_space<hbm>>
          %dma_start3A_54 = tpu.memref_slice %arg5[%mul3A_53] : memref<160000xi32, #tpu.memory_space<hbm>> -> memref<128xi32, #tpu.memory_space<hbm>>
          tpu.enqueue_dma source(%dma_start3A_54 : memref<128xi32, #tpu.memory_space<hbm>>) target(%arg10 : memref<128xi32, #tpu.memory_space<vmem>>) target_semaphore(%run_scoped3A : memref<!tpu.dma_semaphore, #tpu.memory_space<semaphore_mem>>)
          %dma_wait3A = tpu.memref_slice %arg5[%mul3A_53] : memref<160000xi32, #tpu.memory_space<hbm>> -> memref<128xi32, #tpu.memory_space<hbm>>
          %dma_wait3A_55 = tpu.memref_slice %arg5[%mul3A_53] : memref<160000xi32, #tpu.memory_space<hbm>> -> memref<128xi32, #tpu.memory_space<hbm>>
          tpu.wait_dma2 semaphore(%run_scoped3A : memref<!tpu.dma_semaphore, #tpu.memory_space<semaphore_mem>>) src(%dma_wait3A_55 : memref<128xi32, #tpu.memory_space<hbm>>) dst(%arg10 : memref<128xi32, #tpu.memory_space<vmem>>)
          tpu.yield
        }) : () -> ()
        "tpu.region"() ({
          %run_scoped3A = tpu.sem_alloc : memref<!tpu.dma_semaphore, #tpu.memory_space<semaphore_mem>>
          %dma_start3A = arith.constant 0 : i32
          %dma_start3A_54 = arith.constant 0 : i32
          %dma_start3A_55 = tpu.memref_slice %arg12[%dma_start3A, %dma_start3A_54] : memref<10008x128xf32, #tpu.memory_space<vmem_shared>> -> memref<10008x128xf32, #tpu.memory_space<vmem_shared>>
          tpu.enqueue_indirect_dma source(%arg11 : memref<128x128xf32, #tpu.memory_space<vmem>>) target(%dma_start3A_55 : memref<10008x128xf32, #tpu.memory_space<vmem_shared>>) offsets(%arg10 : memref<128xi32, #tpu.memory_space<vmem>>) semaphore(%run_scoped3A : memref<!tpu.dma_semaphore, #tpu.memory_space<semaphore_mem>>) {add = true}
          %dma_wait3A = arith.constant 0 : i32
          %dma_wait3A_56 = arith.constant 0 : i32
          %dma_wait3A_57 = tpu.memref_slice %arg12[%dma_wait3A, %dma_wait3A_56] : memref<10008x128xf32, #tpu.memory_space<vmem_shared>> -> memref<10008x128xf32, #tpu.memory_space<vmem_shared>>
          tpu.wait_indirect_dma semaphore(%run_scoped3A : memref<!tpu.dma_semaphore, #tpu.memory_space<semaphore_mem>>) src(%arg11 : memref<128x128xf32, #tpu.memory_space<vmem>>) dst(%dma_wait3A_57 : memref<10008x128xf32, #tpu.memory_space<vmem_shared>>)
          tpu.yield
        }) : () -> ()
      }
    } else {
    }
    %eq3A_16 = arith.constant 1 : i32
    %eq3A_17 = arith.cmpi eq, %arg0, %eq3A_16 : i32
    %convert_element_type3A_18 = arith.extui %eq3A_17 : i1 to i32
    %cond3A_19 = arith.constant 0 : i32
    %cond3A_20 = arith.cmpi ne, %convert_element_type3A_18, %cond3A_19 : i32
    scf.if %cond3A_20 {
      %sub3A_32 = arith.constant 1250 : i32
      %sub3A_33 = arith.subi %sub3A_32, %arg1 : i32
      %sub3A_34 = arith.constant 16 : i32
      %sub3A_35 = arith.constant 1 : i32
      %sub3A_36 = arith.subi %sub3A_34, %sub3A_35 : i32
      %add3A_37 = arith.addi %sub3A_33, %sub3A_36 : i32
      %div3A_38 = arith.constant 16 : i32
      %div3A_39 = arith.divsi %add3A_37, %div3A_38 : i32
      %while3A_40 = arith.constant 16 : i32
      %while3A_41 = arith.constant 0 : i32
      %while3A_42 = arith.subi %div3A_39, %while3A_41 : i32
      %while3A_43 = arith.addi %while3A_41, %while3A_42 : i32
      %while3A_44 = arith.constant 1 : i32
      %while3A_45 = arith.divsi %while3A_42, %while3A_44 : i32
      %while3A_46 = arith.muli %while3A_45, %while3A_44 : i32
      %while3A_47 = arith.addi %while3A_41, %while3A_46 : i32
      %while3A_48 = arith.constant 1 : i32
      scf.for %while3A_50 = %while3A_41 to %while3A_47 step %while3A_48  : i32 {
        %mul3A = arith.muli %while3A_50, %while3A_40 : i32
        %add3A_51 = arith.addi %arg1, %mul3A : i32
        %mul3A_52 = arith.constant 128 : i32
        %mul3A_53 = arith.muli %add3A_51, %mul3A_52 : i32
        "tpu.region"() ({
          %run_scoped3A = tpu.sem_alloc : memref<!tpu.dma_semaphore, #tpu.memory_space<semaphore_mem>>
          %dma_start3A = tpu.memref_slice %arg4[%mul3A_53] : memref<160000xi32, #tpu.memory_space<hbm>> -> memref<128xi32, #tpu.memory_space<hbm>>
          %dma_start3A_54 = tpu.memref_slice %arg4[%mul3A_53] : memref<160000xi32, #tpu.memory_space<hbm>> -> memref<128xi32, #tpu.memory_space<hbm>>
          tpu.enqueue_dma source(%dma_start3A_54 : memref<128xi32, #tpu.memory_space<hbm>>) target(%arg9 : memref<128xi32, #tpu.memory_space<vmem>>) target_semaphore(%run_scoped3A : memref<!tpu.dma_semaphore, #tpu.memory_space<semaphore_mem>>)
          %dma_wait3A = tpu.memref_slice %arg4[%mul3A_53] : memref<160000xi32, #tpu.memory_space<hbm>> -> memref<128xi32, #tpu.memory_space<hbm>>
          %dma_wait3A_55 = tpu.memref_slice %arg4[%mul3A_53] : memref<160000xi32, #tpu.memory_space<hbm>> -> memref<128xi32, #tpu.memory_space<hbm>>
          tpu.wait_dma2 semaphore(%run_scoped3A : memref<!tpu.dma_semaphore, #tpu.memory_space<semaphore_mem>>) src(%dma_wait3A_55 : memref<128xi32, #tpu.memory_space<hbm>>) dst(%arg9 : memref<128xi32, #tpu.memory_space<vmem>>)
          tpu.yield
        }) : () -> ()
        "tpu.region"() ({
          %run_scoped3A = tpu.sem_alloc : memref<!tpu.dma_semaphore, #tpu.memory_space<semaphore_mem>>
          %dma_start3A = tpu.memref_slice %arg5[%mul3A_53] : memref<160000xi32, #tpu.memory_space<hbm>> -> memref<128xi32, #tpu.memory_space<hbm>>
          %dma_start3A_54 = tpu.memref_slice %arg5[%mul3A_53] : memref<160000xi32, #tpu.memory_space<hbm>> -> memref<128xi32, #tpu.memory_space<hbm>>
          tpu.enqueue_dma source(%dma_start3A_54 : memref<128xi32, #tpu.memory_space<hbm>>) target(%arg10 : memref<128xi32, #tpu.memory_space<vmem>>) target_semaphore(%run_scoped3A : memref<!tpu.dma_semaphore, #tpu.memory_space<semaphore_mem>>)
          %dma_wait3A = tpu.memref_slice %arg5[%mul3A_53] : memref<160000xi32, #tpu.memory_space<hbm>> -> memref<128xi32, #tpu.memory_space<hbm>>
          %dma_wait3A_55 = tpu.memref_slice %arg5[%mul3A_53] : memref<160000xi32, #tpu.memory_space<hbm>> -> memref<128xi32, #tpu.memory_space<hbm>>
          tpu.wait_dma2 semaphore(%run_scoped3A : memref<!tpu.dma_semaphore, #tpu.memory_space<semaphore_mem>>) src(%dma_wait3A_55 : memref<128xi32, #tpu.memory_space<hbm>>) dst(%arg10 : memref<128xi32, #tpu.memory_space<vmem>>)
          tpu.yield
        }) : () -> ()
        "tpu.region"() ({
          %run_scoped3A = tpu.sem_alloc : memref<!tpu.dma_semaphore, #tpu.memory_space<semaphore_mem>>
          %dma_start3A = arith.constant 0 : i32
          %dma_start3A_54 = arith.constant 0 : i32
          %dma_start3A_55 = tpu.memref_slice %arg12[%dma_start3A, %dma_start3A_54] : memref<10008x128xf32, #tpu.memory_space<vmem_shared>> -> memref<10008x128xf32, #tpu.memory_space<vmem_shared>>
          tpu.enqueue_indirect_dma source(%arg11 : memref<128x128xf32, #tpu.memory_space<vmem>>) target(%dma_start3A_55 : memref<10008x128xf32, #tpu.memory_space<vmem_shared>>) offsets(%arg10 : memref<128xi32, #tpu.memory_space<vmem>>) semaphore(%run_scoped3A : memref<!tpu.dma_semaphore, #tpu.memory_space<semaphore_mem>>) {add = true}
          %dma_wait3A = arith.constant 0 : i32
          %dma_wait3A_56 = arith.constant 0 : i32
          %dma_wait3A_57 = tpu.memref_slice %arg12[%dma_wait3A, %dma_wait3A_56] : memref<10008x128xf32, #tpu.memory_space<vmem_shared>> -> memref<10008x128xf32, #tpu.memory_space<vmem_shared>>
          tpu.wait_indirect_dma semaphore(%run_scoped3A : memref<!tpu.dma_semaphore, #tpu.memory_space<semaphore_mem>>) src(%arg11 : memref<128x128xf32, #tpu.memory_space<vmem>>) dst(%dma_wait3A_57 : memref<10008x128xf32, #tpu.memory_space<vmem_shared>>)
          tpu.yield
        }) : () -> ()
      }
      %while3A_49 = arith.constant 1 : i32
      scf.for %while3A_50 = %while3A_47 to %while3A_43 step %while3A_49  : i32 {
        %mul3A = arith.muli %while3A_50, %while3A_40 : i32
        %add3A_51 = arith.addi %arg1, %mul3A : i32
        %mul3A_52 = arith.constant 128 : i32
        %mul3A_53 = arith.muli %add3A_51, %mul3A_52 : i32
        "tpu.region"() ({
          %run_scoped3A = tpu.sem_alloc : memref<!tpu.dma_semaphore, #tpu.memory_space<semaphore_mem>>
          %dma_start3A = tpu.memref_slice %arg4[%mul3A_53] : memref<160000xi32, #tpu.memory_space<hbm>> -> memref<128xi32, #tpu.memory_space<hbm>>
          %dma_start3A_54 = tpu.memref_slice %arg4[%mul3A_53] : memref<160000xi32, #tpu.memory_space<hbm>> -> memref<128xi32, #tpu.memory_space<hbm>>
          tpu.enqueue_dma source(%dma_start3A_54 : memref<128xi32, #tpu.memory_space<hbm>>) target(%arg9 : memref<128xi32, #tpu.memory_space<vmem>>) target_semaphore(%run_scoped3A : memref<!tpu.dma_semaphore, #tpu.memory_space<semaphore_mem>>)
          %dma_wait3A = tpu.memref_slice %arg4[%mul3A_53] : memref<160000xi32, #tpu.memory_space<hbm>> -> memref<128xi32, #tpu.memory_space<hbm>>
          %dma_wait3A_55 = tpu.memref_slice %arg4[%mul3A_53] : memref<160000xi32, #tpu.memory_space<hbm>> -> memref<128xi32, #tpu.memory_space<hbm>>
          tpu.wait_dma2 semaphore(%run_scoped3A : memref<!tpu.dma_semaphore, #tpu.memory_space<semaphore_mem>>) src(%dma_wait3A_55 : memref<128xi32, #tpu.memory_space<hbm>>) dst(%arg9 : memref<128xi32, #tpu.memory_space<vmem>>)
          tpu.yield
        }) : () -> ()
        "tpu.region"() ({
          %run_scoped3A = tpu.sem_alloc : memref<!tpu.dma_semaphore, #tpu.memory_space<semaphore_mem>>
          %dma_start3A = tpu.memref_slice %arg5[%mul3A_53] : memref<160000xi32, #tpu.memory_space<hbm>> -> memref<128xi32, #tpu.memory_space<hbm>>
          %dma_start3A_54 = tpu.memref_slice %arg5[%mul3A_53] : memref<160000xi32, #tpu.memory_space<hbm>> -> memref<128xi32, #tpu.memory_space<hbm>>
          tpu.enqueue_dma source(%dma_start3A_54 : memref<128xi32, #tpu.memory_space<hbm>>) target(%arg10 : memref<128xi32, #tpu.memory_space<vmem>>) target_semaphore(%run_scoped3A : memref<!tpu.dma_semaphore, #tpu.memory_space<semaphore_mem>>)
          %dma_wait3A = tpu.memref_slice %arg5[%mul3A_53] : memref<160000xi32, #tpu.memory_space<hbm>> -> memref<128xi32, #tpu.memory_space<hbm>>
          %dma_wait3A_55 = tpu.memref_slice %arg5[%mul3A_53] : memref<160000xi32, #tpu.memory_space<hbm>> -> memref<128xi32, #tpu.memory_space<hbm>>
          tpu.wait_dma2 semaphore(%run_scoped3A : memref<!tpu.dma_semaphore, #tpu.memory_space<semaphore_mem>>) src(%dma_wait3A_55 : memref<128xi32, #tpu.memory_space<hbm>>) dst(%arg10 : memref<128xi32, #tpu.memory_space<vmem>>)
          tpu.yield
        }) : () -> ()
        "tpu.region"() ({
          %run_scoped3A = tpu.sem_alloc : memref<!tpu.dma_semaphore, #tpu.memory_space<semaphore_mem>>
          %dma_start3A = arith.constant 0 : i32
          %dma_start3A_54 = arith.constant 0 : i32
          %dma_start3A_55 = tpu.memref_slice %arg12[%dma_start3A, %dma_start3A_54] : memref<10008x128xf32, #tpu.memory_space<vmem_shared>> -> memref<10008x128xf32, #tpu.memory_space<vmem_shared>>
          tpu.enqueue_indirect_dma source(%arg11 : memref<128x128xf32, #tpu.memory_space<vmem>>) target(%dma_start3A_55 : memref<10008x128xf32, #tpu.memory_space<vmem_shared>>) offsets(%arg10 : memref<128xi32, #tpu.memory_space<vmem>>) semaphore(%run_scoped3A : memref<!tpu.dma_semaphore, #tpu.memory_space<semaphore_mem>>) {add = true}
          %dma_wait3A = arith.constant 0 : i32
          %dma_wait3A_56 = arith.constant 0 : i32
          %dma_wait3A_57 = tpu.memref_slice %arg12[%dma_wait3A, %dma_wait3A_56] : memref<10008x128xf32, #tpu.memory_space<vmem_shared>> -> memref<10008x128xf32, #tpu.memory_space<vmem_shared>>
          tpu.wait_indirect_dma semaphore(%run_scoped3A : memref<!tpu.dma_semaphore, #tpu.memory_space<semaphore_mem>>) src(%arg11 : memref<128x128xf32, #tpu.memory_space<vmem>>) dst(%dma_wait3A_57 : memref<10008x128xf32, #tpu.memory_space<vmem_shared>>)
          tpu.yield
        }) : () -> ()
      }
    } else {
    }
    %barrier3A_21 = arith.constant 0 : index
    tpu.barrier barrier_id(%barrier3A_21)
    %eq3A_22 = arith.constant 0 : i32
    %eq3A_23 = arith.cmpi eq, %arg0, %eq3A_22 : i32
    %convert_element_type3A_24 = arith.extui %eq3A_23 : i1 to i32
    %cond3A_25 = arith.constant 0 : i32
    %cond3A_26 = arith.cmpi ne, %convert_element_type3A_24, %cond3A_25 : i32
    scf.if %cond3A_26 {
      %sub3A_32 = arith.constant 125 : i32
      %sub3A_33 = arith.subi %sub3A_32, %arg1 : i32
      %sub3A_34 = arith.constant 16 : i32
      %sub3A_35 = arith.constant 1 : i32
      %sub3A_36 = arith.subi %sub3A_34, %sub3A_35 : i32
      %add3A_37 = arith.addi %sub3A_33, %sub3A_36 : i32
      %div3A_38 = arith.constant 16 : i32
      %div3A_39 = arith.divsi %add3A_37, %div3A_38 : i32
      %while3A_40 = arith.constant 16 : i32
      %while3A_41 = arith.constant 0 : i32
      %while3A_42 = arith.subi %div3A_39, %while3A_41 : i32
      %while3A_43 = arith.addi %while3A_41, %while3A_42 : i32
      %while3A_44 = arith.constant 1 : i32
      %while3A_45 = arith.divsi %while3A_42, %while3A_44 : i32
      %while3A_46 = arith.muli %while3A_45, %while3A_44 : i32
      %while3A_47 = arith.addi %while3A_41, %while3A_46 : i32
      %while3A_48 = arith.constant 1 : i32
      scf.for %while3A_50 = %while3A_41 to %while3A_47 step %while3A_48  : i32 {
        %mul3A = arith.muli %while3A_50, %while3A_40 : i32
        %add3A_51 = arith.addi %arg1, %mul3A : i32
        %mul3A_52 = arith.constant 80 : i32
        %mul3A_53 = arith.muli %add3A_51, %mul3A_52 : i32
        %mul3A_54 = arith.constant 80 : i32
        %mul3A_55 = arith.muli %add3A_51, %mul3A_54 : i32
        "tpu.region"() ({
          %run_scoped3A = tpu.sem_alloc : memref<!tpu.dma_semaphore, #tpu.memory_space<semaphore_mem>>
          %dma_start3A = arith.constant 0 : i32
          %dma_start3A_56 = tpu.memref_slice %arg7[%mul3A_55, %dma_start3A] : memref<10000x128xf32, #tpu.memory_space<hbm>> -> memref<80x128xf32, #tpu.memory_space<hbm>>
          %dma_start3A_57 = arith.constant 0 : i32
          %dma_start3A_58 = tpu.memref_slice %arg12[%mul3A_53, %dma_start3A_57] : memref<10008x128xf32, #tpu.memory_space<vmem_shared>> -> memref<80x128xf32, #tpu.memory_space<vmem_shared>>
          tpu.enqueue_dma source(%dma_start3A_58 : memref<80x128xf32, #tpu.memory_space<vmem_shared>>) target(%dma_start3A_56 : memref<80x128xf32, #tpu.memory_space<hbm>>) target_semaphore(%run_scoped3A : memref<!tpu.dma_semaphore, #tpu.memory_space<semaphore_mem>>)
          %dma_wait3A = arith.constant 0 : i32
          %dma_wait3A_59 = tpu.memref_slice %arg7[%mul3A_55, %dma_wait3A] : memref<10000x128xf32, #tpu.memory_space<hbm>> -> memref<80x128xf32, #tpu.memory_space<hbm>>
          %dma_wait3A_60 = arith.constant 0 : i32
          %dma_wait3A_61 = tpu.memref_slice %arg12[%mul3A_53, %dma_wait3A_60] : memref<10008x128xf32, #tpu.memory_space<vmem_shared>> -> memref<80x128xf32, #tpu.memory_space<vmem_shared>>
          tpu.wait_dma2 semaphore(%run_scoped3A : memref<!tpu.dma_semaphore, #tpu.memory_space<semaphore_mem>>) src(%dma_wait3A_61 : memref<80x128xf32, #tpu.memory_space<vmem_shared>>) dst(%dma_wait3A_59 : memref<80x128xf32, #tpu.memory_space<hbm>>)
          tpu.yield
        }) : () -> ()
      }
      %while3A_49 = arith.constant 1 : i32
      scf.for %while3A_50 = %while3A_47 to %while3A_43 step %while3A_49  : i32 {
        %mul3A = arith.muli %while3A_50, %while3A_40 : i32
        %add3A_51 = arith.addi %arg1, %mul3A : i32
        %mul3A_52 = arith.constant 80 : i32
        %mul3A_53 = arith.muli %add3A_51, %mul3A_52 : i32
        %mul3A_54 = arith.constant 80 : i32
        %mul3A_55 = arith.muli %add3A_51, %mul3A_54 : i32
        "tpu.region"() ({
          %run_scoped3A = tpu.sem_alloc : memref<!tpu.dma_semaphore, #tpu.memory_space<semaphore_mem>>
          %dma_start3A = arith.constant 0 : i32
          %dma_start3A_56 = tpu.memref_slice %arg7[%mul3A_55, %dma_start3A] : memref<10000x128xf32, #tpu.memory_space<hbm>> -> memref<80x128xf32, #tpu.memory_space<hbm>>
          %dma_start3A_57 = arith.constant 0 : i32
          %dma_start3A_58 = tpu.memref_slice %arg12[%mul3A_53, %dma_start3A_57] : memref<10008x128xf32, #tpu.memory_space<vmem_shared>> -> memref<80x128xf32, #tpu.memory_space<vmem_shared>>
          tpu.enqueue_dma source(%dma_start3A_58 : memref<80x128xf32, #tpu.memory_space<vmem_shared>>) target(%dma_start3A_56 : memref<80x128xf32, #tpu.memory_space<hbm>>) target_semaphore(%run_scoped3A : memref<!tpu.dma_semaphore, #tpu.memory_space<semaphore_mem>>)
          %dma_wait3A = arith.constant 0 : i32
          %dma_wait3A_59 = tpu.memref_slice %arg7[%mul3A_55, %dma_wait3A] : memref<10000x128xf32, #tpu.memory_space<hbm>> -> memref<80x128xf32, #tpu.memory_space<hbm>>
          %dma_wait3A_60 = arith.constant 0 : i32
          %dma_wait3A_61 = tpu.memref_slice %arg12[%mul3A_53, %dma_wait3A_60] : memref<10008x128xf32, #tpu.memory_space<vmem_shared>> -> memref<80x128xf32, #tpu.memory_space<vmem_shared>>
          tpu.wait_dma2 semaphore(%run_scoped3A : memref<!tpu.dma_semaphore, #tpu.memory_space<semaphore_mem>>) src(%dma_wait3A_61 : memref<80x128xf32, #tpu.memory_space<vmem_shared>>) dst(%dma_wait3A_59 : memref<80x128xf32, #tpu.memory_space<hbm>>)
          tpu.yield
        }) : () -> ()
      }
    } else {
    }
    %eq3A_27 = arith.constant 1 : i32
    %eq3A_28 = arith.cmpi eq, %arg0, %eq3A_27 : i32
    %convert_element_type3A_29 = arith.extui %eq3A_28 : i1 to i32
    %cond3A_30 = arith.constant 0 : i32
    %cond3A_31 = arith.cmpi ne, %convert_element_type3A_29, %cond3A_30 : i32
    scf.if %cond3A_31 {
      %sub3A_32 = arith.constant 125 : i32
      %sub3A_33 = arith.subi %sub3A_32, %arg1 : i32
      %sub3A_34 = arith.constant 16 : i32
      %sub3A_35 = arith.constant 1 : i32
      %sub3A_36 = arith.subi %sub3A_34, %sub3A_35 : i32
      %add3A_37 = arith.addi %sub3A_33, %sub3A_36 : i32
      %div3A_38 = arith.constant 16 : i32
      %div3A_39 = arith.divsi %add3A_37, %div3A_38 : i32
      %while3A_40 = arith.constant 16 : i32
      %while3A_41 = arith.constant 0 : i32
      %while3A_42 = arith.subi %div3A_39, %while3A_41 : i32
      %while3A_43 = arith.addi %while3A_41, %while3A_42 : i32
      %while3A_44 = arith.constant 1 : i32
      %while3A_45 = arith.divsi %while3A_42, %while3A_44 : i32
      %while3A_46 = arith.muli %while3A_45, %while3A_44 : i32
      %while3A_47 = arith.addi %while3A_41, %while3A_46 : i32
      %while3A_48 = arith.constant 1 : i32
      scf.for %while3A_50 = %while3A_41 to %while3A_47 step %while3A_48  : i32 {
        %mul3A = arith.muli %while3A_50, %while3A_40 : i32
        %add3A_51 = arith.addi %arg1, %mul3A : i32
        %mul3A_52 = arith.constant 80 : i32
        %mul3A_53 = arith.muli %add3A_51, %mul3A_52 : i32
        %mul3A_54 = arith.constant 80 : i32
        %mul3A_55 = arith.muli %add3A_51, %mul3A_54 : i32
        "tpu.region"() ({
          %run_scoped3A = tpu.sem_alloc : memref<!tpu.dma_semaphore, #tpu.memory_space<semaphore_mem>>
          %dma_start3A = arith.constant 0 : i32
          %dma_start3A_56 = tpu.memref_slice %arg8[%mul3A_55, %dma_start3A] : memref<10000x128xf32, #tpu.memory_space<hbm>> -> memref<80x128xf32, #tpu.memory_space<hbm>>
          %dma_start3A_57 = arith.constant 0 : i32
          %dma_start3A_58 = tpu.memref_slice %arg12[%mul3A_53, %dma_start3A_57] : memref<10008x128xf32, #tpu.memory_space<vmem_shared>> -> memref<80x128xf32, #tpu.memory_space<vmem_shared>>
          tpu.enqueue_dma source(%dma_start3A_58 : memref<80x128xf32, #tpu.memory_space<vmem_shared>>) target(%dma_start3A_56 : memref<80x128xf32, #tpu.memory_space<hbm>>) target_semaphore(%run_scoped3A : memref<!tpu.dma_semaphore, #tpu.memory_space<semaphore_mem>>)
          %dma_wait3A = arith.constant 0 : i32
          %dma_wait3A_59 = tpu.memref_slice %arg8[%mul3A_55, %dma_wait3A] : memref<10000x128xf32, #tpu.memory_space<hbm>> -> memref<80x128xf32, #tpu.memory_space<hbm>>
          %dma_wait3A_60 = arith.constant 0 : i32
          %dma_wait3A_61 = tpu.memref_slice %arg12[%mul3A_53, %dma_wait3A_60] : memref<10008x128xf32, #tpu.memory_space<vmem_shared>> -> memref<80x128xf32, #tpu.memory_space<vmem_shared>>
          tpu.wait_dma2 semaphore(%run_scoped3A : memref<!tpu.dma_semaphore, #tpu.memory_space<semaphore_mem>>) src(%dma_wait3A_61 : memref<80x128xf32, #tpu.memory_space<vmem_shared>>) dst(%dma_wait3A_59 : memref<80x128xf32, #tpu.memory_space<hbm>>)
          tpu.yield
        }) : () -> ()
      }
      %while3A_49 = arith.constant 1 : i32
      scf.for %while3A_50 = %while3A_47 to %while3A_43 step %while3A_49  : i32 {
        %mul3A = arith.muli %while3A_50, %while3A_40 : i32
        %add3A_51 = arith.addi %arg1, %mul3A : i32
        %mul3A_52 = arith.constant 80 : i32
        %mul3A_53 = arith.muli %add3A_51, %mul3A_52 : i32
        %mul3A_54 = arith.constant 80 : i32
        %mul3A_55 = arith.muli %add3A_51, %mul3A_54 : i32
        "tpu.region"() ({
          %run_scoped3A = tpu.sem_alloc : memref<!tpu.dma_semaphore, #tpu.memory_space<semaphore_mem>>
          %dma_start3A = arith.constant 0 : i32
          %dma_start3A_56 = tpu.memref_slice %arg8[%mul3A_55, %dma_start3A] : memref<10000x128xf32, #tpu.memory_space<hbm>> -> memref<80x128xf32, #tpu.memory_space<hbm>>
          %dma_start3A_57 = arith.constant 0 : i32
          %dma_start3A_58 = tpu.memref_slice %arg12[%mul3A_53, %dma_start3A_57] : memref<10008x128xf32, #tpu.memory_space<vmem_shared>> -> memref<80x128xf32, #tpu.memory_space<vmem_shared>>
          tpu.enqueue_dma source(%dma_start3A_58 : memref<80x128xf32, #tpu.memory_space<vmem_shared>>) target(%dma_start3A_56 : memref<80x128xf32, #tpu.memory_space<hbm>>) target_semaphore(%run_scoped3A : memref<!tpu.dma_semaphore, #tpu.memory_space<semaphore_mem>>)
          %dma_wait3A = arith.constant 0 : i32
          %dma_wait3A_59 = tpu.memref_slice %arg8[%mul3A_55, %dma_wait3A] : memref<10000x128xf32, #tpu.memory_space<hbm>> -> memref<80x128xf32, #tpu.memory_space<hbm>>
          %dma_wait3A_60 = arith.constant 0 : i32
          %dma_wait3A_61 = tpu.memref_slice %arg12[%mul3A_53, %dma_wait3A_60] : memref<10008x128xf32, #tpu.memory_space<vmem_shared>> -> memref<80x128xf32, #tpu.memory_space<vmem_shared>>
          tpu.wait_dma2 semaphore(%run_scoped3A : memref<!tpu.dma_semaphore, #tpu.memory_space<semaphore_mem>>) src(%dma_wait3A_61 : memref<80x128xf32, #tpu.memory_space<vmem_shared>>) dst(%dma_wait3A_59 : memref<80x128xf32, #tpu.memory_space<hbm>>)
          tpu.yield
        }) : () -> ()
      }
    } else {
    }
    return
  }
}

module attributes {stable_mosaic.version = 14 : i64} {
  func.func @_split_body(%arg0: i32, %arg1: memref<1000x256xf32, #tpu.memory_space<vmem>>, %arg2: memref<1000x128xf32, #tpu.memory_space<vmem>>, %arg3: memref<1000x128xf32, #tpu.memory_space<vmem>>) attributes {dimension_semantics = [#tpu.dimension_semantics<arbitrary>], iteration_bounds = array<i64: 10>, scalar_prefetch = 0 : i64, scratch_operands = 0 : i64, tpu.core_type = #tpu.core_type<tc>, window_params = [{transform_indices = @transform_0, window_bounds = array<i64: 1000, 256>}, {transform_indices = @transform_1, window_bounds = array<i64: 1000, 128>}, {transform_indices = @transform_2, window_bounds = array<i64: 1000, 128>}]} {
    %get3A = arith.constant 0 : index
    %get3A_0 = arith.constant 0 : index
    %get3A_1 = vector.load %arg1[%get3A, %get3A_0] : memref<1000x256xf32, #tpu.memory_space<vmem>>, vector<1000x128xf32>
    %swap3A = arith.constant 0 : index
    %swap3A_2 = arith.constant 0 : index
    %swap3A_3 = vector.load %arg2[%swap3A, %swap3A_2] : memref<1000x128xf32, #tpu.memory_space<vmem>>, vector<1000x128xf32>
    tpu.vector_store %arg2[%swap3A, %swap3A_2], %get3A_1 {strides = array<i32>} : memref<1000x128xf32, #tpu.memory_space<vmem>>, vector<1000x128xf32>,
    %get3A_4 = arith.constant 0 : index
    %get3A_5 = arith.constant 128 : index
    %get3A_6 = vector.load %arg1[%get3A_4, %get3A_5] : memref<1000x256xf32, #tpu.memory_space<vmem>>, vector<1000x128xf32>
    %swap3A_7 = arith.constant 0 : index
    %swap3A_8 = arith.constant 0 : index
    %swap3A_9 = vector.load %arg3[%swap3A_7, %swap3A_8] : memref<1000x128xf32, #tpu.memory_space<vmem>>, vector<1000x128xf32>
    tpu.vector_store %arg3[%swap3A_7, %swap3A_8], %get3A_6 {strides = array<i32>} : memref<1000x128xf32, #tpu.memory_space<vmem>>, vector<1000x128xf32>,
    return
  }
  func.func @transform_0(%arg0: i32) -> (i32, i32) {
    %c0_i32 = arith.constant 0 : i32
    %c0_i32_0 = arith.constant 0 : i32
    return %arg0, %c0_i32 : i32, i32
  }
  func.func @transform_1(%arg0: i32) -> (i32, i32) {
    %c0_i32 = arith.constant 0 : i32
    %c0_i32_0 = arith.constant 0 : i32
    return %arg0, %c0_i32 : i32, i32
  }
  func.func @transform_2(%arg0: i32) -> (i32, i32) {
    %c0_i32 = arith.constant 0 : i32
    %c0_i32_0 = arith.constant 0 : i32
    return %arg0, %c0_i32 : i32, i32
  }
}

module attributes {stable_mosaic.version = 14 : i64} {
  func.func @_layer_body(%arg0: i32, %arg1: memref<1000x128xf32, #tpu.memory_space<vmem>>, %arg2: memref<1000x128xf32, #tpu.memory_space<vmem>>, %arg3: memref<1000x256xf32, #tpu.memory_space<vmem>>, %arg4: memref<256x256xf32, #tpu.memory_space<vmem>>, %arg5: memref<256x256xf32, #tpu.memory_space<vmem>>, %arg6: memref<1x256xf32, #tpu.memory_space<vmem>>, %arg7: memref<1000x256xf32, #tpu.memory_space<vmem>>, %arg8: memref<1000x128xf32, #tpu.memory_space<vmem>>, %arg9: memref<1000x128xf32, #tpu.memory_space<vmem>>) attributes {dimension_semantics = [#tpu.dimension_semantics<arbitrary>], iteration_bounds = array<i64: 10>, scalar_prefetch = 0 : i64, scratch_operands = 0 : i64, tpu.core_type = #tpu.core_type<tc>, window_params = [{transform_indices = @transform_0, window_bounds = array<i64: 1000, 128>}, {transform_indices = @transform_1, window_bounds = array<i64: 1000, 128>}, {transform_indices = @transform_2, window_bounds = array<i64: 1000, 256>}, {pipeline_mode = #tpu.pipeline_mode<synchronous>, transform_indices = @transform_3, window_bounds = array<i64: 256, 256>}, {pipeline_mode = #tpu.pipeline_mode<synchronous>, transform_indices = @transform_4, window_bounds = array<i64: 256, 256>}, {pipeline_mode = #tpu.pipeline_mode<synchronous>, transform_indices = @transform_5, window_bounds = array<i64: 1, 256>}, {transform_indices = @transform_6, window_bounds = array<i64: 1000, 256>}, {transform_indices = @transform_7, window_bounds = array<i64: 1000, 128>}, {transform_indices = @transform_8, window_bounds = array<i64: 1000, 128>}]} {
    %get3A = arith.constant 0 : index
    %get3A_0 = arith.constant 0 : index
    %get3A_1 = vector.load %arg1[%get3A, %get3A_0] : memref<1000x128xf32, #tpu.memory_space<vmem>>, vector<1000x128xf32>
    %get3A_2 = arith.constant 0 : index
    %get3A_3 = arith.constant 0 : index
    %get3A_4 = vector.load %arg2[%get3A_2, %get3A_3] : memref<1000x128xf32, #tpu.memory_space<vmem>>, vector<1000x128xf32>
    %concatenate3A = tpu.concatenate %get3A_1, %get3A_4 in 1 : vector<1000x128xf32>, vector<1000x128xf32> -> vector<1000x256xf32>
    %get3A_5 = arith.constant 0 : index
    %get3A_6 = arith.constant 0 : index
    %get3A_7 = vector.load %arg4[%get3A_5, %get3A_6] : memref<256x256xf32, #tpu.memory_space<vmem>>, vector<256x256xf32>
    %convert_element_type3A = arith.truncf %concatenate3A : vector<1000x256xf32> to vector<1000x256xbf16>
    %convert_element_type3A_8 = arith.truncf %get3A_7 : vector<256x256xf32> to vector<256x256xbf16>
    %dot_general3A = arith.constant dense<0.000000e+00> : vector<1000x256xf32>
    %dot_general3A_9 = tpu.matmul %convert_element_type3A, %convert_element_type3A_8, %dot_general3A {dimension_numbers = #tpu.dot_dimension_numbers<[1], [0], [0], [1], [0, 0, 1, 1], [], []>, transpose_lhs_hint = false} : vector<1000x256xbf16>, vector<256x256xbf16>, vector<1000x256xf32> -> vector<1000x256xf32>
    %get3A_10 = arith.constant 0 : index
    %get3A_11 = arith.constant 0 : index
    %get3A_12 = vector.load %arg6[%get3A_10, %get3A_11] : memref<1x256xf32, #tpu.memory_space<vmem>>, vector<1x256xf32>
    %add3A = vector.broadcast %get3A_12 : vector<1x256xf32> to vector<1000x256xf32>
    %add3A_13 = arith.addf %dot_general3A_9, %add3A : vector<1000x256xf32>
    %get3A_14 = arith.constant 0 : index
    %get3A_15 = arith.constant 0 : index
    %get3A_16 = vector.load %arg3[%get3A_14, %get3A_15] : memref<1000x256xf32, #tpu.memory_space<vmem>>, vector<1000x256xf32>
    %get3A_17 = arith.constant 0 : index
    %get3A_18 = arith.constant 0 : index
    %get3A_19 = vector.load %arg5[%get3A_17, %get3A_18] : memref<256x256xf32, #tpu.memory_space<vmem>>, vector<256x256xf32>
    %convert_element_type3A_20 = arith.truncf %get3A_16 : vector<1000x256xf32> to vector<1000x256xbf16>
    %convert_element_type3A_21 = arith.truncf %get3A_19 : vector<256x256xf32> to vector<256x256xbf16>
    %dot_general3A_22 = arith.constant dense<0.000000e+00> : vector<1000x256xf32>
    %dot_general3A_23 = tpu.matmul %convert_element_type3A_20, %convert_element_type3A_21, %dot_general3A_22 {dimension_numbers = #tpu.dot_dimension_numbers<[1], [0], [0], [1], [0, 0, 1, 1], [], []>, transpose_lhs_hint = false} : vector<1000x256xbf16>, vector<256x256xbf16>, vector<1000x256xf32> -> vector<1000x256xf32>
    %add3A_24 = arith.addf %add3A_13, %dot_general3A_23 : vector<1000x256xf32>
    %max3A = arith.constant 0.000000e+00 : f32
    %max3A_25 = vector.broadcast %max3A : f32 to vector<1000x256xf32>
    %max3A_26 = arith.maximumf %add3A_24, %max3A_25 : vector<1000x256xf32>
    %swap3A = arith.constant 0 : index
    %swap3A_27 = arith.constant 0 : index
    %swap3A_28 = vector.load %arg7[%swap3A, %swap3A_27] : memref<1000x256xf32, #tpu.memory_space<vmem>>, vector<1000x256xf32>
    tpu.vector_store %arg7[%swap3A, %swap3A_27], %max3A_26 {strides = array<i32>} : memref<1000x256xf32, #tpu.memory_space<vmem>>, vector<1000x256xf32>,
    %slice3A = vector.extract_strided_slice %max3A_26 {offsets = [0, 0], sizes = [1000, 128], strides = [1, 1]} : vector<1000x256xf32> to vector<1000x128xf32>
    %swap3A_29 = arith.constant 0 : index
    %swap3A_30 = arith.constant 0 : index
    %swap3A_31 = vector.load %arg8[%swap3A_29, %swap3A_30] : memref<1000x128xf32, #tpu.memory_space<vmem>>, vector<1000x128xf32>
    tpu.vector_store %arg8[%swap3A_29, %swap3A_30], %slice3A {strides = array<i32>} : memref<1000x128xf32, #tpu.memory_space<vmem>>, vector<1000x128xf32>,
    %slice3A_32 = vector.extract_strided_slice %max3A_26 {offsets = [0, 128], sizes = [1000, 128], strides = [1, 1]} : vector<1000x256xf32> to vector<1000x128xf32>
    %swap3A_33 = arith.constant 0 : index
    %swap3A_34 = arith.constant 0 : index
    %swap3A_35 = vector.load %arg9[%swap3A_33, %swap3A_34] : memref<1000x128xf32, #tpu.memory_space<vmem>>, vector<1000x128xf32>
    tpu.vector_store %arg9[%swap3A_33, %swap3A_34], %slice3A_32 {strides = array<i32>} : memref<1000x128xf32, #tpu.memory_space<vmem>>, vector<1000x128xf32>,
    return
  }
  func.func @transform_0(%arg0: i32) -> (i32, i32) {
    %c0_i32 = arith.constant 0 : i32
    %c0_i32_0 = arith.constant 0 : i32
    return %arg0, %c0_i32 : i32, i32
  }
  func.func @transform_1(%arg0: i32) -> (i32, i32) {
    %c0_i32 = arith.constant 0 : i32
    %c0_i32_0 = arith.constant 0 : i32
    return %arg0, %c0_i32 : i32, i32
  }
  func.func @transform_2(%arg0: i32) -> (i32, i32) {
    %c0_i32 = arith.constant 0 : i32
    %c0_i32_0 = arith.constant 0 : i32
    return %arg0, %c0_i32 : i32, i32
  }
  func.func @transform_3(%arg0: i32) -> (i32, i32) {
    %c0_i32 = arith.constant 0 : i32
    %c0_i32_0 = arith.constant 0 : i32
    %c0_i32_1 = arith.constant 0 : i32
    return %c0_i32, %c0_i32_0 : i32, i32
  }
  func.func @transform_4(%arg0: i32) -> (i32, i32) {
    %c0_i32 = arith.constant 0 : i32
    %c0_i32_0 = arith.constant 0 : i32
    %c0_i32_1 = arith.constant 0 : i32
    return %c0_i32, %c0_i32_0 : i32, i32
  }
  func.func @transform_5(%arg0: i32) -> (i32, i32) {
    %c0_i32 = arith.constant 0 : i32
    %c0_i32_0 = arith.constant 0 : i32
    %c0_i32_1 = arith.constant 0 : i32
    return %c0_i32, %c0_i32_0 : i32, i32
  }
  func.func @transform_6(%arg0: i32) -> (i32, i32) {
    %c0_i32 = arith.constant 0 : i32
    %c0_i32_0 = arith.constant 0 : i32
    return %arg0, %c0_i32 : i32, i32
  }
  func.func @transform_7(%arg0: i32) -> (i32, i32) {
    %c0_i32 = arith.constant 0 : i32
    %c0_i32_0 = arith.constant 0 : i32
    return %arg0, %c0_i32 : i32, i32
  }
  func.func @transform_8(%arg0: i32) -> (i32, i32) {
    %c0_i32 = arith.constant 0 : i32
    %c0_i32_0 = arith.constant 0 : i32
    return %arg0, %c0_i32 : i32, i32
  }
}

module attributes {stable_mosaic.version = 14 : i64} {
  func.func @_layer3_body(%arg0: i32, %arg1: memref<1000x128xf32, #tpu.memory_space<vmem>>, %arg2: memref<1000x128xf32, #tpu.memory_space<vmem>>, %arg3: memref<1000x256xf32, #tpu.memory_space<vmem>>, %arg4: memref<256x256xf32, #tpu.memory_space<vmem>>, %arg5: memref<256x256xf32, #tpu.memory_space<vmem>>, %arg6: memref<1x256xf32, #tpu.memory_space<vmem>>, %arg7: memref<1000x256xf32, #tpu.memory_space<vmem>>) attributes {dimension_semantics = [#tpu.dimension_semantics<arbitrary>], iteration_bounds = array<i64: 10>, scalar_prefetch = 0 : i64, scratch_operands = 0 : i64, tpu.core_type = #tpu.core_type<tc>, window_params = [{transform_indices = @transform_0, window_bounds = array<i64: 1000, 128>}, {transform_indices = @transform_1, window_bounds = array<i64: 1000, 128>}, {transform_indices = @transform_2, window_bounds = array<i64: 1000, 256>}, {pipeline_mode = #tpu.pipeline_mode<synchronous>, transform_indices = @transform_3, window_bounds = array<i64: 256, 256>}, {pipeline_mode = #tpu.pipeline_mode<synchronous>, transform_indices = @transform_4, window_bounds = array<i64: 256, 256>}, {pipeline_mode = #tpu.pipeline_mode<synchronous>, transform_indices = @transform_5, window_bounds = array<i64: 1, 256>}, {transform_indices = @transform_6, window_bounds = array<i64: 1000, 256>}]} {
    %get3A = arith.constant 0 : index
    %get3A_0 = arith.constant 0 : index
    %get3A_1 = vector.load %arg1[%get3A, %get3A_0] : memref<1000x128xf32, #tpu.memory_space<vmem>>, vector<1000x128xf32>
    %get3A_2 = arith.constant 0 : index
    %get3A_3 = arith.constant 0 : index
    %get3A_4 = vector.load %arg2[%get3A_2, %get3A_3] : memref<1000x128xf32, #tpu.memory_space<vmem>>, vector<1000x128xf32>
    %concatenate3A = tpu.concatenate %get3A_1, %get3A_4 in 1 : vector<1000x128xf32>, vector<1000x128xf32> -> vector<1000x256xf32>
    %get3A_5 = arith.constant 0 : index
    %get3A_6 = arith.constant 0 : index
    %get3A_7 = vector.load %arg4[%get3A_5, %get3A_6] : memref<256x256xf32, #tpu.memory_space<vmem>>, vector<256x256xf32>
    %convert_element_type3A = arith.truncf %concatenate3A : vector<1000x256xf32> to vector<1000x256xbf16>
    %convert_element_type3A_8 = arith.truncf %get3A_7 : vector<256x256xf32> to vector<256x256xbf16>
    %dot_general3A = arith.constant dense<0.000000e+00> : vector<1000x256xf32>
    %dot_general3A_9 = tpu.matmul %convert_element_type3A, %convert_element_type3A_8, %dot_general3A {dimension_numbers = #tpu.dot_dimension_numbers<[1], [0], [0], [1], [0, 0, 1, 1], [], []>, transpose_lhs_hint = false} : vector<1000x256xbf16>, vector<256x256xbf16>, vector<1000x256xf32> -> vector<1000x256xf32>
    %get3A_10 = arith.constant 0 : index
    %get3A_11 = arith.constant 0 : index
    %get3A_12 = vector.load %arg6[%get3A_10, %get3A_11] : memref<1x256xf32, #tpu.memory_space<vmem>>, vector<1x256xf32>
    %add3A = vector.broadcast %get3A_12 : vector<1x256xf32> to vector<1000x256xf32>
    %add3A_13 = arith.addf %dot_general3A_9, %add3A : vector<1000x256xf32>
    %get3A_14 = arith.constant 0 : index
    %get3A_15 = arith.constant 0 : index
    %get3A_16 = vector.load %arg3[%get3A_14, %get3A_15] : memref<1000x256xf32, #tpu.memory_space<vmem>>, vector<1000x256xf32>
    %get3A_17 = arith.constant 0 : index
    %get3A_18 = arith.constant 0 : index
    %get3A_19 = vector.load %arg5[%get3A_17, %get3A_18] : memref<256x256xf32, #tpu.memory_space<vmem>>, vector<256x256xf32>
    %convert_element_type3A_20 = arith.truncf %get3A_16 : vector<1000x256xf32> to vector<1000x256xbf16>
    %convert_element_type3A_21 = arith.truncf %get3A_19 : vector<256x256xf32> to vector<256x256xbf16>
    %dot_general3A_22 = arith.constant dense<0.000000e+00> : vector<1000x256xf32>
    %dot_general3A_23 = tpu.matmul %convert_element_type3A_20, %convert_element_type3A_21, %dot_general3A_22 {dimension_numbers = #tpu.dot_dimension_numbers<[1], [0], [0], [1], [0, 0, 1, 1], [], []>, transpose_lhs_hint = false} : vector<1000x256xbf16>, vector<256x256xbf16>, vector<1000x256xf32> -> vector<1000x256xf32>
    %add3A_24 = arith.addf %add3A_13, %dot_general3A_23 : vector<1000x256xf32>
    %max3A = arith.constant 0.000000e+00 : f32
    %max3A_25 = vector.broadcast %max3A : f32 to vector<1000x256xf32>
    %max3A_26 = arith.maximumf %add3A_24, %max3A_25 : vector<1000x256xf32>
    %swap3A = arith.constant 0 : index
    %swap3A_27 = arith.constant 0 : index
    %swap3A_28 = vector.load %arg7[%swap3A, %swap3A_27] : memref<1000x256xf32, #tpu.memory_space<vmem>>, vector<1000x256xf32>
    tpu.vector_store %arg7[%swap3A, %swap3A_27], %max3A_26 {strides = array<i32>} : memref<1000x256xf32, #tpu.memory_space<vmem>>, vector<1000x256xf32>,
    return
  }
  func.func @transform_0(%arg0: i32) -> (i32, i32) {
    %c0_i32 = arith.constant 0 : i32
    %c0_i32_0 = arith.constant 0 : i32
    return %arg0, %c0_i32 : i32, i32
  }
  func.func @transform_1(%arg0: i32) -> (i32, i32) {
    %c0_i32 = arith.constant 0 : i32
    %c0_i32_0 = arith.constant 0 : i32
    return %arg0, %c0_i32 : i32, i32
  }
  func.func @transform_2(%arg0: i32) -> (i32, i32) {
    %c0_i32 = arith.constant 0 : i32
    %c0_i32_0 = arith.constant 0 : i32
    return %arg0, %c0_i32 : i32, i32
  }
  func.func @transform_3(%arg0: i32) -> (i32, i32) {
    %c0_i32 = arith.constant 0 : i32
    %c0_i32_0 = arith.constant 0 : i32
    %c0_i32_1 = arith.constant 0 : i32
    return %c0_i32, %c0_i32_0 : i32, i32
  }
  func.func @transform_4(%arg0: i32) -> (i32, i32) {
    %c0_i32 = arith.constant 0 : i32
    %c0_i32_0 = arith.constant 0 : i32
    %c0_i32_1 = arith.constant 0 : i32
    return %c0_i32, %c0_i32_0 : i32, i32
  }
  func.func @transform_5(%arg0: i32) -> (i32, i32) {
    %c0_i32 = arith.constant 0 : i32
    %c0_i32_0 = arith.constant 0 : i32
    %c0_i32_1 = arith.constant 0 : i32
    return %c0_i32, %c0_i32_0 : i32, i32
  }
  func.func @transform_6(%arg0: i32) -> (i32, i32) {
    %c0_i32 = arith.constant 0 : i32
    %c0_i32_0 = arith.constant 0 : i32
    return %arg0, %c0_i32 : i32, i32
  }
}

module attributes {stable_mosaic.version = 14 : i64} {
  func.func @_head_body(%arg0: memref<512x128xf32, #tpu.memory_space<vmem>>, %arg1: memref<512x128xf32, #tpu.memory_space<vmem>>, %arg2: memref<512x128xf32, #tpu.memory_space<vmem>>, %arg3: memref<512x256xf32, #tpu.memory_space<vmem>>, %arg4: memref<512x128xf32, #tpu.memory_space<vmem>>, %arg5: memref<512x128xf32, #tpu.memory_space<vmem>>, %arg6: memref<512x128xf32, #tpu.memory_space<vmem>>, %arg7: memref<512x256xf32, #tpu.memory_space<vmem>>, %arg8: memref<512x256xf32, #tpu.memory_space<vmem>>, %arg9: memref<1x256xf32, #tpu.memory_space<vmem>>, %arg10: memref<768x2xf32, #tpu.memory_space<vmem>>, %arg11: memref<1x2xf32, #tpu.memory_space<vmem>>, %arg12: memref<512x1xi32, #tpu.memory_space<vmem>>, %arg13: memref<512x2xf32, #tpu.memory_space<vmem>>, %arg14: memref<1x1xf32, #tpu.memory_space<vmem>>) attributes {dimension_semantics = [], scalar_prefetch = 0 : i64, scratch_operands = 0 : i64, tpu.core_type = #tpu.core_type<tc>} {
    %get3A = arith.constant 0 : index
    %get3A_0 = arith.constant 0 : index
    %get3A_1 = vector.load %arg2[%get3A, %get3A_0] : memref<512x128xf32, #tpu.memory_space<vmem>>, vector<512x128xf32>
    %max3A = arith.constant 1.000000e+00 : f32
    %max3A_2 = vector.broadcast %max3A : f32 to vector<512x128xf32>
    %max3A_3 = arith.maximumf %get3A_1, %max3A_2 : vector<512x128xf32>
    %get3A_4 = arith.constant 0 : index
    %get3A_5 = arith.constant 0 : index
    %get3A_6 = vector.load %arg0[%get3A_4, %get3A_5] : memref<512x128xf32, #tpu.memory_space<vmem>>, vector<512x128xf32>
    %div3A = arith.divf %get3A_6, %max3A_3 : vector<512x128xf32>
    %get3A_7 = arith.constant 0 : index
    %get3A_8 = arith.constant 0 : index
    %get3A_9 = vector.load %arg1[%get3A_7, %get3A_8] : memref<512x128xf32, #tpu.memory_space<vmem>>, vector<512x128xf32>
    %div3A_10 = arith.divf %get3A_9, %max3A_3 : vector<512x128xf32>
    %get3A_11 = arith.constant 0 : index
    %get3A_12 = arith.constant 0 : index
    %get3A_13 = vector.load %arg3[%get3A_11, %get3A_12] : memref<512x256xf32, #tpu.memory_space<vmem>>, vector<512x256xf32>
    %concatenate3A = tpu.concatenate %div3A, %div3A_10, %get3A_13 in 1 : vector<512x128xf32>, vector<512x128xf32>, vector<512x256xf32> -> vector<512x512xf32>
    %get3A_14 = arith.constant 0 : index
    %get3A_15 = arith.constant 0 : index
    %get3A_16 = vector.load %arg8[%get3A_14, %get3A_15] : memref<512x256xf32, #tpu.memory_space<vmem>>, vector<512x256xf32>
    %convert_element_type3A = arith.truncf %concatenate3A : vector<512x512xf32> to vector<512x512xbf16>
    %convert_element_type3A_17 = arith.truncf %get3A_16 : vector<512x256xf32> to vector<512x256xbf16>
    %dot_general3A = arith.constant dense<0.000000e+00> : vector<512x256xf32>
    %dot_general3A_18 = tpu.matmul %convert_element_type3A, %convert_element_type3A_17, %dot_general3A {dimension_numbers = #tpu.dot_dimension_numbers<[1], [0], [0], [1], [0, 0, 1, 1], [], []>, transpose_lhs_hint = false} : vector<512x512xbf16>, vector<512x256xbf16>, vector<512x256xf32> -> vector<512x256xf32>
    %get3A_19 = arith.constant 0 : index
    %get3A_20 = arith.constant 0 : index
    %get3A_21 = vector.load %arg9[%get3A_19, %get3A_20] : memref<1x256xf32, #tpu.memory_space<vmem>>, vector<1x256xf32>
    %add3A = vector.broadcast %get3A_21 : vector<1x256xf32> to vector<512x256xf32>
    %add3A_22 = arith.addf %dot_general3A_18, %add3A : vector<512x256xf32>
    %get3A_23 = arith.constant 0 : index
    %get3A_24 = arith.constant 0 : index
    %get3A_25 = vector.load %arg6[%get3A_23, %get3A_24] : memref<512x128xf32, #tpu.memory_space<vmem>>, vector<512x128xf32>
    %max3A_26 = arith.constant 1.000000e+00 : f32
    %max3A_27 = vector.broadcast %max3A_26 : f32 to vector<512x128xf32>
    %max3A_28 = arith.maximumf %get3A_25, %max3A_27 : vector<512x128xf32>
    %get3A_29 = arith.constant 0 : index
    %get3A_30 = arith.constant 0 : index
    %get3A_31 = vector.load %arg4[%get3A_29, %get3A_30] : memref<512x128xf32, #tpu.memory_space<vmem>>, vector<512x128xf32>
    %div3A_32 = arith.divf %get3A_31, %max3A_28 : vector<512x128xf32>
    %get3A_33 = arith.constant 0 : index
    %get3A_34 = arith.constant 0 : index
    %get3A_35 = vector.load %arg5[%get3A_33, %get3A_34] : memref<512x128xf32, #tpu.memory_space<vmem>>, vector<512x128xf32>
    %div3A_36 = arith.divf %get3A_35, %max3A_28 : vector<512x128xf32>
    %get3A_37 = arith.constant 0 : index
    %get3A_38 = arith.constant 0 : index
    %get3A_39 = vector.load %arg7[%get3A_37, %get3A_38] : memref<512x256xf32, #tpu.memory_space<vmem>>, vector<512x256xf32>
    %concatenate3A_40 = tpu.concatenate %div3A_32, %div3A_36, %get3A_39 in 1 : vector<512x128xf32>, vector<512x128xf32>, vector<512x256xf32> -> vector<512x512xf32>
    %get3A_41 = arith.constant 0 : index
    %get3A_42 = arith.constant 0 : index
    %get3A_43 = vector.load %arg8[%get3A_41, %get3A_42] : memref<512x256xf32, #tpu.memory_space<vmem>>, vector<512x256xf32>
    %convert_element_type3A_44 = arith.truncf %concatenate3A_40 : vector<512x512xf32> to vector<512x512xbf16>
    %convert_element_type3A_45 = arith.truncf %get3A_43 : vector<512x256xf32> to vector<512x256xbf16>
    %dot_general3A_46 = arith.constant dense<0.000000e+00> : vector<512x256xf32>
    %dot_general3A_47 = tpu.matmul %convert_element_type3A_44, %convert_element_type3A_45, %dot_general3A_46 {dimension_numbers = #tpu.dot_dimension_numbers<[1], [0], [0], [1], [0, 0, 1, 1], [], []>, transpose_lhs_hint = false} : vector<512x512xbf16>, vector<512x256xbf16>, vector<512x256xf32> -> vector<512x256xf32>
    %get3A_48 = arith.constant 0 : index
    %get3A_49 = arith.constant 0 : index
    %get3A_50 = vector.load %arg9[%get3A_48, %get3A_49] : memref<1x256xf32, #tpu.memory_space<vmem>>, vector<1x256xf32>
    %add3A_51 = vector.broadcast %get3A_50 : vector<1x256xf32> to vector<512x256xf32>
    %add3A_52 = arith.addf %dot_general3A_47, %add3A_51 : vector<512x256xf32>
    %sub3A = arith.subf %add3A_22, %add3A_52 : vector<512x256xf32>
    %abs3A = math.absf %sub3A : vector<512x256xf32>
    %concatenate3A_53 = tpu.concatenate %add3A_22, %add3A_52, %abs3A in 1 : vector<512x256xf32>, vector<512x256xf32>, vector<512x256xf32> -> vector<512x768xf32>
    %get3A_54 = arith.constant 0 : index
    %get3A_55 = arith.constant 0 : index
    %get3A_56 = vector.load %arg10[%get3A_54, %get3A_55] : memref<768x2xf32, #tpu.memory_space<vmem>>, vector<768x2xf32>
    %convert_element_type3A_57 = arith.truncf %concatenate3A_53 : vector<512x768xf32> to vector<512x768xbf16>
    %convert_element_type3A_58 = arith.truncf %get3A_56 : vector<768x2xf32> to vector<768x2xbf16>
    %dot_general3A_59 = arith.constant dense<0.000000e+00> : vector<512x2xf32>
    %dot_general3A_60 = tpu.matmul %convert_element_type3A_57, %convert_element_type3A_58, %dot_general3A_59 {dimension_numbers = #tpu.dot_dimension_numbers<[1], [0], [0], [1], [0, 0, 1, 1], [], []>, transpose_lhs_hint = false} : vector<512x768xbf16>, vector<768x2xbf16>, vector<512x2xf32> -> vector<512x2xf32>
    %get3A_61 = arith.constant 0 : index
    %get3A_62 = arith.constant 0 : index
    %get3A_63 = vector.load %arg11[%get3A_61, %get3A_62] : memref<1x2xf32, #tpu.memory_space<vmem>>, vector<1x2xf32>
    %add3A_64 = vector.broadcast %get3A_63 : vector<1x2xf32> to vector<512x2xf32>
    %add3A_65 = arith.addf %dot_general3A_60, %add3A_64 : vector<512x2xf32>
    %swap3A = arith.constant 0 : index
    %swap3A_66 = arith.constant 0 : index
    %swap3A_67 = vector.load %arg13[%swap3A, %swap3A_66] : memref<512x2xf32, #tpu.memory_space<vmem>>, vector<512x2xf32>
    tpu.vector_store %arg13[%swap3A, %swap3A_66], %add3A_65 {strides = array<i32>} : memref<512x2xf32, #tpu.memory_space<vmem>>, vector<512x2xf32>,
    %reduce_max3A = arith.constant dense<0xFF800000> : vector<512xf32>
    %reduce_max3A_68 = vector.multi_reduction <maximumf>, %add3A_65, %reduce_max3A [1] : vector<512x2xf32> to vector<512xf32>
    %broadcast_in_dim3A = vector.shape_cast %reduce_max3A_68 : vector<512xf32> to vector<512x1xf32>
    %sub3A_69 = vector.broadcast %broadcast_in_dim3A : vector<512x1xf32> to vector<512x2xf32>
    %sub3A_70 = arith.subf %add3A_65, %sub3A_69 : vector<512x2xf32>
    %exp3A = math.exp %sub3A_70 : vector<512x2xf32>
    %reduce_sum3A = arith.constant dense<0.000000e+00> : vector<512xf32>
    %reduce_sum3A_71 = vector.multi_reduction <add>, %exp3A, %reduce_sum3A [1] : vector<512x2xf32> to vector<512xf32>
    %broadcast_in_dim3A_72 = vector.shape_cast %reduce_sum3A_71 : vector<512xf32> to vector<512x1xf32>
    %log3A = math.log %broadcast_in_dim3A_72 : vector<512x1xf32>
    %add3A_73 = arith.addf %broadcast_in_dim3A, %log3A : vector<512x1xf32>
    %sub3A_74 = vector.broadcast %add3A_73 : vector<512x1xf32> to vector<512x2xf32>
    %sub3A_75 = arith.subf %add3A_65, %sub3A_74 : vector<512x2xf32>
    %get3A_76 = arith.constant 0 : index
    %get3A_77 = arith.constant 0 : index
    %get3A_78 = vector.load %arg12[%get3A_76, %get3A_77] : memref<512x1xi32, #tpu.memory_space<vmem>>, vector<512x1xi32>
    %eq3A = arith.constant 0 : i32
    %eq3A_79 = vector.broadcast %eq3A : i32 to vector<512x1xi32>
    %eq3A_80 = arith.cmpi eq, %get3A_78, %eq3A_79 : vector<512x1xi32>
    %slice3A = vector.extract_strided_slice %sub3A_75 {offsets = [0, 0], sizes = [512, 1], strides = [1, 1]} : vector<512x2xf32> to vector<512x1xf32>
    %slice3A_81 = vector.extract_strided_slice %sub3A_75 {offsets = [0, 1], sizes = [512, 1], strides = [1, 1]} : vector<512x2xf32> to vector<512x1xf32>
    %select_n3A = arith.select %eq3A_80, %slice3A, %slice3A_81 : vector<512x1xi1>, vector<512x1xf32>
    %broadcast_in_dim3A_82 = arith.constant -0.001953125 : f32
    %broadcast_in_dim3A_83 = vector.broadcast %broadcast_in_dim3A_82 : f32 to vector<1x1xf32>
    %reduce_sum3A_84 = vector.shape_cast %select_n3A : vector<512x1xf32> to vector<1x512x1xf32>
    %reduce_sum3A_85 = arith.constant dense<0.000000e+00> : vector<1xf32>
    %reduce_sum3A_86 = vector.multi_reduction <add>, %reduce_sum3A_84, %reduce_sum3A_85 [1, 2] : vector<1x512x1xf32> to vector<1xf32>
    %reduce_sum3A_87 = vector.shape_cast %reduce_sum3A_86 : vector<1xf32> to vector<1x1x1xf32>
    %reduce_sum3A_88 = vector.extract %reduce_sum3A_87[0, 0, 0] : f32 from vector<1x1x1xf32>
    %mul3A = vector.broadcast %reduce_sum3A_88 : f32 to vector<1x1xf32>
    %mul3A_89 = arith.mulf %broadcast_in_dim3A_83, %mul3A : vector<1x1xf32>
    %swap3A_90 = arith.constant 0 : index
    %swap3A_91 = arith.constant 0 : index
    %swap3A_92 = vector.load %arg14[%swap3A_90, %swap3A_91] : memref<1x1xf32, #tpu.memory_space<vmem>>, vector<1x1xf32>
    tpu.vector_store %arg14[%swap3A_90, %swap3A_91], %mul3A_89 {strides = array<i32>} : memref<1x1xf32, #tpu.memory_space<vmem>>, vector<1x1xf32>,
    return
  }
}

</mosaic_0001>

<sc_bundles>
// kernel: kernel.19.cloned.1.call-start
scs
__scs_entry_jumppad:
0x0: {  	(pc) =	sbr.rel $0x88, $3  }
0x1: {  	(tag) =	ssettag $0x0;
	lr =	simm.s32 $0x1  }
0x2: {  	[smem:$0x3F8B] =	sst lr;
	_ =	strace $0xD0000000  }
0x3: {  	_ = 	snop  }
0x4: {  	_ = 	snop  }
0x5: {  	_ = 	snop  }
0x6: {  	_ = 	snop  }
0x7: {  	_ = 	snop  }
__scs_overlays_trampoline_lowered:
0x8: {  	[smem:$0x3F9A] =	sst s0  }
0x9: {  	[smem:$0x3F9B] =	sst s1  }
0xa: {  	[smem:$0x3F9C] =	sst s2  }
0xb: {  	[smem:$0x3F9D] =	sst s3  }
0xc: {  	[smem:$0x3F9E] =	sst s4  }
0xd: {  	[smem:$0x3F9F] =	sst s5  }
0xe: {  	[smem:$0x3FA0] =	sst s6  }
0xf: {  	[smem:$0x3FA1] =	sst s7  }
0x10: {  	[smem:$0x3FA2] =	sst s8  }
0x11: {  	[smem:$0x3FA3] =	sst s9;
	s0 =	simm.s32 @!p0 $0x0  }
0x12: {  	s1 =	sld [smem:$0x3F89];
	s0 =	simm.s32 @p0 $0x1  }
0x13: {  	[smem:$0x3FA4] =	sst s0;
	s0 =	simm.s32 @!p1 $0x0  }
0x14: {  	s2 =	sld [smem:$0x3F88];
	s0 =	simm.s32 @p1 $0x1  }
0x15: {  	[smem:$0x3FA5] =	sst s0;
	s0 =	simm.s32 @!p2 $0x0  }
0x16: {  	s3 =	sld [smem:$0x3FDB];
	s0 =	simm.s32 @p2 $0x1  }
0x17: {  	s4 =	simm.s32 $0x1BF5;
	[smem:$0x3FA7] =	sst s0  }
0x18: {  	s0 =	sld [smem:$0x3F8A];
	_ =	swait.ge [sflag:s4], $0x0  }
0x19: {  	s7 =	sld [smem:$0x3F8B]  }
0x1a: {  	s8 =	sadd.s32 $0xFFFFE003, lr  }
0x1b: {  	s9 =	sadd.s32 $0xFFFFFEF7, lr;
	s5 =	simm.s32 $0xFFFFFFFF;
	p2 =	slt.u32 s8, $0xFFFFF086  }
0x1c: {  	p1 =	slt.u32 s9, $0xF7A;
	s5 =	simm.s32 @!p2 $0x0  }
0x1d: {  	s5 =	simm.s32 @p1 $0x1;
	p0 =	seq.s32 s7, s2  }
0x1e: {  	s7 =	smul.u32 @!p0 $0xF7A, s2;
	p2 =	seq.s32 @!p0 s5, $0x0  }
0x1f: {  	s9 =	smul.u32 $0xF7A, s1;
	s8 =	simm.s32 @!p0 $0x1BF5;
	p2 =	por !p2, p0  }
0x20: {  	[sflag:s8] =	ssyncset.s32 @!p0 $0xFFFFF086;
	s6 =	sadd.s32 @!p0 s3, s7;
	s7 =	simm.s32 @!p0 $0x108  }
0x21: {  	s3 =	sadd.s32 s3, s9;
	s6 =	sadd.s32 @!p0 $0x88, s6;
	s7 =	simm.s32 @p2 $0x1082  }
0x22: {  	[simem:s7], [sflag:s8] =	dma.local @!p0 [hbm:s6], $0xF7A  }
0x23: {  	s9 =	sor.u32 $0xD0000000, s2;
	s6 =	simm.s32 $0x108;
	_ =	swait.ge @!p0 [sflag:s8], $0x0  }
0x24: {  	s3 =	sadd.s32 $0x88, s3;
	s6 =	simm.s32 @!p1 $0x1082;
	[sflag:s4] =	ssyncset.s32 $0xFFFFF086  }
0x25: {  	[simem:s6], [sflag:s4] =	dma.local [hbm:s3], $0xF7A  }
0x26: {  	[smem:$0x3F8B] =	sst s1;
	(tag) =	ssettag s2;
	_ =	strace s9  }
0x27: {  	s1 =	sld [smem:$0x3F9B]  }
0x28: {  	s2 =	sld [smem:$0x3F9C]  }
0x29: {  	s4 =	sld [smem:$0x3F9E]  }
0x2a: {  	p0 =	seq.s32 s5, $0x0;
	s5 =	sld [smem:$0x3F9F]  }
0x2b: {  	s6 =	sld [smem:$0x3FA0]  }
0x2c: {  	s7 =	sld [smem:$0x3FA1]  }
0x2d: {  	s3 =	simm.s32 $0x108;
	s8 =	sld [smem:$0x3FA2]  }
0x2e: {  	s3 =	simm.s32 @!p0 $0x1082;
	s9 =	sld [smem:$0x3FA3]  }
0x2f: {  	lr =	sadd.s32 s0, s3;
	s0 =	sld [smem:$0x3F9A]  }
0x30: {  	s3 =	sld [smem:$0x3F9D]  }
0x31: {  	[smem:$0x3FA6] =	sst s10  }
0x32: {  	s10 =	sld [smem:$0x3FA4];
	_ =	sdelay $0x3  }
0x33: {  	p0 =	seq.s32 s10, $0x1;
	s10 =	sld [smem:$0x3FA6];
	_ =	sdelay $0x3  }
0x34: {  	[smem:$0x3FA6] =	sst s10  }
0x35: {  	s10 =	sld [smem:$0x3FA5];
	_ =	sdelay $0x3  }
0x36: {  	p1 =	seq.s32 s10, $0x1;
	s10 =	sld [smem:$0x3FA6];
	_ =	sdelay $0x3  }
0x37: {  	[smem:$0x3FA6] =	sst s10  }
0x38: {  	s10 =	sld [smem:$0x3FA7]  }
0x39: {  	_ = 	snop;
	(pc) =	sbr.ind lr, $3  }
0x3a: {  	_ = 	snop  }
0x3b: {  	_ = 	snop  }
0x3c: {  	p2 =	seq.s32 s10, $0x1;
	s10 =	sld [smem:$0x3FA6]  }
0x3d: {  	_ =	shalt  }
0x3e: {  	_ =	shalt  }
0x3f: {  	_ =	shalt  }
0x40: {  	_ =	shalt  }
0x41: {  	_ =	shalt  }
0x42: {  	_ =	shalt  }
0x43: {  	_ =	shalt  }
0x44: {  	_ =	shalt  }
0x45: {  	_ =	shalt  }
0x46: {  	_ =	shalt  }
0x47: {  	_ =	shalt  }
0x48: {  	_ =	shalt  }
0x49: {  	_ =	shalt  }
0x4a: {  	_ =	shalt  }
0x4b: {  	_ =	shalt  }
0x4c: {  	_ =	shalt  }
0x4d: {  	_ =	shalt  }
0x4e: {  	_ =	shalt  }
0x4f: {  	_ =	shalt  }
0x50: {  	_ =	shalt  }
0x51: {  	_ =	shalt  }
0x52: {  	_ =	shalt  }
0x53: {  	_ =	shalt  }
0x54: {  	_ =	shalt  }
0x55: {  	_ =	shalt  }
0x56: {  	_ =	shalt  }
0x57: {  	_ =	shalt  }
0x58: {  	_ =	shalt  }
0x59: {  	_ =	shalt  }
0x5a: {  	_ =	shalt  }
0x5b: {  	_ =	shalt  }
0x5c: {  	_ =	shalt  }
0x5d: {  	_ =	shalt  }
0x5e: {  	_ =	shalt  }
0x5f: {  	_ =	shalt  }
0x60: {  	_ =	shalt  }
0x61: {  	_ =	shalt  }
0x62: {  	_ =	shalt  }
0x63: {  	_ =	shalt  }
0x64: {  	_ =	shalt  }
0x65: {  	_ =	shalt  }
0x66: {  	_ =	shalt  }
0x67: {  	_ =	shalt  }
0x68: {  	_ =	shalt  }
0x69: {  	_ =	shalt  }
0x6a: {  	_ =	shalt  }
0x6b: {  	_ =	shalt  }
0x6c: {  	_ =	shalt  }
0x6d: {  	_ =	shalt  }
0x6e: {  	_ =	shalt  }
0x6f: {  	_ =	shalt  }
0x70: {  	_ =	shalt  }
0x71: {  	_ =	shalt  }
0x72: {  	_ =	shalt  }
0x73: {  	_ =	shalt  }
0x74: {  	_ =	shalt  }
0x75: {  	_ =	shalt  }
0x76: {  	_ =	shalt  }
0x77: {  	_ =	shalt  }
0x78: {  	_ =	shalt  }
0x79: {  	_ =	shalt  }
0x7a: {  	_ =	shalt  }
0x7b: {  	_ =	shalt  }
0x7c: {  	_ =	shalt  }
0x7d: {  	_ =	shalt  }
0x7e: {  	_ =	shalt  }
0x7f: {  	_ =	shalt  }
0x80: {  	_ =	shalt  }
0x81: {  	_ =	shalt  }
0x82: {  	_ =	shalt  }
0x83: {  	_ =	shalt  }
0x84: {  	_ =	shalt  }
0x85: {  	_ =	shalt  }
0x86: {  	_ =	shalt  }
0x87: {  	_ =	shalt  }
.Lfunc_end0:
.L_simem_size_0:
called_computation_lowered:
.L_overlay_start_0:
0x88: {  	s2 =	sld [smem:$0x3FD9]  }
0x89: {  	s3 =	sld [smem:$0x3FFE];
	_ =	sdelay $0x1  }
0x8a: {  	s1 =	srdreg.scid  }
0x8b: {  	s0 =	sand.u32 $0x1, s1  }
0x8c: {  	s17 =	sshll.u32 s0, $0xA;
	s2 =	sadd.s32 s3, s2  }
0x8d: {  	s2 =	sadd.s32 s2, s17  }
0x8e: {  	[smem:$0x3FB2] =	sst s2  }
0x8f: {  	_ = 	snop  }
0x90: {  	(tm) =	ssettm $0x1  }
0x91: {  	s18 =	sld [smem:$0x3FFB];
	_ =	sdelay $0x3  }
0x92: {  	_ =	strace s18  }
0x93: {  	s2 =	sld [smem:$0x3FFC];
	_ =	sdelay $0x3  }
0x94: {  	_ =	strace s2  }
0x95: {  	s2 =	sld [smem:$0x3FFD];
	_ =	sdelay $0x3  }
0x96: {  	_ =	strace s2  }
0x97: {  	_ =	strace $0x8FFFFFFF  }
0x98: {  	s19 =	sld [smem:$0x3FDB];
	_ =	sdelay $0x1  }
0x99: {  	s20 =	simm.s32 $_scs_section_size  }
0x9a: {  	s4 =	simm.s32 $_size__tile_overlayer_lowered;
	s5 =	simm.s32 $_tile_overlayer_lowered  }
0x9b: {  	s6 =	simm.s32 $0x1BFF;
	s21 =	sshll.u32 s5, $0x1;
	s3 =	sadd.s32 s20, s19  }
0x9c: {  	s22 =	simm.s32 $0x0;
	s4 =	sshll.u32 s4, $0x1;
	s5 =	sadd.s32 s21, s3  }
0x9d: {  	[timem:s22], [sflag:s6] =	dma.local [hbm:s5], s4  }
0x9e: {  	_ =	swait.ge [sflag:s6], s4  }
0x9f: {  	s4 =	ssub.s32 $0x0, s4;
	[sflag:s6] =	ssyncset.done $0x0  }
0xa0: {  	[sflag:s6] =	ssyncadd.s32 s4;
	_ =	sdelay $0x1  }
0xa1: {  	s23 =	simm.s32 $0x1B8B  }
0xa2: {  	_ =	swait.ge [sflag:s23], $0x1  }
0xa3: {  	[sflag:s23] =	ssyncset.done $0x0  }
0xa4: {  	[sflag:s23] =	ssyncadd.s32 $0xFFFFFFFF  }
0xa5: {  	s4 =	sld [smem:$0x0]  }
0xa6: {  	s5 =	sand.u32 $0xFFFFFFFE, s1  }
0xa7: {  	p0 =	sne.s32 s1, s5  }
0xa8: {  	s5 =	sshll.u32 @p0 s5, $0xE  }
0xa9: {  	s5 =	sadd.s32 @p0 $0x11B8D, s5;
	s6 =	sshll.u32 @p0 s4, $0x11  }
0xaa: {  	s5 =	sor.u32 @p0 s6, s5  }
0xab: {  	[sflag:s5] =	ssyncadd.remote.s32 @p0 $0x1;
	_ =	sdelay $0x1  }
0xac: {  	s5 =	simm.s32 @p0 $0x1B8D  }
0xad: {  	_ =	swait.eq @p0 [sflag:s5], $0x1  }
0xae: {  	[sflag:s5] =	ssyncadd.s32 @p0 $0xFFFFFFFF  }
0xaf: {  	s6 =	sshll.u32 @!p0 s1, $0xE  }
0xb0: {  	s6 =	sor.u32 @!p0 $0x4000, s6;
	s5 =	simm.s32 @!p0 $0x1B8D  }
0xb1: {  	s4 =	sshll.u32 @!p0 s4, $0x11;
	s6 =	sadd.s32 @!p0 $0x11B8D, s6;
	_ =	swait.eq @!p0 [sflag:s5], $0x1  }
0xb2: {  	s4 =	sor.u32 @!p0 s4, s6;
	[sflag:s5] =	ssyncadd.s32 @!p0 $0xFFFFFFFF  }
0xb3: {  	s25 =	simm.s32 $0x1B8E;
	s24 =	sld [smem:$0x3FFE];
	[sflag:s4] =	ssyncadd.remote.s32 @!p0 $0x1  }
0xb4: {  	s26 =	simm.s32 $execute0_lowered;
	[smem:$0x3FD2] =	sst s25  }
0xb5: {  	s5 =	sshll.u32 s26, $0x1;
	_ =	strace $0x80000049;
	[dreg:$0x1] =	wrdreg $0xFFFFFFFF  }
0xb6: {  	s28 =	simm.s32 $_size_execute0_lowered;
	s3 =	sadd.s32 s3, s5;
	[dreg:$0x0] =	wrdreg $0x0  }
0xb7: {  	s5 =	sshll.u32 s28, $0x1;
	[dreg:$0x2] =	wrdreg s3  }
0xb8: {  	[dreg:$0x3] =	wrdreg s5  }
0xb9: {  	[dreg:$0x4] =	wrdreg $0xC0  }
0xba: {  	_ =	task [dreg:s22], $0x5FFFF  }
0xbb: {  	[dreg:$0x1] =	wrdreg $0xFFFFFFFF  }
0xbc: {  	[dreg:$0x0] =	wrdreg $0x60  }
0xbd: {  	[dreg:$0x2] =	wrdreg s24  }
0xbe: {  	[dreg:$0x3] =	wrdreg $0x41000  }
0xbf: {  	[dreg:$0x4] =	wrdreg $0x9  }
0xc0: {  	_ =	task.clear_ibuf [dreg:s22], $0x5FFFF;
	_ =	strace $0x90000049  }
0xc1: {  	s29 =	simm.s32 $0x9;
	_ =	strace $0x8000004B  }
0xc2: {  	_ =	swait.ge [sflag:s29], $0x1  }
0xc3: {  	[sflag:s29] =	ssyncadd.s32 $0xFFFFFFFF  }
0xc4: {  	_ =	strace $0x9000004B  }
0xc5: {  	_ =	sfence  }
0xc6: {  	s30 =	sld [smem:$0x0];
	_ =	sdelay $0x2  }
0xc7: {  	s31 =	sshll.u32 s1, $0xD;
	s1 =	sshrl.u32 s1, $0x2  }
0xc8: {  	s4 =	sand.u32 $0x4000, s31;
	s1 =	sadd.s32 s1, s30  }
0xc9: {  	s0 =	sor.u32 s4, s0;
	s1 =	sshll.u32 s1, $0x11  }
0xca: {  	s0 =	sor.u32 s1, s0  }
0xcb: {  	s0 =	sadd.s32 $0x8F2B, s0  }
0xcc: {  	[sflag:s0] =	ssyncadd.remote.s32 $0x1  }
0xcd: {  	_ =	sfence.sel $0xFFFF  }
0xce: {  	[dreg:$0x0] =	wrdreg $0xFFFFFFFF;
	(pc) =	sbr.abs _section_cstart, $3  }
0xcf: {  	[dreg:$0x1] =	wrdreg $0xFFFFFFFF  }
0xd0: {  	_ =	task.clear_ibuf [dreg:s22], $0x2FFFF;
	_ =	strace $0x9FFFFFFF  }
0xd1: {  	(tm) =	ssettm $0x7FFFFFFF  }
tec
execute0_lowered:
.L_overlay_start_1:
0x0: {  	(tag) =	ssettag $0x1  }
0x1: {  	s4 =	rddreg [dreg:$0x0]  }
0x2: {  	s2 =	rddreg [dreg:$0x1]  }
0x3: {  	s0 =	rddreg [dreg:$0x2];
	s3 =	simm.s32 $0x0  }
0x4: {  	s1 =	stileid.u32;
	s5 =	srdreg.scid;
	s14 =	simm.s32 $0x1  }
0x5: {  	s16 =	simm.s32 $0x100;
	s17 =	simm.s32 $0x0;
	[smem:$0x7FF] =	sst s3  }
0x6: {  	s6 =	smul.u32 $0x500, s1;
	s15 =	sand.u32 $0x1, s5;
	s28 =	sshll.u32 s1, $0x4  }
0x7: {  	s30 =	ssub.s32 $0x8C, s1;
	s31 =	ssub.s32 $0x4F1, s1;
	s8 =	smul.u32 $0xA000, s1  }
0x8: {  	s13 =	sshll.u32 s1, $0x6;
	_ =	strace $0x8000004A;
	s7 =	ssub.s32 $0x2, s15  }
0x9: {  	s10 =	sadd.s32 s28, s4;
	s5 =	sshrl.u32 s31, $0x4;
	s13 =	sor.u32 $0x1C01, s13  }
.Ltmp0:
0xa: {  	p0 =	sne.s32 s15, $0x0;
	s15 =	simm.s32 $0x80;
	(pc) =	sbr.rel .LBB2_1-.Ltmp0, $4  }
0xb: {  	s12 =	sadd.s32 s6, s4;
	s29 =	sshrl.u32 s7, $0x1;
	s4 =	sshrl.u32 s30, $0x4  }
0xc: {  	s8 =	sshrl.u32 s8, $0x2;
	s9 =	sadd.s32 $0x126A00, s10;
	s10 =	sadd.s32 $0x12BA00, s10  }
0xd: {  	s7 =	ssub.s32 s7, s29;
	s8 =	sadd.s32 s8, s2;
	s11 =	sadd.s32 $0x157C00, s12  }
0xe: {  	s6 =	smax.u32 s7, $0x1;
	s7 =	sadd.s32 $0x63000, s12;
	s12 =	sadd.s32 $0x130A00, s12  }
.LBB2_13:
0xf: {  	[sflag:s14] =	ssyncadd.s32 $0xFFFFFB00  }
.LBB2_14:
0x10: {  	s17 =	sadd.s32 $0x1, s17  }
0x11: {  	p1 =	sne.s32 s17, s6  }
.Ltmp1:
0x12: {  	_ = 	snop;
	(pc) =	sbr.rel @!p1 .LBB2_15-.Ltmp1, $1  }
0x13: {  	_ =	sdelay $0x3  }
.LBB2_1:
0x14: {  	p1 =	sne.s32 s4, $0x1  }
.Ltmp2:
0x15: {  	_ = 	snop;
	(pc) =	sbr.rel @!p1 .LBB2_3-.Ltmp2, $4  }
0x16: {  	s18 =	sshrl.u32 s8, $0x3  }
0x17: {  	[spmem:s18], [sflag:s13] =	dma.local [hbm:s7], $0x500  }
0x18: {  	s19 =	sadd.s32 $0xFFFFFFFF, s4;
	_ =	swait.ge [sflag:s14], $0x500  }
0x19: {  	s20 =	sadd.s32 $0x28000, s8;
	s21 =	smov.u32 s7;
	[sflag:s14] =	ssyncset.done $0x0  }
.LBB2_2:
0x1a: {  	s22 =	sshrl.u32 s20, $0x3  }
0x1b: {  	[sflag:s14] =	ssyncadd.s32 $0xFFFFFB00;
	s21 =	sadd.s32 $0x5000, s21;
	p2 =	sne.s32 s19, $0x1  }
0x1c: {  	[spmem:s22], [sflag:s13] =	dma.local [hbm:s21], $0x500  }
.Ltmp3:
0x1d: {  	_ = 	snop;
	(pc) =	sbr.rel @p2 .LBB2_2-.Ltmp3, $4  }
0x1e: {  	_ = 	snop  }
0x1f: {  	s19 =	sadd.s32 $0xFFFFFFFF, s19  }
0x20: {  	_ =	swait.ge [sflag:s14], $0x500  }
0x21: {  	s20 =	sadd.s32 $0x28000, s20;
	[sflag:s14] =	ssyncset.done $0x0  }
.LBB2_3:
.Ltmp4:
0x22: {  	(pc) =	sbr.rel @p0 .LBB2_9-.Ltmp4, $3  }
0x23: {  	_ = 	snop  }
0x24: {  	[sflag:s14] =	ssyncadd.s32 $0xFFFFFB00  }
0x25: {  	[bflag:$0x0] =	sbarrier.arrive $0xFFFF;
	_ =	sdelay $0x1  }
0x26: {  	[tilespmem:s3], [sflag:$0x1] =	stream.linear.gather [hbm4b:s10+s3], $0x80, $0x38;
	[tilespmem:$0x179C0] =	vst v63  }
0x27: {  	_ =	swait.ge [sflag:s14], $0x80  }
0x28: {  	[sflag:s14] =	ssyncset.done $0x0  }
0x29: {  	[sflag:s14] =	ssyncadd.s32 $0xFFFFFF80  }
0x2a: {  	[tilespmem:s15], [sflag:$0x1] =	stream.linear.gather [hbm4b:s9+s3], $0x80, $0x38;
	[tilespmem:$0x179C0] =	vst v63  }
0x2b: {  	p1 =	seq.s32 s5, $0x1;
	_ =	swait.ge [sflag:s14], $0x80  }
.Ltmp5:
0x2c: {  	[sflag:s14] =	ssyncset.done $0x0;
	(pc) =	sbr.rel @p1 .LBB2_6-.Ltmp5, $4  }
0x2d: {  	[sflag:s14] =	ssyncadd.s32 $0xFFFFFF80  }
0x2e: {  	[spmem:s2] =	stream.indirect.scatter.add.f32 [tilespmem:s16], [sflag:$0x1], $0x80, s15, s15, $0xb8;
	[tilespmem:$0x179C0] =	vst v63  }
0x2f: {  	s19 =	sadd.s32 $0xFFFFFFFF, s5;
	_ =	swait.ge [sflag:s14], $0x4000  }
0x30: {  	s20 =	smov.u32 s9;
	s21 =	smov.u32 s10;
	[sflag:s14] =	ssyncset.done $0x0  }
.LBB2_5:
0x31: {  	[sflag:s14] =	ssyncadd.s32 $0xFFFFC000;
	s20 =	sadd.s32 $0x100, s20;
	s21 =	sadd.s32 $0x100, s21  }
0x32: {  	[tilespmem:s3], [sflag:$0x1] =	stream.linear.gather [hbm4b:s21+s3], $0x80, $0x38;
	[tilespmem:$0x179C0] =	vst v63  }
0x33: {  	p1 =	seq.s32 s19, $0x1;
	s19 =	sadd.s32 $0xFFFFFFFF, s19;
	_ =	swait.ge [sflag:s14], $0x80  }
0x34: {  	[sflag:s14] =	ssyncset.done $0x0  }
0x35: {  	[sflag:s14] =	ssyncadd.s32 $0xFFFFFF80  }
0x36: {  	[tilespmem:s15], [sflag:$0x1] =	stream.linear.gather [hbm4b:s20+s3], $0x80, $0x38;
	[tilespmem:$0x179C0] =	vst v63  }
0x37: {  	_ =	swait.ge [sflag:s14], $0x80  }
.Ltmp6:
0x38: {  	[sflag:s14] =	ssyncset.done $0x0;
	(pc) =	sbr.rel @!p1 .LBB2_5-.Ltmp6, $4  }
0x39: {  	[sflag:s14] =	ssyncadd.s32 $0xFFFFFF80  }
0x3a: {  	[spmem:s2] =	stream.indirect.scatter.add.f32 [tilespmem:s16], [sflag:$0x1], $0x80, s15, s15, $0xb8;
	[tilespmem:$0x179C0] =	vst v63  }
0x3b: {  	_ =	swait.ge [sflag:s14], $0x4000  }
0x3c: {  	[sflag:s14] =	ssyncset.done $0x0  }
.LBB2_6:
0x3d: {  	p1 =	seq.s32 s4, $0x1  }
.Ltmp7:
0x3e: {  	[sflag:s14] =	ssyncadd.s32 $0xFFFFC000;
	(pc) =	sbr.rel @p1 .LBB2_8-.Ltmp7, $4  }
0x3f: {  	[bflag:$0x0] =	sbarrier.arrive $0xFFFF  }
0x40: {  	[hbm:s12], [sflag:s13] =	dma.local [spmem:s18], $0x500  }
0x41: {  	s19 =	sadd.s32 $0x28000, s8;
	_ =	swait.ge [sflag:s14], $0x500  }
0x42: {  	s20 =	smov.u32 s12;
	s18 =	sadd.s32 $0xFFFFFFFF, s4;
	[sflag:s14] =	ssyncset.done $0x0  }
.LBB2_7:
0x43: {  	s21 =	sshrl.u32 s19, $0x3  }
0x44: {  	[sflag:s14] =	ssyncadd.s32 $0xFFFFFB00;
	s20 =	sadd.s32 $0x5000, s20;
	p1 =	seq.s32 s18, $0x1  }
0x45: {  	[hbm:s20], [sflag:s13] =	dma.local [spmem:s21], $0x500  }
.Ltmp8:
0x46: {  	_ = 	snop;
	(pc) =	sbr.rel @!p1 .LBB2_7-.Ltmp8, $4  }
0x47: {  	_ = 	snop  }
0x48: {  	s18 =	sadd.s32 $0xFFFFFFFF, s18  }
0x49: {  	_ =	swait.ge [sflag:s14], $0x500  }
0x4a: {  	s19 =	sadd.s32 $0x28000, s19;
	[sflag:s14] =	ssyncset.done $0x0  }
.LBB2_8:
.Ltmp9:
0x4b: {  	(pc) =	sbr.rel .LBB2_14-.Ltmp9, $2  }
0x4c: {  	_ =	sdelay $0x2  }
0x4d: {  	[sflag:s14] =	ssyncadd.s32 $0xFFFFFB00  }
.LBB2_9:
0x4e: {  	[tilespmem:s3], [sflag:$0x1] =	stream.linear.gather [hbm4b:s10+s3], $0x80, $0x38;
	[tilespmem:$0x179C0] =	vst v63  }
0x4f: {  	_ =	swait.ge [sflag:s14], $0x80  }
0x50: {  	[sflag:s14] =	ssyncset.done $0x0  }
0x51: {  	[sflag:s14] =	ssyncadd.s32 $0xFFFFFF80  }
0x52: {  	[tilespmem:s15], [sflag:$0x1] =	stream.linear.gather [hbm4b:s9+s3], $0x80, $0x38;
	[tilespmem:$0x179C0] =	vst v63  }
0x53: {  	p2 =	seq.s32 s5, $0x1;
	_ =	swait.ge [sflag:s14], $0x80  }
.Ltmp10:
0x54: {  	[sflag:s14] =	ssyncset.done $0x0;
	(pc) =	sbr.rel @p2 .LBB2_11-.Ltmp10, $4  }
0x55: {  	[sflag:s14] =	ssyncadd.s32 $0xFFFFFF80  }
0x56: {  	[spmem:s2] =	stream.indirect.scatter.add.f32 [tilespmem:s16], [sflag:$0x1], $0x80, s15, s15, $0xb8;
	[tilespmem:$0x179C0] =	vst v63  }
0x57: {  	s19 =	sadd.s32 $0xFFFFFFFF, s5;
	_ =	swait.ge [sflag:s14], $0x4000  }
0x58: {  	s20 =	smov.u32 s9;
	s21 =	smov.u32 s10;
	[sflag:s14] =	ssyncset.done $0x0  }
.LBB2_10:
0x59: {  	[sflag:s14] =	ssyncadd.s32 $0xFFFFC000;
	s20 =	sadd.s32 $0x100, s20;
	s21 =	sadd.s32 $0x100, s21  }
0x5a: {  	[tilespmem:s3], [sflag:$0x1] =	stream.linear.gather [hbm4b:s21+s3], $0x80, $0x38;
	[tilespmem:$0x179C0] =	vst v63  }
0x5b: {  	p2 =	seq.s32 s19, $0x1;
	s19 =	sadd.s32 $0xFFFFFFFF, s19;
	_ =	swait.ge [sflag:s14], $0x80  }
0x5c: {  	[sflag:s14] =	ssyncset.done $0x0  }
0x5d: {  	[sflag:s14] =	ssyncadd.s32 $0xFFFFFF80  }
0x5e: {  	[tilespmem:s15], [sflag:$0x1] =	stream.linear.gather [hbm4b:s20+s3], $0x80, $0x38;
	[tilespmem:$0x179C0] =	vst v63  }
0x5f: {  	_ =	swait.ge [sflag:s14], $0x80  }
.Ltmp11:
0x60: {  	[sflag:s14] =	ssyncset.done $0x0;
	(pc) =	sbr.rel @!p2 .LBB2_10-.Ltmp11, $4  }
0x61: {  	[sflag:s14] =	ssyncadd.s32 $0xFFFFFF80  }
0x62: {  	[spmem:s2] =	stream.indirect.scatter.add.f32 [tilespmem:s16], [sflag:$0x1], $0x80, s15, s15, $0xb8;
	[tilespmem:$0x179C0] =	vst v63  }
0x63: {  	_ =	swait.ge [sflag:s14], $0x4000  }
0x64: {  	[sflag:s14] =	ssyncset.done $0x0  }
.LBB2_11:
.Ltmp12:
0x65: {  	[sflag:s14] =	ssyncadd.s32 $0xFFFFC000;
	(pc) =	sbr.rel @!p1 .LBB2_13-.Ltmp12, $4  }
0x66: {  	[bflag:$0x0] =	sbarrier.arrive $0xFFFF  }
0x67: {  	[hbm:s11], [sflag:s13] =	dma.local [spmem:s18], $0x500  }
0x68: {  	s19 =	sadd.s32 $0x28000, s8;
	_ =	swait.ge [sflag:s14], $0x500  }
0x69: {  	s20 =	smov.u32 s11;
	s18 =	sadd.s32 $0xFFFFFFFF, s4;
	[sflag:s14] =	ssyncset.done $0x0  }
.LBB2_12:
0x6a: {  	s21 =	sshrl.u32 s19, $0x3  }
0x6b: {  	[sflag:s14] =	ssyncadd.s32 $0xFFFFFB00;
	s20 =	sadd.s32 $0x5000, s20;
	p1 =	sne.s32 s18, $0x1  }
0x6c: {  	[hbm:s20], [sflag:s13] =	dma.local [spmem:s21], $0x500  }
.Ltmp13:
0x6d: {  	_ = 	snop;
	(pc) =	sbr.rel @p1 .LBB2_12-.Ltmp13, $4  }
0x6e: {  	_ = 	snop  }
0x6f: {  	s18 =	sadd.s32 $0xFFFFFFFF, s18  }
0x70: {  	_ =	swait.ge [sflag:s14], $0x500  }
0x71: {  	s19 =	sadd.s32 $0x28000, s19;
	[sflag:s14] =	ssyncset.done $0x0  }
.Ltmp14:
0x72: {  	_ = 	snop;
	(pc) =	sbr.rel .LBB2_13-.Ltmp14, $1  }
0x73: {  	_ =	sdelay $0x3  }
.LBB2_15:
0x74: {  	_ =	sfence.sel $0x180000  }
0x75: {  	[bflag:$0x0] =	sbarrier.arrive $0xFFFF  }
0x76: {  	p0 =	sne.s32 s1, $0x0;
	_ =	strace $0x9000004A  }
0x77: {  	s0 =	sadd.s32 @!p0 $0x100000, s0;
	[bflag:$0x2] =	sbarrier.arrive $0xFFFF  }
0x78: {  	[sflag:s0] =	ssyncadd.tile.s32 @!p0 $0x1;
	_ =	shalt  }
.Lfunc_end2:
_tile_overlayer_lowered:
.L_overlay_start_2:
0x79: {  	(tag) =	ssettag $0x2  }
0x7a: {  	s0 =	rddreg [dreg:$0x0];
	s2 =	stileid.u32  }
0x7b: {  	s1 =	rddreg [dreg:$0x1];
	p0 =	sne.s32 s2, $0x0  }
0x7c: {  	s3 =	rddreg [dreg:$0x2];
	[bflag:$0x3] =	sbarrier.arrive $0xFFFF;
	s2 =	simm.s32 @!p0 $0x1C01  }
0x7d: {  	[timem:s3], [sflag:s2] =	dma.local @!p0 [hbm:s0], s1  }
0x7e: {  	s0 =	simm.s32 @!p0 $0x1  }
0x7f: {  	_ =	swait.ge @!p0 [sflag:s0], s1  }
0x80: {  	s1 =	ssub.s32 @!p0 $0x0, s1;
	[sflag:s0] =	ssyncset.done @!p0 $0x0  }
0x81: {  	[sflag:s0] =	ssyncadd.s32 @!p0 s1  }
0x82: {  	[bflag:$0x3] =	sbarrier.arrive $0xFFFF  }
0x83: {  	_ =	shalt  }

// kernel: kernel.22.cloned.1.call-start
scs
__scs_entry_jumppad:
0x0: {  	(pc) =	sbr.rel $0x88, $3  }
0x1: {  	(tag) =	ssettag $0x0;
	lr =	simm.s32 $0x1  }
0x2: {  	[smem:$0x3F8B] =	sst lr;
	_ =	strace $0xD0000000  }
0x3: {  	_ = 	snop  }
0x4: {  	_ = 	snop  }
0x5: {  	_ = 	snop  }
0x6: {  	_ = 	snop  }
0x7: {  	_ = 	snop  }
__scs_overlays_trampoline_lowered:
0x8: {  	[smem:$0x3F9A] =	sst s0  }
0x9: {  	[smem:$0x3F9B] =	sst s1  }
0xa: {  	[smem:$0x3F9C] =	sst s2  }
0xb: {  	[smem:$0x3F9D] =	sst s3  }
0xc: {  	[smem:$0x3F9E] =	sst s4  }
0xd: {  	[smem:$0x3F9F] =	sst s5  }
0xe: {  	[smem:$0x3FA0] =	sst s6  }
0xf: {  	[smem:$0x3FA1] =	sst s7  }
0x10: {  	[smem:$0x3FA2] =	sst s8  }
0x11: {  	[smem:$0x3FA3] =	sst s9;
	s0 =	simm.s32 @!p0 $0x0  }
0x12: {  	s1 =	sld [smem:$0x3F89];
	s0 =	simm.s32 @p0 $0x1  }
0x13: {  	[smem:$0x3FA4] =	sst s0;
	s0 =	simm.s32 @!p1 $0x0  }
0x14: {  	s2 =	sld [smem:$0x3F88];
	s0 =	simm.s32 @p1 $0x1  }
0x15: {  	[smem:$0x3FA5] =	sst s0;
	s0 =	simm.s32 @!p2 $0x0  }
0x16: {  	s3 =	sld [smem:$0x3FDB];
	s0 =	simm.s32 @p2 $0x1  }
0x17: {  	s4 =	simm.s32 $0x1BF5;
	[smem:$0x3FA7] =	sst s0  }
0x18: {  	s0 =	sld [smem:$0x3F8A];
	_ =	swait.ge [sflag:s4], $0x0  }
0x19: {  	s7 =	sld [smem:$0x3F8B]  }
0x1a: {  	s8 =	sadd.s32 $0xFFFFE003, lr  }
0x1b: {  	s9 =	sadd.s32 $0xFFFFFEF7, lr;
	s5 =	simm.s32 $0xFFFFFFFF;
	p2 =	slt.u32 s8, $0xFFFFF086  }
0x1c: {  	p1 =	slt.u32 s9, $0xF7A;
	s5 =	simm.s32 @!p2 $0x0  }
0x1d: {  	s5 =	simm.s32 @p1 $0x1;
	p0 =	seq.s32 s7, s2  }
0x1e: {  	s7 =	smul.u32 @!p0 $0xF7A, s2;
	p2 =	seq.s32 @!p0 s5, $0x0  }
0x1f: {  	s9 =	smul.u32 $0xF7A, s1;
	s8 =	simm.s32 @!p0 $0x1BF5;
	p2 =	por !p2, p0  }
0x20: {  	[sflag:s8] =	ssyncset.s32 @!p0 $0xFFFFF086;
	s6 =	sadd.s32 @!p0 s3, s7;
	s7 =	simm.s32 @!p0 $0x108  }
0x21: {  	s3 =	sadd.s32 s3, s9;
	s6 =	sadd.s32 @!p0 $0x88, s6;
	s7 =	simm.s32 @p2 $0x1082  }
0x22: {  	[simem:s7], [sflag:s8] =	dma.local @!p0 [hbm:s6], $0xF7A  }
0x23: {  	s9 =	sor.u32 $0xD0000000, s2;
	s6 =	simm.s32 $0x108;
	_ =	swait.ge @!p0 [sflag:s8], $0x0  }
0x24: {  	s3 =	sadd.s32 $0x88, s3;
	s6 =	simm.s32 @!p1 $0x1082;
	[sflag:s4] =	ssyncset.s32 $0xFFFFF086  }
0x25: {  	[simem:s6], [sflag:s4] =	dma.local [hbm:s3], $0xF7A  }
0x26: {  	[smem:$0x3F8B] =	sst s1;
	(tag) =	ssettag s2;
	_ =	strace s9  }
0x27: {  	s1 =	sld [smem:$0x3F9B]  }
0x28: {  	s2 =	sld [smem:$0x3F9C]  }
0x29: {  	s4 =	sld [smem:$0x3F9E]  }
0x2a: {  	p0 =	seq.s32 s5, $0x0;
	s5 =	sld [smem:$0x3F9F]  }
0x2b: {  	s6 =	sld [smem:$0x3FA0]  }
0x2c: {  	s7 =	sld [smem:$0x3FA1]  }
0x2d: {  	s3 =	simm.s32 $0x108;
	s8 =	sld [smem:$0x3FA2]  }
0x2e: {  	s3 =	simm.s32 @!p0 $0x1082;
	s9 =	sld [smem:$0x3FA3]  }
0x2f: {  	lr =	sadd.s32 s0, s3;
	s0 =	sld [smem:$0x3F9A]  }
0x30: {  	s3 =	sld [smem:$0x3F9D]  }
0x31: {  	[smem:$0x3FA6] =	sst s10  }
0x32: {  	s10 =	sld [smem:$0x3FA4];
	_ =	sdelay $0x3  }
0x33: {  	p0 =	seq.s32 s10, $0x1;
	s10 =	sld [smem:$0x3FA6];
	_ =	sdelay $0x3  }
0x34: {  	[smem:$0x3FA6] =	sst s10  }
0x35: {  	s10 =	sld [smem:$0x3FA5];
	_ =	sdelay $0x3  }
0x36: {  	p1 =	seq.s32 s10, $0x1;
	s10 =	sld [smem:$0x3FA6];
	_ =	sdelay $0x3  }
0x37: {  	[smem:$0x3FA6] =	sst s10  }
0x38: {  	s10 =	sld [smem:$0x3FA7]  }
0x39: {  	_ = 	snop;
	(pc) =	sbr.ind lr, $3  }
0x3a: {  	_ = 	snop  }
0x3b: {  	_ = 	snop  }
0x3c: {  	p2 =	seq.s32 s10, $0x1;
	s10 =	sld [smem:$0x3FA6]  }
0x3d: {  	_ =	shalt  }
0x3e: {  	_ =	shalt  }
0x3f: {  	_ =	shalt  }
0x40: {  	_ =	shalt  }
0x41: {  	_ =	shalt  }
0x42: {  	_ =	shalt  }
0x43: {  	_ =	shalt  }
0x44: {  	_ =	shalt  }
0x45: {  	_ =	shalt  }
0x46: {  	_ =	shalt  }
0x47: {  	_ =	shalt  }
0x48: {  	_ =	shalt  }
0x49: {  	_ =	shalt  }
0x4a: {  	_ =	shalt  }
0x4b: {  	_ =	shalt  }
0x4c: {  	_ =	shalt  }
0x4d: {  	_ =	shalt  }
0x4e: {  	_ =	shalt  }
0x4f: {  	_ =	shalt  }
0x50: {  	_ =	shalt  }
0x51: {  	_ =	shalt  }
0x52: {  	_ =	shalt  }
0x53: {  	_ =	shalt  }
0x54: {  	_ =	shalt  }
0x55: {  	_ =	shalt  }
0x56: {  	_ =	shalt  }
0x57: {  	_ =	shalt  }
0x58: {  	_ =	shalt  }
0x59: {  	_ =	shalt  }
0x5a: {  	_ =	shalt  }
0x5b: {  	_ =	shalt  }
0x5c: {  	_ =	shalt  }
0x5d: {  	_ =	shalt  }
0x5e: {  	_ =	shalt  }
0x5f: {  	_ =	shalt  }
0x60: {  	_ =	shalt  }
0x61: {  	_ =	shalt  }
0x62: {  	_ =	shalt  }
0x63: {  	_ =	shalt  }
0x64: {  	_ =	shalt  }
0x65: {  	_ =	shalt  }
0x66: {  	_ =	shalt  }
0x67: {  	_ =	shalt  }
0x68: {  	_ =	shalt  }
0x69: {  	_ =	shalt  }
0x6a: {  	_ =	shalt  }
0x6b: {  	_ =	shalt  }
0x6c: {  	_ =	shalt  }
0x6d: {  	_ =	shalt  }
0x6e: {  	_ =	shalt  }
0x6f: {  	_ =	shalt  }
0x70: {  	_ =	shalt  }
0x71: {  	_ =	shalt  }
0x72: {  	_ =	shalt  }
0x73: {  	_ =	shalt  }
0x74: {  	_ =	shalt  }
0x75: {  	_ =	shalt  }
0x76: {  	_ =	shalt  }
0x77: {  	_ =	shalt  }
0x78: {  	_ =	shalt  }
0x79: {  	_ =	shalt  }
0x7a: {  	_ =	shalt  }
0x7b: {  	_ =	shalt  }
0x7c: {  	_ =	shalt  }
0x7d: {  	_ =	shalt  }
0x7e: {  	_ =	shalt  }
0x7f: {  	_ =	shalt  }
0x80: {  	_ =	shalt  }
0x81: {  	_ =	shalt  }
0x82: {  	_ =	shalt  }
0x83: {  	_ =	shalt  }
0x84: {  	_ =	shalt  }
0x85: {  	_ =	shalt  }
0x86: {  	_ =	shalt  }
0x87: {  	_ =	shalt  }
.Lfunc_end0:
.L_simem_size_0:
called_computation.1_lowered:
.L_overlay_start_0:
0x88: {  	s2 =	sld [smem:$0x3FD9]  }
0x89: {  	s3 =	sld [smem:$0x3FFE];
	_ =	sdelay $0x1  }
0x8a: {  	s1 =	srdreg.scid  }
0x8b: {  	s0 =	sand.u32 $0x1, s1  }
0x8c: {  	s17 =	sshll.u32 s0, $0xA;
	s2 =	sadd.s32 s3, s2  }
0x8d: {  	s2 =	sadd.s32 s2, s17  }
0x8e: {  	[smem:$0x3FB2] =	sst s2  }
0x8f: {  	_ = 	snop  }
0x90: {  	(tm) =	ssettm $0x1  }
0x91: {  	s18 =	sld [smem:$0x3FFB];
	_ =	sdelay $0x3  }
0x92: {  	_ =	strace s18  }
0x93: {  	s2 =	sld [smem:$0x3FFC];
	_ =	sdelay $0x3  }
0x94: {  	_ =	strace s2  }
0x95: {  	s2 =	sld [smem:$0x3FFD];
	_ =	sdelay $0x3  }
0x96: {  	_ =	strace s2  }
0x97: {  	_ =	strace $0x8FFFFFFF  }
0x98: {  	s19 =	sld [smem:$0x3FDB];
	_ =	sdelay $0x1  }
0x99: {  	s20 =	simm.s32 $_scs_section_size  }
0x9a: {  	s4 =	simm.s32 $_size__tile_overlayer_lowered;
	s5 =	simm.s32 $_tile_overlayer_lowered  }
0x9b: {  	s6 =	simm.s32 $0x1BFF;
	s21 =	sshll.u32 s5, $0x1;
	s3 =	sadd.s32 s20, s19  }
0x9c: {  	s22 =	simm.s32 $0x0;
	s4 =	sshll.u32 s4, $0x1;
	s5 =	sadd.s32 s21, s3  }
0x9d: {  	[timem:s22], [sflag:s6] =	dma.local [hbm:s5], s4  }
0x9e: {  	_ =	swait.ge [sflag:s6], s4  }
0x9f: {  	s4 =	ssub.s32 $0x0, s4;
	[sflag:s6] =	ssyncset.done $0x0  }
0xa0: {  	[sflag:s6] =	ssyncadd.s32 s4;
	_ =	sdelay $0x1  }
0xa1: {  	s23 =	simm.s32 $0x1B8B  }
0xa2: {  	_ =	swait.ge [sflag:s23], $0x1  }
0xa3: {  	[sflag:s23] =	ssyncset.done $0x0  }
0xa4: {  	[sflag:s23] =	ssyncadd.s32 $0xFFFFFFFF  }
0xa5: {  	s4 =	sld [smem:$0x0]  }
0xa6: {  	s5 =	sand.u32 $0xFFFFFFFE, s1  }
0xa7: {  	p0 =	sne.s32 s1, s5  }
0xa8: {  	s5 =	sshll.u32 @p0 s5, $0xE  }
0xa9: {  	s5 =	sadd.s32 @p0 $0x11B8D, s5;
	s6 =	sshll.u32 @p0 s4, $0x11  }
0xaa: {  	s5 =	sor.u32 @p0 s6, s5  }
0xab: {  	[sflag:s5] =	ssyncadd.remote.s32 @p0 $0x1;
	_ =	sdelay $0x1  }
0xac: {  	s5 =	simm.s32 @p0 $0x1B8D  }
0xad: {  	_ =	swait.eq @p0 [sflag:s5], $0x1  }
0xae: {  	[sflag:s5] =	ssyncadd.s32 @p0 $0xFFFFFFFF  }
0xaf: {  	s6 =	sshll.u32 @!p0 s1, $0xE  }
0xb0: {  	s6 =	sor.u32 @!p0 $0x4000, s6;
	s5 =	simm.s32 @!p0 $0x1B8D  }
0xb1: {  	s4 =	sshll.u32 @!p0 s4, $0x11;
	s6 =	sadd.s32 @!p0 $0x11B8D, s6;
	_ =	swait.eq @!p0 [sflag:s5], $0x1  }
0xb2: {  	s4 =	sor.u32 @!p0 s4, s6;
	[sflag:s5] =	ssyncadd.s32 @!p0 $0xFFFFFFFF  }
0xb3: {  	s25 =	simm.s32 $0x1B8E;
	s24 =	sld [smem:$0x3FFE];
	[sflag:s4] =	ssyncadd.remote.s32 @!p0 $0x1  }
0xb4: {  	s26 =	simm.s32 $execute0_lowered;
	[smem:$0x3FD2] =	sst s25  }
0xb5: {  	s5 =	sshll.u32 s26, $0x1;
	_ =	strace $0x8000004F;
	[dreg:$0x1] =	wrdreg $0xFFFFFFFF  }
0xb6: {  	s28 =	simm.s32 $_size_execute0_lowered;
	s3 =	sadd.s32 s3, s5;
	[dreg:$0x0] =	wrdreg $0x0  }
0xb7: {  	s5 =	sshll.u32 s28, $0x1;
	[dreg:$0x2] =	wrdreg s3  }
0xb8: {  	[dreg:$0x3] =	wrdreg s5  }
0xb9: {  	[dreg:$0x4] =	wrdreg $0xC0  }
0xba: {  	_ =	task [dreg:s22], $0x5FFFF  }
0xbb: {  	[dreg:$0x1] =	wrdreg $0xFFFFFFFF  }
0xbc: {  	[dreg:$0x0] =	wrdreg $0x60  }
0xbd: {  	[dreg:$0x2] =	wrdreg s24  }
0xbe: {  	[dreg:$0x3] =	wrdreg $0x41000  }
0xbf: {  	[dreg:$0x4] =	wrdreg $0x9  }
0xc0: {  	_ =	task.clear_ibuf [dreg:s22], $0x5FFFF;
	_ =	strace $0x9000004F  }
0xc1: {  	s29 =	simm.s32 $0x9;
	_ =	strace $0x80000051  }
0xc2: {  	_ =	swait.ge [sflag:s29], $0x1  }
0xc3: {  	[sflag:s29] =	ssyncadd.s32 $0xFFFFFFFF  }
0xc4: {  	_ =	strace $0x90000051  }
0xc5: {  	_ =	sfence  }
0xc6: {  	s30 =	sld [smem:$0x0];
	_ =	sdelay $0x2  }
0xc7: {  	s31 =	sshll.u32 s1, $0xD;
	s1 =	sshrl.u32 s1, $0x2  }
0xc8: {  	s4 =	sand.u32 $0x4000, s31;
	s1 =	sadd.s32 s1, s30  }
0xc9: {  	s0 =	sor.u32 s4, s0;
	s1 =	sshll.u32 s1, $0x11  }
0xca: {  	s0 =	sor.u32 s1, s0  }
0xcb: {  	s0 =	sadd.s32 $0x8F2B, s0  }
0xcc: {  	[sflag:s0] =	ssyncadd.remote.s32 $0x1  }
0xcd: {  	_ =	sfence.sel $0xFFFF  }
0xce: {  	[dreg:$0x0] =	wrdreg $0xFFFFFFFF;
	(pc) =	sbr.abs _section_cstart, $3  }
0xcf: {  	[dreg:$0x1] =	wrdreg $0xFFFFFFFF  }
0xd0: {  	_ =	task.clear_ibuf [dreg:s22], $0x2FFFF;
	_ =	strace $0x9FFFFFFF  }
0xd1: {  	(tm) =	ssettm $0x7FFFFFFF  }
tec
execute0_lowered:
.L_overlay_start_1:
0x0: {  	(tag) =	ssettag $0x1  }
0x1: {  	s4 =	rddreg [dreg:$0x0]  }
0x2: {  	s2 =	rddreg [dreg:$0x1]  }
0x3: {  	s0 =	rddreg [dreg:$0x2];
	s3 =	simm.s32 $0x0  }
0x4: {  	s1 =	stileid.u32;
	s5 =	srdreg.scid;
	s14 =	simm.s32 $0x1  }
0x5: {  	s16 =	simm.s32 $0x100;
	s17 =	simm.s32 $0x0;
	[smem:$0x7FF] =	sst s3  }
0x6: {  	s6 =	smul.u32 $0x500, s1;
	s15 =	sand.u32 $0x1, s5;
	s28 =	sshll.u32 s1, $0x4  }
0x7: {  	s30 =	ssub.s32 $0x8C, s1;
	s31 =	ssub.s32 $0x4F1, s1;
	s8 =	smul.u32 $0xA000, s1  }
0x8: {  	s13 =	sshll.u32 s1, $0x6;
	_ =	strace $0x80000050;
	s7 =	ssub.s32 $0x2, s15  }
0x9: {  	s10 =	sadd.s32 s28, s4;
	s5 =	sshrl.u32 s31, $0x4;
	s13 =	sor.u32 $0x1C01, s13  }
.Ltmp0:
0xa: {  	p0 =	sne.s32 s15, $0x0;
	s15 =	simm.s32 $0x80;
	(pc) =	sbr.rel .LBB2_1-.Ltmp0, $4  }
0xb: {  	s12 =	sadd.s32 s6, s4;
	s29 =	sshrl.u32 s7, $0x1;
	s4 =	sshrl.u32 s30, $0x4  }
0xc: {  	s8 =	sshrl.u32 s8, $0x2;
	s9 =	sadd.s32 $0x126A00, s10;
	s10 =	sadd.s32 $0x12BA00, s10  }
0xd: {  	s7 =	ssub.s32 s7, s29;
	s8 =	sadd.s32 s8, s2;
	s11 =	sadd.s32 $0x1F4400, s12  }
0xe: {  	s6 =	smax.u32 s7, $0x1;
	s7 =	sadd.s32 $0x63000, s12;
	s12 =	sadd.s32 $0x1CD200, s12  }
.LBB2_13:
0xf: {  	[sflag:s14] =	ssyncadd.s32 $0xFFFFFB00  }
.LBB2_14:
0x10: {  	s17 =	sadd.s32 $0x1, s17  }
0x11: {  	p1 =	sne.s32 s17, s6  }
.Ltmp1:
0x12: {  	_ = 	snop;
	(pc) =	sbr.rel @!p1 .LBB2_15-.Ltmp1, $1  }
0x13: {  	_ =	sdelay $0x3  }
.LBB2_1:
0x14: {  	p1 =	sne.s32 s4, $0x1  }
.Ltmp2:
0x15: {  	_ = 	snop;
	(pc) =	sbr.rel @!p1 .LBB2_3-.Ltmp2, $4  }
0x16: {  	s18 =	sshrl.u32 s8, $0x3  }
0x17: {  	[spmem:s18], [sflag:s13] =	dma.local [hbm:s7], $0x500  }
0x18: {  	s19 =	sadd.s32 $0xFFFFFFFF, s4;
	_ =	swait.ge [sflag:s14], $0x500  }
0x19: {  	s20 =	sadd.s32 $0x28000, s8;
	s21 =	smov.u32 s7;
	[sflag:s14] =	ssyncset.done $0x0  }
.LBB2_2:
0x1a: {  	s22 =	sshrl.u32 s20, $0x3  }
0x1b: {  	[sflag:s14] =	ssyncadd.s32 $0xFFFFFB00;
	s21 =	sadd.s32 $0x5000, s21;
	p2 =	sne.s32 s19, $0x1  }
0x1c: {  	[spmem:s22], [sflag:s13] =	dma.local [hbm:s21], $0x500  }
.Ltmp3:
0x1d: {  	_ = 	snop;
	(pc) =	sbr.rel @p2 .LBB2_2-.Ltmp3, $4  }
0x1e: {  	_ = 	snop  }
0x1f: {  	s19 =	sadd.s32 $0xFFFFFFFF, s19  }
0x20: {  	_ =	swait.ge [sflag:s14], $0x500  }
0x21: {  	s20 =	sadd.s32 $0x28000, s20;
	[sflag:s14] =	ssyncset.done $0x0  }
.LBB2_3:
.Ltmp4:
0x22: {  	(pc) =	sbr.rel @p0 .LBB2_9-.Ltmp4, $3  }
0x23: {  	_ = 	snop  }
0x24: {  	[sflag:s14] =	ssyncadd.s32 $0xFFFFFB00  }
0x25: {  	[bflag:$0x0] =	sbarrier.arrive $0xFFFF;
	_ =	sdelay $0x1  }
0x26: {  	[tilespmem:s3], [sflag:$0x1] =	stream.linear.gather [hbm4b:s10+s3], $0x80, $0x38;
	[tilespmem:$0x179C0] =	vst v63  }
0x27: {  	_ =	swait.ge [sflag:s14], $0x80  }
0x28: {  	[sflag:s14] =	ssyncset.done $0x0  }
0x29: {  	[sflag:s14] =	ssyncadd.s32 $0xFFFFFF80  }
0x2a: {  	[tilespmem:s15], [sflag:$0x1] =	stream.linear.gather [hbm4b:s9+s3], $0x80, $0x38;
	[tilespmem:$0x179C0] =	vst v63  }
0x2b: {  	p1 =	seq.s32 s5, $0x1;
	_ =	swait.ge [sflag:s14], $0x80  }
.Ltmp5:
0x2c: {  	[sflag:s14] =	ssyncset.done $0x0;
	(pc) =	sbr.rel @p1 .LBB2_6-.Ltmp5, $4  }
0x2d: {  	[sflag:s14] =	ssyncadd.s32 $0xFFFFFF80  }
0x2e: {  	[spmem:s2] =	stream.indirect.scatter.add.f32 [tilespmem:s16], [sflag:$0x1], $0x80, s15, s15, $0xb8;
	[tilespmem:$0x179C0] =	vst v63  }
0x2f: {  	s19 =	sadd.s32 $0xFFFFFFFF, s5;
	_ =	swait.ge [sflag:s14], $0x4000  }
0x30: {  	s20 =	smov.u32 s9;
	s21 =	smov.u32 s10;
	[sflag:s14] =	ssyncset.done $0x0  }
.LBB2_5:
0x31: {  	[sflag:s14] =	ssyncadd.s32 $0xFFFFC000;
	s20 =	sadd.s32 $0x100, s20;
	s21 =	sadd.s32 $0x100, s21  }
0x32: {  	[tilespmem:s3], [sflag:$0x1] =	stream.linear.gather [hbm4b:s21+s3], $0x80, $0x38;
	[tilespmem:$0x179C0] =	vst v63  }
0x33: {  	p1 =	seq.s32 s19, $0x1;
	s19 =	sadd.s32 $0xFFFFFFFF, s19;
	_ =	swait.ge [sflag:s14], $0x80  }
0x34: {  	[sflag:s14] =	ssyncset.done $0x0  }
0x35: {  	[sflag:s14] =	ssyncadd.s32 $0xFFFFFF80  }
0x36: {  	[tilespmem:s15], [sflag:$0x1] =	stream.linear.gather [hbm4b:s20+s3], $0x80, $0x38;
	[tilespmem:$0x179C0] =	vst v63  }
0x37: {  	_ =	swait.ge [sflag:s14], $0x80  }
.Ltmp6:
0x38: {  	[sflag:s14] =	ssyncset.done $0x0;
	(pc) =	sbr.rel @!p1 .LBB2_5-.Ltmp6, $4  }
0x39: {  	[sflag:s14] =	ssyncadd.s32 $0xFFFFFF80  }
0x3a: {  	[spmem:s2] =	stream.indirect.scatter.add.f32 [tilespmem:s16], [sflag:$0x1], $0x80, s15, s15, $0xb8;
	[tilespmem:$0x179C0] =	vst v63  }
0x3b: {  	_ =	swait.ge [sflag:s14], $0x4000  }
0x3c: {  	[sflag:s14] =	ssyncset.done $0x0  }
.LBB2_6:
0x3d: {  	p1 =	seq.s32 s4, $0x1  }
.Ltmp7:
0x3e: {  	[sflag:s14] =	ssyncadd.s32 $0xFFFFC000;
	(pc) =	sbr.rel @p1 .LBB2_8-.Ltmp7, $4  }
0x3f: {  	[bflag:$0x0] =	sbarrier.arrive $0xFFFF  }
0x40: {  	[hbm:s12], [sflag:s13] =	dma.local [spmem:s18], $0x500  }
0x41: {  	s19 =	sadd.s32 $0x28000, s8;
	_ =	swait.ge [sflag:s14], $0x500  }
0x42: {  	s20 =	smov.u32 s12;
	s18 =	sadd.s32 $0xFFFFFFFF, s4;
	[sflag:s14] =	ssyncset.done $0x0  }
.LBB2_7:
0x43: {  	s21 =	sshrl.u32 s19, $0x3  }
0x44: {  	[sflag:s14] =	ssyncadd.s32 $0xFFFFFB00;
	s20 =	sadd.s32 $0x5000, s20;
	p1 =	seq.s32 s18, $0x1  }
0x45: {  	[hbm:s20], [sflag:s13] =	dma.local [spmem:s21], $0x500  }
.Ltmp8:
0x46: {  	_ = 	snop;
	(pc) =	sbr.rel @!p1 .LBB2_7-.Ltmp8, $4  }
0x47: {  	_ = 	snop  }
0x48: {  	s18 =	sadd.s32 $0xFFFFFFFF, s18  }
0x49: {  	_ =	swait.ge [sflag:s14], $0x500  }
0x4a: {  	s19 =	sadd.s32 $0x28000, s19;
	[sflag:s14] =	ssyncset.done $0x0  }
.LBB2_8:
.Ltmp9:
0x4b: {  	(pc) =	sbr.rel .LBB2_14-.Ltmp9, $2  }
0x4c: {  	_ =	sdelay $0x2  }
0x4d: {  	[sflag:s14] =	ssyncadd.s32 $0xFFFFFB00  }
.LBB2_9:
0x4e: {  	[tilespmem:s3], [sflag:$0x1] =	stream.linear.gather [hbm4b:s10+s3], $0x80, $0x38;
	[tilespmem:$0x179C0] =	vst v63  }
0x4f: {  	_ =	swait.ge [sflag:s14], $0x80  }
0x50: {  	[sflag:s14] =	ssyncset.done $0x0  }
0x51: {  	[sflag:s14] =	ssyncadd.s32 $0xFFFFFF80  }
0x52: {  	[tilespmem:s15], [sflag:$0x1] =	stream.linear.gather [hbm4b:s9+s3], $0x80, $0x38;
	[tilespmem:$0x179C0] =	vst v63  }
0x53: {  	p2 =	seq.s32 s5, $0x1;
	_ =	swait.ge [sflag:s14], $0x80  }
.Ltmp10:
0x54: {  	[sflag:s14] =	ssyncset.done $0x0;
	(pc) =	sbr.rel @p2 .LBB2_11-.Ltmp10, $4  }
0x55: {  	[sflag:s14] =	ssyncadd.s32 $0xFFFFFF80  }
0x56: {  	[spmem:s2] =	stream.indirect.scatter.add.f32 [tilespmem:s16], [sflag:$0x1], $0x80, s15, s15, $0xb8;
	[tilespmem:$0x179C0] =	vst v63  }
0x57: {  	s19 =	sadd.s32 $0xFFFFFFFF, s5;
	_ =	swait.ge [sflag:s14], $0x4000  }
0x58: {  	s20 =	smov.u32 s9;
	s21 =	smov.u32 s10;
	[sflag:s14] =	ssyncset.done $0x0  }
.LBB2_10:
0x59: {  	[sflag:s14] =	ssyncadd.s32 $0xFFFFC000;
	s20 =	sadd.s32 $0x100, s20;
	s21 =	sadd.s32 $0x100, s21  }
0x5a: {  	[tilespmem:s3], [sflag:$0x1] =	stream.linear.gather [hbm4b:s21+s3], $0x80, $0x38;
	[tilespmem:$0x179C0] =	vst v63  }
0x5b: {  	p2 =	seq.s32 s19, $0x1;
	s19 =	sadd.s32 $0xFFFFFFFF, s19;
	_ =	swait.ge [sflag:s14], $0x80  }
0x5c: {  	[sflag:s14] =	ssyncset.done $0x0  }
0x5d: {  	[sflag:s14] =	ssyncadd.s32 $0xFFFFFF80  }
0x5e: {  	[tilespmem:s15], [sflag:$0x1] =	stream.linear.gather [hbm4b:s20+s3], $0x80, $0x38;
	[tilespmem:$0x179C0] =	vst v63  }
0x5f: {  	_ =	swait.ge [sflag:s14], $0x80  }
.Ltmp11:
0x60: {  	[sflag:s14] =	ssyncset.done $0x0;
	(pc) =	sbr.rel @!p2 .LBB2_10-.Ltmp11, $4  }
0x61: {  	[sflag:s14] =	ssyncadd.s32 $0xFFFFFF80  }
0x62: {  	[spmem:s2] =	stream.indirect.scatter.add.f32 [tilespmem:s16], [sflag:$0x1], $0x80, s15, s15, $0xb8;
	[tilespmem:$0x179C0] =	vst v63  }
0x63: {  	_ =	swait.ge [sflag:s14], $0x4000  }
0x64: {  	[sflag:s14] =	ssyncset.done $0x0  }
.LBB2_11:
.Ltmp12:
0x65: {  	[sflag:s14] =	ssyncadd.s32 $0xFFFFC000;
	(pc) =	sbr.rel @!p1 .LBB2_13-.Ltmp12, $4  }
0x66: {  	[bflag:$0x0] =	sbarrier.arrive $0xFFFF  }
0x67: {  	[hbm:s11], [sflag:s13] =	dma.local [spmem:s18], $0x500  }
0x68: {  	s19 =	sadd.s32 $0x28000, s8;
	_ =	swait.ge [sflag:s14], $0x500  }
0x69: {  	s20 =	smov.u32 s11;
	s18 =	sadd.s32 $0xFFFFFFFF, s4;
	[sflag:s14] =	ssyncset.done $0x0  }
.LBB2_12:
0x6a: {  	s21 =	sshrl.u32 s19, $0x3  }
0x6b: {  	[sflag:s14] =	ssyncadd.s32 $0xFFFFFB00;
	s20 =	sadd.s32 $0x5000, s20;
	p1 =	sne.s32 s18, $0x1  }
0x6c: {  	[hbm:s20], [sflag:s13] =	dma.local [spmem:s21], $0x500  }
.Ltmp13:
0x6d: {  	_ = 	snop;
	(pc) =	sbr.rel @p1 .LBB2_12-.Ltmp13, $4  }
0x6e: {  	_ = 	snop  }
0x6f: {  	s18 =	sadd.s32 $0xFFFFFFFF, s18  }
0x70: {  	_ =	swait.ge [sflag:s14], $0x500  }
0x71: {  	s19 =	sadd.s32 $0x28000, s19;
	[sflag:s14] =	ssyncset.done $0x0  }
.Ltmp14:
0x72: {  	_ = 	snop;
	(pc) =	sbr.rel .LBB2_13-.Ltmp14, $1  }
0x73: {  	_ =	sdelay $0x3  }
.LBB2_15:
0x74: {  	_ =	sfence.sel $0x180000  }
0x75: {  	[bflag:$0x0] =	sbarrier.arrive $0xFFFF  }
0x76: {  	p0 =	sne.s32 s1, $0x0;
	_ =	strace $0x90000050  }
0x77: {  	s0 =	sadd.s32 @!p0 $0x100000, s0;
	[bflag:$0x2] =	sbarrier.arrive $0xFFFF  }
0x78: {  	[sflag:s0] =	ssyncadd.tile.s32 @!p0 $0x1;
	_ =	shalt  }
.Lfunc_end2:
_tile_overlayer_lowered:
.L_overlay_start_2:
0x79: {  	(tag) =	ssettag $0x2  }
0x7a: {  	s0 =	rddreg [dreg:$0x0];
	s2 =	stileid.u32  }
0x7b: {  	s1 =	rddreg [dreg:$0x1];
	p0 =	sne.s32 s2, $0x0  }
0x7c: {  	s3 =	rddreg [dreg:$0x2];
	[bflag:$0x3] =	sbarrier.arrive $0xFFFF;
	s2 =	simm.s32 @!p0 $0x1C01  }
0x7d: {  	[timem:s3], [sflag:s2] =	dma.local @!p0 [hbm:s0], s1  }
0x7e: {  	s0 =	simm.s32 @!p0 $0x1  }
0x7f: {  	_ =	swait.ge @!p0 [sflag:s0], s1  }
0x80: {  	s1 =	ssub.s32 @!p0 $0x0, s1;
	[sflag:s0] =	ssyncset.done @!p0 $0x0  }
0x81: {  	[sflag:s0] =	ssyncadd.s32 @!p0 s1  }
0x82: {  	[bflag:$0x3] =	sbarrier.arrive $0xFFFF  }
0x83: {  	_ =	shalt  }

// kernel: kernel.25.cloned.1.call-start
scs
__scs_entry_jumppad:
0x0: {  	(pc) =	sbr.rel $0x88, $3  }
0x1: {  	(tag) =	ssettag $0x0;
	lr =	simm.s32 $0x1  }
0x2: {  	[smem:$0x3F8B] =	sst lr;
	_ =	strace $0xD0000000  }
0x3: {  	_ = 	snop  }
0x4: {  	_ = 	snop  }
0x5: {  	_ = 	snop  }
0x6: {  	_ = 	snop  }
0x7: {  	_ = 	snop  }
__scs_overlays_trampoline_lowered:
0x8: {  	[smem:$0x3F9A] =	sst s0  }
0x9: {  	[smem:$0x3F9B] =	sst s1  }
0xa: {  	[smem:$0x3F9C] =	sst s2  }
0xb: {  	[smem:$0x3F9D] =	sst s3  }
0xc: {  	[smem:$0x3F9E] =	sst s4  }
0xd: {  	[smem:$0x3F9F] =	sst s5  }
0xe: {  	[smem:$0x3FA0] =	sst s6  }
0xf: {  	[smem:$0x3FA1] =	sst s7  }
0x10: {  	[smem:$0x3FA2] =	sst s8  }
0x11: {  	[smem:$0x3FA3] =	sst s9;
	s0 =	simm.s32 @!p0 $0x0  }
0x12: {  	s1 =	sld [smem:$0x3F89];
	s0 =	simm.s32 @p0 $0x1  }
0x13: {  	[smem:$0x3FA4] =	sst s0;
	s0 =	simm.s32 @!p1 $0x0  }
0x14: {  	s2 =	sld [smem:$0x3F88];
	s0 =	simm.s32 @p1 $0x1  }
0x15: {  	[smem:$0x3FA5] =	sst s0;
	s0 =	simm.s32 @!p2 $0x0  }
0x16: {  	s3 =	sld [smem:$0x3FDB];
	s0 =	simm.s32 @p2 $0x1  }
0x17: {  	s4 =	simm.s32 $0x1BF5;
	[smem:$0x3FA7] =	sst s0  }
0x18: {  	s0 =	sld [smem:$0x3F8A];
	_ =	swait.ge [sflag:s4], $0x0  }
0x19: {  	s7 =	sld [smem:$0x3F8B]  }
0x1a: {  	s8 =	sadd.s32 $0xFFFFE003, lr  }
0x1b: {  	s9 =	sadd.s32 $0xFFFFFEF7, lr;
	s5 =	simm.s32 $0xFFFFFFFF;
	p2 =	slt.u32 s8, $0xFFFFF086  }
0x1c: {  	p1 =	slt.u32 s9, $0xF7A;
	s5 =	simm.s32 @!p2 $0x0  }
0x1d: {  	s5 =	simm.s32 @p1 $0x1;
	p0 =	seq.s32 s7, s2  }
0x1e: {  	s7 =	smul.u32 @!p0 $0xF7A, s2;
	p2 =	seq.s32 @!p0 s5, $0x0  }
0x1f: {  	s9 =	smul.u32 $0xF7A, s1;
	s8 =	simm.s32 @!p0 $0x1BF5;
	p2 =	por !p2, p0  }
0x20: {  	[sflag:s8] =	ssyncset.s32 @!p0 $0xFFFFF086;
	s6 =	sadd.s32 @!p0 s3, s7;
	s7 =	simm.s32 @!p0 $0x108  }
0x21: {  	s3 =	sadd.s32 s3, s9;
	s6 =	sadd.s32 @!p0 $0x88, s6;
	s7 =	simm.s32 @p2 $0x1082  }
0x22: {  	[simem:s7], [sflag:s8] =	dma.local @!p0 [hbm:s6], $0xF7A  }
0x23: {  	s9 =	sor.u32 $0xD0000000, s2;
	s6 =	simm.s32 $0x108;
	_ =	swait.ge @!p0 [sflag:s8], $0x0  }
0x24: {  	s3 =	sadd.s32 $0x88, s3;
	s6 =	simm.s32 @!p1 $0x1082;
	[sflag:s4] =	ssyncset.s32 $0xFFFFF086  }
0x25: {  	[simem:s6], [sflag:s4] =	dma.local [hbm:s3], $0xF7A  }
0x26: {  	[smem:$0x3F8B] =	sst s1;
	(tag) =	ssettag s2;
	_ =	strace s9  }
0x27: {  	s1 =	sld [smem:$0x3F9B]  }
0x28: {  	s2 =	sld [smem:$0x3F9C]  }
0x29: {  	s4 =	sld [smem:$0x3F9E]  }
0x2a: {  	p0 =	seq.s32 s5, $0x0;
	s5 =	sld [smem:$0x3F9F]  }
0x2b: {  	s6 =	sld [smem:$0x3FA0]  }
0x2c: {  	s7 =	sld [smem:$0x3FA1]  }
0x2d: {  	s3 =	simm.s32 $0x108;
	s8 =	sld [smem:$0x3FA2]  }
0x2e: {  	s3 =	simm.s32 @!p0 $0x1082;
	s9 =	sld [smem:$0x3FA3]  }
0x2f: {  	lr =	sadd.s32 s0, s3;
	s0 =	sld [smem:$0x3F9A]  }
0x30: {  	s3 =	sld [smem:$0x3F9D]  }
0x31: {  	[smem:$0x3FA6] =	sst s10  }
0x32: {  	s10 =	sld [smem:$0x3FA4];
	_ =	sdelay $0x3  }
0x33: {  	p0 =	seq.s32 s10, $0x1;
	s10 =	sld [smem:$0x3FA6];
	_ =	sdelay $0x3  }
0x34: {  	[smem:$0x3FA6] =	sst s10  }
0x35: {  	s10 =	sld [smem:$0x3FA5];
	_ =	sdelay $0x3  }
0x36: {  	p1 =	seq.s32 s10, $0x1;
	s10 =	sld [smem:$0x3FA6];
	_ =	sdelay $0x3  }
0x37: {  	[smem:$0x3FA6] =	sst s10  }
0x38: {  	s10 =	sld [smem:$0x3FA7]  }
0x39: {  	_ = 	snop;
	(pc) =	sbr.ind lr, $3  }
0x3a: {  	_ = 	snop  }
0x3b: {  	_ = 	snop  }
0x3c: {  	p2 =	seq.s32 s10, $0x1;
	s10 =	sld [smem:$0x3FA6]  }
0x3d: {  	_ =	shalt  }
0x3e: {  	_ =	shalt  }
0x3f: {  	_ =	shalt  }
0x40: {  	_ =	shalt  }
0x41: {  	_ =	shalt  }
0x42: {  	_ =	shalt  }
0x43: {  	_ =	shalt  }
0x44: {  	_ =	shalt  }
0x45: {  	_ =	shalt  }
0x46: {  	_ =	shalt  }
0x47: {  	_ =	shalt  }
0x48: {  	_ =	shalt  }
0x49: {  	_ =	shalt  }
0x4a: {  	_ =	shalt  }
0x4b: {  	_ =	shalt  }
0x4c: {  	_ =	shalt  }
0x4d: {  	_ =	shalt  }
0x4e: {  	_ =	shalt  }
0x4f: {  	_ =	shalt  }
0x50: {  	_ =	shalt  }
0x51: {  	_ =	shalt  }
0x52: {  	_ =	shalt  }
0x53: {  	_ =	shalt  }
0x54: {  	_ =	shalt  }
0x55: {  	_ =	shalt  }
0x56: {  	_ =	shalt  }
0x57: {  	_ =	shalt  }
0x58: {  	_ =	shalt  }
0x59: {  	_ =	shalt  }
0x5a: {  	_ =	shalt  }
0x5b: {  	_ =	shalt  }
0x5c: {  	_ =	shalt  }
0x5d: {  	_ =	shalt  }
0x5e: {  	_ =	shalt  }
0x5f: {  	_ =	shalt  }
0x60: {  	_ =	shalt  }
0x61: {  	_ =	shalt  }
0x62: {  	_ =	shalt  }
0x63: {  	_ =	shalt  }
0x64: {  	_ =	shalt  }
0x65: {  	_ =	shalt  }
0x66: {  	_ =	shalt  }
0x67: {  	_ =	shalt  }
0x68: {  	_ =	shalt  }
0x69: {  	_ =	shalt  }
0x6a: {  	_ =	shalt  }
0x6b: {  	_ =	shalt  }
0x6c: {  	_ =	shalt  }
0x6d: {  	_ =	shalt  }
0x6e: {  	_ =	shalt  }
0x6f: {  	_ =	shalt  }
0x70: {  	_ =	shalt  }
0x71: {  	_ =	shalt  }
0x72: {  	_ =	shalt  }
0x73: {  	_ =	shalt  }
0x74: {  	_ =	shalt  }
0x75: {  	_ =	shalt  }
0x76: {  	_ =	shalt  }
0x77: {  	_ =	shalt  }
0x78: {  	_ =	shalt  }
0x79: {  	_ =	shalt  }
0x7a: {  	_ =	shalt  }
0x7b: {  	_ =	shalt  }
0x7c: {  	_ =	shalt  }
0x7d: {  	_ =	shalt  }
0x7e: {  	_ =	shalt  }
0x7f: {  	_ =	shalt  }
0x80: {  	_ =	shalt  }
0x81: {  	_ =	shalt  }
0x82: {  	_ =	shalt  }
0x83: {  	_ =	shalt  }
0x84: {  	_ =	shalt  }
0x85: {  	_ =	shalt  }
0x86: {  	_ =	shalt  }
0x87: {  	_ =	shalt  }
.Lfunc_end0:
.L_simem_size_0:
called_computation.2_lowered:
.L_overlay_start_0:
0x88: {  	s2 =	sld [smem:$0x3FD9]  }
0x89: {  	s3 =	sld [smem:$0x3FFE];
	_ =	sdelay $0x1  }
0x8a: {  	s1 =	srdreg.scid  }
0x8b: {  	s0 =	sand.u32 $0x1, s1  }
0x8c: {  	s17 =	sshll.u32 s0, $0xA;
	s2 =	sadd.s32 s3, s2  }
0x8d: {  	s2 =	sadd.s32 s2, s17  }
0x8e: {  	[smem:$0x3FB2] =	sst s2  }
0x8f: {  	_ = 	snop  }
0x90: {  	(tm) =	ssettm $0x1  }
0x91: {  	s18 =	sld [smem:$0x3FFB];
	_ =	sdelay $0x3  }
0x92: {  	_ =	strace s18  }
0x93: {  	s2 =	sld [smem:$0x3FFC];
	_ =	sdelay $0x3  }
0x94: {  	_ =	strace s2  }
0x95: {  	s2 =	sld [smem:$0x3FFD];
	_ =	sdelay $0x3  }
0x96: {  	_ =	strace s2  }
0x97: {  	_ =	strace $0x8FFFFFFF  }
0x98: {  	s19 =	sld [smem:$0x3FDB];
	_ =	sdelay $0x1  }
0x99: {  	s20 =	simm.s32 $_scs_section_size  }
0x9a: {  	s4 =	simm.s32 $_size__tile_overlayer_lowered;
	s5 =	simm.s32 $_tile_overlayer_lowered  }
0x9b: {  	s6 =	simm.s32 $0x1BFF;
	s21 =	sshll.u32 s5, $0x1;
	s3 =	sadd.s32 s20, s19  }
0x9c: {  	s22 =	simm.s32 $0x0;
	s4 =	sshll.u32 s4, $0x1;
	s5 =	sadd.s32 s21, s3  }
0x9d: {  	[timem:s22], [sflag:s6] =	dma.local [hbm:s5], s4  }
0x9e: {  	_ =	swait.ge [sflag:s6], s4  }
0x9f: {  	s4 =	ssub.s32 $0x0, s4;
	[sflag:s6] =	ssyncset.done $0x0  }
0xa0: {  	[sflag:s6] =	ssyncadd.s32 s4;
	_ =	sdelay $0x1  }
0xa1: {  	s23 =	simm.s32 $0x1B8B  }
0xa2: {  	_ =	swait.ge [sflag:s23], $0x1  }
0xa3: {  	[sflag:s23] =	ssyncset.done $0x0  }
0xa4: {  	[sflag:s23] =	ssyncadd.s32 $0xFFFFFFFF  }
0xa5: {  	s4 =	sld [smem:$0x0]  }
0xa6: {  	s5 =	sand.u32 $0xFFFFFFFE, s1  }
0xa7: {  	p0 =	sne.s32 s1, s5  }
0xa8: {  	s5 =	sshll.u32 @p0 s5, $0xE  }
0xa9: {  	s5 =	sadd.s32 @p0 $0x11B8D, s5;
	s6 =	sshll.u32 @p0 s4, $0x11  }
0xaa: {  	s5 =	sor.u32 @p0 s6, s5  }
0xab: {  	[sflag:s5] =	ssyncadd.remote.s32 @p0 $0x1;
	_ =	sdelay $0x1  }
0xac: {  	s5 =	simm.s32 @p0 $0x1B8D  }
0xad: {  	_ =	swait.eq @p0 [sflag:s5], $0x1  }
0xae: {  	[sflag:s5] =	ssyncadd.s32 @p0 $0xFFFFFFFF  }
0xaf: {  	s6 =	sshll.u32 @!p0 s1, $0xE  }
0xb0: {  	s6 =	sor.u32 @!p0 $0x4000, s6;
	s5 =	simm.s32 @!p0 $0x1B8D  }
0xb1: {  	s4 =	sshll.u32 @!p0 s4, $0x11;
	s6 =	sadd.s32 @!p0 $0x11B8D, s6;
	_ =	swait.eq @!p0 [sflag:s5], $0x1  }
0xb2: {  	s4 =	sor.u32 @!p0 s4, s6;
	[sflag:s5] =	ssyncadd.s32 @!p0 $0xFFFFFFFF  }
0xb3: {  	s25 =	simm.s32 $0x1B8E;
	s24 =	sld [smem:$0x3FFE];
	[sflag:s4] =	ssyncadd.remote.s32 @!p0 $0x1  }
0xb4: {  	s26 =	simm.s32 $execute0_lowered;
	[smem:$0x3FD2] =	sst s25  }
0xb5: {  	s5 =	sshll.u32 s26, $0x1;
	_ =	strace $0x80000055;
	[dreg:$0x1] =	wrdreg $0xFFFFFFFF  }
0xb6: {  	s28 =	simm.s32 $_size_execute0_lowered;
	s3 =	sadd.s32 s3, s5;
	[dreg:$0x0] =	wrdreg $0x0  }
0xb7: {  	s5 =	sshll.u32 s28, $0x1;
	[dreg:$0x2] =	wrdreg s3  }
0xb8: {  	[dreg:$0x3] =	wrdreg s5  }
0xb9: {  	[dreg:$0x4] =	wrdreg $0xC0  }
0xba: {  	_ =	task [dreg:s22], $0x5FFFF  }
0xbb: {  	[dreg:$0x1] =	wrdreg $0xFFFFFFFF  }
0xbc: {  	[dreg:$0x0] =	wrdreg $0x60  }
0xbd: {  	[dreg:$0x2] =	wrdreg s24  }
0xbe: {  	[dreg:$0x3] =	wrdreg $0x41000  }
0xbf: {  	[dreg:$0x4] =	wrdreg $0x9  }
0xc0: {  	_ =	task.clear_ibuf [dreg:s22], $0x5FFFF;
	_ =	strace $0x90000055  }
0xc1: {  	s29 =	simm.s32 $0x9;
	_ =	strace $0x80000057  }
0xc2: {  	_ =	swait.ge [sflag:s29], $0x1  }
0xc3: {  	[sflag:s29] =	ssyncadd.s32 $0xFFFFFFFF  }
0xc4: {  	_ =	strace $0x90000057  }
0xc5: {  	_ =	sfence  }
0xc6: {  	s30 =	sld [smem:$0x0];
	_ =	sdelay $0x2  }
0xc7: {  	s31 =	sshll.u32 s1, $0xD;
	s1 =	sshrl.u32 s1, $0x2  }
0xc8: {  	s4 =	sand.u32 $0x4000, s31;
	s1 =	sadd.s32 s1, s30  }
0xc9: {  	s0 =	sor.u32 s4, s0;
	s1 =	sshll.u32 s1, $0x11  }
0xca: {  	s0 =	sor.u32 s1, s0  }
0xcb: {  	s0 =	sadd.s32 $0x8F2B, s0  }
0xcc: {  	[sflag:s0] =	ssyncadd.remote.s32 $0x1  }
0xcd: {  	_ =	sfence.sel $0xFFFF  }
0xce: {  	[dreg:$0x0] =	wrdreg $0xFFFFFFFF;
	(pc) =	sbr.abs _section_cstart, $3  }
0xcf: {  	[dreg:$0x1] =	wrdreg $0xFFFFFFFF  }
0xd0: {  	_ =	task.clear_ibuf [dreg:s22], $0x2FFFF;
	_ =	strace $0x9FFFFFFF  }
0xd1: {  	(tm) =	ssettm $0x7FFFFFFF  }
tec
execute0_lowered:
.L_overlay_start_1:
0x0: {  	(tag) =	ssettag $0x1  }
0x1: {  	s4 =	rddreg [dreg:$0x0]  }
0x2: {  	s2 =	rddreg [dreg:$0x1]  }
0x3: {  	s0 =	rddreg [dreg:$0x2];
	s3 =	simm.s32 $0x0  }
0x4: {  	s1 =	stileid.u32;
	s5 =	srdreg.scid;
	s14 =	simm.s32 $0x1  }
0x5: {  	s16 =	simm.s32 $0x100;
	s17 =	simm.s32 $0x0;
	[smem:$0x7FF] =	sst s3  }
0x6: {  	s6 =	smul.u32 $0x500, s1;
	s15 =	sand.u32 $0x1, s5;
	s28 =	sshll.u32 s1, $0x4  }
0x7: {  	s30 =	ssub.s32 $0x8C, s1;
	s31 =	ssub.s32 $0x4F1, s1;
	s8 =	smul.u32 $0xA000, s1  }
0x8: {  	s13 =	sshll.u32 s1, $0x6;
	_ =	strace $0x80000056;
	s7 =	ssub.s32 $0x2, s15  }
0x9: {  	s10 =	sadd.s32 s28, s4;
	s5 =	sshrl.u32 s31, $0x4;
	s13 =	sor.u32 $0x1C01, s13  }
.Ltmp0:
0xa: {  	p0 =	sne.s32 s15, $0x0;
	s15 =	simm.s32 $0x80;
	(pc) =	sbr.rel .LBB2_1-.Ltmp0, $4  }
0xb: {  	s12 =	sadd.s32 s6, s4;
	s29 =	sshrl.u32 s7, $0x1;
	s4 =	sshrl.u32 s30, $0x4  }
0xc: {  	s8 =	sshrl.u32 s8, $0x2;
	s9 =	sadd.s32 $0x126A00, s10;
	s10 =	sadd.s32 $0x12BA00, s10  }
0xd: {  	s7 =	ssub.s32 s7, s29;
	s8 =	sadd.s32 s8, s2;
	s11 =	sadd.s32 $0x1F4400, s12  }
0xe: {  	s6 =	smax.u32 s7, $0x1;
	s7 =	sadd.s32 $0x63000, s12;
	s12 =	sadd.s32 $0x1CD200, s12  }
.LBB2_13:
0xf: {  	[sflag:s14] =	ssyncadd.s32 $0xFFFFFB00  }
.LBB2_14:
0x10: {  	s17 =	sadd.s32 $0x1, s17  }
0x11: {  	p1 =	sne.s32 s17, s6  }
.Ltmp1:
0x12: {  	_ = 	snop;
	(pc) =	sbr.rel @!p1 .LBB2_15-.Ltmp1, $1  }
0x13: {  	_ =	sdelay $0x3  }
.LBB2_1:
0x14: {  	p1 =	sne.s32 s4, $0x1  }
.Ltmp2:
0x15: {  	_ = 	snop;
	(pc) =	sbr.rel @!p1 .LBB2_3-.Ltmp2, $4  }
0x16: {  	s18 =	sshrl.u32 s8, $0x3  }
0x17: {  	[spmem:s18], [sflag:s13] =	dma.local [hbm:s7], $0x500  }
0x18: {  	s19 =	sadd.s32 $0xFFFFFFFF, s4;
	_ =	swait.ge [sflag:s14], $0x500  }
0x19: {  	s20 =	sadd.s32 $0x28000, s8;
	s21 =	smov.u32 s7;
	[sflag:s14] =	ssyncset.done $0x0  }
.LBB2_2:
0x1a: {  	s22 =	sshrl.u32 s20, $0x3  }
0x1b: {  	[sflag:s14] =	ssyncadd.s32 $0xFFFFFB00;
	s21 =	sadd.s32 $0x5000, s21;
	p2 =	sne.s32 s19, $0x1  }
0x1c: {  	[spmem:s22], [sflag:s13] =	dma.local [hbm:s21], $0x500  }
.Ltmp3:
0x1d: {  	_ = 	snop;
	(pc) =	sbr.rel @p2 .LBB2_2-.Ltmp3, $4  }
0x1e: {  	_ = 	snop  }
0x1f: {  	s19 =	sadd.s32 $0xFFFFFFFF, s19  }
0x20: {  	_ =	swait.ge [sflag:s14], $0x500  }
0x21: {  	s20 =	sadd.s32 $0x28000, s20;
	[sflag:s14] =	ssyncset.done $0x0  }
.LBB2_3:
.Ltmp4:
0x22: {  	(pc) =	sbr.rel @p0 .LBB2_9-.Ltmp4, $3  }
0x23: {  	_ = 	snop  }
0x24: {  	[sflag:s14] =	ssyncadd.s32 $0xFFFFFB00  }
0x25: {  	[bflag:$0x0] =	sbarrier.arrive $0xFFFF;
	_ =	sdelay $0x1  }
0x26: {  	[tilespmem:s3], [sflag:$0x1] =	stream.linear.gather [hbm4b:s10+s3], $0x80, $0x38;
	[tilespmem:$0x179C0] =	vst v63  }
0x27: {  	_ =	swait.ge [sflag:s14], $0x80  }
0x28: {  	[sflag:s14] =	ssyncset.done $0x0  }
0x29: {  	[sflag:s14] =	ssyncadd.s32 $0xFFFFFF80  }
0x2a: {  	[tilespmem:s15], [sflag:$0x1] =	stream.linear.gather [hbm4b:s9+s3], $0x80, $0x38;
	[tilespmem:$0x179C0] =	vst v63  }
0x2b: {  	p1 =	seq.s32 s5, $0x1;
	_ =	swait.ge [sflag:s14], $0x80  }
.Ltmp5:
0x2c: {  	[sflag:s14] =	ssyncset.done $0x0;
	(pc) =	sbr.rel @p1 .LBB2_6-.Ltmp5, $4  }
0x2d: {  	[sflag:s14] =	ssyncadd.s32 $0xFFFFFF80  }
0x2e: {  	[spmem:s2] =	stream.indirect.scatter.add.f32 [tilespmem:s16], [sflag:$0x1], $0x80, s15, s15, $0xb8;
	[tilespmem:$0x179C0] =	vst v63  }
0x2f: {  	s19 =	sadd.s32 $0xFFFFFFFF, s5;
	_ =	swait.ge [sflag:s14], $0x4000  }
0x30: {  	s20 =	smov.u32 s9;
	s21 =	smov.u32 s10;
	[sflag:s14] =	ssyncset.done $0x0  }
.LBB2_5:
0x31: {  	[sflag:s14] =	ssyncadd.s32 $0xFFFFC000;
	s20 =	sadd.s32 $0x100, s20;
	s21 =	sadd.s32 $0x100, s21  }
0x32: {  	[tilespmem:s3], [sflag:$0x1] =	stream.linear.gather [hbm4b:s21+s3], $0x80, $0x38;
	[tilespmem:$0x179C0] =	vst v63  }
0x33: {  	p1 =	seq.s32 s19, $0x1;
	s19 =	sadd.s32 $0xFFFFFFFF, s19;
	_ =	swait.ge [sflag:s14], $0x80  }
0x34: {  	[sflag:s14] =	ssyncset.done $0x0  }
0x35: {  	[sflag:s14] =	ssyncadd.s32 $0xFFFFFF80  }
0x36: {  	[tilespmem:s15], [sflag:$0x1] =	stream.linear.gather [hbm4b:s20+s3], $0x80, $0x38;
	[tilespmem:$0x179C0] =	vst v63  }
0x37: {  	_ =	swait.ge [sflag:s14], $0x80  }
.Ltmp6:
0x38: {  	[sflag:s14] =	ssyncset.done $0x0;
	(pc) =	sbr.rel @!p1 .LBB2_5-.Ltmp6, $4  }
0x39: {  	[sflag:s14] =	ssyncadd.s32 $0xFFFFFF80  }
0x3a: {  	[spmem:s2] =	stream.indirect.scatter.add.f32 [tilespmem:s16], [sflag:$0x1], $0x80, s15, s15, $0xb8;
	[tilespmem:$0x179C0] =	vst v63  }
0x3b: {  	_ =	swait.ge [sflag:s14], $0x4000  }
0x3c: {  	[sflag:s14] =	ssyncset.done $0x0  }
.LBB2_6:
0x3d: {  	p1 =	seq.s32 s4, $0x1  }
.Ltmp7:
0x3e: {  	[sflag:s14] =	ssyncadd.s32 $0xFFFFC000;
	(pc) =	sbr.rel @p1 .LBB2_8-.Ltmp7, $4  }
0x3f: {  	[bflag:$0x0] =	sbarrier.arrive $0xFFFF  }
0x40: {  	[hbm:s12], [sflag:s13] =	dma.local [spmem:s18], $0x500  }
0x41: {  	s19 =	sadd.s32 $0x28000, s8;
	_ =	swait.ge [sflag:s14], $0x500  }
0x42: {  	s20 =	smov.u32 s12;
	s18 =	sadd.s32 $0xFFFFFFFF, s4;
	[sflag:s14] =	ssyncset.done $0x0  }
.LBB2_7:
0x43: {  	s21 =	sshrl.u32 s19, $0x3  }
0x44: {  	[sflag:s14] =	ssyncadd.s32 $0xFFFFFB00;
	s20 =	sadd.s32 $0x5000, s20;
	p1 =	seq.s32 s18, $0x1  }
0x45: {  	[hbm:s20], [sflag:s13] =	dma.local [spmem:s21], $0x500  }
.Ltmp8:
0x46: {  	_ = 	snop;
	(pc) =	sbr.rel @!p1 .LBB2_7-.Ltmp8, $4  }
0x47: {  	_ = 	snop  }
0x48: {  	s18 =	sadd.s32 $0xFFFFFFFF, s18  }
0x49: {  	_ =	swait.ge [sflag:s14], $0x500  }
0x4a: {  	s19 =	sadd.s32 $0x28000, s19;
	[sflag:s14] =	ssyncset.done $0x0  }
.LBB2_8:
.Ltmp9:
0x4b: {  	(pc) =	sbr.rel .LBB2_14-.Ltmp9, $2  }
0x4c: {  	_ =	sdelay $0x2  }
0x4d: {  	[sflag:s14] =	ssyncadd.s32 $0xFFFFFB00  }
.LBB2_9:
0x4e: {  	[tilespmem:s3], [sflag:$0x1] =	stream.linear.gather [hbm4b:s10+s3], $0x80, $0x38;
	[tilespmem:$0x179C0] =	vst v63  }
0x4f: {  	_ =	swait.ge [sflag:s14], $0x80  }
0x50: {  	[sflag:s14] =	ssyncset.done $0x0  }
0x51: {  	[sflag:s14] =	ssyncadd.s32 $0xFFFFFF80  }
0x52: {  	[tilespmem:s15], [sflag:$0x1] =	stream.linear.gather [hbm4b:s9+s3], $0x80, $0x38;
	[tilespmem:$0x179C0] =	vst v63  }
0x53: {  	p2 =	seq.s32 s5, $0x1;
	_ =	swait.ge [sflag:s14], $0x80  }
.Ltmp10:
0x54: {  	[sflag:s14] =	ssyncset.done $0x0;
	(pc) =	sbr.rel @p2 .LBB2_11-.Ltmp10, $4  }
0x55: {  	[sflag:s14] =	ssyncadd.s32 $0xFFFFFF80  }
0x56: {  	[spmem:s2] =	stream.indirect.scatter.add.f32 [tilespmem:s16], [sflag:$0x1], $0x80, s15, s15, $0xb8;
	[tilespmem:$0x179C0] =	vst v63  }
0x57: {  	s19 =	sadd.s32 $0xFFFFFFFF, s5;
	_ =	swait.ge [sflag:s14], $0x4000  }
0x58: {  	s20 =	smov.u32 s9;
	s21 =	smov.u32 s10;
	[sflag:s14] =	ssyncset.done $0x0  }
.LBB2_10:
0x59: {  	[sflag:s14] =	ssyncadd.s32 $0xFFFFC000;
	s20 =	sadd.s32 $0x100, s20;
	s21 =	sadd.s32 $0x100, s21  }
0x5a: {  	[tilespmem:s3], [sflag:$0x1] =	stream.linear.gather [hbm4b:s21+s3], $0x80, $0x38;
	[tilespmem:$0x179C0] =	vst v63  }
0x5b: {  	p2 =	seq.s32 s19, $0x1;
	s19 =	sadd.s32 $0xFFFFFFFF, s19;
	_ =	swait.ge [sflag:s14], $0x80  }
0x5c: {  	[sflag:s14] =	ssyncset.done $0x0  }
0x5d: {  	[sflag:s14] =	ssyncadd.s32 $0xFFFFFF80  }
0x5e: {  	[tilespmem:s15], [sflag:$0x1] =	stream.linear.gather [hbm4b:s20+s3], $0x80, $0x38;
	[tilespmem:$0x179C0] =	vst v63  }
0x5f: {  	_ =	swait.ge [sflag:s14], $0x80  }
.Ltmp11:
0x60: {  	[sflag:s14] =	ssyncset.done $0x0;
	(pc) =	sbr.rel @!p2 .LBB2_10-.Ltmp11, $4  }
0x61: {  	[sflag:s14] =	ssyncadd.s32 $0xFFFFFF80  }
0x62: {  	[spmem:s2] =	stream.indirect.scatter.add.f32 [tilespmem:s16], [sflag:$0x1], $0x80, s15, s15, $0xb8;
	[tilespmem:$0x179C0] =	vst v63  }
0x63: {  	_ =	swait.ge [sflag:s14], $0x4000  }
0x64: {  	[sflag:s14] =	ssyncset.done $0x0  }
.LBB2_11:
.Ltmp12:
0x65: {  	[sflag:s14] =	ssyncadd.s32 $0xFFFFC000;
	(pc) =	sbr.rel @!p1 .LBB2_13-.Ltmp12, $4  }
0x66: {  	[bflag:$0x0] =	sbarrier.arrive $0xFFFF  }
0x67: {  	[hbm:s11], [sflag:s13] =	dma.local [spmem:s18], $0x500  }
0x68: {  	s19 =	sadd.s32 $0x28000, s8;
	_ =	swait.ge [sflag:s14], $0x500  }
0x69: {  	s20 =	smov.u32 s11;
	s18 =	sadd.s32 $0xFFFFFFFF, s4;
	[sflag:s14] =	ssyncset.done $0x0  }
.LBB2_12:
0x6a: {  	s21 =	sshrl.u32 s19, $0x3  }
0x6b: {  	[sflag:s14] =	ssyncadd.s32 $0xFFFFFB00;
	s20 =	sadd.s32 $0x5000, s20;
	p1 =	sne.s32 s18, $0x1  }
0x6c: {  	[hbm:s20], [sflag:s13] =	dma.local [spmem:s21], $0x500  }
.Ltmp13:
0x6d: {  	_ = 	snop;
	(pc) =	sbr.rel @p1 .LBB2_12-.Ltmp13, $4  }
0x6e: {  	_ = 	snop  }
0x6f: {  	s18 =	sadd.s32 $0xFFFFFFFF, s18  }
0x70: {  	_ =	swait.ge [sflag:s14], $0x500  }
0x71: {  	s19 =	sadd.s32 $0x28000, s19;
	[sflag:s14] =	ssyncset.done $0x0  }
.Ltmp14:
0x72: {  	_ = 	snop;
	(pc) =	sbr.rel .LBB2_13-.Ltmp14, $1  }
0x73: {  	_ =	sdelay $0x3  }
.LBB2_15:
0x74: {  	_ =	sfence.sel $0x180000  }
0x75: {  	[bflag:$0x0] =	sbarrier.arrive $0xFFFF  }
0x76: {  	p0 =	sne.s32 s1, $0x0;
	_ =	strace $0x90000056  }
0x77: {  	s0 =	sadd.s32 @!p0 $0x100000, s0;
	[bflag:$0x2] =	sbarrier.arrive $0xFFFF  }
0x78: {  	[sflag:s0] =	ssyncadd.tile.s32 @!p0 $0x1;
	_ =	shalt  }
.Lfunc_end2:
_tile_overlayer_lowered:
.L_overlay_start_2:
0x79: {  	(tag) =	ssettag $0x2  }
0x7a: {  	s0 =	rddreg [dreg:$0x0];
	s2 =	stileid.u32  }
0x7b: {  	s1 =	rddreg [dreg:$0x1];
	p0 =	sne.s32 s2, $0x0  }
0x7c: {  	s3 =	rddreg [dreg:$0x2];
	[bflag:$0x3] =	sbarrier.arrive $0xFFFF;
	s2 =	simm.s32 @!p0 $0x1C01  }
0x7d: {  	[timem:s3], [sflag:s2] =	dma.local @!p0 [hbm:s0], s1  }
0x7e: {  	s0 =	simm.s32 @!p0 $0x1  }
0x7f: {  	_ =	swait.ge @!p0 [sflag:s0], s1  }
0x80: {  	s1 =	ssub.s32 @!p0 $0x0, s1;
	[sflag:s0] =	ssyncset.done @!p0 $0x0  }
0x81: {  	[sflag:s0] =	ssyncadd.s32 @!p0 s1  }
0x82: {  	[bflag:$0x3] =	sbarrier.arrive $0xFFFF  }
0x83: {  	_ =	shalt  }

// kernel: kernel.28.cloned.1.call-start
scs
__scs_entry_jumppad:
0x0: {  	(pc) =	sbr.rel $0x88, $3  }
0x1: {  	(tag) =	ssettag $0x0;
	lr =	simm.s32 $0x1  }
0x2: {  	[smem:$0x3F8B] =	sst lr;
	_ =	strace $0xD0000000  }
0x3: {  	_ = 	snop  }
0x4: {  	_ = 	snop  }
0x5: {  	_ = 	snop  }
0x6: {  	_ = 	snop  }
0x7: {  	_ = 	snop  }
__scs_overlays_trampoline_lowered:
0x8: {  	[smem:$0x3F9A] =	sst s0  }
0x9: {  	[smem:$0x3F9B] =	sst s1  }
0xa: {  	[smem:$0x3F9C] =	sst s2  }
0xb: {  	[smem:$0x3F9D] =	sst s3  }
0xc: {  	[smem:$0x3F9E] =	sst s4  }
0xd: {  	[smem:$0x3F9F] =	sst s5  }
0xe: {  	[smem:$0x3FA0] =	sst s6  }
0xf: {  	[smem:$0x3FA1] =	sst s7  }
0x10: {  	[smem:$0x3FA2] =	sst s8  }
0x11: {  	[smem:$0x3FA3] =	sst s9;
	s0 =	simm.s32 @!p0 $0x0  }
0x12: {  	s1 =	sld [smem:$0x3F89];
	s0 =	simm.s32 @p0 $0x1  }
0x13: {  	[smem:$0x3FA4] =	sst s0;
	s0 =	simm.s32 @!p1 $0x0  }
0x14: {  	s2 =	sld [smem:$0x3F88];
	s0 =	simm.s32 @p1 $0x1  }
0x15: {  	[smem:$0x3FA5] =	sst s0;
	s0 =	simm.s32 @!p2 $0x0  }
0x16: {  	s3 =	sld [smem:$0x3FDB];
	s0 =	simm.s32 @p2 $0x1  }
0x17: {  	s4 =	simm.s32 $0x1BF5;
	[smem:$0x3FA7] =	sst s0  }
0x18: {  	s0 =	sld [smem:$0x3F8A];
	_ =	swait.ge [sflag:s4], $0x0  }
0x19: {  	s7 =	sld [smem:$0x3F8B]  }
0x1a: {  	s8 =	sadd.s32 $0xFFFFE003, lr  }
0x1b: {  	s9 =	sadd.s32 $0xFFFFFEF7, lr;
	s5 =	simm.s32 $0xFFFFFFFF;
	p2 =	slt.u32 s8, $0xFFFFF086  }
0x1c: {  	p1 =	slt.u32 s9, $0xF7A;
	s5 =	simm.s32 @!p2 $0x0  }
0x1d: {  	s5 =	simm.s32 @p1 $0x1;
	p0 =	seq.s32 s7, s2  }
0x1e: {  	s7 =	smul.u32 @!p0 $0xF7A, s2;
	p2 =	seq.s32 @!p0 s5, $0x0  }
0x1f: {  	s9 =	smul.u32 $0xF7A, s1;
	s8 =	simm.s32 @!p0 $0x1BF5;
	p2 =	por !p2, p0  }
0x20: {  	[sflag:s8] =	ssyncset.s32 @!p0 $0xFFFFF086;
	s6 =	sadd.s32 @!p0 s3, s7;
	s7 =	simm.s32 @!p0 $0x108  }
0x21: {  	s3 =	sadd.s32 s3, s9;
	s6 =	sadd.s32 @!p0 $0x88, s6;
	s7 =	simm.s32 @p2 $0x1082  }
0x22: {  	[simem:s7], [sflag:s8] =	dma.local @!p0 [hbm:s6], $0xF7A  }
0x23: {  	s9 =	sor.u32 $0xD0000000, s2;
	s6 =	simm.s32 $0x108;
	_ =	swait.ge @!p0 [sflag:s8], $0x0  }
0x24: {  	s3 =	sadd.s32 $0x88, s3;
	s6 =	simm.s32 @!p1 $0x1082;
	[sflag:s4] =	ssyncset.s32 $0xFFFFF086  }
0x25: {  	[simem:s6], [sflag:s4] =	dma.local [hbm:s3], $0xF7A  }
0x26: {  	[smem:$0x3F8B] =	sst s1;
	(tag) =	ssettag s2;
	_ =	strace s9  }
0x27: {  	s1 =	sld [smem:$0x3F9B]  }
0x28: {  	s2 =	sld [smem:$0x3F9C]  }
0x29: {  	s4 =	sld [smem:$0x3F9E]  }
0x2a: {  	p0 =	seq.s32 s5, $0x0;
	s5 =	sld [smem:$0x3F9F]  }
0x2b: {  	s6 =	sld [smem:$0x3FA0]  }
0x2c: {  	s7 =	sld [smem:$0x3FA1]  }
0x2d: {  	s3 =	simm.s32 $0x108;
	s8 =	sld [smem:$0x3FA2]  }
0x2e: {  	s3 =	simm.s32 @!p0 $0x1082;
	s9 =	sld [smem:$0x3FA3]  }
0x2f: {  	lr =	sadd.s32 s0, s3;
	s0 =	sld [smem:$0x3F9A]  }
0x30: {  	s3 =	sld [smem:$0x3F9D]  }
0x31: {  	[smem:$0x3FA6] =	sst s10  }
0x32: {  	s10 =	sld [smem:$0x3FA4];
	_ =	sdelay $0x3  }
0x33: {  	p0 =	seq.s32 s10, $0x1;
	s10 =	sld [smem:$0x3FA6];
	_ =	sdelay $0x3  }
0x34: {  	[smem:$0x3FA6] =	sst s10  }
0x35: {  	s10 =	sld [smem:$0x3FA5];
	_ =	sdelay $0x3  }
0x36: {  	p1 =	seq.s32 s10, $0x1;
	s10 =	sld [smem:$0x3FA6];
	_ =	sdelay $0x3  }
0x37: {  	[smem:$0x3FA6] =	sst s10  }
0x38: {  	s10 =	sld [smem:$0x3FA7]  }
0x39: {  	_ = 	snop;
	(pc) =	sbr.ind lr, $3  }
0x3a: {  	_ = 	snop  }
0x3b: {  	_ = 	snop  }
0x3c: {  	p2 =	seq.s32 s10, $0x1;
	s10 =	sld [smem:$0x3FA6]  }
0x3d: {  	_ =	shalt  }
0x3e: {  	_ =	shalt  }
0x3f: {  	_ =	shalt  }
0x40: {  	_ =	shalt  }
0x41: {  	_ =	shalt  }
0x42: {  	_ =	shalt  }
0x43: {  	_ =	shalt  }
0x44: {  	_ =	shalt  }
0x45: {  	_ =	shalt  }
0x46: {  	_ =	shalt  }
0x47: {  	_ =	shalt  }
0x48: {  	_ =	shalt  }
0x49: {  	_ =	shalt  }
0x4a: {  	_ =	shalt  }
0x4b: {  	_ =	shalt  }
0x4c: {  	_ =	shalt  }
0x4d: {  	_ =	shalt  }
0x4e: {  	_ =	shalt  }
0x4f: {  	_ =	shalt  }
0x50: {  	_ =	shalt  }
0x51: {  	_ =	shalt  }
0x52: {  	_ =	shalt  }
0x53: {  	_ =	shalt  }
0x54: {  	_ =	shalt  }
0x55: {  	_ =	shalt  }
0x56: {  	_ =	shalt  }
0x57: {  	_ =	shalt  }
0x58: {  	_ =	shalt  }
0x59: {  	_ =	shalt  }
0x5a: {  	_ =	shalt  }
0x5b: {  	_ =	shalt  }
0x5c: {  	_ =	shalt  }
0x5d: {  	_ =	shalt  }
0x5e: {  	_ =	shalt  }
0x5f: {  	_ =	shalt  }
0x60: {  	_ =	shalt  }
0x61: {  	_ =	shalt  }
0x62: {  	_ =	shalt  }
0x63: {  	_ =	shalt  }
0x64: {  	_ =	shalt  }
0x65: {  	_ =	shalt  }
0x66: {  	_ =	shalt  }
0x67: {  	_ =	shalt  }
0x68: {  	_ =	shalt  }
0x69: {  	_ =	shalt  }
0x6a: {  	_ =	shalt  }
0x6b: {  	_ =	shalt  }
0x6c: {  	_ =	shalt  }
0x6d: {  	_ =	shalt  }
0x6e: {  	_ =	shalt  }
0x6f: {  	_ =	shalt  }
0x70: {  	_ =	shalt  }
0x71: {  	_ =	shalt  }
0x72: {  	_ =	shalt  }
0x73: {  	_ =	shalt  }
0x74: {  	_ =	shalt  }
0x75: {  	_ =	shalt  }
0x76: {  	_ =	shalt  }
0x77: {  	_ =	shalt  }
0x78: {  	_ =	shalt  }
0x79: {  	_ =	shalt  }
0x7a: {  	_ =	shalt  }
0x7b: {  	_ =	shalt  }
0x7c: {  	_ =	shalt  }
0x7d: {  	_ =	shalt  }
0x7e: {  	_ =	shalt  }
0x7f: {  	_ =	shalt  }
0x80: {  	_ =	shalt  }
0x81: {  	_ =	shalt  }
0x82: {  	_ =	shalt  }
0x83: {  	_ =	shalt  }
0x84: {  	_ =	shalt  }
0x85: {  	_ =	shalt  }
0x86: {  	_ =	shalt  }
0x87: {  	_ =	shalt  }
.Lfunc_end0:
.L_simem_size_0:
called_computation.3_lowered:
.L_overlay_start_0:
0x88: {  	s2 =	sld [smem:$0x3FD9]  }
0x89: {  	s3 =	sld [smem:$0x3FFE];
	_ =	sdelay $0x1  }
0x8a: {  	s1 =	srdreg.scid  }
0x8b: {  	s0 =	sand.u32 $0x1, s1  }
0x8c: {  	s17 =	sshll.u32 s0, $0xA;
	s2 =	sadd.s32 s3, s2  }
0x8d: {  	s2 =	sadd.s32 s2, s17  }
0x8e: {  	[smem:$0x3FB2] =	sst s2  }
0x8f: {  	_ = 	snop  }
0x90: {  	s18 =	sld [smem:$0x3FC7]  }
0x91: {  	s4 =	sld [smem:$0x3FC6];
	(tm) =	ssettm $0x1  }
0x92: {  	s19 =	sld [smem:$0x3FFB];
	_ =	sdelay $0x3  }
0x93: {  	_ =	strace s19  }
0x94: {  	s2 =	sld [smem:$0x3FFC];
	_ =	sdelay $0x3  }
0x95: {  	_ =	strace s2  }
0x96: {  	s2 =	sld [smem:$0x3FFD];
	_ =	sdelay $0x3  }
0x97: {  	_ =	strace s2  }
0x98: {  	_ =	strace $0x8FFFFFFF  }
0x99: {  	s20 =	sld [smem:$0x3FDB];
	_ =	sdelay $0x1  }
0x9a: {  	s5 =	simm.s32 $_scs_section_size  }
0x9b: {  	s6 =	simm.s32 $_size__tile_overlayer_lowered;
	s7 =	simm.s32 $_tile_overlayer_lowered  }
0x9c: {  	s8 =	simm.s32 $0x1BFF;
	s21 =	sshll.u32 s7, $0x1;
	s5 =	sadd.s32 s5, s20  }
0x9d: {  	s22 =	simm.s32 $0x0;
	s6 =	sshll.u32 s6, $0x1;
	s7 =	sadd.s32 s21, s5  }
0x9e: {  	[timem:s22], [sflag:s8] =	dma.local [hbm:s7], s6  }
0x9f: {  	_ =	swait.ge [sflag:s8], s6  }
0xa0: {  	s6 =	ssub.s32 $0x0, s6;
	[sflag:s8] =	ssyncset.done $0x0  }
0xa1: {  	[sflag:s8] =	ssyncadd.s32 s6;
	_ =	sdelay $0x1  }
0xa2: {  	s23 =	simm.s32 $0x1B8B  }
0xa3: {  	_ =	swait.ge [sflag:s23], $0x1  }
0xa4: {  	[sflag:s23] =	ssyncset.done $0x0  }
0xa5: {  	[sflag:s23] =	ssyncadd.s32 $0xFFFFFFFF  }
0xa6: {  	s6 =	sld [smem:$0x0]  }
0xa7: {  	s7 =	sand.u32 $0xFFFFFFFE, s1  }
0xa8: {  	p0 =	sne.s32 s1, s7  }
0xa9: {  	s7 =	sshll.u32 @p0 s7, $0xE  }
0xaa: {  	s7 =	sadd.s32 @p0 $0x11B8D, s7;
	s8 =	sshll.u32 @p0 s6, $0x11  }
0xab: {  	s7 =	sor.u32 @p0 s8, s7  }
0xac: {  	[sflag:s7] =	ssyncadd.remote.s32 @p0 $0x1;
	_ =	sdelay $0x1  }
0xad: {  	s7 =	simm.s32 @p0 $0x1B8D  }
0xae: {  	_ =	swait.eq @p0 [sflag:s7], $0x1  }
0xaf: {  	[sflag:s7] =	ssyncadd.s32 @p0 $0xFFFFFFFF  }
0xb0: {  	s8 =	sshll.u32 @!p0 s1, $0xE  }
0xb1: {  	s8 =	sor.u32 @!p0 $0x4000, s8;
	s7 =	simm.s32 @!p0 $0x1B8D  }
0xb2: {  	s6 =	sshll.u32 @!p0 s6, $0x11;
	s8 =	sadd.s32 @!p0 $0x11B8D, s8;
	_ =	swait.eq @!p0 [sflag:s7], $0x1  }
0xb3: {  	s6 =	sor.u32 @!p0 s6, s8;
	[sflag:s7] =	ssyncadd.s32 @!p0 $0xFFFFFFFF  }
0xb4: {  	s25 =	simm.s32 $0x1B8E;
	s24 =	sld [smem:$0x3FFE];
	[sflag:s6] =	ssyncadd.remote.s32 @!p0 $0x1  }
0xb5: {  	s26 =	simm.s32 $execute0_lowered;
	[smem:$0x3FD2] =	sst s25  }
0xb6: {  	s7 =	sshll.u32 s26, $0x1;
	_ =	strace $0x8000005B;
	[dreg:$0x1] =	wrdreg $0xFFFFFFFF  }
0xb7: {  	s28 =	simm.s32 $_size_execute0_lowered;
	s5 =	sadd.s32 s5, s7;
	[dreg:$0x0] =	wrdreg $0x0  }
0xb8: {  	s7 =	sshll.u32 s28, $0x1;
	[dreg:$0x2] =	wrdreg s5  }
0xb9: {  	[dreg:$0x3] =	wrdreg s7  }
0xba: {  	[dreg:$0x4] =	wrdreg $0xC0  }
0xbb: {  	_ =	task [dreg:s22], $0x5FFFF  }
0xbc: {  	[dreg:$0x1] =	wrdreg $0xFFFFFFFF  }
0xbd: {  	[dreg:$0x0] =	wrdreg $0x60  }
0xbe: {  	[dreg:$0x2] =	wrdreg s24  }
0xbf: {  	[dreg:$0x3] =	wrdreg s18  }
0xc0: {  	[dreg:$0x4] =	wrdreg s4  }
0xc1: {  	[dreg:$0x5] =	wrdreg $0x61000  }
0xc2: {  	[dreg:$0x6] =	wrdreg $0x71000  }
0xc3: {  	[dreg:$0x7] =	wrdreg $0x9  }
0xc4: {  	_ =	task.clear_ibuf [dreg:s22], $0x8FFFF;
	_ =	strace $0x9000005B  }
0xc5: {  	s29 =	simm.s32 $0x9;
	_ =	strace $0x8000005D  }
0xc6: {  	_ =	swait.ge [sflag:s29], $0x1  }
0xc7: {  	[sflag:s29] =	ssyncadd.s32 $0xFFFFFFFF  }
0xc8: {  	_ =	strace $0x9000005D  }
0xc9: {  	_ =	sfence  }
0xca: {  	s30 =	sld [smem:$0x0];
	_ =	sdelay $0x2  }
0xcb: {  	s31 =	sshll.u32 s1, $0xD;
	s1 =	sshrl.u32 s1, $0x2  }
0xcc: {  	s4 =	sand.u32 $0x4000, s31;
	s1 =	sadd.s32 s1, s30  }
0xcd: {  	s0 =	sor.u32 s4, s0;
	s1 =	sshll.u32 s1, $0x11  }
0xce: {  	s0 =	sor.u32 s1, s0  }
0xcf: {  	s0 =	sadd.s32 $0x8F2B, s0  }
0xd0: {  	[sflag:s0] =	ssyncadd.remote.s32 $0x1  }
0xd1: {  	_ =	sfence.sel $0xFFFF  }
0xd2: {  	[dreg:$0x0] =	wrdreg $0xFFFFFFFF;
	(pc) =	sbr.abs _section_cstart, $3  }
0xd3: {  	[dreg:$0x1] =	wrdreg $0xFFFFFFFF  }
0xd4: {  	_ =	task.clear_ibuf [dreg:s22], $0x2FFFF;
	_ =	strace $0x9FFFFFFF  }
0xd5: {  	(tm) =	ssettm $0x7FFFFFFF  }
tec
execute0_lowered:
.L_overlay_start_1:
0x0: {  	(tag) =	ssettag $0x1  }
0x1: {  	s0 =	rddreg [dreg:$0x0]  }
0x2: {  	s4 =	rddreg [dreg:$0x1]  }
0x3: {  	s8 =	rddreg [dreg:$0x2]  }
0x4: {  	s1 =	rddreg [dreg:$0x3]  }
0x5: {  	s2 =	rddreg [dreg:$0x4];
	s3 =	simm.s32 $0x0  }
0x6: {  	s6 =	srdreg.scid;
	s20 =	stileid.u32;
	s28 =	simm.s32 $0x5100  }
0x7: {  	s30 =	simm.s32 $0x1;
	s31 =	simm.s32 $0x400;
	[smem:$0x7FF] =	sst s3  }
0x8: {  	s5 =	sadd.s32 $0xAC00, s0;
	s9 =	sand.u32 $0x1, s6;
	s6 =	sshll.u32 s20, $0x9  }
0x9: {  	s10 =	sshll.u32 s20, $0x5;
	s7 =	sadd.s32 $0x17EC00, s0;
	s15 =	sadd.s32 $0x5EE00, s0  }
0xa: {  	s13 =	sadd.s32 $0x60E00, s0;
	s19 =	sshll.u32 s20, $0xC;
	s22 =	sshll.u32 s20, $0x6  }
0xb: {  	s23 =	ssub.s32 $0x8C, s20;
	s24 =	smul.u32 $0xA, s20;
	_ =	strace $0x8000005C  }
0xc: {  	s11 =	sshll.u32 s9, $0x4;
	s17 =	sadd.s32 s6, s0;
	[dreg:$0x6] =	wrdreg s15  }
0xd: {  	s12 =	ssub.s32 $0x2, s9;
	[dreg:$0x7] =	wrdreg s13;
	s21 =	sadd.s32 s19, s1  }
0xe: {  	s13 =	sadd.s32 s19, s2;
	s19 =	smul.u32 $0xA00, s20;
	p0 =	sne.s32 s9, $0x0  }
0xf: {  	s9 =	simm.s32 $0x0;
	s10 =	sor.u32 s11, s10;
	s18 =	sshrl.u32 s12, $0x1  }
0x10: {  	s11 =	sadd.s32 $0x63000, s17;
	s25 =	sadd.s32 $0x5CE00, s17;
	s29 =	smov.u32 s21  }
0x11: {  	s16 =	sshll.u32 s10, $0x5;
	s18 =	ssub.s32 s12, s18;
	s12 =	sor.u32 $0x1C02, s22  }
0x12: {  	s10 =	sshrl.u32 s10, $0x3;
	s26 =	sadd.s32 s19, s5;
	[dreg:$0x8] =	wrdreg s25  }
.Ltmp0:
0x13: {  	s22 =	sshrl.u32 s21, $0x3;
	s25 =	simm.s32 $0x2880;
	(pc) =	sbr.rel .LBB2_1-.Ltmp0, $4  }
0x14: {  	s0 =	sadd.s32 s16, s0;
	s14 =	sadd.s32 s8, s10;
	s16 =	sshrl.u32 s23, $0x4  }
0x15: {  	v2 =	vlaneseq.u32;
	s19 =	smax.u32 s18, $0x1;
	s20 =	sadd.s32 $0x80, s26;
	s10 =	sadd.s32 s24, s4  }
0x16: {  	vm0 =	vmmov $0xffff;
	v1 =	vshrl.u32 v2, $0x3;
	s23 =	simm.s32 $0x2;
	s24 =	sshrl.u32 s13, $0x3;
	s4 =	simm.s32 $0x80  }
0x17: {  	v0 =	vand.u32 $0x7, v2;
	v2 =	vor.u32 $0x8, v2;
	v1 =	vmul.u32 $0x8, v1;
	s8 =	simm.s32 $0x50;
	s15 =	sadd.s32 $0x58E00, s0;
	s0 =	simm.s32 $0x800  }
.LBB2_7:
0x18: {  	[sflag:s23] =	ssyncadd.s32 $0xFFFFD800  }
0x19: {  	[bflag:$0x0] =	sbarrier.arrive $0xFFFF  }
0x1a: {  	s18 =	smov.u32 s29;
	s17 =	rddreg [dreg:$0x6]  }
.LBB2_8:
0x1b: {  	s9 =	sadd.s32 $0x1, s9  }
0x1c: {  	p1 =	sne.s32 s9, s19  }
.Ltmp1:
0x1d: {  	s17 =	sadd.s32 s17, s6;
	s18 =	sshrl.u32 s18, $0x3;
	(pc) =	sbr.rel @!p1 .LBB2_9-.Ltmp1, $4  }
0x1e: {  	[hbm:s17], [sflag:s12] =	dma.local [spmem:s18], $0x200  }
0x1f: {  	_ =	swait.ge [sflag:s23], $0x200  }
0x20: {  	[sflag:s23] =	ssyncset.done $0x0  }
0x21: {  	[sflag:s23] =	ssyncadd.s32 $0xFFFFFE00  }
.LBB2_1:
0x22: {  	[spmem:s22], [sflag:s12] =	dma.local [hbm:s11], $0x200  }
0x23: {  	_ =	swait.ge [sflag:s23], $0x200  }
0x24: {  	[sflag:s23] =	ssyncset.done $0x0  }
0x25: {  	[sflag:s23] =	ssyncadd.s32 $0xFFFFFE00  }
0x26: {  	[spmem:s24], [sflag:s12] =	dma.local [hbm:s11], $0x200  }
0x27: {  	_ =	swait.ge [sflag:s23], $0x200  }
0x28: {  	[sflag:s23] =	ssyncset.done $0x0  }
0x29: {  	[sflag:s23] =	ssyncadd.s32 $0xFFFFFE00  }
0x2a: {  	[tilespmem:s25], [sflag:$0x2] =	stream.linear.gather [hbm4b:s7+s3], $0x2800, $0x38;
	[tilespmem:$0x8100] =	vst v63  }
0x2b: {  	_ =	swait.ge [sflag:s23], $0x2800  }
0x2c: {  	[sflag:s23] =	ssyncset.done $0x0  }
0x2d: {  	[sflag:s23] =	ssyncadd.s32 $0xFFFFD800  }
0x2e: {  	s17 =	simm.s32 $0x5080;
	[bflag:$0x0] =	sbarrier.arrive $0xFFFF  }
0x2f: {  	[tilespmem:s17], [sflag:$0x2] =	stream.linear.gather [hbm4b:s14+s3], $0x10, $0x38;
	[tilespmem:$0x8100] =	vst v63  }
0x30: {  	_ =	swait.ge [sflag:s23], $0x10  }
0x31: {  	[sflag:s23] =	ssyncset.done $0x0  }
0x32: {  	[sflag:s23] =	ssyncadd.s32 $0xFFFFFFF0  }
0x33: {  	v3 =	vld [tilespmem:$0x5080];
	_ =	sdelay $0x4  }
0x34: {  	v4 =	vshll.u32 v3, $0x1  }
0x35: {  	v3 =	vand.u32 $0x7, v3;
	v4 =	vand.u32 $0xFFFFFFF0, v4  }
0x36: {  	v3 =	vor.u32 v3, v4  }
0x37: {  	v4 =	vperm.xlane v3, v0;
	_ =	sdelay $0x1  }
0x38: {  	v3 =	vperm.xlane v3, v2;
	v4 =	vadd.s32 v1, v4;
	_ =	sdelay $0x1  }
0x39: {  	v3 =	vadd.s32 v1, v3;
	_ =	sdelay $0x2  }
0x3a: {  	[tilespmem:s28], [sflag:$0x1] =	stream.indirect_vreg.gather [hbm4b:s5+s3], $0x80, v4, vm0, $0xb8;
	[tilespmem:$0x8100] =	vst v63  }
0x3b: {  	s21 =	simm.s32 $0x5900  }
0x3c: {  	[tilespmem:s21], [sflag:$0x1] =	stream.indirect_vreg.gather [hbm4b:s5+s3], $0x80, v3, vm0, $0xb8;
	[tilespmem:$0x8100] =	vst v63  }
0x3d: {  	_ =	swait.ge [sflag:s30], $0x1000  }
0x3e: {  	[sflag:s30] =	ssyncset.done $0x0  }
.Ltmp2:
0x3f: {  	[sflag:s30] =	ssyncadd.s32 $0xFFFFF000;
	(pc) =	sbr.rel @p0 .LBB2_5-.Ltmp2, $4  }
0x40: {  	[hbm4b:s15+s3] =	stream.linear.scatter [tilespmem:s28], [sflag:$0x2], $0x1000, $0x38;
	[tilespmem:$0x8100] =	vst v63  }
0x41: {  	_ =	swait.ge [sflag:s23], $0x1000  }
0x42: {  	[sflag:s23] =	ssyncset.done $0x0  }
0x43: {  	[sflag:s23] =	ssyncadd.s32 $0xFFFFF000  }
0x44: {  	[tilespmem:s3], [sflag:$0x2] =	stream.linear.gather [hbm4b:s10+s3], $0x50, $0x38;
	[tilespmem:$0x8100] =	vst v63  }
0x45: {  	_ =	swait.ge [sflag:s23], $0x50  }
0x46: {  	[sflag:s23] =	ssyncset.done $0x0  }
0x47: {  	[sflag:s23] =	ssyncadd.s32 $0xFFFFFFB0  }
0x48: {  	[tilespmem:s4], [sflag:$0x2] =	stream.strided.gather [hbm4b:s26+s31], $0x2800, s0, s31, $0x38;
	[tilespmem:$0x8100] =	vst v63  }
0x49: {  	_ =	swait.ge [sflag:s23], $0x2800  }
0x4a: {  	[sflag:s23] =	ssyncset.done $0x0  }
0x4b: {  	[sflag:s23] =	ssyncadd.s32 $0xFFFFD800  }
0x4c: {  	[spmem:s1] =	stream.indirect.scatter.add.f32 [tilespmem:s4], [sflag:$0x2], $0x80, s3, s8, $0xb8;
	[tilespmem:$0x8100] =	vst v63  }
0x4d: {  	p1 =	sne.s32 s16, $0x1;
	_ =	swait.ge [sflag:s23], $0x2800  }
.Ltmp3:
0x4e: {  	[sflag:s23] =	ssyncset.done $0x0;
	(pc) =	sbr.rel @!p1 .LBB2_4-.Ltmp3, $4  }
0x4f: {  	[sflag:s23] =	ssyncadd.s32 $0xFFFFD800  }
0x50: {  	[spmem:s2] =	stream.indirect.scatter.add.f32 [tilespmem:s25], [sflag:$0x2], $0x80, s3, s8, $0xb8;
	[tilespmem:$0x8100] =	vst v63  }
0x51: {  	s18 =	sadd.s32 $0xFFFFFFFF, s16;
	_ =	swait.ge [sflag:s23], $0x2800  }
0x52: {  	s17 =	smov.u32 s26;
	s21 =	smov.u32 s10;
	[sflag:s23] =	ssyncset.done $0x0  }
.LBB2_3:
0x53: {  	[sflag:s23] =	ssyncadd.s32 $0xFFFFD800;
	s17 =	sadd.s32 $0xA000, s17;
	s21 =	sadd.s32 $0xA0, s21  }
0x54: {  	[tilespmem:s3], [sflag:$0x2] =	stream.linear.gather [hbm4b:s21+s3], $0x50, $0x38;
	[tilespmem:$0x8100] =	vst v63  }
0x55: {  	p1 =	sne.s32 s18, $0x1;
	s18 =	sadd.s32 $0xFFFFFFFF, s18;
	_ =	swait.ge [sflag:s23], $0x50  }
0x56: {  	[sflag:s23] =	ssyncset.done $0x0  }
0x57: {  	[sflag:s23] =	ssyncadd.s32 $0xFFFFFFB0  }
0x58: {  	[tilespmem:s4], [sflag:$0x2] =	stream.strided.gather [hbm4b:s17+s31], $0x2800, s0, s31, $0x38;
	[tilespmem:$0x8100] =	vst v63  }
0x59: {  	_ =	swait.ge [sflag:s23], $0x2800  }
0x5a: {  	[sflag:s23] =	ssyncset.done $0x0  }
0x5b: {  	[sflag:s23] =	ssyncadd.s32 $0xFFFFD800  }
0x5c: {  	[spmem:s1] =	stream.indirect.scatter.add.f32 [tilespmem:s4], [sflag:$0x2], $0x80, s3, s8, $0xb8;
	[tilespmem:$0x8100] =	vst v63  }
0x5d: {  	_ =	swait.ge [sflag:s23], $0x2800  }
.Ltmp4:
0x5e: {  	[sflag:s23] =	ssyncset.done $0x0;
	(pc) =	sbr.rel @p1 .LBB2_3-.Ltmp4, $4  }
0x5f: {  	[sflag:s23] =	ssyncadd.s32 $0xFFFFD800  }
0x60: {  	[spmem:s2] =	stream.indirect.scatter.add.f32 [tilespmem:s25], [sflag:$0x2], $0x80, s3, s8, $0xb8;
	[tilespmem:$0x8100] =	vst v63  }
0x61: {  	_ =	swait.ge [sflag:s23], $0x2800  }
0x62: {  	[sflag:s23] =	ssyncset.done $0x0  }
.LBB2_4:
0x63: {  	[sflag:s23] =	ssyncadd.s32 $0xFFFFD800  }
0x64: {  	[bflag:$0x0] =	sbarrier.arrive $0xFFFF  }
.Ltmp5:
0x65: {  	s17 =	rddreg [dreg:$0x8];
	(pc) =	sbr.rel .LBB2_8-.Ltmp5, $4  }
0x66: {  	[hbm:s17], [sflag:s12] =	dma.local [spmem:s22], $0x200  }
0x67: {  	_ =	swait.ge [sflag:s23], $0x200  }
0x68: {  	[sflag:s23] =	ssyncset.done $0x0  }
0x69: {  	s18 =	smov.u32 s13;
	s17 =	rddreg [dreg:$0x7];
	[sflag:s23] =	ssyncadd.s32 $0xFFFFFE00  }
.LBB2_5:
0x6a: {  	[tilespmem:s3], [sflag:$0x2] =	stream.linear.gather [hbm4b:s10+s3], $0x50, $0x38;
	[tilespmem:$0x8100] =	vst v63  }
0x6b: {  	_ =	swait.ge [sflag:s23], $0x50  }
0x6c: {  	[sflag:s23] =	ssyncset.done $0x0  }
0x6d: {  	[sflag:s23] =	ssyncadd.s32 $0xFFFFFFB0  }
0x6e: {  	[tilespmem:s4], [sflag:$0x2] =	stream.strided.gather [hbm4b:s20+s31], $0x2800, s0, s31, $0x38;
	[tilespmem:$0x8100] =	vst v63  }
0x6f: {  	_ =	swait.ge [sflag:s23], $0x2800  }
0x70: {  	[sflag:s23] =	ssyncset.done $0x0  }
0x71: {  	[sflag:s23] =	ssyncadd.s32 $0xFFFFD800  }
0x72: {  	[spmem:s1] =	stream.indirect.scatter.add.f32 [tilespmem:s4], [sflag:$0x2], $0x80, s3, s8, $0xb8;
	[tilespmem:$0x8100] =	vst v63  }
0x73: {  	p1 =	sne.s32 s16, $0x1;
	_ =	swait.ge [sflag:s23], $0x2800  }
.Ltmp6:
0x74: {  	[sflag:s23] =	ssyncset.done $0x0;
	(pc) =	sbr.rel @!p1 .LBB2_7-.Ltmp6, $4  }
0x75: {  	[sflag:s23] =	ssyncadd.s32 $0xFFFFD800  }
0x76: {  	[spmem:s2] =	stream.indirect.scatter.add.f32 [tilespmem:s25], [sflag:$0x2], $0x80, s3, s8, $0xb8;
	[tilespmem:$0x8100] =	vst v63  }
0x77: {  	s18 =	sadd.s32 $0xFFFFFFFF, s16;
	_ =	swait.ge [sflag:s23], $0x2800  }
0x78: {  	s17 =	smov.u32 s20;
	s21 =	smov.u32 s10;
	[sflag:s23] =	ssyncset.done $0x0  }
.LBB2_6:
0x79: {  	[sflag:s23] =	ssyncadd.s32 $0xFFFFD800;
	s17 =	sadd.s32 $0xA000, s17;
	s21 =	sadd.s32 $0xA0, s21  }
0x7a: {  	[tilespmem:s3], [sflag:$0x2] =	stream.linear.gather [hbm4b:s21+s3], $0x50, $0x38;
	[tilespmem:$0x8100] =	vst v63  }
0x7b: {  	p1 =	sne.s32 s18, $0x1;
	s18 =	sadd.s32 $0xFFFFFFFF, s18;
	_ =	swait.ge [sflag:s23], $0x50  }
0x7c: {  	[sflag:s23] =	ssyncset.done $0x0  }
0x7d: {  	[sflag:s23] =	ssyncadd.s32 $0xFFFFFFB0  }
0x7e: {  	[tilespmem:s4], [sflag:$0x2] =	stream.strided.gather [hbm4b:s17+s31], $0x2800, s0, s31, $0x38;
	[tilespmem:$0x8100] =	vst v63  }
0x7f: {  	_ =	swait.ge [sflag:s23], $0x2800  }
0x80: {  	[sflag:s23] =	ssyncset.done $0x0  }
0x81: {  	[sflag:s23] =	ssyncadd.s32 $0xFFFFD800  }
0x82: {  	[spmem:s1] =	stream.indirect.scatter.add.f32 [tilespmem:s4], [sflag:$0x2], $0x80, s3, s8, $0xb8;
	[tilespmem:$0x8100] =	vst v63  }
0x83: {  	_ =	swait.ge [sflag:s23], $0x2800  }
.Ltmp7:
0x84: {  	[sflag:s23] =	ssyncset.done $0x0;
	(pc) =	sbr.rel @p1 .LBB2_6-.Ltmp7, $4  }
0x85: {  	[sflag:s23] =	ssyncadd.s32 $0xFFFFD800  }
0x86: {  	[spmem:s2] =	stream.indirect.scatter.add.f32 [tilespmem:s25], [sflag:$0x2], $0x80, s3, s8, $0xb8;
	[tilespmem:$0x8100] =	vst v63  }
0x87: {  	_ =	swait.ge [sflag:s23], $0x2800  }
0x88: {  	[sflag:s23] =	ssyncset.done $0x0  }
.Ltmp8:
0x89: {  	_ = 	snop;
	(pc) =	sbr.rel .LBB2_7-.Ltmp8, $1  }
0x8a: {  	_ =	sdelay $0x3  }
.LBB2_9:
0x8b: {  	_ =	sfence.sel $0x180000  }
0x8c: {  	[bflag:$0x0] =	sbarrier.arrive $0xFFFF  }
0x8d: {  	_ =	strace $0x9000005C  }
0x8e: {  	s0 =	stileid.u32;
	[bflag:$0x2] =	sbarrier.arrive $0xFFFF  }
0x8f: {  	p0 =	sne.s32 s0, $0x0;
	s0 =	rddreg [dreg:$0x5]  }
0x90: {  	s0 =	sadd.s32 @!p0 $0x100000, s0  }
0x91: {  	[sflag:s0] =	ssyncadd.tile.s32 @!p0 $0x1;
	_ =	shalt  }
.Lfunc_end2:
_tile_overlayer_lowered:
.L_overlay_start_2:
0x92: {  	(tag) =	ssettag $0x2  }
0x93: {  	s0 =	rddreg [dreg:$0x0];
	s2 =	stileid.u32  }
0x94: {  	s1 =	rddreg [dreg:$0x1];
	p0 =	sne.s32 s2, $0x0  }
0x95: {  	s3 =	rddreg [dreg:$0x2];
	[bflag:$0x3] =	sbarrier.arrive $0xFFFF;
	s2 =	simm.s32 @!p0 $0x1C02  }
0x96: {  	[timem:s3], [sflag:s2] =	dma.local @!p0 [hbm:s0], s1  }
0x97: {  	s0 =	simm.s32 @!p0 $0x2  }
0x98: {  	_ =	swait.ge @!p0 [sflag:s0], s1  }
0x99: {  	s1 =	ssub.s32 @!p0 $0x0, s1;
	[sflag:s0] =	ssyncset.done @!p0 $0x0  }
0x9a: {  	[sflag:s0] =	ssyncadd.s32 @!p0 s1  }
0x9b: {  	[bflag:$0x3] =	sbarrier.arrive $0xFFFF  }
0x9c: {  	_ =	shalt  }

// kernel: kernel.31.cloned.1.call-start
scs
__scs_entry_jumppad:
0x0: {  	(pc) =	sbr.rel $0x88, $3  }
0x1: {  	(tag) =	ssettag $0x0;
	lr =	simm.s32 $0x1  }
0x2: {  	[smem:$0x3F8B] =	sst lr;
	_ =	strace $0xD0000000  }
0x3: {  	_ = 	snop  }
0x4: {  	_ = 	snop  }
0x5: {  	_ = 	snop  }
0x6: {  	_ = 	snop  }
0x7: {  	_ = 	snop  }
__scs_overlays_trampoline_lowered:
0x8: {  	[smem:$0x3F9A] =	sst s0  }
0x9: {  	[smem:$0x3F9B] =	sst s1  }
0xa: {  	[smem:$0x3F9C] =	sst s2  }
0xb: {  	[smem:$0x3F9D] =	sst s3  }
0xc: {  	[smem:$0x3F9E] =	sst s4  }
0xd: {  	[smem:$0x3F9F] =	sst s5  }
0xe: {  	[smem:$0x3FA0] =	sst s6  }
0xf: {  	[smem:$0x3FA1] =	sst s7  }
0x10: {  	[smem:$0x3FA2] =	sst s8  }
0x11: {  	[smem:$0x3FA3] =	sst s9;
	s0 =	simm.s32 @!p0 $0x0  }
0x12: {  	s1 =	sld [smem:$0x3F89];
	s0 =	simm.s32 @p0 $0x1  }
0x13: {  	[smem:$0x3FA4] =	sst s0;
	s0 =	simm.s32 @!p1 $0x0  }
0x14: {  	s2 =	sld [smem:$0x3F88];
	s0 =	simm.s32 @p1 $0x1  }
0x15: {  	[smem:$0x3FA5] =	sst s0;
	s0 =	simm.s32 @!p2 $0x0  }
0x16: {  	s3 =	sld [smem:$0x3FDB];
	s0 =	simm.s32 @p2 $0x1  }
0x17: {  	s4 =	simm.s32 $0x1BF5;
	[smem:$0x3FA7] =	sst s0  }
0x18: {  	s0 =	sld [smem:$0x3F8A];
	_ =	swait.ge [sflag:s4], $0x0  }
0x19: {  	s7 =	sld [smem:$0x3F8B]  }
0x1a: {  	s8 =	sadd.s32 $0xFFFFE003, lr  }
0x1b: {  	s9 =	sadd.s32 $0xFFFFFEF7, lr;
	s5 =	simm.s32 $0xFFFFFFFF;
	p2 =	slt.u32 s8, $0xFFFFF086  }
0x1c: {  	p1 =	slt.u32 s9, $0xF7A;
	s5 =	simm.s32 @!p2 $0x0  }
0x1d: {  	s5 =	simm.s32 @p1 $0x1;
	p0 =	seq.s32 s7, s2  }
0x1e: {  	s7 =	smul.u32 @!p0 $0xF7A, s2;
	p2 =	seq.s32 @!p0 s5, $0x0  }
0x1f: {  	s9 =	smul.u32 $0xF7A, s1;
	s8 =	simm.s32 @!p0 $0x1BF5;
	p2 =	por !p2, p0  }
0x20: {  	[sflag:s8] =	ssyncset.s32 @!p0 $0xFFFFF086;
	s6 =	sadd.s32 @!p0 s3, s7;
	s7 =	simm.s32 @!p0 $0x108  }
0x21: {  	s3 =	sadd.s32 s3, s9;
	s6 =	sadd.s32 @!p0 $0x88, s6;
	s7 =	simm.s32 @p2 $0x1082  }
0x22: {  	[simem:s7], [sflag:s8] =	dma.local @!p0 [hbm:s6], $0xF7A  }
0x23: {  	s9 =	sor.u32 $0xD0000000, s2;
	s6 =	simm.s32 $0x108;
	_ =	swait.ge @!p0 [sflag:s8], $0x0  }
0x24: {  	s3 =	sadd.s32 $0x88, s3;
	s6 =	simm.s32 @!p1 $0x1082;
	[sflag:s4] =	ssyncset.s32 $0xFFFFF086  }
0x25: {  	[simem:s6], [sflag:s4] =	dma.local [hbm:s3], $0xF7A  }
0x26: {  	[smem:$0x3F8B] =	sst s1;
	(tag) =	ssettag s2;
	_ =	strace s9  }
0x27: {  	s1 =	sld [smem:$0x3F9B]  }
0x28: {  	s2 =	sld [smem:$0x3F9C]  }
0x29: {  	s4 =	sld [smem:$0x3F9E]  }
0x2a: {  	p0 =	seq.s32 s5, $0x0;
	s5 =	sld [smem:$0x3F9F]  }
0x2b: {  	s6 =	sld [smem:$0x3FA0]  }
0x2c: {  	s7 =	sld [smem:$0x3FA1]  }
0x2d: {  	s3 =	simm.s32 $0x108;
	s8 =	sld [smem:$0x3FA2]  }
0x2e: {  	s3 =	simm.s32 @!p0 $0x1082;
	s9 =	sld [smem:$0x3FA3]  }
0x2f: {  	lr =	sadd.s32 s0, s3;
	s0 =	sld [smem:$0x3F9A]  }
0x30: {  	s3 =	sld [smem:$0x3F9D]  }
0x31: {  	[smem:$0x3FA6] =	sst s10  }
0x32: {  	s10 =	sld [smem:$0x3FA4];
	_ =	sdelay $0x3  }
0x33: {  	p0 =	seq.s32 s10, $0x1;
	s10 =	sld [smem:$0x3FA6];
	_ =	sdelay $0x3  }
0x34: {  	[smem:$0x3FA6] =	sst s10  }
0x35: {  	s10 =	sld [smem:$0x3FA5];
	_ =	sdelay $0x3  }
0x36: {  	p1 =	seq.s32 s10, $0x1;
	s10 =	sld [smem:$0x3FA6];
	_ =	sdelay $0x3  }
0x37: {  	[smem:$0x3FA6] =	sst s10  }
0x38: {  	s10 =	sld [smem:$0x3FA7]  }
0x39: {  	_ = 	snop;
	(pc) =	sbr.ind lr, $3  }
0x3a: {  	_ = 	snop  }
0x3b: {  	_ = 	snop  }
0x3c: {  	p2 =	seq.s32 s10, $0x1;
	s10 =	sld [smem:$0x3FA6]  }
0x3d: {  	_ =	shalt  }
0x3e: {  	_ =	shalt  }
0x3f: {  	_ =	shalt  }
0x40: {  	_ =	shalt  }
0x41: {  	_ =	shalt  }
0x42: {  	_ =	shalt  }
0x43: {  	_ =	shalt  }
0x44: {  	_ =	shalt  }
0x45: {  	_ =	shalt  }
0x46: {  	_ =	shalt  }
0x47: {  	_ =	shalt  }
0x48: {  	_ =	shalt  }
0x49: {  	_ =	shalt  }
0x4a: {  	_ =	shalt  }
0x4b: {  	_ =	shalt  }
0x4c: {  	_ =	shalt  }
0x4d: {  	_ =	shalt  }
0x4e: {  	_ =	shalt  }
0x4f: {  	_ =	shalt  }
0x50: {  	_ =	shalt  }
0x51: {  	_ =	shalt  }
0x52: {  	_ =	shalt  }
0x53: {  	_ =	shalt  }
0x54: {  	_ =	shalt  }
0x55: {  	_ =	shalt  }
0x56: {  	_ =	shalt  }
0x57: {  	_ =	shalt  }
0x58: {  	_ =	shalt  }
0x59: {  	_ =	shalt  }
0x5a: {  	_ =	shalt  }
0x5b: {  	_ =	shalt  }
0x5c: {  	_ =	shalt  }
0x5d: {  	_ =	shalt  }
0x5e: {  	_ =	shalt  }
0x5f: {  	_ =	shalt  }
0x60: {  	_ =	shalt  }
0x61: {  	_ =	shalt  }
0x62: {  	_ =	shalt  }
0x63: {  	_ =	shalt  }
0x64: {  	_ =	shalt  }
0x65: {  	_ =	shalt  }
0x66: {  	_ =	shalt  }
0x67: {  	_ =	shalt  }
0x68: {  	_ =	shalt  }
0x69: {  	_ =	shalt  }
0x6a: {  	_ =	shalt  }
0x6b: {  	_ =	shalt  }
0x6c: {  	_ =	shalt  }
0x6d: {  	_ =	shalt  }
0x6e: {  	_ =	shalt  }
0x6f: {  	_ =	shalt  }
0x70: {  	_ =	shalt  }
0x71: {  	_ =	shalt  }
0x72: {  	_ =	shalt  }
0x73: {  	_ =	shalt  }
0x74: {  	_ =	shalt  }
0x75: {  	_ =	shalt  }
0x76: {  	_ =	shalt  }
0x77: {  	_ =	shalt  }
0x78: {  	_ =	shalt  }
0x79: {  	_ =	shalt  }
0x7a: {  	_ =	shalt  }
0x7b: {  	_ =	shalt  }
0x7c: {  	_ =	shalt  }
0x7d: {  	_ =	shalt  }
0x7e: {  	_ =	shalt  }
0x7f: {  	_ =	shalt  }
0x80: {  	_ =	shalt  }
0x81: {  	_ =	shalt  }
0x82: {  	_ =	shalt  }
0x83: {  	_ =	shalt  }
0x84: {  	_ =	shalt  }
0x85: {  	_ =	shalt  }
0x86: {  	_ =	shalt  }
0x87: {  	_ =	shalt  }
.Lfunc_end0:
.L_simem_size_0:
called_computation.4_lowered:
.L_overlay_start_0:
0x88: {  	s2 =	sld [smem:$0x3FD9]  }
0x89: {  	s3 =	sld [smem:$0x3FFE];
	_ =	sdelay $0x1  }
0x8a: {  	s1 =	srdreg.scid  }
0x8b: {  	s0 =	sand.u32 $0x1, s1  }
0x8c: {  	s16 =	sshll.u32 s0, $0xA;
	s2 =	sadd.s32 s3, s2  }
0x8d: {  	s2 =	sadd.s32 s2, s16  }
0x8e: {  	[smem:$0x3FB2] =	sst s2  }
0x8f: {  	_ = 	snop  }
0x90: {  	(tm) =	ssettm $0x1  }
0x91: {  	s17 =	sld [smem:$0x3FFB];
	_ =	sdelay $0x3  }
0x92: {  	_ =	strace s17  }
0x93: {  	s2 =	sld [smem:$0x3FFC];
	_ =	sdelay $0x3  }
0x94: {  	_ =	strace s2  }
0x95: {  	s2 =	sld [smem:$0x3FFD];
	_ =	sdelay $0x3  }
0x96: {  	_ =	strace s2  }
0x97: {  	_ =	strace $0x8FFFFFFF  }
0x98: {  	s18 =	sld [smem:$0x3FDB];
	_ =	sdelay $0x1  }
0x99: {  	s19 =	simm.s32 $_scs_section_size  }
0x9a: {  	s4 =	simm.s32 $_size__tile_overlayer_lowered;
	s5 =	simm.s32 $_tile_overlayer_lowered  }
0x9b: {  	s22 =	simm.s32 $0x1BFF;
	s21 =	sshll.u32 s5, $0x1;
	s2 =	sadd.s32 s19, s18  }
0x9c: {  	s6 =	simm.s32 $0x0;
	s20 =	sshll.u32 s4, $0x1;
	s4 =	sadd.s32 s21, s2  }
0x9d: {  	[timem:s6], [sflag:s22] =	dma.local [hbm:s4], s20  }
0x9e: {  	_ =	swait.ge [sflag:s22], s20  }
0x9f: {  	s3 =	ssub.s32 $0x0, s20;
	[sflag:s22] =	ssyncset.done $0x0  }
0xa0: {  	[sflag:s22] =	ssyncadd.s32 s3;
	_ =	sdelay $0x1  }
0xa1: {  	s23 =	simm.s32 $0x1B8B  }
0xa2: {  	_ =	swait.ge [sflag:s23], $0x1  }
0xa3: {  	[sflag:s23] =	ssyncset.done $0x0  }
0xa4: {  	s25 =	simm.s32 $0x1B8E;
	s24 =	sld [smem:$0x3FFE];
	[sflag:s23] =	ssyncadd.s32 $0xFFFFFFFF  }
0xa5: {  	s26 =	simm.s32 $execute0_lowered;
	[smem:$0x3FD2] =	sst s25  }
0xa6: {  	s4 =	sshll.u32 s26, $0x1;
	_ =	strace $0x80000046;
	[dreg:$0x1] =	wrdreg $0xFFFFFFFF  }
0xa7: {  	s28 =	simm.s32 $_size_execute0_lowered;
	s2 =	sadd.s32 s2, s4;
	[dreg:$0x0] =	wrdreg $0x0  }
0xa8: {  	s4 =	sshll.u32 s28, $0x1;
	[dreg:$0x2] =	wrdreg s2  }
0xa9: {  	[dreg:$0x3] =	wrdreg s4  }
0xaa: {  	[dreg:$0x4] =	wrdreg $0xC0  }
0xab: {  	_ =	task [dreg:s6], $0x5FFFF  }
0xac: {  	[dreg:$0x1] =	wrdreg $0xFFFFFFFF  }
0xad: {  	[dreg:$0x0] =	wrdreg $0x60  }
0xae: {  	[dreg:$0x2] =	wrdreg s24  }
0xaf: {  	[dreg:$0x3] =	wrdreg $0x41000  }
0xb0: {  	[dreg:$0x4] =	wrdreg $0xA  }
0xb1: {  	_ =	task.clear_ibuf [dreg:s6], $0x5FFFF;
	_ =	strace $0x90000046  }
0xb2: {  	s29 =	simm.s32 $0xA;
	_ =	strace $0x80000048  }
0xb3: {  	_ =	swait.ge [sflag:s29], $0x1  }
0xb4: {  	[sflag:s29] =	ssyncadd.s32 $0xFFFFFFFF  }
0xb5: {  	_ =	strace $0x90000048  }
0xb6: {  	_ =	sfence  }
0xb7: {  	s30 =	sld [smem:$0x0];
	_ =	sdelay $0x2  }
0xb8: {  	s31 =	sshll.u32 s1, $0xD;
	s1 =	sshrl.u32 s1, $0x2  }
0xb9: {  	s3 =	sand.u32 $0x4000, s31;
	s1 =	sadd.s32 s1, s30  }
0xba: {  	s0 =	sor.u32 s3, s0;
	s1 =	sshll.u32 s1, $0x11  }
0xbb: {  	s0 =	sor.u32 s1, s0  }
0xbc: {  	s0 =	sadd.s32 $0x8F2B, s0  }
0xbd: {  	[sflag:s0] =	ssyncadd.remote.s32 $0x1  }
0xbe: {  	_ =	sfence.sel $0xFFFF  }
0xbf: {  	[dreg:$0x0] =	wrdreg $0xFFFFFFFF;
	(pc) =	sbr.abs _section_cstart, $3  }
0xc0: {  	[dreg:$0x1] =	wrdreg $0xFFFFFFFF  }
0xc1: {  	_ =	task.clear_ibuf [dreg:s6], $0x2FFFF;
	_ =	strace $0x9FFFFFFF  }
0xc2: {  	(tm) =	ssettm $0x7FFFFFFF  }
0xc3: {  	_ =	shalt  }
tec
execute0_lowered:
.L_overlay_start_1:
0x0: {  	(tag) =	ssettag $0x1  }
0x1: {  	s4 =	rddreg [dreg:$0x0]  }
0x2: {  	s2 =	rddreg [dreg:$0x1]  }
0x3: {  	s0 =	rddreg [dreg:$0x2];
	s3 =	simm.s32 $0x0  }
0x4: {  	s1 =	stileid.u32;
	s5 =	srdreg.scid;
	s14 =	simm.s32 $0x1  }
0x5: {  	s16 =	simm.s32 $0x100;
	s17 =	simm.s32 $0x0;
	[smem:$0x7FF] =	sst s3  }
0x6: {  	s6 =	smul.u32 $0x500, s1;
	s15 =	sand.u32 $0x1, s5;
	s28 =	sshll.u32 s1, $0x4  }
0x7: {  	s30 =	ssub.s32 $0x8C, s1;
	s31 =	ssub.s32 $0x4F1, s1;
	s8 =	smul.u32 $0xA000, s1  }
0x8: {  	s13 =	sshll.u32 s1, $0x6;
	_ =	strace $0x80000047;
	s7 =	ssub.s32 $0x2, s15  }
0x9: {  	s10 =	sadd.s32 s28, s4;
	s5 =	sshrl.u32 s31, $0x4;
	s13 =	sor.u32 $0x1C01, s13  }
.Ltmp0:
0xa: {  	p0 =	sne.s32 s15, $0x0;
	s15 =	simm.s32 $0x80;
	(pc) =	sbr.rel .LBB2_1-.Ltmp0, $4  }
0xb: {  	s12 =	sadd.s32 s6, s4;
	s29 =	sshrl.u32 s7, $0x1;
	s4 =	sshrl.u32 s30, $0x4  }
0xc: {  	s8 =	sshrl.u32 s8, $0x2;
	s9 =	sadd.s32 $0xAC00, s10;
	s10 =	sadd.s32 $0xFC00, s10  }
0xd: {  	s7 =	ssub.s32 s7, s29;
	s8 =	sadd.s32 s8, s2;
	s11 =	sadd.s32 $0xB1400, s12  }
0xe: {  	s6 =	smax.u32 s7, $0x1;
	s7 =	sadd.s32 $0x63000, s12;
	s12 =	sadd.s32 $0x8A200, s12  }
.LBB2_13:
0xf: {  	[sflag:s14] =	ssyncadd.s32 $0xFFFFFB00  }
.LBB2_14:
0x10: {  	s17 =	sadd.s32 $0x1, s17  }
0x11: {  	p1 =	sne.s32 s17, s6  }
.Ltmp1:
0x12: {  	_ = 	snop;
	(pc) =	sbr.rel @!p1 .LBB2_15-.Ltmp1, $1  }
0x13: {  	_ =	sdelay $0x3  }
.LBB2_1:
0x14: {  	p1 =	sne.s32 s4, $0x1  }
.Ltmp2:
0x15: {  	_ = 	snop;
	(pc) =	sbr.rel @!p1 .LBB2_3-.Ltmp2, $4  }
0x16: {  	s18 =	sshrl.u32 s8, $0x3  }
0x17: {  	[spmem:s18], [sflag:s13] =	dma.local [hbm:s7], $0x500  }
0x18: {  	s19 =	sadd.s32 $0xFFFFFFFF, s4;
	_ =	swait.ge [sflag:s14], $0x500  }
0x19: {  	s20 =	sadd.s32 $0x28000, s8;
	s21 =	smov.u32 s7;
	[sflag:s14] =	ssyncset.done $0x0  }
.LBB2_2:
0x1a: {  	s22 =	sshrl.u32 s20, $0x3  }
0x1b: {  	[sflag:s14] =	ssyncadd.s32 $0xFFFFFB00;
	s21 =	sadd.s32 $0x5000, s21;
	p2 =	sne.s32 s19, $0x1  }
0x1c: {  	[spmem:s22], [sflag:s13] =	dma.local [hbm:s21], $0x500  }
.Ltmp3:
0x1d: {  	_ = 	snop;
	(pc) =	sbr.rel @p2 .LBB2_2-.Ltmp3, $4  }
0x1e: {  	_ = 	snop  }
0x1f: {  	s19 =	sadd.s32 $0xFFFFFFFF, s19  }
0x20: {  	_ =	swait.ge [sflag:s14], $0x500  }
0x21: {  	s20 =	sadd.s32 $0x28000, s20;
	[sflag:s14] =	ssyncset.done $0x0  }
.LBB2_3:
.Ltmp4:
0x22: {  	(pc) =	sbr.rel @p0 .LBB2_9-.Ltmp4, $3  }
0x23: {  	_ = 	snop  }
0x24: {  	[sflag:s14] =	ssyncadd.s32 $0xFFFFFB00  }
0x25: {  	[bflag:$0x0] =	sbarrier.arrive $0xFFFF;
	_ =	sdelay $0x1  }
0x26: {  	[tilespmem:s3], [sflag:$0x1] =	stream.linear.gather [hbm4b:s10+s3], $0x80, $0x38;
	[tilespmem:$0x179C0] =	vst v63  }
0x27: {  	_ =	swait.ge [sflag:s14], $0x80  }
0x28: {  	[sflag:s14] =	ssyncset.done $0x0  }
0x29: {  	[sflag:s14] =	ssyncadd.s32 $0xFFFFFF80  }
0x2a: {  	[tilespmem:s15], [sflag:$0x1] =	stream.linear.gather [hbm4b:s9+s3], $0x80, $0x38;
	[tilespmem:$0x179C0] =	vst v63  }
0x2b: {  	p1 =	seq.s32 s5, $0x1;
	_ =	swait.ge [sflag:s14], $0x80  }
.Ltmp5:
0x2c: {  	[sflag:s14] =	ssyncset.done $0x0;
	(pc) =	sbr.rel @p1 .LBB2_6-.Ltmp5, $4  }
0x2d: {  	[sflag:s14] =	ssyncadd.s32 $0xFFFFFF80  }
0x2e: {  	[spmem:s2] =	stream.indirect.scatter.add.f32 [tilespmem:s16], [sflag:$0x1], $0x80, s15, s15, $0xb8;
	[tilespmem:$0x179C0] =	vst v63  }
0x2f: {  	s19 =	sadd.s32 $0xFFFFFFFF, s5;
	_ =	swait.ge [sflag:s14], $0x4000  }
0x30: {  	s20 =	smov.u32 s9;
	s21 =	smov.u32 s10;
	[sflag:s14] =	ssyncset.done $0x0  }
.LBB2_5:
0x31: {  	[sflag:s14] =	ssyncadd.s32 $0xFFFFC000;
	s20 =	sadd.s32 $0x100, s20;
	s21 =	sadd.s32 $0x100, s21  }
0x32: {  	[tilespmem:s3], [sflag:$0x1] =	stream.linear.gather [hbm4b:s21+s3], $0x80, $0x38;
	[tilespmem:$0x179C0] =	vst v63  }
0x33: {  	p1 =	seq.s32 s19, $0x1;
	s19 =	sadd.s32 $0xFFFFFFFF, s19;
	_ =	swait.ge [sflag:s14], $0x80  }
0x34: {  	[sflag:s14] =	ssyncset.done $0x0  }
0x35: {  	[sflag:s14] =	ssyncadd.s32 $0xFFFFFF80  }
0x36: {  	[tilespmem:s15], [sflag:$0x1] =	stream.linear.gather [hbm4b:s20+s3], $0x80, $0x38;
	[tilespmem:$0x179C0] =	vst v63  }
0x37: {  	_ =	swait.ge [sflag:s14], $0x80  }
.Ltmp6:
0x38: {  	[sflag:s14] =	ssyncset.done $0x0;
	(pc) =	sbr.rel @!p1 .LBB2_5-.Ltmp6, $4  }
0x39: {  	[sflag:s14] =	ssyncadd.s32 $0xFFFFFF80  }
0x3a: {  	[spmem:s2] =	stream.indirect.scatter.add.f32 [tilespmem:s16], [sflag:$0x1], $0x80, s15, s15, $0xb8;
	[tilespmem:$0x179C0] =	vst v63  }
0x3b: {  	_ =	swait.ge [sflag:s14], $0x4000  }
0x3c: {  	[sflag:s14] =	ssyncset.done $0x0  }
.LBB2_6:
0x3d: {  	p1 =	seq.s32 s4, $0x1  }
.Ltmp7:
0x3e: {  	[sflag:s14] =	ssyncadd.s32 $0xFFFFC000;
	(pc) =	sbr.rel @p1 .LBB2_8-.Ltmp7, $4  }
0x3f: {  	[bflag:$0x0] =	sbarrier.arrive $0xFFFF  }
0x40: {  	[hbm:s12], [sflag:s13] =	dma.local [spmem:s18], $0x500  }
0x41: {  	s19 =	sadd.s32 $0x28000, s8;
	_ =	swait.ge [sflag:s14], $0x500  }
0x42: {  	s20 =	smov.u32 s12;
	s18 =	sadd.s32 $0xFFFFFFFF, s4;
	[sflag:s14] =	ssyncset.done $0x0  }
.LBB2_7:
0x43: {  	s21 =	sshrl.u32 s19, $0x3  }
0x44: {  	[sflag:s14] =	ssyncadd.s32 $0xFFFFFB00;
	s20 =	sadd.s32 $0x5000, s20;
	p1 =	seq.s32 s18, $0x1  }
0x45: {  	[hbm:s20], [sflag:s13] =	dma.local [spmem:s21], $0x500  }
.Ltmp8:
0x46: {  	_ = 	snop;
	(pc) =	sbr.rel @!p1 .LBB2_7-.Ltmp8, $4  }
0x47: {  	_ = 	snop  }
0x48: {  	s18 =	sadd.s32 $0xFFFFFFFF, s18  }
0x49: {  	_ =	swait.ge [sflag:s14], $0x500  }
0x4a: {  	s19 =	sadd.s32 $0x28000, s19;
	[sflag:s14] =	ssyncset.done $0x0  }
.LBB2_8:
.Ltmp9:
0x4b: {  	(pc) =	sbr.rel .LBB2_14-.Ltmp9, $2  }
0x4c: {  	_ =	sdelay $0x2  }
0x4d: {  	[sflag:s14] =	ssyncadd.s32 $0xFFFFFB00  }
.LBB2_9:
0x4e: {  	[tilespmem:s3], [sflag:$0x1] =	stream.linear.gather [hbm4b:s10+s3], $0x80, $0x38;
	[tilespmem:$0x179C0] =	vst v63  }
0x4f: {  	_ =	swait.ge [sflag:s14], $0x80  }
0x50: {  	[sflag:s14] =	ssyncset.done $0x0  }
0x51: {  	[sflag:s14] =	ssyncadd.s32 $0xFFFFFF80  }
0x52: {  	[tilespmem:s15], [sflag:$0x1] =	stream.linear.gather [hbm4b:s9+s3], $0x80, $0x38;
	[tilespmem:$0x179C0] =	vst v63  }
0x53: {  	p2 =	seq.s32 s5, $0x1;
	_ =	swait.ge [sflag:s14], $0x80  }
.Ltmp10:
0x54: {  	[sflag:s14] =	ssyncset.done $0x0;
	(pc) =	sbr.rel @p2 .LBB2_11-.Ltmp10, $4  }
0x55: {  	[sflag:s14] =	ssyncadd.s32 $0xFFFFFF80  }
0x56: {  	[spmem:s2] =	stream.indirect.scatter.add.f32 [tilespmem:s16], [sflag:$0x1], $0x80, s15, s15, $0xb8;
	[tilespmem:$0x179C0] =	vst v63  }
0x57: {  	s19 =	sadd.s32 $0xFFFFFFFF, s5;
	_ =	swait.ge [sflag:s14], $0x4000  }
0x58: {  	s20 =	smov.u32 s9;
	s21 =	smov.u32 s10;
	[sflag:s14] =	ssyncset.done $0x0  }
.LBB2_10:
0x59: {  	[sflag:s14] =	ssyncadd.s32 $0xFFFFC000;
	s20 =	sadd.s32 $0x100, s20;
	s21 =	sadd.s32 $0x100, s21  }
0x5a: {  	[tilespmem:s3], [sflag:$0x1] =	stream.linear.gather [hbm4b:s21+s3], $0x80, $0x38;
	[tilespmem:$0x179C0] =	vst v63  }
0x5b: {  	p2 =	seq.s32 s19, $0x1;
	s19 =	sadd.s32 $0xFFFFFFFF, s19;
	_ =	swait.ge [sflag:s14], $0x80  }
0x5c: {  	[sflag:s14] =	ssyncset.done $0x0  }
0x5d: {  	[sflag:s14] =	ssyncadd.s32 $0xFFFFFF80  }
0x5e: {  	[tilespmem:s15], [sflag:$0x1] =	stream.linear.gather [hbm4b:s20+s3], $0x80, $0x38;
	[tilespmem:$0x179C0] =	vst v63  }
0x5f: {  	_ =	swait.ge [sflag:s14], $0x80  }
.Ltmp11:
0x60: {  	[sflag:s14] =	ssyncset.done $0x0;
	(pc) =	sbr.rel @!p2 .LBB2_10-.Ltmp11, $4  }
0x61: {  	[sflag:s14] =	ssyncadd.s32 $0xFFFFFF80  }
0x62: {  	[spmem:s2] =	stream.indirect.scatter.add.f32 [tilespmem:s16], [sflag:$0x1], $0x80, s15, s15, $0xb8;
	[tilespmem:$0x179C0] =	vst v63  }
0x63: {  	_ =	swait.ge [sflag:s14], $0x4000  }
0x64: {  	[sflag:s14] =	ssyncset.done $0x0  }
.LBB2_11:
.Ltmp12:
0x65: {  	[sflag:s14] =	ssyncadd.s32 $0xFFFFC000;
	(pc) =	sbr.rel @!p1 .LBB2_13-.Ltmp12, $4  }
0x66: {  	[bflag:$0x0] =	sbarrier.arrive $0xFFFF  }
0x67: {  	[hbm:s11], [sflag:s13] =	dma.local [spmem:s18], $0x500  }
0x68: {  	s19 =	sadd.s32 $0x28000, s8;
	_ =	swait.ge [sflag:s14], $0x500  }
0x69: {  	s20 =	smov.u32 s11;
	s18 =	sadd.s32 $0xFFFFFFFF, s4;
	[sflag:s14] =	ssyncset.done $0x0  }
.LBB2_12:
0x6a: {  	s21 =	sshrl.u32 s19, $0x3  }
0x6b: {  	[sflag:s14] =	ssyncadd.s32 $0xFFFFFB00;
	s20 =	sadd.s32 $0x5000, s20;
	p1 =	sne.s32 s18, $0x1  }
0x6c: {  	[hbm:s20], [sflag:s13] =	dma.local [spmem:s21], $0x500  }
.Ltmp13:
0x6d: {  	_ = 	snop;
	(pc) =	sbr.rel @p1 .LBB2_12-.Ltmp13, $4  }
0x6e: {  	_ = 	snop  }
0x6f: {  	s18 =	sadd.s32 $0xFFFFFFFF, s18  }
0x70: {  	_ =	swait.ge [sflag:s14], $0x500  }
0x71: {  	s19 =	sadd.s32 $0x28000, s19;
	[sflag:s14] =	ssyncset.done $0x0  }
.Ltmp14:
0x72: {  	_ = 	snop;
	(pc) =	sbr.rel .LBB2_13-.Ltmp14, $1  }
0x73: {  	_ =	sdelay $0x3  }
.LBB2_15:
0x74: {  	_ =	sfence.sel $0x180000  }
0x75: {  	[bflag:$0x0] =	sbarrier.arrive $0xFFFF  }
0x76: {  	p0 =	sne.s32 s1, $0x0;
	_ =	strace $0x90000047  }
0x77: {  	s0 =	sadd.s32 @!p0 $0x100000, s0;
	[bflag:$0x2] =	sbarrier.arrive $0xFFFF  }
0x78: {  	[sflag:s0] =	ssyncadd.tile.s32 @!p0 $0x1;
	_ =	shalt  }
.Lfunc_end2:
_tile_overlayer_lowered:
.L_overlay_start_2:
0x79: {  	(tag) =	ssettag $0x2  }
0x7a: {  	s0 =	rddreg [dreg:$0x0];
	s2 =	stileid.u32  }
0x7b: {  	s1 =	rddreg [dreg:$0x1];
	p0 =	sne.s32 s2, $0x0  }
0x7c: {  	s3 =	rddreg [dreg:$0x2];
	[bflag:$0x3] =	sbarrier.arrive $0xFFFF;
	s2 =	simm.s32 @!p0 $0x1C01  }
0x7d: {  	[timem:s3], [sflag:s2] =	dma.local @!p0 [hbm:s0], s1  }
0x7e: {  	s0 =	simm.s32 @!p0 $0x1  }
0x7f: {  	_ =	swait.ge @!p0 [sflag:s0], s1  }
0x80: {  	s1 =	ssub.s32 @!p0 $0x0, s1;
	[sflag:s0] =	ssyncset.done @!p0 $0x0  }
0x81: {  	[sflag:s0] =	ssyncadd.s32 @!p0 s1  }
0x82: {  	[bflag:$0x3] =	sbarrier.arrive $0xFFFF  }
0x83: {  	_ =	shalt  }

// kernel: kernel.34.cloned.1.call-start
scs
__scs_entry_jumppad:
0x0: {  	(pc) =	sbr.rel $0x88, $3  }
0x1: {  	(tag) =	ssettag $0x0;
	lr =	simm.s32 $0x1  }
0x2: {  	[smem:$0x3F8B] =	sst lr;
	_ =	strace $0xD0000000  }
0x3: {  	_ = 	snop  }
0x4: {  	_ = 	snop  }
0x5: {  	_ = 	snop  }
0x6: {  	_ = 	snop  }
0x7: {  	_ = 	snop  }
__scs_overlays_trampoline_lowered:
0x8: {  	[smem:$0x3F9A] =	sst s0  }
0x9: {  	[smem:$0x3F9B] =	sst s1  }
0xa: {  	[smem:$0x3F9C] =	sst s2  }
0xb: {  	[smem:$0x3F9D] =	sst s3  }
0xc: {  	[smem:$0x3F9E] =	sst s4  }
0xd: {  	[smem:$0x3F9F] =	sst s5  }
0xe: {  	[smem:$0x3FA0] =	sst s6  }
0xf: {  	[smem:$0x3FA1] =	sst s7  }
0x10: {  	[smem:$0x3FA2] =	sst s8  }
0x11: {  	[smem:$0x3FA3] =	sst s9;
	s0 =	simm.s32 @!p0 $0x0  }
0x12: {  	s1 =	sld [smem:$0x3F89];
	s0 =	simm.s32 @p0 $0x1  }
0x13: {  	[smem:$0x3FA4] =	sst s0;
	s0 =	simm.s32 @!p1 $0x0  }
0x14: {  	s2 =	sld [smem:$0x3F88];
	s0 =	simm.s32 @p1 $0x1  }
0x15: {  	[smem:$0x3FA5] =	sst s0;
	s0 =	simm.s32 @!p2 $0x0  }
0x16: {  	s3 =	sld [smem:$0x3FDB];
	s0 =	simm.s32 @p2 $0x1  }
0x17: {  	s4 =	simm.s32 $0x1BF5;
	[smem:$0x3FA7] =	sst s0  }
0x18: {  	s0 =	sld [smem:$0x3F8A];
	_ =	swait.ge [sflag:s4], $0x0  }
0x19: {  	s7 =	sld [smem:$0x3F8B]  }
0x1a: {  	s8 =	sadd.s32 $0xFFFFE003, lr  }
0x1b: {  	s9 =	sadd.s32 $0xFFFFFEF7, lr;
	s5 =	simm.s32 $0xFFFFFFFF;
	p2 =	slt.u32 s8, $0xFFFFF086  }
0x1c: {  	p1 =	slt.u32 s9, $0xF7A;
	s5 =	simm.s32 @!p2 $0x0  }
0x1d: {  	s5 =	simm.s32 @p1 $0x1;
	p0 =	seq.s32 s7, s2  }
0x1e: {  	s7 =	smul.u32 @!p0 $0xF7A, s2;
	p2 =	seq.s32 @!p0 s5, $0x0  }
0x1f: {  	s9 =	smul.u32 $0xF7A, s1;
	s8 =	simm.s32 @!p0 $0x1BF5;
	p2 =	por !p2, p0  }
0x20: {  	[sflag:s8] =	ssyncset.s32 @!p0 $0xFFFFF086;
	s6 =	sadd.s32 @!p0 s3, s7;
	s7 =	simm.s32 @!p0 $0x108  }
0x21: {  	s3 =	sadd.s32 s3, s9;
	s6 =	sadd.s32 @!p0 $0x88, s6;
	s7 =	simm.s32 @p2 $0x1082  }
0x22: {  	[simem:s7], [sflag:s8] =	dma.local @!p0 [hbm:s6], $0xF7A  }
0x23: {  	s9 =	sor.u32 $0xD0000000, s2;
	s6 =	simm.s32 $0x108;
	_ =	swait.ge @!p0 [sflag:s8], $0x0  }
0x24: {  	s3 =	sadd.s32 $0x88, s3;
	s6 =	simm.s32 @!p1 $0x1082;
	[sflag:s4] =	ssyncset.s32 $0xFFFFF086  }
0x25: {  	[simem:s6], [sflag:s4] =	dma.local [hbm:s3], $0xF7A  }
0x26: {  	[smem:$0x3F8B] =	sst s1;
	(tag) =	ssettag s2;
	_ =	strace s9  }
0x27: {  	s1 =	sld [smem:$0x3F9B]  }
0x28: {  	s2 =	sld [smem:$0x3F9C]  }
0x29: {  	s4 =	sld [smem:$0x3F9E]  }
0x2a: {  	p0 =	seq.s32 s5, $0x0;
	s5 =	sld [smem:$0x3F9F]  }
0x2b: {  	s6 =	sld [smem:$0x3FA0]  }
0x2c: {  	s7 =	sld [smem:$0x3FA1]  }
0x2d: {  	s3 =	simm.s32 $0x108;
	s8 =	sld [smem:$0x3FA2]  }
0x2e: {  	s3 =	simm.s32 @!p0 $0x1082;
	s9 =	sld [smem:$0x3FA3]  }
0x2f: {  	lr =	sadd.s32 s0, s3;
	s0 =	sld [smem:$0x3F9A]  }
0x30: {  	s3 =	sld [smem:$0x3F9D]  }
0x31: {  	[smem:$0x3FA6] =	sst s10  }
0x32: {  	s10 =	sld [smem:$0x3FA4];
	_ =	sdelay $0x3  }
0x33: {  	p0 =	seq.s32 s10, $0x1;
	s10 =	sld [smem:$0x3FA6];
	_ =	sdelay $0x3  }
0x34: {  	[smem:$0x3FA6] =	sst s10  }
0x35: {  	s10 =	sld [smem:$0x3FA5];
	_ =	sdelay $0x3  }
0x36: {  	p1 =	seq.s32 s10, $0x1;
	s10 =	sld [smem:$0x3FA6];
	_ =	sdelay $0x3  }
0x37: {  	[smem:$0x3FA6] =	sst s10  }
0x38: {  	s10 =	sld [smem:$0x3FA7]  }
0x39: {  	_ = 	snop;
	(pc) =	sbr.ind lr, $3  }
0x3a: {  	_ = 	snop  }
0x3b: {  	_ = 	snop  }
0x3c: {  	p2 =	seq.s32 s10, $0x1;
	s10 =	sld [smem:$0x3FA6]  }
0x3d: {  	_ =	shalt  }
0x3e: {  	_ =	shalt  }
0x3f: {  	_ =	shalt  }
0x40: {  	_ =	shalt  }
0x41: {  	_ =	shalt  }
0x42: {  	_ =	shalt  }
0x43: {  	_ =	shalt  }
0x44: {  	_ =	shalt  }
0x45: {  	_ =	shalt  }
0x46: {  	_ =	shalt  }
0x47: {  	_ =	shalt  }
0x48: {  	_ =	shalt  }
0x49: {  	_ =	shalt  }
0x4a: {  	_ =	shalt  }
0x4b: {  	_ =	shalt  }
0x4c: {  	_ =	shalt  }
0x4d: {  	_ =	shalt  }
0x4e: {  	_ =	shalt  }
0x4f: {  	_ =	shalt  }
0x50: {  	_ =	shalt  }
0x51: {  	_ =	shalt  }
0x52: {  	_ =	shalt  }
0x53: {  	_ =	shalt  }
0x54: {  	_ =	shalt  }
0x55: {  	_ =	shalt  }
0x56: {  	_ =	shalt  }
0x57: {  	_ =	shalt  }
0x58: {  	_ =	shalt  }
0x59: {  	_ =	shalt  }
0x5a: {  	_ =	shalt  }
0x5b: {  	_ =	shalt  }
0x5c: {  	_ =	shalt  }
0x5d: {  	_ =	shalt  }
0x5e: {  	_ =	shalt  }
0x5f: {  	_ =	shalt  }
0x60: {  	_ =	shalt  }
0x61: {  	_ =	shalt  }
0x62: {  	_ =	shalt  }
0x63: {  	_ =	shalt  }
0x64: {  	_ =	shalt  }
0x65: {  	_ =	shalt  }
0x66: {  	_ =	shalt  }
0x67: {  	_ =	shalt  }
0x68: {  	_ =	shalt  }
0x69: {  	_ =	shalt  }
0x6a: {  	_ =	shalt  }
0x6b: {  	_ =	shalt  }
0x6c: {  	_ =	shalt  }
0x6d: {  	_ =	shalt  }
0x6e: {  	_ =	shalt  }
0x6f: {  	_ =	shalt  }
0x70: {  	_ =	shalt  }
0x71: {  	_ =	shalt  }
0x72: {  	_ =	shalt  }
0x73: {  	_ =	shalt  }
0x74: {  	_ =	shalt  }
0x75: {  	_ =	shalt  }
0x76: {  	_ =	shalt  }
0x77: {  	_ =	shalt  }
0x78: {  	_ =	shalt  }
0x79: {  	_ =	shalt  }
0x7a: {  	_ =	shalt  }
0x7b: {  	_ =	shalt  }
0x7c: {  	_ =	shalt  }
0x7d: {  	_ =	shalt  }
0x7e: {  	_ =	shalt  }
0x7f: {  	_ =	shalt  }
0x80: {  	_ =	shalt  }
0x81: {  	_ =	shalt  }
0x82: {  	_ =	shalt  }
0x83: {  	_ =	shalt  }
0x84: {  	_ =	shalt  }
0x85: {  	_ =	shalt  }
0x86: {  	_ =	shalt  }
0x87: {  	_ =	shalt  }
.Lfunc_end0:
.L_simem_size_0:
called_computation.5_lowered:
.L_overlay_start_0:
0x88: {  	s2 =	sld [smem:$0x3FD9]  }
0x89: {  	s3 =	sld [smem:$0x3FFE];
	_ =	sdelay $0x1  }
0x8a: {  	s1 =	srdreg.scid  }
0x8b: {  	s0 =	sand.u32 $0x1, s1  }
0x8c: {  	s17 =	sshll.u32 s0, $0xA;
	s2 =	sadd.s32 s3, s2  }
0x8d: {  	s2 =	sadd.s32 s2, s17  }
0x8e: {  	[smem:$0x3FB2] =	sst s2  }
0x8f: {  	_ = 	snop  }
0x90: {  	(tm) =	ssettm $0x1  }
0x91: {  	s18 =	sld [smem:$0x3FFB];
	_ =	sdelay $0x3  }
0x92: {  	_ =	strace s18  }
0x93: {  	s2 =	sld [smem:$0x3FFC];
	_ =	sdelay $0x3  }
0x94: {  	_ =	strace s2  }
0x95: {  	s2 =	sld [smem:$0x3FFD];
	_ =	sdelay $0x3  }
0x96: {  	_ =	strace s2  }
0x97: {  	_ =	strace $0x8FFFFFFF  }
0x98: {  	s19 =	sld [smem:$0x3FDB];
	_ =	sdelay $0x1  }
0x99: {  	s20 =	simm.s32 $_scs_section_size  }
0x9a: {  	s4 =	simm.s32 $_size__tile_overlayer_lowered;
	s5 =	simm.s32 $_tile_overlayer_lowered  }
0x9b: {  	s6 =	simm.s32 $0x1BFF;
	s21 =	sshll.u32 s5, $0x1;
	s3 =	sadd.s32 s20, s19  }
0x9c: {  	s22 =	simm.s32 $0x0;
	s4 =	sshll.u32 s4, $0x1;
	s5 =	sadd.s32 s21, s3  }
0x9d: {  	[timem:s22], [sflag:s6] =	dma.local [hbm:s5], s4  }
0x9e: {  	_ =	swait.ge [sflag:s6], s4  }
0x9f: {  	s4 =	ssub.s32 $0x0, s4;
	[sflag:s6] =	ssyncset.done $0x0  }
0xa0: {  	[sflag:s6] =	ssyncadd.s32 s4;
	_ =	sdelay $0x1  }
0xa1: {  	s23 =	simm.s32 $0x1B8B  }
0xa2: {  	_ =	swait.ge [sflag:s23], $0x1  }
0xa3: {  	[sflag:s23] =	ssyncset.done $0x0  }
0xa4: {  	[sflag:s23] =	ssyncadd.s32 $0xFFFFFFFF  }
0xa5: {  	s4 =	sld [smem:$0x0]  }
0xa6: {  	s5 =	sand.u32 $0xFFFFFFFE, s1  }
0xa7: {  	p0 =	sne.s32 s1, s5  }
0xa8: {  	s5 =	sshll.u32 @p0 s5, $0xE  }
0xa9: {  	s5 =	sadd.s32 @p0 $0x11B8D, s5;
	s6 =	sshll.u32 @p0 s4, $0x11  }
0xaa: {  	s5 =	sor.u32 @p0 s6, s5  }
0xab: {  	[sflag:s5] =	ssyncadd.remote.s32 @p0 $0x1;
	_ =	sdelay $0x1  }
0xac: {  	s5 =	simm.s32 @p0 $0x1B8D  }
0xad: {  	_ =	swait.eq @p0 [sflag:s5], $0x1  }
0xae: {  	[sflag:s5] =	ssyncadd.s32 @p0 $0xFFFFFFFF  }
0xaf: {  	s6 =	sshll.u32 @!p0 s1, $0xE  }
0xb0: {  	s6 =	sor.u32 @!p0 $0x4000, s6;
	s5 =	simm.s32 @!p0 $0x1B8D  }
0xb1: {  	s4 =	sshll.u32 @!p0 s4, $0x11;
	s6 =	sadd.s32 @!p0 $0x11B8D, s6;
	_ =	swait.eq @!p0 [sflag:s5], $0x1  }
0xb2: {  	s4 =	sor.u32 @!p0 s4, s6;
	[sflag:s5] =	ssyncadd.s32 @!p0 $0xFFFFFFFF  }
0xb3: {  	s25 =	simm.s32 $0x1B8E;
	s24 =	sld [smem:$0x3FFE];
	[sflag:s4] =	ssyncadd.remote.s32 @!p0 $0x1  }
0xb4: {  	s26 =	simm.s32 $execute0_lowered;
	[smem:$0x3FD2] =	sst s25  }
0xb5: {  	s5 =	sshll.u32 s26, $0x1;
	_ =	strace $0x8000004C;
	[dreg:$0x1] =	wrdreg $0xFFFFFFFF  }
0xb6: {  	s28 =	simm.s32 $_size_execute0_lowered;
	s3 =	sadd.s32 s3, s5;
	[dreg:$0x0] =	wrdreg $0x0  }
0xb7: {  	s5 =	sshll.u32 s28, $0x1;
	[dreg:$0x2] =	wrdreg s3  }
0xb8: {  	[dreg:$0x3] =	wrdreg s5  }
0xb9: {  	[dreg:$0x4] =	wrdreg $0xC0  }
0xba: {  	_ =	task [dreg:s22], $0x5FFFF  }
0xbb: {  	[dreg:$0x1] =	wrdreg $0xFFFFFFFF  }
0xbc: {  	[dreg:$0x0] =	wrdreg $0x60  }
0xbd: {  	[dreg:$0x2] =	wrdreg s24  }
0xbe: {  	[dreg:$0x3] =	wrdreg $0x41000  }
0xbf: {  	[dreg:$0x4] =	wrdreg $0xA  }
0xc0: {  	_ =	task.clear_ibuf [dreg:s22], $0x5FFFF;
	_ =	strace $0x9000004C  }
0xc1: {  	s29 =	simm.s32 $0xA;
	_ =	strace $0x8000004E  }
0xc2: {  	_ =	swait.ge [sflag:s29], $0x1  }
0xc3: {  	[sflag:s29] =	ssyncadd.s32 $0xFFFFFFFF  }
0xc4: {  	_ =	strace $0x9000004E  }
0xc5: {  	_ =	sfence  }
0xc6: {  	s30 =	sld [smem:$0x0];
	_ =	sdelay $0x2  }
0xc7: {  	s31 =	sshll.u32 s1, $0xD;
	s1 =	sshrl.u32 s1, $0x2  }
0xc8: {  	s4 =	sand.u32 $0x4000, s31;
	s1 =	sadd.s32 s1, s30  }
0xc9: {  	s0 =	sor.u32 s4, s0;
	s1 =	sshll.u32 s1, $0x11  }
0xca: {  	s0 =	sor.u32 s1, s0  }
0xcb: {  	s0 =	sadd.s32 $0x8F2B, s0  }
0xcc: {  	[sflag:s0] =	ssyncadd.remote.s32 $0x1  }
0xcd: {  	_ =	sfence.sel $0xFFFF  }
0xce: {  	[dreg:$0x0] =	wrdreg $0xFFFFFFFF;
	(pc) =	sbr.abs _section_cstart, $3  }
0xcf: {  	[dreg:$0x1] =	wrdreg $0xFFFFFFFF  }
0xd0: {  	_ =	task.clear_ibuf [dreg:s22], $0x2FFFF;
	_ =	strace $0x9FFFFFFF  }
0xd1: {  	(tm) =	ssettm $0x7FFFFFFF  }
tec
execute0_lowered:
.L_overlay_start_1:
0x0: {  	(tag) =	ssettag $0x1  }
0x1: {  	s4 =	rddreg [dreg:$0x0]  }
0x2: {  	s2 =	rddreg [dreg:$0x1]  }
0x3: {  	s0 =	rddreg [dreg:$0x2];
	s3 =	simm.s32 $0x0  }
0x4: {  	s1 =	stileid.u32;
	s5 =	srdreg.scid;
	s14 =	simm.s32 $0x1  }
0x5: {  	s16 =	simm.s32 $0x100;
	s17 =	simm.s32 $0x0;
	[smem:$0x7FF] =	sst s3  }
0x6: {  	s6 =	smul.u32 $0x500, s1;
	s15 =	sand.u32 $0x1, s5;
	s28 =	sshll.u32 s1, $0x4  }
0x7: {  	s30 =	ssub.s32 $0x8C, s1;
	s31 =	ssub.s32 $0x4F1, s1;
	s8 =	smul.u32 $0xA000, s1  }
0x8: {  	s13 =	sshll.u32 s1, $0x6;
	_ =	strace $0x8000004D;
	s7 =	ssub.s32 $0x2, s15  }
0x9: {  	s10 =	sadd.s32 s28, s4;
	s5 =	sshrl.u32 s31, $0x4;
	s13 =	sor.u32 $0x1C01, s13  }
.Ltmp0:
0xa: {  	p0 =	sne.s32 s15, $0x0;
	s15 =	simm.s32 $0x80;
	(pc) =	sbr.rel .LBB2_1-.Ltmp0, $4  }
0xb: {  	s12 =	sadd.s32 s6, s4;
	s29 =	sshrl.u32 s7, $0x1;
	s4 =	sshrl.u32 s30, $0x4  }
0xc: {  	s8 =	sshrl.u32 s8, $0x2;
	s9 =	sadd.s32 $0xAC00, s10;
	s10 =	sadd.s32 $0xFC00, s10  }
0xd: {  	s7 =	ssub.s32 s7, s29;
	s8 =	sadd.s32 s8, s2;
	s11 =	sadd.s32 $0x1A6000, s12  }
0xe: {  	s6 =	smax.u32 s7, $0x1;
	s7 =	sadd.s32 $0x63000, s12;
	s12 =	sadd.s32 $0x17EE00, s12  }
.LBB2_13:
0xf: {  	[sflag:s14] =	ssyncadd.s32 $0xFFFFFB00  }
.LBB2_14:
0x10: {  	s17 =	sadd.s32 $0x1, s17  }
0x11: {  	p1 =	sne.s32 s17, s6  }
.Ltmp1:
0x12: {  	_ = 	snop;
	(pc) =	sbr.rel @!p1 .LBB2_15-.Ltmp1, $1  }
0x13: {  	_ =	sdelay $0x3  }
.LBB2_1:
0x14: {  	p1 =	sne.s32 s4, $0x1  }
.Ltmp2:
0x15: {  	_ = 	snop;
	(pc) =	sbr.rel @!p1 .LBB2_3-.Ltmp2, $4  }
0x16: {  	s18 =	sshrl.u32 s8, $0x3  }
0x17: {  	[spmem:s18], [sflag:s13] =	dma.local [hbm:s7], $0x500  }
0x18: {  	s19 =	sadd.s32 $0xFFFFFFFF, s4;
	_ =	swait.ge [sflag:s14], $0x500  }
0x19: {  	s20 =	sadd.s32 $0x28000, s8;
	s21 =	smov.u32 s7;
	[sflag:s14] =	ssyncset.done $0x0  }
.LBB2_2:
0x1a: {  	s22 =	sshrl.u32 s20, $0x3  }
0x1b: {  	[sflag:s14] =	ssyncadd.s32 $0xFFFFFB00;
	s21 =	sadd.s32 $0x5000, s21;
	p2 =	sne.s32 s19, $0x1  }
0x1c: {  	[spmem:s22], [sflag:s13] =	dma.local [hbm:s21], $0x500  }
.Ltmp3:
0x1d: {  	_ = 	snop;
	(pc) =	sbr.rel @p2 .LBB2_2-.Ltmp3, $4  }
0x1e: {  	_ = 	snop  }
0x1f: {  	s19 =	sadd.s32 $0xFFFFFFFF, s19  }
0x20: {  	_ =	swait.ge [sflag:s14], $0x500  }
0x21: {  	s20 =	sadd.s32 $0x28000, s20;
	[sflag:s14] =	ssyncset.done $0x0  }
.LBB2_3:
.Ltmp4:
0x22: {  	(pc) =	sbr.rel @p0 .LBB2_9-.Ltmp4, $3  }
0x23: {  	_ = 	snop  }
0x24: {  	[sflag:s14] =	ssyncadd.s32 $0xFFFFFB00  }
0x25: {  	[bflag:$0x0] =	sbarrier.arrive $0xFFFF;
	_ =	sdelay $0x1  }
0x26: {  	[tilespmem:s3], [sflag:$0x1] =	stream.linear.gather [hbm4b:s10+s3], $0x80, $0x38;
	[tilespmem:$0x179C0] =	vst v63  }
0x27: {  	_ =	swait.ge [sflag:s14], $0x80  }
0x28: {  	[sflag:s14] =	ssyncset.done $0x0  }
0x29: {  	[sflag:s14] =	ssyncadd.s32 $0xFFFFFF80  }
0x2a: {  	[tilespmem:s15], [sflag:$0x1] =	stream.linear.gather [hbm4b:s9+s3], $0x80, $0x38;
	[tilespmem:$0x179C0] =	vst v63  }
0x2b: {  	p1 =	seq.s32 s5, $0x1;
	_ =	swait.ge [sflag:s14], $0x80  }
.Ltmp5:
0x2c: {  	[sflag:s14] =	ssyncset.done $0x0;
	(pc) =	sbr.rel @p1 .LBB2_6-.Ltmp5, $4  }
0x2d: {  	[sflag:s14] =	ssyncadd.s32 $0xFFFFFF80  }
0x2e: {  	[spmem:s2] =	stream.indirect.scatter.add.f32 [tilespmem:s16], [sflag:$0x1], $0x80, s15, s15, $0xb8;
	[tilespmem:$0x179C0] =	vst v63  }
0x2f: {  	s19 =	sadd.s32 $0xFFFFFFFF, s5;
	_ =	swait.ge [sflag:s14], $0x4000  }
0x30: {  	s20 =	smov.u32 s9;
	s21 =	smov.u32 s10;
	[sflag:s14] =	ssyncset.done $0x0  }
.LBB2_5:
0x31: {  	[sflag:s14] =	ssyncadd.s32 $0xFFFFC000;
	s20 =	sadd.s32 $0x100, s20;
	s21 =	sadd.s32 $0x100, s21  }
0x32: {  	[tilespmem:s3], [sflag:$0x1] =	stream.linear.gather [hbm4b:s21+s3], $0x80, $0x38;
	[tilespmem:$0x179C0] =	vst v63  }
0x33: {  	p1 =	seq.s32 s19, $0x1;
	s19 =	sadd.s32 $0xFFFFFFFF, s19;
	_ =	swait.ge [sflag:s14], $0x80  }
0x34: {  	[sflag:s14] =	ssyncset.done $0x0  }
0x35: {  	[sflag:s14] =	ssyncadd.s32 $0xFFFFFF80  }
0x36: {  	[tilespmem:s15], [sflag:$0x1] =	stream.linear.gather [hbm4b:s20+s3], $0x80, $0x38;
	[tilespmem:$0x179C0] =	vst v63  }
0x37: {  	_ =	swait.ge [sflag:s14], $0x80  }
.Ltmp6:
0x38: {  	[sflag:s14] =	ssyncset.done $0x0;
	(pc) =	sbr.rel @!p1 .LBB2_5-.Ltmp6, $4  }
0x39: {  	[sflag:s14] =	ssyncadd.s32 $0xFFFFFF80  }
0x3a: {  	[spmem:s2] =	stream.indirect.scatter.add.f32 [tilespmem:s16], [sflag:$0x1], $0x80, s15, s15, $0xb8;
	[tilespmem:$0x179C0] =	vst v63  }
0x3b: {  	_ =	swait.ge [sflag:s14], $0x4000  }
0x3c: {  	[sflag:s14] =	ssyncset.done $0x0  }
.LBB2_6:
0x3d: {  	p1 =	seq.s32 s4, $0x1  }
.Ltmp7:
0x3e: {  	[sflag:s14] =	ssyncadd.s32 $0xFFFFC000;
	(pc) =	sbr.rel @p1 .LBB2_8-.Ltmp7, $4  }
0x3f: {  	[bflag:$0x0] =	sbarrier.arrive $0xFFFF  }
0x40: {  	[hbm:s12], [sflag:s13] =	dma.local [spmem:s18], $0x500  }
0x41: {  	s19 =	sadd.s32 $0x28000, s8;
	_ =	swait.ge [sflag:s14], $0x500  }
0x42: {  	s20 =	smov.u32 s12;
	s18 =	sadd.s32 $0xFFFFFFFF, s4;
	[sflag:s14] =	ssyncset.done $0x0  }
.LBB2_7:
0x43: {  	s21 =	sshrl.u32 s19, $0x3  }
0x44: {  	[sflag:s14] =	ssyncadd.s32 $0xFFFFFB00;
	s20 =	sadd.s32 $0x5000, s20;
	p1 =	seq.s32 s18, $0x1  }
0x45: {  	[hbm:s20], [sflag:s13] =	dma.local [spmem:s21], $0x500  }
.Ltmp8:
0x46: {  	_ = 	snop;
	(pc) =	sbr.rel @!p1 .LBB2_7-.Ltmp8, $4  }
0x47: {  	_ = 	snop  }
0x48: {  	s18 =	sadd.s32 $0xFFFFFFFF, s18  }
0x49: {  	_ =	swait.ge [sflag:s14], $0x500  }
0x4a: {  	s19 =	sadd.s32 $0x28000, s19;
	[sflag:s14] =	ssyncset.done $0x0  }
.LBB2_8:
.Ltmp9:
0x4b: {  	(pc) =	sbr.rel .LBB2_14-.Ltmp9, $2  }
0x4c: {  	_ =	sdelay $0x2  }
0x4d: {  	[sflag:s14] =	ssyncadd.s32 $0xFFFFFB00  }
.LBB2_9:
0x4e: {  	[tilespmem:s3], [sflag:$0x1] =	stream.linear.gather [hbm4b:s10+s3], $0x80, $0x38;
	[tilespmem:$0x179C0] =	vst v63  }
0x4f: {  	_ =	swait.ge [sflag:s14], $0x80  }
0x50: {  	[sflag:s14] =	ssyncset.done $0x0  }
0x51: {  	[sflag:s14] =	ssyncadd.s32 $0xFFFFFF80  }
0x52: {  	[tilespmem:s15], [sflag:$0x1] =	stream.linear.gather [hbm4b:s9+s3], $0x80, $0x38;
	[tilespmem:$0x179C0] =	vst v63  }
0x53: {  	p2 =	seq.s32 s5, $0x1;
	_ =	swait.ge [sflag:s14], $0x80  }
.Ltmp10:
0x54: {  	[sflag:s14] =	ssyncset.done $0x0;
	(pc) =	sbr.rel @p2 .LBB2_11-.Ltmp10, $4  }
0x55: {  	[sflag:s14] =	ssyncadd.s32 $0xFFFFFF80  }
0x56: {  	[spmem:s2] =	stream.indirect.scatter.add.f32 [tilespmem:s16], [sflag:$0x1], $0x80, s15, s15, $0xb8;
	[tilespmem:$0x179C0] =	vst v63  }
0x57: {  	s19 =	sadd.s32 $0xFFFFFFFF, s5;
	_ =	swait.ge [sflag:s14], $0x4000  }
0x58: {  	s20 =	smov.u32 s9;
	s21 =	smov.u32 s10;
	[sflag:s14] =	ssyncset.done $0x0  }
.LBB2_10:
0x59: {  	[sflag:s14] =	ssyncadd.s32 $0xFFFFC000;
	s20 =	sadd.s32 $0x100, s20;
	s21 =	sadd.s32 $0x100, s21  }
0x5a: {  	[tilespmem:s3], [sflag:$0x1] =	stream.linear.gather [hbm4b:s21+s3], $0x80, $0x38;
	[tilespmem:$0x179C0] =	vst v63  }
0x5b: {  	p2 =	seq.s32 s19, $0x1;
	s19 =	sadd.s32 $0xFFFFFFFF, s19;
	_ =	swait.ge [sflag:s14], $0x80  }
0x5c: {  	[sflag:s14] =	ssyncset.done $0x0  }
0x5d: {  	[sflag:s14] =	ssyncadd.s32 $0xFFFFFF80  }
0x5e: {  	[tilespmem:s15], [sflag:$0x1] =	stream.linear.gather [hbm4b:s20+s3], $0x80, $0x38;
	[tilespmem:$0x179C0] =	vst v63  }
0x5f: {  	_ =	swait.ge [sflag:s14], $0x80  }
.Ltmp11:
0x60: {  	[sflag:s14] =	ssyncset.done $0x0;
	(pc) =	sbr.rel @!p2 .LBB2_10-.Ltmp11, $4  }
0x61: {  	[sflag:s14] =	ssyncadd.s32 $0xFFFFFF80  }
0x62: {  	[spmem:s2] =	stream.indirect.scatter.add.f32 [tilespmem:s16], [sflag:$0x1], $0x80, s15, s15, $0xb8;
	[tilespmem:$0x179C0] =	vst v63  }
0x63: {  	_ =	swait.ge [sflag:s14], $0x4000  }
0x64: {  	[sflag:s14] =	ssyncset.done $0x0  }
.LBB2_11:
.Ltmp12:
0x65: {  	[sflag:s14] =	ssyncadd.s32 $0xFFFFC000;
	(pc) =	sbr.rel @!p1 .LBB2_13-.Ltmp12, $4  }
0x66: {  	[bflag:$0x0] =	sbarrier.arrive $0xFFFF  }
0x67: {  	[hbm:s11], [sflag:s13] =	dma.local [spmem:s18], $0x500  }
0x68: {  	s19 =	sadd.s32 $0x28000, s8;
	_ =	swait.ge [sflag:s14], $0x500  }
0x69: {  	s20 =	smov.u32 s11;
	s18 =	sadd.s32 $0xFFFFFFFF, s4;
	[sflag:s14] =	ssyncset.done $0x0  }
.LBB2_12:
0x6a: {  	s21 =	sshrl.u32 s19, $0x3  }
0x6b: {  	[sflag:s14] =	ssyncadd.s32 $0xFFFFFB00;
	s20 =	sadd.s32 $0x5000, s20;
	p1 =	sne.s32 s18, $0x1  }
0x6c: {  	[hbm:s20], [sflag:s13] =	dma.local [spmem:s21], $0x500  }
.Ltmp13:
0x6d: {  	_ = 	snop;
	(pc) =	sbr.rel @p1 .LBB2_12-.Ltmp13, $4  }
0x6e: {  	_ = 	snop  }
0x6f: {  	s18 =	sadd.s32 $0xFFFFFFFF, s18  }
0x70: {  	_ =	swait.ge [sflag:s14], $0x500  }
0x71: {  	s19 =	sadd.s32 $0x28000, s19;
	[sflag:s14] =	ssyncset.done $0x0  }
.Ltmp14:
0x72: {  	_ = 	snop;
	(pc) =	sbr.rel .LBB2_13-.Ltmp14, $1  }
0x73: {  	_ =	sdelay $0x3  }
.LBB2_15:
0x74: {  	_ =	sfence.sel $0x180000  }
0x75: {  	[bflag:$0x0] =	sbarrier.arrive $0xFFFF  }
0x76: {  	p0 =	sne.s32 s1, $0x0;
	_ =	strace $0x9000004D  }
0x77: {  	s0 =	sadd.s32 @!p0 $0x100000, s0;
	[bflag:$0x2] =	sbarrier.arrive $0xFFFF  }
0x78: {  	[sflag:s0] =	ssyncadd.tile.s32 @!p0 $0x1;
	_ =	shalt  }
.Lfunc_end2:
_tile_overlayer_lowered:
.L_overlay_start_2:
0x79: {  	(tag) =	ssettag $0x2  }
0x7a: {  	s0 =	rddreg [dreg:$0x0];
	s2 =	stileid.u32  }
0x7b: {  	s1 =	rddreg [dreg:$0x1];
	p0 =	sne.s32 s2, $0x0  }
0x7c: {  	s3 =	rddreg [dreg:$0x2];
	[bflag:$0x3] =	sbarrier.arrive $0xFFFF;
	s2 =	simm.s32 @!p0 $0x1C01  }
0x7d: {  	[timem:s3], [sflag:s2] =	dma.local @!p0 [hbm:s0], s1  }
0x7e: {  	s0 =	simm.s32 @!p0 $0x1  }
0x7f: {  	_ =	swait.ge @!p0 [sflag:s0], s1  }
0x80: {  	s1 =	ssub.s32 @!p0 $0x0, s1;
	[sflag:s0] =	ssyncset.done @!p0 $0x0  }
0x81: {  	[sflag:s0] =	ssyncadd.s32 @!p0 s1  }
0x82: {  	[bflag:$0x3] =	sbarrier.arrive $0xFFFF  }
0x83: {  	_ =	shalt  }

// kernel: kernel.37.cloned.1.call-start
scs
__scs_entry_jumppad:
0x0: {  	(pc) =	sbr.rel $0x88, $3  }
0x1: {  	(tag) =	ssettag $0x0;
	lr =	simm.s32 $0x1  }
0x2: {  	[smem:$0x3F8B] =	sst lr;
	_ =	strace $0xD0000000  }
0x3: {  	_ = 	snop  }
0x4: {  	_ = 	snop  }
0x5: {  	_ = 	snop  }
0x6: {  	_ = 	snop  }
0x7: {  	_ = 	snop  }
__scs_overlays_trampoline_lowered:
0x8: {  	[smem:$0x3F9A] =	sst s0  }
0x9: {  	[smem:$0x3F9B] =	sst s1  }
0xa: {  	[smem:$0x3F9C] =	sst s2  }
0xb: {  	[smem:$0x3F9D] =	sst s3  }
0xc: {  	[smem:$0x3F9E] =	sst s4  }
0xd: {  	[smem:$0x3F9F] =	sst s5  }
0xe: {  	[smem:$0x3FA0] =	sst s6  }
0xf: {  	[smem:$0x3FA1] =	sst s7  }
0x10: {  	[smem:$0x3FA2] =	sst s8  }
0x11: {  	[smem:$0x3FA3] =	sst s9;
	s0 =	simm.s32 @!p0 $0x0  }
0x12: {  	s1 =	sld [smem:$0x3F89];
	s0 =	simm.s32 @p0 $0x1  }
0x13: {  	[smem:$0x3FA4] =	sst s0;
	s0 =	simm.s32 @!p1 $0x0  }
0x14: {  	s2 =	sld [smem:$0x3F88];
	s0 =	simm.s32 @p1 $0x1  }
0x15: {  	[smem:$0x3FA5] =	sst s0;
	s0 =	simm.s32 @!p2 $0x0  }
0x16: {  	s3 =	sld [smem:$0x3FDB];
	s0 =	simm.s32 @p2 $0x1  }
0x17: {  	s4 =	simm.s32 $0x1BF5;
	[smem:$0x3FA7] =	sst s0  }
0x18: {  	s0 =	sld [smem:$0x3F8A];
	_ =	swait.ge [sflag:s4], $0x0  }
0x19: {  	s7 =	sld [smem:$0x3F8B]  }
0x1a: {  	s8 =	sadd.s32 $0xFFFFE003, lr  }
0x1b: {  	s9 =	sadd.s32 $0xFFFFFEF7, lr;
	s5 =	simm.s32 $0xFFFFFFFF;
	p2 =	slt.u32 s8, $0xFFFFF086  }
0x1c: {  	p1 =	slt.u32 s9, $0xF7A;
	s5 =	simm.s32 @!p2 $0x0  }
0x1d: {  	s5 =	simm.s32 @p1 $0x1;
	p0 =	seq.s32 s7, s2  }
0x1e: {  	s7 =	smul.u32 @!p0 $0xF7A, s2;
	p2 =	seq.s32 @!p0 s5, $0x0  }
0x1f: {  	s9 =	smul.u32 $0xF7A, s1;
	s8 =	simm.s32 @!p0 $0x1BF5;
	p2 =	por !p2, p0  }
0x20: {  	[sflag:s8] =	ssyncset.s32 @!p0 $0xFFFFF086;
	s6 =	sadd.s32 @!p0 s3, s7;
	s7 =	simm.s32 @!p0 $0x108  }
0x21: {  	s3 =	sadd.s32 s3, s9;
	s6 =	sadd.s32 @!p0 $0x88, s6;
	s7 =	simm.s32 @p2 $0x1082  }
0x22: {  	[simem:s7], [sflag:s8] =	dma.local @!p0 [hbm:s6], $0xF7A  }
0x23: {  	s9 =	sor.u32 $0xD0000000, s2;
	s6 =	simm.s32 $0x108;
	_ =	swait.ge @!p0 [sflag:s8], $0x0  }
0x24: {  	s3 =	sadd.s32 $0x88, s3;
	s6 =	simm.s32 @!p1 $0x1082;
	[sflag:s4] =	ssyncset.s32 $0xFFFFF086  }
0x25: {  	[simem:s6], [sflag:s4] =	dma.local [hbm:s3], $0xF7A  }
0x26: {  	[smem:$0x3F8B] =	sst s1;
	(tag) =	ssettag s2;
	_ =	strace s9  }
0x27: {  	s1 =	sld [smem:$0x3F9B]  }
0x28: {  	s2 =	sld [smem:$0x3F9C]  }
0x29: {  	s4 =	sld [smem:$0x3F9E]  }
0x2a: {  	p0 =	seq.s32 s5, $0x0;
	s5 =	sld [smem:$0x3F9F]  }
0x2b: {  	s6 =	sld [smem:$0x3FA0]  }
0x2c: {  	s7 =	sld [smem:$0x3FA1]  }
0x2d: {  	s3 =	simm.s32 $0x108;
	s8 =	sld [smem:$0x3FA2]  }
0x2e: {  	s3 =	simm.s32 @!p0 $0x1082;
	s9 =	sld [smem:$0x3FA3]  }
0x2f: {  	lr =	sadd.s32 s0, s3;
	s0 =	sld [smem:$0x3F9A]  }
0x30: {  	s3 =	sld [smem:$0x3F9D]  }
0x31: {  	[smem:$0x3FA6] =	sst s10  }
0x32: {  	s10 =	sld [smem:$0x3FA4];
	_ =	sdelay $0x3  }
0x33: {  	p0 =	seq.s32 s10, $0x1;
	s10 =	sld [smem:$0x3FA6];
	_ =	sdelay $0x3  }
0x34: {  	[smem:$0x3FA6] =	sst s10  }
0x35: {  	s10 =	sld [smem:$0x3FA5];
	_ =	sdelay $0x3  }
0x36: {  	p1 =	seq.s32 s10, $0x1;
	s10 =	sld [smem:$0x3FA6];
	_ =	sdelay $0x3  }
0x37: {  	[smem:$0x3FA6] =	sst s10  }
0x38: {  	s10 =	sld [smem:$0x3FA7]  }
0x39: {  	_ = 	snop;
	(pc) =	sbr.ind lr, $3  }
0x3a: {  	_ = 	snop  }
0x3b: {  	_ = 	snop  }
0x3c: {  	p2 =	seq.s32 s10, $0x1;
	s10 =	sld [smem:$0x3FA6]  }
0x3d: {  	_ =	shalt  }
0x3e: {  	_ =	shalt  }
0x3f: {  	_ =	shalt  }
0x40: {  	_ =	shalt  }
0x41: {  	_ =	shalt  }
0x42: {  	_ =	shalt  }
0x43: {  	_ =	shalt  }
0x44: {  	_ =	shalt  }
0x45: {  	_ =	shalt  }
0x46: {  	_ =	shalt  }
0x47: {  	_ =	shalt  }
0x48: {  	_ =	shalt  }
0x49: {  	_ =	shalt  }
0x4a: {  	_ =	shalt  }
0x4b: {  	_ =	shalt  }
0x4c: {  	_ =	shalt  }
0x4d: {  	_ =	shalt  }
0x4e: {  	_ =	shalt  }
0x4f: {  	_ =	shalt  }
0x50: {  	_ =	shalt  }
0x51: {  	_ =	shalt  }
0x52: {  	_ =	shalt  }
0x53: {  	_ =	shalt  }
0x54: {  	_ =	shalt  }
0x55: {  	_ =	shalt  }
0x56: {  	_ =	shalt  }
0x57: {  	_ =	shalt  }
0x58: {  	_ =	shalt  }
0x59: {  	_ =	shalt  }
0x5a: {  	_ =	shalt  }
0x5b: {  	_ =	shalt  }
0x5c: {  	_ =	shalt  }
0x5d: {  	_ =	shalt  }
0x5e: {  	_ =	shalt  }
0x5f: {  	_ =	shalt  }
0x60: {  	_ =	shalt  }
0x61: {  	_ =	shalt  }
0x62: {  	_ =	shalt  }
0x63: {  	_ =	shalt  }
0x64: {  	_ =	shalt  }
0x65: {  	_ =	shalt  }
0x66: {  	_ =	shalt  }
0x67: {  	_ =	shalt  }
0x68: {  	_ =	shalt  }
0x69: {  	_ =	shalt  }
0x6a: {  	_ =	shalt  }
0x6b: {  	_ =	shalt  }
0x6c: {  	_ =	shalt  }
0x6d: {  	_ =	shalt  }
0x6e: {  	_ =	shalt  }
0x6f: {  	_ =	shalt  }
0x70: {  	_ =	shalt  }
0x71: {  	_ =	shalt  }
0x72: {  	_ =	shalt  }
0x73: {  	_ =	shalt  }
0x74: {  	_ =	shalt  }
0x75: {  	_ =	shalt  }
0x76: {  	_ =	shalt  }
0x77: {  	_ =	shalt  }
0x78: {  	_ =	shalt  }
0x79: {  	_ =	shalt  }
0x7a: {  	_ =	shalt  }
0x7b: {  	_ =	shalt  }
0x7c: {  	_ =	shalt  }
0x7d: {  	_ =	shalt  }
0x7e: {  	_ =	shalt  }
0x7f: {  	_ =	shalt  }
0x80: {  	_ =	shalt  }
0x81: {  	_ =	shalt  }
0x82: {  	_ =	shalt  }
0x83: {  	_ =	shalt  }
0x84: {  	_ =	shalt  }
0x85: {  	_ =	shalt  }
0x86: {  	_ =	shalt  }
0x87: {  	_ =	shalt  }
.Lfunc_end0:
.L_simem_size_0:
called_computation.6_lowered:
.L_overlay_start_0:
0x88: {  	s2 =	sld [smem:$0x3FD9]  }
0x89: {  	s3 =	sld [smem:$0x3FFE];
	_ =	sdelay $0x1  }
0x8a: {  	s1 =	srdreg.scid  }
0x8b: {  	s0 =	sand.u32 $0x1, s1  }
0x8c: {  	s17 =	sshll.u32 s0, $0xA;
	s2 =	sadd.s32 s3, s2  }
0x8d: {  	s2 =	sadd.s32 s2, s17  }
0x8e: {  	[smem:$0x3FB2] =	sst s2  }
0x8f: {  	_ = 	snop  }
0x90: {  	(tm) =	ssettm $0x1  }
0x91: {  	s18 =	sld [smem:$0x3FFB];
	_ =	sdelay $0x3  }
0x92: {  	_ =	strace s18  }
0x93: {  	s2 =	sld [smem:$0x3FFC];
	_ =	sdelay $0x3  }
0x94: {  	_ =	strace s2  }
0x95: {  	s2 =	sld [smem:$0x3FFD];
	_ =	sdelay $0x3  }
0x96: {  	_ =	strace s2  }
0x97: {  	_ =	strace $0x8FFFFFFF  }
0x98: {  	s19 =	sld [smem:$0x3FDB];
	_ =	sdelay $0x1  }
0x99: {  	s20 =	simm.s32 $_scs_section_size  }
0x9a: {  	s4 =	simm.s32 $_size__tile_overlayer_lowered;
	s5 =	simm.s32 $_tile_overlayer_lowered  }
0x9b: {  	s6 =	simm.s32 $0x1BFF;
	s21 =	sshll.u32 s5, $0x1;
	s3 =	sadd.s32 s20, s19  }
0x9c: {  	s22 =	simm.s32 $0x0;
	s4 =	sshll.u32 s4, $0x1;
	s5 =	sadd.s32 s21, s3  }
0x9d: {  	[timem:s22], [sflag:s6] =	dma.local [hbm:s5], s4  }
0x9e: {  	_ =	swait.ge [sflag:s6], s4  }
0x9f: {  	s4 =	ssub.s32 $0x0, s4;
	[sflag:s6] =	ssyncset.done $0x0  }
0xa0: {  	[sflag:s6] =	ssyncadd.s32 s4;
	_ =	sdelay $0x1  }
0xa1: {  	s23 =	simm.s32 $0x1B8B  }
0xa2: {  	_ =	swait.ge [sflag:s23], $0x1  }
0xa3: {  	[sflag:s23] =	ssyncset.done $0x0  }
0xa4: {  	[sflag:s23] =	ssyncadd.s32 $0xFFFFFFFF  }
0xa5: {  	s4 =	sld [smem:$0x0]  }
0xa6: {  	s5 =	sand.u32 $0xFFFFFFFE, s1  }
0xa7: {  	p0 =	sne.s32 s1, s5  }
0xa8: {  	s5 =	sshll.u32 @p0 s5, $0xE  }
0xa9: {  	s5 =	sadd.s32 @p0 $0x11B8D, s5;
	s6 =	sshll.u32 @p0 s4, $0x11  }
0xaa: {  	s5 =	sor.u32 @p0 s6, s5  }
0xab: {  	[sflag:s5] =	ssyncadd.remote.s32 @p0 $0x1;
	_ =	sdelay $0x1  }
0xac: {  	s5 =	simm.s32 @p0 $0x1B8D  }
0xad: {  	_ =	swait.eq @p0 [sflag:s5], $0x1  }
0xae: {  	[sflag:s5] =	ssyncadd.s32 @p0 $0xFFFFFFFF  }
0xaf: {  	s6 =	sshll.u32 @!p0 s1, $0xE  }
0xb0: {  	s6 =	sor.u32 @!p0 $0x4000, s6;
	s5 =	simm.s32 @!p0 $0x1B8D  }
0xb1: {  	s4 =	sshll.u32 @!p0 s4, $0x11;
	s6 =	sadd.s32 @!p0 $0x11B8D, s6;
	_ =	swait.eq @!p0 [sflag:s5], $0x1  }
0xb2: {  	s4 =	sor.u32 @!p0 s4, s6;
	[sflag:s5] =	ssyncadd.s32 @!p0 $0xFFFFFFFF  }
0xb3: {  	s25 =	simm.s32 $0x1B8E;
	s24 =	sld [smem:$0x3FFE];
	[sflag:s4] =	ssyncadd.remote.s32 @!p0 $0x1  }
0xb4: {  	s26 =	simm.s32 $execute0_lowered;
	[smem:$0x3FD2] =	sst s25  }
0xb5: {  	s5 =	sshll.u32 s26, $0x1;
	_ =	strace $0x80000052;
	[dreg:$0x1] =	wrdreg $0xFFFFFFFF  }
0xb6: {  	s28 =	simm.s32 $_size_execute0_lowered;
	s3 =	sadd.s32 s3, s5;
	[dreg:$0x0] =	wrdreg $0x0  }
0xb7: {  	s5 =	sshll.u32 s28, $0x1;
	[dreg:$0x2] =	wrdreg s3  }
0xb8: {  	[dreg:$0x3] =	wrdreg s5  }
0xb9: {  	[dreg:$0x4] =	wrdreg $0xC0  }
0xba: {  	_ =	task [dreg:s22], $0x5FFFF  }
0xbb: {  	[dreg:$0x1] =	wrdreg $0xFFFFFFFF  }
0xbc: {  	[dreg:$0x0] =	wrdreg $0x60  }
0xbd: {  	[dreg:$0x2] =	wrdreg s24  }
0xbe: {  	[dreg:$0x3] =	wrdreg $0x41000  }
0xbf: {  	[dreg:$0x4] =	wrdreg $0xA  }
0xc0: {  	_ =	task.clear_ibuf [dreg:s22], $0x5FFFF;
	_ =	strace $0x90000052  }
0xc1: {  	s29 =	simm.s32 $0xA;
	_ =	strace $0x80000054  }
0xc2: {  	_ =	swait.ge [sflag:s29], $0x1  }
0xc3: {  	[sflag:s29] =	ssyncadd.s32 $0xFFFFFFFF  }
0xc4: {  	_ =	strace $0x90000054  }
0xc5: {  	_ =	sfence  }
0xc6: {  	s30 =	sld [smem:$0x0];
	_ =	sdelay $0x2  }
0xc7: {  	s31 =	sshll.u32 s1, $0xD;
	s1 =	sshrl.u32 s1, $0x2  }
0xc8: {  	s4 =	sand.u32 $0x4000, s31;
	s1 =	sadd.s32 s1, s30  }
0xc9: {  	s0 =	sor.u32 s4, s0;
	s1 =	sshll.u32 s1, $0x11  }
0xca: {  	s0 =	sor.u32 s1, s0  }
0xcb: {  	s0 =	sadd.s32 $0x8F2B, s0  }
0xcc: {  	[sflag:s0] =	ssyncadd.remote.s32 $0x1  }
0xcd: {  	_ =	sfence.sel $0xFFFF  }
0xce: {  	[dreg:$0x0] =	wrdreg $0xFFFFFFFF;
	(pc) =	sbr.abs _section_cstart, $3  }
0xcf: {  	[dreg:$0x1] =	wrdreg $0xFFFFFFFF  }
0xd0: {  	_ =	task.clear_ibuf [dreg:s22], $0x2FFFF;
	_ =	strace $0x9FFFFFFF  }
0xd1: {  	(tm) =	ssettm $0x7FFFFFFF  }
tec
execute0_lowered:
.L_overlay_start_1:
0x0: {  	(tag) =	ssettag $0x1  }
0x1: {  	s4 =	rddreg [dreg:$0x0]  }
0x2: {  	s2 =	rddreg [dreg:$0x1]  }
0x3: {  	s0 =	rddreg [dreg:$0x2];
	s3 =	simm.s32 $0x0  }
0x4: {  	s1 =	stileid.u32;
	s5 =	srdreg.scid;
	s14 =	simm.s32 $0x1  }
0x5: {  	s16 =	simm.s32 $0x100;
	s17 =	simm.s32 $0x0;
	[smem:$0x7FF] =	sst s3  }
0x6: {  	s6 =	smul.u32 $0x500, s1;
	s15 =	sand.u32 $0x1, s5;
	s28 =	sshll.u32 s1, $0x4  }
0x7: {  	s30 =	ssub.s32 $0x8C, s1;
	s31 =	ssub.s32 $0x4F1, s1;
	s8 =	smul.u32 $0xA000, s1  }
0x8: {  	s13 =	sshll.u32 s1, $0x6;
	_ =	strace $0x80000053;
	s7 =	ssub.s32 $0x2, s15  }
0x9: {  	s10 =	sadd.s32 s28, s4;
	s5 =	sshrl.u32 s31, $0x4;
	s13 =	sor.u32 $0x1C01, s13  }
.Ltmp0:
0xa: {  	p0 =	sne.s32 s15, $0x0;
	s15 =	simm.s32 $0x80;
	(pc) =	sbr.rel .LBB2_1-.Ltmp0, $4  }
0xb: {  	s12 =	sadd.s32 s6, s4;
	s29 =	sshrl.u32 s7, $0x1;
	s4 =	sshrl.u32 s30, $0x4  }
0xc: {  	s8 =	sshrl.u32 s8, $0x2;
	s9 =	sadd.s32 $0xAC00, s10;
	s10 =	sadd.s32 $0xFC00, s10  }
0xd: {  	s7 =	ssub.s32 s7, s29;
	s8 =	sadd.s32 s8, s2;
	s11 =	sadd.s32 $0x1A6000, s12  }
0xe: {  	s6 =	smax.u32 s7, $0x1;
	s7 =	sadd.s32 $0x63000, s12;
	s12 =	sadd.s32 $0x17EE00, s12  }
.LBB2_13:
0xf: {  	[sflag:s14] =	ssyncadd.s32 $0xFFFFFB00  }
.LBB2_14:
0x10: {  	s17 =	sadd.s32 $0x1, s17  }
0x11: {  	p1 =	sne.s32 s17, s6  }
.Ltmp1:
0x12: {  	_ = 	snop;
	(pc) =	sbr.rel @!p1 .LBB2_15-.Ltmp1, $1  }
0x13: {  	_ =	sdelay $0x3  }
.LBB2_1:
0x14: {  	p1 =	sne.s32 s4, $0x1  }
.Ltmp2:
0x15: {  	_ = 	snop;
	(pc) =	sbr.rel @!p1 .LBB2_3-.Ltmp2, $4  }
0x16: {  	s18 =	sshrl.u32 s8, $0x3  }
0x17: {  	[spmem:s18], [sflag:s13] =	dma.local [hbm:s7], $0x500  }
0x18: {  	s19 =	sadd.s32 $0xFFFFFFFF, s4;
	_ =	swait.ge [sflag:s14], $0x500  }
0x19: {  	s20 =	sadd.s32 $0x28000, s8;
	s21 =	smov.u32 s7;
	[sflag:s14] =	ssyncset.done $0x0  }
.LBB2_2:
0x1a: {  	s22 =	sshrl.u32 s20, $0x3  }
0x1b: {  	[sflag:s14] =	ssyncadd.s32 $0xFFFFFB00;
	s21 =	sadd.s32 $0x5000, s21;
	p2 =	sne.s32 s19, $0x1  }
0x1c: {  	[spmem:s22], [sflag:s13] =	dma.local [hbm:s21], $0x500  }
.Ltmp3:
0x1d: {  	_ = 	snop;
	(pc) =	sbr.rel @p2 .LBB2_2-.Ltmp3, $4  }
0x1e: {  	_ = 	snop  }
0x1f: {  	s19 =	sadd.s32 $0xFFFFFFFF, s19  }
0x20: {  	_ =	swait.ge [sflag:s14], $0x500  }
0x21: {  	s20 =	sadd.s32 $0x28000, s20;
	[sflag:s14] =	ssyncset.done $0x0  }
.LBB2_3:
.Ltmp4:
0x22: {  	(pc) =	sbr.rel @p0 .LBB2_9-.Ltmp4, $3  }
0x23: {  	_ = 	snop  }
0x24: {  	[sflag:s14] =	ssyncadd.s32 $0xFFFFFB00  }
0x25: {  	[bflag:$0x0] =	sbarrier.arrive $0xFFFF;
	_ =	sdelay $0x1  }
0x26: {  	[tilespmem:s3], [sflag:$0x1] =	stream.linear.gather [hbm4b:s10+s3], $0x80, $0x38;
	[tilespmem:$0x179C0] =	vst v63  }
0x27: {  	_ =	swait.ge [sflag:s14], $0x80  }
0x28: {  	[sflag:s14] =	ssyncset.done $0x0  }
0x29: {  	[sflag:s14] =	ssyncadd.s32 $0xFFFFFF80  }
0x2a: {  	[tilespmem:s15], [sflag:$0x1] =	stream.linear.gather [hbm4b:s9+s3], $0x80, $0x38;
	[tilespmem:$0x179C0] =	vst v63  }
0x2b: {  	p1 =	seq.s32 s5, $0x1;
	_ =	swait.ge [sflag:s14], $0x80  }
.Ltmp5:
0x2c: {  	[sflag:s14] =	ssyncset.done $0x0;
	(pc) =	sbr.rel @p1 .LBB2_6-.Ltmp5, $4  }
0x2d: {  	[sflag:s14] =	ssyncadd.s32 $0xFFFFFF80  }
0x2e: {  	[spmem:s2] =	stream.indirect.scatter.add.f32 [tilespmem:s16], [sflag:$0x1], $0x80, s15, s15, $0xb8;
	[tilespmem:$0x179C0] =	vst v63  }
0x2f: {  	s19 =	sadd.s32 $0xFFFFFFFF, s5;
	_ =	swait.ge [sflag:s14], $0x4000  }
0x30: {  	s20 =	smov.u32 s9;
	s21 =	smov.u32 s10;
	[sflag:s14] =	ssyncset.done $0x0  }
.LBB2_5:
0x31: {  	[sflag:s14] =	ssyncadd.s32 $0xFFFFC000;
	s20 =	sadd.s32 $0x100, s20;
	s21 =	sadd.s32 $0x100, s21  }
0x32: {  	[tilespmem:s3], [sflag:$0x1] =	stream.linear.gather [hbm4b:s21+s3], $0x80, $0x38;
	[tilespmem:$0x179C0] =	vst v63  }
0x33: {  	p1 =	seq.s32 s19, $0x1;
	s19 =	sadd.s32 $0xFFFFFFFF, s19;
	_ =	swait.ge [sflag:s14], $0x80  }
0x34: {  	[sflag:s14] =	ssyncset.done $0x0  }
0x35: {  	[sflag:s14] =	ssyncadd.s32 $0xFFFFFF80  }
0x36: {  	[tilespmem:s15], [sflag:$0x1] =	stream.linear.gather [hbm4b:s20+s3], $0x80, $0x38;
	[tilespmem:$0x179C0] =	vst v63  }
0x37: {  	_ =	swait.ge [sflag:s14], $0x80  }
.Ltmp6:
0x38: {  	[sflag:s14] =	ssyncset.done $0x0;
	(pc) =	sbr.rel @!p1 .LBB2_5-.Ltmp6, $4  }
0x39: {  	[sflag:s14] =	ssyncadd.s32 $0xFFFFFF80  }
0x3a: {  	[spmem:s2] =	stream.indirect.scatter.add.f32 [tilespmem:s16], [sflag:$0x1], $0x80, s15, s15, $0xb8;
	[tilespmem:$0x179C0] =	vst v63  }
0x3b: {  	_ =	swait.ge [sflag:s14], $0x4000  }
0x3c: {  	[sflag:s14] =	ssyncset.done $0x0  }
.LBB2_6:
0x3d: {  	p1 =	seq.s32 s4, $0x1  }
.Ltmp7:
0x3e: {  	[sflag:s14] =	ssyncadd.s32 $0xFFFFC000;
	(pc) =	sbr.rel @p1 .LBB2_8-.Ltmp7, $4  }
0x3f: {  	[bflag:$0x0] =	sbarrier.arrive $0xFFFF  }
0x40: {  	[hbm:s12], [sflag:s13] =	dma.local [spmem:s18], $0x500  }
0x41: {  	s19 =	sadd.s32 $0x28000, s8;
	_ =	swait.ge [sflag:s14], $0x500  }
0x42: {  	s20 =	smov.u32 s12;
	s18 =	sadd.s32 $0xFFFFFFFF, s4;
	[sflag:s14] =	ssyncset.done $0x0  }
.LBB2_7:
0x43: {  	s21 =	sshrl.u32 s19, $0x3  }
0x44: {  	[sflag:s14] =	ssyncadd.s32 $0xFFFFFB00;
	s20 =	sadd.s32 $0x5000, s20;
	p1 =	seq.s32 s18, $0x1  }
0x45: {  	[hbm:s20], [sflag:s13] =	dma.local [spmem:s21], $0x500  }
.Ltmp8:
0x46: {  	_ = 	snop;
	(pc) =	sbr.rel @!p1 .LBB2_7-.Ltmp8, $4  }
0x47: {  	_ = 	snop  }
0x48: {  	s18 =	sadd.s32 $0xFFFFFFFF, s18  }
0x49: {  	_ =	swait.ge [sflag:s14], $0x500  }
0x4a: {  	s19 =	sadd.s32 $0x28000, s19;
	[sflag:s14] =	ssyncset.done $0x0  }
.LBB2_8:
.Ltmp9:
0x4b: {  	(pc) =	sbr.rel .LBB2_14-.Ltmp9, $2  }
0x4c: {  	_ =	sdelay $0x2  }
0x4d: {  	[sflag:s14] =	ssyncadd.s32 $0xFFFFFB00  }
.LBB2_9:
0x4e: {  	[tilespmem:s3], [sflag:$0x1] =	stream.linear.gather [hbm4b:s10+s3], $0x80, $0x38;
	[tilespmem:$0x179C0] =	vst v63  }
0x4f: {  	_ =	swait.ge [sflag:s14], $0x80  }
0x50: {  	[sflag:s14] =	ssyncset.done $0x0  }
0x51: {  	[sflag:s14] =	ssyncadd.s32 $0xFFFFFF80  }
0x52: {  	[tilespmem:s15], [sflag:$0x1] =	stream.linear.gather [hbm4b:s9+s3], $0x80, $0x38;
	[tilespmem:$0x179C0] =	vst v63  }
0x53: {  	p2 =	seq.s32 s5, $0x1;
	_ =	swait.ge [sflag:s14], $0x80  }
.Ltmp10:
0x54: {  	[sflag:s14] =	ssyncset.done $0x0;
	(pc) =	sbr.rel @p2 .LBB2_11-.Ltmp10, $4  }
0x55: {  	[sflag:s14] =	ssyncadd.s32 $0xFFFFFF80  }
0x56: {  	[spmem:s2] =	stream.indirect.scatter.add.f32 [tilespmem:s16], [sflag:$0x1], $0x80, s15, s15, $0xb8;
	[tilespmem:$0x179C0] =	vst v63  }
0x57: {  	s19 =	sadd.s32 $0xFFFFFFFF, s5;
	_ =	swait.ge [sflag:s14], $0x4000  }
0x58: {  	s20 =	smov.u32 s9;
	s21 =	smov.u32 s10;
	[sflag:s14] =	ssyncset.done $0x0  }
.LBB2_10:
0x59: {  	[sflag:s14] =	ssyncadd.s32 $0xFFFFC000;
	s20 =	sadd.s32 $0x100, s20;
	s21 =	sadd.s32 $0x100, s21  }
0x5a: {  	[tilespmem:s3], [sflag:$0x1] =	stream.linear.gather [hbm4b:s21+s3], $0x80, $0x38;
	[tilespmem:$0x179C0] =	vst v63  }
0x5b: {  	p2 =	seq.s32 s19, $0x1;
	s19 =	sadd.s32 $0xFFFFFFFF, s19;
	_ =	swait.ge [sflag:s14], $0x80  }
0x5c: {  	[sflag:s14] =	ssyncset.done $0x0  }
0x5d: {  	[sflag:s14] =	ssyncadd.s32 $0xFFFFFF80  }
0x5e: {  	[tilespmem:s15], [sflag:$0x1] =	stream.linear.gather [hbm4b:s20+s3], $0x80, $0x38;
	[tilespmem:$0x179C0] =	vst v63  }
0x5f: {  	_ =	swait.ge [sflag:s14], $0x80  }
.Ltmp11:
0x60: {  	[sflag:s14] =	ssyncset.done $0x0;
	(pc) =	sbr.rel @!p2 .LBB2_10-.Ltmp11, $4  }
0x61: {  	[sflag:s14] =	ssyncadd.s32 $0xFFFFFF80  }
0x62: {  	[spmem:s2] =	stream.indirect.scatter.add.f32 [tilespmem:s16], [sflag:$0x1], $0x80, s15, s15, $0xb8;
	[tilespmem:$0x179C0] =	vst v63  }
0x63: {  	_ =	swait.ge [sflag:s14], $0x4000  }
0x64: {  	[sflag:s14] =	ssyncset.done $0x0  }
.LBB2_11:
.Ltmp12:
0x65: {  	[sflag:s14] =	ssyncadd.s32 $0xFFFFC000;
	(pc) =	sbr.rel @!p1 .LBB2_13-.Ltmp12, $4  }
0x66: {  	[bflag:$0x0] =	sbarrier.arrive $0xFFFF  }
0x67: {  	[hbm:s11], [sflag:s13] =	dma.local [spmem:s18], $0x500  }
0x68: {  	s19 =	sadd.s32 $0x28000, s8;
	_ =	swait.ge [sflag:s14], $0x500  }
0x69: {  	s20 =	smov.u32 s11;
	s18 =	sadd.s32 $0xFFFFFFFF, s4;
	[sflag:s14] =	ssyncset.done $0x0  }
.LBB2_12:
0x6a: {  	s21 =	sshrl.u32 s19, $0x3  }
0x6b: {  	[sflag:s14] =	ssyncadd.s32 $0xFFFFFB00;
	s20 =	sadd.s32 $0x5000, s20;
	p1 =	sne.s32 s18, $0x1  }
0x6c: {  	[hbm:s20], [sflag:s13] =	dma.local [spmem:s21], $0x500  }
.Ltmp13:
0x6d: {  	_ = 	snop;
	(pc) =	sbr.rel @p1 .LBB2_12-.Ltmp13, $4  }
0x6e: {  	_ = 	snop  }
0x6f: {  	s18 =	sadd.s32 $0xFFFFFFFF, s18  }
0x70: {  	_ =	swait.ge [sflag:s14], $0x500  }
0x71: {  	s19 =	sadd.s32 $0x28000, s19;
	[sflag:s14] =	ssyncset.done $0x0  }
.Ltmp14:
0x72: {  	_ = 	snop;
	(pc) =	sbr.rel .LBB2_13-.Ltmp14, $1  }
0x73: {  	_ =	sdelay $0x3  }
.LBB2_15:
0x74: {  	_ =	sfence.sel $0x180000  }
0x75: {  	[bflag:$0x0] =	sbarrier.arrive $0xFFFF  }
0x76: {  	p0 =	sne.s32 s1, $0x0;
	_ =	strace $0x90000053  }
0x77: {  	s0 =	sadd.s32 @!p0 $0x100000, s0;
	[bflag:$0x2] =	sbarrier.arrive $0xFFFF  }
0x78: {  	[sflag:s0] =	ssyncadd.tile.s32 @!p0 $0x1;
	_ =	shalt  }
.Lfunc_end2:
_tile_overlayer_lowered:
.L_overlay_start_2:
0x79: {  	(tag) =	ssettag $0x2  }
0x7a: {  	s0 =	rddreg [dreg:$0x0];
	s2 =	stileid.u32  }
0x7b: {  	s1 =	rddreg [dreg:$0x1];
	p0 =	sne.s32 s2, $0x0  }
0x7c: {  	s3 =	rddreg [dreg:$0x2];
	[bflag:$0x3] =	sbarrier.arrive $0xFFFF;
	s2 =	simm.s32 @!p0 $0x1C01  }
0x7d: {  	[timem:s3], [sflag:s2] =	dma.local @!p0 [hbm:s0], s1  }
0x7e: {  	s0 =	simm.s32 @!p0 $0x1  }
0x7f: {  	_ =	swait.ge @!p0 [sflag:s0], s1  }
0x80: {  	s1 =	ssub.s32 @!p0 $0x0, s1;
	[sflag:s0] =	ssyncset.done @!p0 $0x0  }
0x81: {  	[sflag:s0] =	ssyncadd.s32 @!p0 s1  }
0x82: {  	[bflag:$0x3] =	sbarrier.arrive $0xFFFF  }
0x83: {  	_ =	shalt  }

// kernel: kernel.40.cloned.1.call-start
scs
__scs_entry_jumppad:
0x0: {  	(pc) =	sbr.rel $0x88, $3  }
0x1: {  	(tag) =	ssettag $0x0;
	lr =	simm.s32 $0x1  }
0x2: {  	[smem:$0x3F8B] =	sst lr;
	_ =	strace $0xD0000000  }
0x3: {  	_ = 	snop  }
0x4: {  	_ = 	snop  }
0x5: {  	_ = 	snop  }
0x6: {  	_ = 	snop  }
0x7: {  	_ = 	snop  }
__scs_overlays_trampoline_lowered:
0x8: {  	[smem:$0x3F9A] =	sst s0  }
0x9: {  	[smem:$0x3F9B] =	sst s1  }
0xa: {  	[smem:$0x3F9C] =	sst s2  }
0xb: {  	[smem:$0x3F9D] =	sst s3  }
0xc: {  	[smem:$0x3F9E] =	sst s4  }
0xd: {  	[smem:$0x3F9F] =	sst s5  }
0xe: {  	[smem:$0x3FA0] =	sst s6  }
0xf: {  	[smem:$0x3FA1] =	sst s7  }
0x10: {  	[smem:$0x3FA2] =	sst s8  }
0x11: {  	[smem:$0x3FA3] =	sst s9;
	s0 =	simm.s32 @!p0 $0x0  }
0x12: {  	s1 =	sld [smem:$0x3F89];
	s0 =	simm.s32 @p0 $0x1  }
0x13: {  	[smem:$0x3FA4] =	sst s0;
	s0 =	simm.s32 @!p1 $0x0  }
0x14: {  	s2 =	sld [smem:$0x3F88];
	s0 =	simm.s32 @p1 $0x1  }
0x15: {  	[smem:$0x3FA5] =	sst s0;
	s0 =	simm.s32 @!p2 $0x0  }
0x16: {  	s3 =	sld [smem:$0x3FDB];
	s0 =	simm.s32 @p2 $0x1  }
0x17: {  	s4 =	simm.s32 $0x1BF5;
	[smem:$0x3FA7] =	sst s0  }
0x18: {  	s0 =	sld [smem:$0x3F8A];
	_ =	swait.ge [sflag:s4], $0x0  }
0x19: {  	s7 =	sld [smem:$0x3F8B]  }
0x1a: {  	s8 =	sadd.s32 $0xFFFFE003, lr  }
0x1b: {  	s9 =	sadd.s32 $0xFFFFFEF7, lr;
	s5 =	simm.s32 $0xFFFFFFFF;
	p2 =	slt.u32 s8, $0xFFFFF086  }
0x1c: {  	p1 =	slt.u32 s9, $0xF7A;
	s5 =	simm.s32 @!p2 $0x0  }
0x1d: {  	s5 =	simm.s32 @p1 $0x1;
	p0 =	seq.s32 s7, s2  }
0x1e: {  	s7 =	smul.u32 @!p0 $0xF7A, s2;
	p2 =	seq.s32 @!p0 s5, $0x0  }
0x1f: {  	s9 =	smul.u32 $0xF7A, s1;
	s8 =	simm.s32 @!p0 $0x1BF5;
	p2 =	por !p2, p0  }
0x20: {  	[sflag:s8] =	ssyncset.s32 @!p0 $0xFFFFF086;
	s6 =	sadd.s32 @!p0 s3, s7;
	s7 =	simm.s32 @!p0 $0x108  }
0x21: {  	s3 =	sadd.s32 s3, s9;
	s6 =	sadd.s32 @!p0 $0x88, s6;
	s7 =	simm.s32 @p2 $0x1082  }
0x22: {  	[simem:s7], [sflag:s8] =	dma.local @!p0 [hbm:s6], $0xF7A  }
0x23: {  	s9 =	sor.u32 $0xD0000000, s2;
	s6 =	simm.s32 $0x108;
	_ =	swait.ge @!p0 [sflag:s8], $0x0  }
0x24: {  	s3 =	sadd.s32 $0x88, s3;
	s6 =	simm.s32 @!p1 $0x1082;
	[sflag:s4] =	ssyncset.s32 $0xFFFFF086  }
0x25: {  	[simem:s6], [sflag:s4] =	dma.local [hbm:s3], $0xF7A  }
0x26: {  	[smem:$0x3F8B] =	sst s1;
	(tag) =	ssettag s2;
	_ =	strace s9  }
0x27: {  	s1 =	sld [smem:$0x3F9B]  }
0x28: {  	s2 =	sld [smem:$0x3F9C]  }
0x29: {  	s4 =	sld [smem:$0x3F9E]  }
0x2a: {  	p0 =	seq.s32 s5, $0x0;
	s5 =	sld [smem:$0x3F9F]  }
0x2b: {  	s6 =	sld [smem:$0x3FA0]  }
0x2c: {  	s7 =	sld [smem:$0x3FA1]  }
0x2d: {  	s3 =	simm.s32 $0x108;
	s8 =	sld [smem:$0x3FA2]  }
0x2e: {  	s3 =	simm.s32 @!p0 $0x1082;
	s9 =	sld [smem:$0x3FA3]  }
0x2f: {  	lr =	sadd.s32 s0, s3;
	s0 =	sld [smem:$0x3F9A]  }
0x30: {  	s3 =	sld [smem:$0x3F9D]  }
0x31: {  	[smem:$0x3FA6] =	sst s10  }
0x32: {  	s10 =	sld [smem:$0x3FA4];
	_ =	sdelay $0x3  }
0x33: {  	p0 =	seq.s32 s10, $0x1;
	s10 =	sld [smem:$0x3FA6];
	_ =	sdelay $0x3  }
0x34: {  	[smem:$0x3FA6] =	sst s10  }
0x35: {  	s10 =	sld [smem:$0x3FA5];
	_ =	sdelay $0x3  }
0x36: {  	p1 =	seq.s32 s10, $0x1;
	s10 =	sld [smem:$0x3FA6];
	_ =	sdelay $0x3  }
0x37: {  	[smem:$0x3FA6] =	sst s10  }
0x38: {  	s10 =	sld [smem:$0x3FA7]  }
0x39: {  	_ = 	snop;
	(pc) =	sbr.ind lr, $3  }
0x3a: {  	_ = 	snop  }
0x3b: {  	_ = 	snop  }
0x3c: {  	p2 =	seq.s32 s10, $0x1;
	s10 =	sld [smem:$0x3FA6]  }
0x3d: {  	_ =	shalt  }
0x3e: {  	_ =	shalt  }
0x3f: {  	_ =	shalt  }
0x40: {  	_ =	shalt  }
0x41: {  	_ =	shalt  }
0x42: {  	_ =	shalt  }
0x43: {  	_ =	shalt  }
0x44: {  	_ =	shalt  }
0x45: {  	_ =	shalt  }
0x46: {  	_ =	shalt  }
0x47: {  	_ =	shalt  }
0x48: {  	_ =	shalt  }
0x49: {  	_ =	shalt  }
0x4a: {  	_ =	shalt  }
0x4b: {  	_ =	shalt  }
0x4c: {  	_ =	shalt  }
0x4d: {  	_ =	shalt  }
0x4e: {  	_ =	shalt  }
0x4f: {  	_ =	shalt  }
0x50: {  	_ =	shalt  }
0x51: {  	_ =	shalt  }
0x52: {  	_ =	shalt  }
0x53: {  	_ =	shalt  }
0x54: {  	_ =	shalt  }
0x55: {  	_ =	shalt  }
0x56: {  	_ =	shalt  }
0x57: {  	_ =	shalt  }
0x58: {  	_ =	shalt  }
0x59: {  	_ =	shalt  }
0x5a: {  	_ =	shalt  }
0x5b: {  	_ =	shalt  }
0x5c: {  	_ =	shalt  }
0x5d: {  	_ =	shalt  }
0x5e: {  	_ =	shalt  }
0x5f: {  	_ =	shalt  }
0x60: {  	_ =	shalt  }
0x61: {  	_ =	shalt  }
0x62: {  	_ =	shalt  }
0x63: {  	_ =	shalt  }
0x64: {  	_ =	shalt  }
0x65: {  	_ =	shalt  }
0x66: {  	_ =	shalt  }
0x67: {  	_ =	shalt  }
0x68: {  	_ =	shalt  }
0x69: {  	_ =	shalt  }
0x6a: {  	_ =	shalt  }
0x6b: {  	_ =	shalt  }
0x6c: {  	_ =	shalt  }
0x6d: {  	_ =	shalt  }
0x6e: {  	_ =	shalt  }
0x6f: {  	_ =	shalt  }
0x70: {  	_ =	shalt  }
0x71: {  	_ =	shalt  }
0x72: {  	_ =	shalt  }
0x73: {  	_ =	shalt  }
0x74: {  	_ =	shalt  }
0x75: {  	_ =	shalt  }
0x76: {  	_ =	shalt  }
0x77: {  	_ =	shalt  }
0x78: {  	_ =	shalt  }
0x79: {  	_ =	shalt  }
0x7a: {  	_ =	shalt  }
0x7b: {  	_ =	shalt  }
0x7c: {  	_ =	shalt  }
0x7d: {  	_ =	shalt  }
0x7e: {  	_ =	shalt  }
0x7f: {  	_ =	shalt  }
0x80: {  	_ =	shalt  }
0x81: {  	_ =	shalt  }
0x82: {  	_ =	shalt  }
0x83: {  	_ =	shalt  }
0x84: {  	_ =	shalt  }
0x85: {  	_ =	shalt  }
0x86: {  	_ =	shalt  }
0x87: {  	_ =	shalt  }
.Lfunc_end0:
.L_simem_size_0:
called_computation.7_lowered:
.L_overlay_start_0:
0x88: {  	s2 =	sld [smem:$0x3FD9]  }
0x89: {  	s3 =	sld [smem:$0x3FFE];
	_ =	sdelay $0x1  }
0x8a: {  	s1 =	srdreg.scid  }
0x8b: {  	s0 =	sand.u32 $0x1, s1  }
0x8c: {  	s17 =	sshll.u32 s0, $0xA;
	s2 =	sadd.s32 s3, s2  }
0x8d: {  	s2 =	sadd.s32 s2, s17  }
0x8e: {  	[smem:$0x3FB2] =	sst s2  }
0x8f: {  	_ = 	snop  }
0x90: {  	s18 =	sld [smem:$0x3FC3]  }
0x91: {  	s4 =	sld [smem:$0x3FC2];
	(tm) =	ssettm $0x1  }
0x92: {  	s19 =	sld [smem:$0x3FFB];
	_ =	sdelay $0x3  }
0x93: {  	_ =	strace s19  }
0x94: {  	s2 =	sld [smem:$0x3FFC];
	_ =	sdelay $0x3  }
0x95: {  	_ =	strace s2  }
0x96: {  	s2 =	sld [smem:$0x3FFD];
	_ =	sdelay $0x3  }
0x97: {  	_ =	strace s2  }
0x98: {  	_ =	strace $0x8FFFFFFF  }
0x99: {  	s20 =	sld [smem:$0x3FDB];
	_ =	sdelay $0x1  }
0x9a: {  	s5 =	simm.s32 $_scs_section_size  }
0x9b: {  	s6 =	simm.s32 $_size__tile_overlayer_lowered;
	s7 =	simm.s32 $_tile_overlayer_lowered  }
0x9c: {  	s8 =	simm.s32 $0x1BFF;
	s21 =	sshll.u32 s7, $0x1;
	s5 =	sadd.s32 s5, s20  }
0x9d: {  	s22 =	simm.s32 $0x0;
	s6 =	sshll.u32 s6, $0x1;
	s7 =	sadd.s32 s21, s5  }
0x9e: {  	[timem:s22], [sflag:s8] =	dma.local [hbm:s7], s6  }
0x9f: {  	_ =	swait.ge [sflag:s8], s6  }
0xa0: {  	s6 =	ssub.s32 $0x0, s6;
	[sflag:s8] =	ssyncset.done $0x0  }
0xa1: {  	[sflag:s8] =	ssyncadd.s32 s6;
	_ =	sdelay $0x1  }
0xa2: {  	s23 =	simm.s32 $0x1B8B  }
0xa3: {  	_ =	swait.ge [sflag:s23], $0x1  }
0xa4: {  	[sflag:s23] =	ssyncset.done $0x0  }
0xa5: {  	[sflag:s23] =	ssyncadd.s32 $0xFFFFFFFF  }
0xa6: {  	s6 =	sld [smem:$0x0]  }
0xa7: {  	s7 =	sand.u32 $0xFFFFFFFE, s1  }
0xa8: {  	p0 =	sne.s32 s1, s7  }
0xa9: {  	s7 =	sshll.u32 @p0 s7, $0xE  }
0xaa: {  	s7 =	sadd.s32 @p0 $0x11B8D, s7;
	s8 =	sshll.u32 @p0 s6, $0x11  }
0xab: {  	s7 =	sor.u32 @p0 s8, s7  }
0xac: {  	[sflag:s7] =	ssyncadd.remote.s32 @p0 $0x1;
	_ =	sdelay $0x1  }
0xad: {  	s7 =	simm.s32 @p0 $0x1B8D  }
0xae: {  	_ =	swait.eq @p0 [sflag:s7], $0x1  }
0xaf: {  	[sflag:s7] =	ssyncadd.s32 @p0 $0xFFFFFFFF  }
0xb0: {  	s8 =	sshll.u32 @!p0 s1, $0xE  }
0xb1: {  	s8 =	sor.u32 @!p0 $0x4000, s8;
	s7 =	simm.s32 @!p0 $0x1B8D  }
0xb2: {  	s6 =	sshll.u32 @!p0 s6, $0x11;
	s8 =	sadd.s32 @!p0 $0x11B8D, s8;
	_ =	swait.eq @!p0 [sflag:s7], $0x1  }
0xb3: {  	s6 =	sor.u32 @!p0 s6, s8;
	[sflag:s7] =	ssyncadd.s32 @!p0 $0xFFFFFFFF  }
0xb4: {  	s25 =	simm.s32 $0x1B8E;
	s24 =	sld [smem:$0x3FFE];
	[sflag:s6] =	ssyncadd.remote.s32 @!p0 $0x1  }
0xb5: {  	s26 =	simm.s32 $execute0_lowered;
	[smem:$0x3FD2] =	sst s25  }
0xb6: {  	s7 =	sshll.u32 s26, $0x1;
	_ =	strace $0x80000058;
	[dreg:$0x1] =	wrdreg $0xFFFFFFFF  }
0xb7: {  	s28 =	simm.s32 $_size_execute0_lowered;
	s5 =	sadd.s32 s5, s7;
	[dreg:$0x0] =	wrdreg $0x0  }
0xb8: {  	s7 =	sshll.u32 s28, $0x1;
	[dreg:$0x2] =	wrdreg s5  }
0xb9: {  	[dreg:$0x3] =	wrdreg s7  }
0xba: {  	[dreg:$0x4] =	wrdreg $0xC0  }
0xbb: {  	_ =	task [dreg:s22], $0x5FFFF  }
0xbc: {  	[dreg:$0x1] =	wrdreg $0xFFFFFFFF  }
0xbd: {  	[dreg:$0x0] =	wrdreg $0x60  }
0xbe: {  	[dreg:$0x2] =	wrdreg s24  }
0xbf: {  	[dreg:$0x3] =	wrdreg s18  }
0xc0: {  	[dreg:$0x4] =	wrdreg s4  }
0xc1: {  	[dreg:$0x5] =	wrdreg $0x61000  }
0xc2: {  	[dreg:$0x6] =	wrdreg $0x71000  }
0xc3: {  	[dreg:$0x7] =	wrdreg $0xA  }
0xc4: {  	_ =	task.clear_ibuf [dreg:s22], $0x8FFFF;
	_ =	strace $0x90000058  }
0xc5: {  	s29 =	simm.s32 $0xA;
	_ =	strace $0x8000005A  }
0xc6: {  	_ =	swait.ge [sflag:s29], $0x1  }
0xc7: {  	[sflag:s29] =	ssyncadd.s32 $0xFFFFFFFF  }
0xc8: {  	_ =	strace $0x9000005A  }
0xc9: {  	_ =	sfence  }
0xca: {  	s30 =	sld [smem:$0x0];
	_ =	sdelay $0x2  }
0xcb: {  	s31 =	sshll.u32 s1, $0xD;
	s1 =	sshrl.u32 s1, $0x2  }
0xcc: {  	s4 =	sand.u32 $0x4000, s31;
	s1 =	sadd.s32 s1, s30  }
0xcd: {  	s0 =	sor.u32 s4, s0;
	s1 =	sshll.u32 s1, $0x11  }
0xce: {  	s0 =	sor.u32 s1, s0  }
0xcf: {  	s0 =	sadd.s32 $0x8F2B, s0  }
0xd0: {  	[sflag:s0] =	ssyncadd.remote.s32 $0x1  }
0xd1: {  	_ =	sfence.sel $0xFFFF  }
0xd2: {  	[dreg:$0x0] =	wrdreg $0xFFFFFFFF;
	(pc) =	sbr.abs _section_cstart, $3  }
0xd3: {  	[dreg:$0x1] =	wrdreg $0xFFFFFFFF  }
0xd4: {  	_ =	task.clear_ibuf [dreg:s22], $0x2FFFF;
	_ =	strace $0x9FFFFFFF  }
0xd5: {  	(tm) =	ssettm $0x7FFFFFFF  }
tec
execute0_lowered:
.L_overlay_start_1:
0x0: {  	(tag) =	ssettag $0x1  }
0x1: {  	s0 =	rddreg [dreg:$0x0]  }
0x2: {  	s4 =	rddreg [dreg:$0x1]  }
0x3: {  	s8 =	rddreg [dreg:$0x2]  }
0x4: {  	s1 =	rddreg [dreg:$0x3]  }
0x5: {  	s2 =	rddreg [dreg:$0x4];
	s3 =	simm.s32 $0x0  }
0x6: {  	s6 =	srdreg.scid;
	s20 =	stileid.u32;
	s28 =	simm.s32 $0x5100  }
0x7: {  	s30 =	simm.s32 $0x1;
	s31 =	simm.s32 $0x400;
	[smem:$0x7FF] =	sst s3  }
0x8: {  	s5 =	sadd.s32 $0x8A200, s0;
	s9 =	sand.u32 $0x1, s6;
	s6 =	sshll.u32 s20, $0x9  }
0x9: {  	s10 =	sshll.u32 s20, $0x5;
	s7 =	sadd.s32 $0x17EC00, s0;
	s15 =	sadd.s32 $0x185200, s0  }
0xa: {  	s13 =	sadd.s32 $0x187200, s0;
	s19 =	sshll.u32 s20, $0xC;
	s22 =	sshll.u32 s20, $0x6  }
0xb: {  	s23 =	ssub.s32 $0x8C, s20;
	s24 =	smul.u32 $0xA, s20;
	_ =	strace $0x80000059  }
0xc: {  	s11 =	sshll.u32 s9, $0x4;
	s17 =	sadd.s32 s6, s0;
	[dreg:$0x6] =	wrdreg s15  }
0xd: {  	s12 =	ssub.s32 $0x2, s9;
	[dreg:$0x7] =	wrdreg s13;
	s21 =	sadd.s32 s19, s1  }
0xe: {  	s13 =	sadd.s32 s19, s2;
	s19 =	smul.u32 $0xA00, s20;
	p0 =	sne.s32 s9, $0x0  }
0xf: {  	s9 =	simm.s32 $0x0;
	s10 =	sor.u32 s11, s10;
	s18 =	sshrl.u32 s12, $0x1  }
0x10: {  	s11 =	sadd.s32 $0x63000, s17;
	s25 =	sadd.s32 $0x183200, s17;
	s29 =	smov.u32 s21  }
0x11: {  	s16 =	sshll.u32 s10, $0x5;
	s18 =	ssub.s32 s12, s18;
	s12 =	sor.u32 $0x1C02, s22  }
0x12: {  	s10 =	sshrl.u32 s10, $0x3;
	s26 =	sadd.s32 s19, s5;
	[dreg:$0x8] =	wrdreg s25  }
.Ltmp0:
0x13: {  	s22 =	sshrl.u32 s21, $0x3;
	s25 =	simm.s32 $0x2880;
	(pc) =	sbr.rel .LBB2_1-.Ltmp0, $4  }
0x14: {  	s0 =	sadd.s32 s16, s0;
	s14 =	sadd.s32 s8, s10;
	s16 =	sshrl.u32 s23, $0x4  }
0x15: {  	v2 =	vlaneseq.u32;
	s19 =	smax.u32 s18, $0x1;
	s20 =	sadd.s32 $0x80, s26;
	s10 =	sadd.s32 s24, s4  }
0x16: {  	vm0 =	vmmov $0xffff;
	v1 =	vshrl.u32 v2, $0x3;
	s23 =	simm.s32 $0x2;
	s24 =	sshrl.u32 s13, $0x3;
	s4 =	simm.s32 $0x80  }
0x17: {  	v0 =	vand.u32 $0x7, v2;
	v2 =	vor.u32 $0x8, v2;
	v1 =	vmul.u32 $0x8, v1;
	s8 =	simm.s32 $0x50;
	s15 =	sadd.s32 $0x17F200, s0;
	s0 =	simm.s32 $0x800  }
.LBB2_7:
0x18: {  	[sflag:s23] =	ssyncadd.s32 $0xFFFFD800  }
0x19: {  	[bflag:$0x0] =	sbarrier.arrive $0xFFFF  }
0x1a: {  	s18 =	smov.u32 s29;
	s17 =	rddreg [dreg:$0x6]  }
.LBB2_8:
0x1b: {  	s9 =	sadd.s32 $0x1, s9  }
0x1c: {  	p1 =	sne.s32 s9, s19  }
.Ltmp1:
0x1d: {  	s17 =	sadd.s32 s17, s6;
	s18 =	sshrl.u32 s18, $0x3;
	(pc) =	sbr.rel @!p1 .LBB2_9-.Ltmp1, $4  }
0x1e: {  	[hbm:s17], [sflag:s12] =	dma.local [spmem:s18], $0x200  }
0x1f: {  	_ =	swait.ge [sflag:s23], $0x200  }
0x20: {  	[sflag:s23] =	ssyncset.done $0x0  }
0x21: {  	[sflag:s23] =	ssyncadd.s32 $0xFFFFFE00  }
.LBB2_1:
0x22: {  	[spmem:s22], [sflag:s12] =	dma.local [hbm:s11], $0x200  }
0x23: {  	_ =	swait.ge [sflag:s23], $0x200  }
0x24: {  	[sflag:s23] =	ssyncset.done $0x0  }
0x25: {  	[sflag:s23] =	ssyncadd.s32 $0xFFFFFE00  }
0x26: {  	[spmem:s24], [sflag:s12] =	dma.local [hbm:s11], $0x200  }
0x27: {  	_ =	swait.ge [sflag:s23], $0x200  }
0x28: {  	[sflag:s23] =	ssyncset.done $0x0  }
0x29: {  	[sflag:s23] =	ssyncadd.s32 $0xFFFFFE00  }
0x2a: {  	[tilespmem:s25], [sflag:$0x2] =	stream.linear.gather [hbm4b:s7+s3], $0x2800, $0x38;
	[tilespmem:$0x8100] =	vst v63  }
0x2b: {  	_ =	swait.ge [sflag:s23], $0x2800  }
0x2c: {  	[sflag:s23] =	ssyncset.done $0x0  }
0x2d: {  	[sflag:s23] =	ssyncadd.s32 $0xFFFFD800  }
0x2e: {  	s17 =	simm.s32 $0x5080;
	[bflag:$0x0] =	sbarrier.arrive $0xFFFF  }
0x2f: {  	[tilespmem:s17], [sflag:$0x2] =	stream.linear.gather [hbm4b:s14+s3], $0x10, $0x38;
	[tilespmem:$0x8100] =	vst v63  }
0x30: {  	_ =	swait.ge [sflag:s23], $0x10  }
0x31: {  	[sflag:s23] =	ssyncset.done $0x0  }
0x32: {  	[sflag:s23] =	ssyncadd.s32 $0xFFFFFFF0  }
0x33: {  	v3 =	vld [tilespmem:$0x5080];
	_ =	sdelay $0x4  }
0x34: {  	v4 =	vshll.u32 v3, $0x1  }
0x35: {  	v3 =	vand.u32 $0x7, v3;
	v4 =	vand.u32 $0xFFFFFFF0, v4  }
0x36: {  	v3 =	vor.u32 v3, v4  }
0x37: {  	v4 =	vperm.xlane v3, v0;
	_ =	sdelay $0x1  }
0x38: {  	v3 =	vperm.xlane v3, v2;
	v4 =	vadd.s32 v1, v4;
	_ =	sdelay $0x1  }
0x39: {  	v3 =	vadd.s32 v1, v3;
	_ =	sdelay $0x2  }
0x3a: {  	[tilespmem:s28], [sflag:$0x1] =	stream.indirect_vreg.gather [hbm4b:s5+s3], $0x80, v4, vm0, $0xb8;
	[tilespmem:$0x8100] =	vst v63  }
0x3b: {  	s21 =	simm.s32 $0x5900  }
0x3c: {  	[tilespmem:s21], [sflag:$0x1] =	stream.indirect_vreg.gather [hbm4b:s5+s3], $0x80, v3, vm0, $0xb8;
	[tilespmem:$0x8100] =	vst v63  }
0x3d: {  	_ =	swait.ge [sflag:s30], $0x1000  }
0x3e: {  	[sflag:s30] =	ssyncset.done $0x0  }
.Ltmp2:
0x3f: {  	[sflag:s30] =	ssyncadd.s32 $0xFFFFF000;
	(pc) =	sbr.rel @p0 .LBB2_5-.Ltmp2, $4  }
0x40: {  	[hbm4b:s15+s3] =	stream.linear.scatter [tilespmem:s28], [sflag:$0x2], $0x1000, $0x38;
	[tilespmem:$0x8100] =	vst v63  }
0x41: {  	_ =	swait.ge [sflag:s23], $0x1000  }
0x42: {  	[sflag:s23] =	ssyncset.done $0x0  }
0x43: {  	[sflag:s23] =	ssyncadd.s32 $0xFFFFF000  }
0x44: {  	[tilespmem:s3], [sflag:$0x2] =	stream.linear.gather [hbm4b:s10+s3], $0x50, $0x38;
	[tilespmem:$0x8100] =	vst v63  }
0x45: {  	_ =	swait.ge [sflag:s23], $0x50  }
0x46: {  	[sflag:s23] =	ssyncset.done $0x0  }
0x47: {  	[sflag:s23] =	ssyncadd.s32 $0xFFFFFFB0  }
0x48: {  	[tilespmem:s4], [sflag:$0x2] =	stream.strided.gather [hbm4b:s26+s31], $0x2800, s0, s31, $0x38;
	[tilespmem:$0x8100] =	vst v63  }
0x49: {  	_ =	swait.ge [sflag:s23], $0x2800  }
0x4a: {  	[sflag:s23] =	ssyncset.done $0x0  }
0x4b: {  	[sflag:s23] =	ssyncadd.s32 $0xFFFFD800  }
0x4c: {  	[spmem:s1] =	stream.indirect.scatter.add.f32 [tilespmem:s4], [sflag:$0x2], $0x80, s3, s8, $0xb8;
	[tilespmem:$0x8100] =	vst v63  }
0x4d: {  	p1 =	sne.s32 s16, $0x1;
	_ =	swait.ge [sflag:s23], $0x2800  }
.Ltmp3:
0x4e: {  	[sflag:s23] =	ssyncset.done $0x0;
	(pc) =	sbr.rel @!p1 .LBB2_4-.Ltmp3, $4  }
0x4f: {  	[sflag:s23] =	ssyncadd.s32 $0xFFFFD800  }
0x50: {  	[spmem:s2] =	stream.indirect.scatter.add.f32 [tilespmem:s25], [sflag:$0x2], $0x80, s3, s8, $0xb8;
	[tilespmem:$0x8100] =	vst v63  }
0x51: {  	s18 =	sadd.s32 $0xFFFFFFFF, s16;
	_ =	swait.ge [sflag:s23], $0x2800  }
0x52: {  	s17 =	smov.u32 s26;
	s21 =	smov.u32 s10;
	[sflag:s23] =	ssyncset.done $0x0  }
.LBB2_3:
0x53: {  	[sflag:s23] =	ssyncadd.s32 $0xFFFFD800;
	s17 =	sadd.s32 $0xA000, s17;
	s21 =	sadd.s32 $0xA0, s21  }
0x54: {  	[tilespmem:s3], [sflag:$0x2] =	stream.linear.gather [hbm4b:s21+s3], $0x50, $0x38;
	[tilespmem:$0x8100] =	vst v63  }
0x55: {  	p1 =	sne.s32 s18, $0x1;
	s18 =	sadd.s32 $0xFFFFFFFF, s18;
	_ =	swait.ge [sflag:s23], $0x50  }
0x56: {  	[sflag:s23] =	ssyncset.done $0x0  }
0x57: {  	[sflag:s23] =	ssyncadd.s32 $0xFFFFFFB0  }
0x58: {  	[tilespmem:s4], [sflag:$0x2] =	stream.strided.gather [hbm4b:s17+s31], $0x2800, s0, s31, $0x38;
	[tilespmem:$0x8100] =	vst v63  }
0x59: {  	_ =	swait.ge [sflag:s23], $0x2800  }
0x5a: {  	[sflag:s23] =	ssyncset.done $0x0  }
0x5b: {  	[sflag:s23] =	ssyncadd.s32 $0xFFFFD800  }
0x5c: {  	[spmem:s1] =	stream.indirect.scatter.add.f32 [tilespmem:s4], [sflag:$0x2], $0x80, s3, s8, $0xb8;
	[tilespmem:$0x8100] =	vst v63  }
0x5d: {  	_ =	swait.ge [sflag:s23], $0x2800  }
.Ltmp4:
0x5e: {  	[sflag:s23] =	ssyncset.done $0x0;
	(pc) =	sbr.rel @p1 .LBB2_3-.Ltmp4, $4  }
0x5f: {  	[sflag:s23] =	ssyncadd.s32 $0xFFFFD800  }
0x60: {  	[spmem:s2] =	stream.indirect.scatter.add.f32 [tilespmem:s25], [sflag:$0x2], $0x80, s3, s8, $0xb8;
	[tilespmem:$0x8100] =	vst v63  }
0x61: {  	_ =	swait.ge [sflag:s23], $0x2800  }
0x62: {  	[sflag:s23] =	ssyncset.done $0x0  }
.LBB2_4:
0x63: {  	[sflag:s23] =	ssyncadd.s32 $0xFFFFD800  }
0x64: {  	[bflag:$0x0] =	sbarrier.arrive $0xFFFF  }
.Ltmp5:
0x65: {  	s17 =	rddreg [dreg:$0x8];
	(pc) =	sbr.rel .LBB2_8-.Ltmp5, $4  }
0x66: {  	[hbm:s17], [sflag:s12] =	dma.local [spmem:s22], $0x200  }
0x67: {  	_ =	swait.ge [sflag:s23], $0x200  }
0x68: {  	[sflag:s23] =	ssyncset.done $0x0  }
0x69: {  	s18 =	smov.u32 s13;
	s17 =	rddreg [dreg:$0x7];
	[sflag:s23] =	ssyncadd.s32 $0xFFFFFE00  }
.LBB2_5:
0x6a: {  	[tilespmem:s3], [sflag:$0x2] =	stream.linear.gather [hbm4b:s10+s3], $0x50, $0x38;
	[tilespmem:$0x8100] =	vst v63  }
0x6b: {  	_ =	swait.ge [sflag:s23], $0x50  }
0x6c: {  	[sflag:s23] =	ssyncset.done $0x0  }
0x6d: {  	[sflag:s23] =	ssyncadd.s32 $0xFFFFFFB0  }
0x6e: {  	[tilespmem:s4], [sflag:$0x2] =	stream.strided.gather [hbm4b:s20+s31], $0x2800, s0, s31, $0x38;
	[tilespmem:$0x8100] =	vst v63  }
0x6f: {  	_ =	swait.ge [sflag:s23], $0x2800  }
0x70: {  	[sflag:s23] =	ssyncset.done $0x0  }
0x71: {  	[sflag:s23] =	ssyncadd.s32 $0xFFFFD800  }
0x72: {  	[spmem:s1] =	stream.indirect.scatter.add.f32 [tilespmem:s4], [sflag:$0x2], $0x80, s3, s8, $0xb8;
	[tilespmem:$0x8100] =	vst v63  }
0x73: {  	p1 =	sne.s32 s16, $0x1;
	_ =	swait.ge [sflag:s23], $0x2800  }
.Ltmp6:
0x74: {  	[sflag:s23] =	ssyncset.done $0x0;
	(pc) =	sbr.rel @!p1 .LBB2_7-.Ltmp6, $4  }
0x75: {  	[sflag:s23] =	ssyncadd.s32 $0xFFFFD800  }
0x76: {  	[spmem:s2] =	stream.indirect.scatter.add.f32 [tilespmem:s25], [sflag:$0x2], $0x80, s3, s8, $0xb8;
	[tilespmem:$0x8100] =	vst v63  }
0x77: {  	s18 =	sadd.s32 $0xFFFFFFFF, s16;
	_ =	swait.ge [sflag:s23], $0x2800  }
0x78: {  	s17 =	smov.u32 s20;
	s21 =	smov.u32 s10;
	[sflag:s23] =	ssyncset.done $0x0  }
.LBB2_6:
0x79: {  	[sflag:s23] =	ssyncadd.s32 $0xFFFFD800;
	s17 =	sadd.s32 $0xA000, s17;
	s21 =	sadd.s32 $0xA0, s21  }
0x7a: {  	[tilespmem:s3], [sflag:$0x2] =	stream.linear.gather [hbm4b:s21+s3], $0x50, $0x38;
	[tilespmem:$0x8100] =	vst v63  }
0x7b: {  	p1 =	sne.s32 s18, $0x1;
	s18 =	sadd.s32 $0xFFFFFFFF, s18;
	_ =	swait.ge [sflag:s23], $0x50  }
0x7c: {  	[sflag:s23] =	ssyncset.done $0x0  }
0x7d: {  	[sflag:s23] =	ssyncadd.s32 $0xFFFFFFB0  }
0x7e: {  	[tilespmem:s4], [sflag:$0x2] =	stream.strided.gather [hbm4b:s17+s31], $0x2800, s0, s31, $0x38;
	[tilespmem:$0x8100] =	vst v63  }
0x7f: {  	_ =	swait.ge [sflag:s23], $0x2800  }
0x80: {  	[sflag:s23] =	ssyncset.done $0x0  }
0x81: {  	[sflag:s23] =	ssyncadd.s32 $0xFFFFD800  }
0x82: {  	[spmem:s1] =	stream.indirect.scatter.add.f32 [tilespmem:s4], [sflag:$0x2], $0x80, s3, s8, $0xb8;
	[tilespmem:$0x8100] =	vst v63  }
0x83: {  	_ =	swait.ge [sflag:s23], $0x2800  }
.Ltmp7:
0x84: {  	[sflag:s23] =	ssyncset.done $0x0;
	(pc) =	sbr.rel @p1 .LBB2_6-.Ltmp7, $4  }
0x85: {  	[sflag:s23] =	ssyncadd.s32 $0xFFFFD800  }
0x86: {  	[spmem:s2] =	stream.indirect.scatter.add.f32 [tilespmem:s25], [sflag:$0x2], $0x80, s3, s8, $0xb8;
	[tilespmem:$0x8100] =	vst v63  }
0x87: {  	_ =	swait.ge [sflag:s23], $0x2800  }
0x88: {  	[sflag:s23] =	ssyncset.done $0x0  }
.Ltmp8:
0x89: {  	_ = 	snop;
	(pc) =	sbr.rel .LBB2_7-.Ltmp8, $1  }
0x8a: {  	_ =	sdelay $0x3  }
.LBB2_9:
0x8b: {  	_ =	sfence.sel $0x180000  }
0x8c: {  	[bflag:$0x0] =	sbarrier.arrive $0xFFFF  }
0x8d: {  	_ =	strace $0x90000059  }
0x8e: {  	s0 =	stileid.u32;
	[bflag:$0x2] =	sbarrier.arrive $0xFFFF  }
0x8f: {  	p0 =	sne.s32 s0, $0x0;
	s0 =	rddreg [dreg:$0x5]  }
0x90: {  	s0 =	sadd.s32 @!p0 $0x100000, s0  }
0x91: {  	[sflag:s0] =	ssyncadd.tile.s32 @!p0 $0x1;
	_ =	shalt  }
.Lfunc_end2:
_tile_overlayer_lowered:
.L_overlay_start_2:
0x92: {  	(tag) =	ssettag $0x2  }
0x93: {  	s0 =	rddreg [dreg:$0x0];
	s2 =	stileid.u32  }
0x94: {  	s1 =	rddreg [dreg:$0x1];
	p0 =	sne.s32 s2, $0x0  }
0x95: {  	s3 =	rddreg [dreg:$0x2];
	[bflag:$0x3] =	sbarrier.arrive $0xFFFF;
	s2 =	simm.s32 @!p0 $0x1C02  }
0x96: {  	[timem:s3], [sflag:s2] =	dma.local @!p0 [hbm:s0], s1  }
0x97: {  	s0 =	simm.s32 @!p0 $0x2  }
0x98: {  	_ =	swait.ge @!p0 [sflag:s0], s1  }
0x99: {  	s1 =	ssub.s32 @!p0 $0x0, s1;
	[sflag:s0] =	ssyncset.done @!p0 $0x0  }
0x9a: {  	[sflag:s0] =	ssyncadd.s32 @!p0 s1  }
0x9b: {  	[bflag:$0x3] =	sbarrier.arrive $0xFFFF  }
0x9c: {  	_ =	shalt  }

</sc_bundles>
